<compile_context>
chip_gen: v7x
topology: tpu7x:2x2x1
jax: 0.10.2.dev20260603
libtpu: 0.0.44.dev20260713+nightly
codegen_flags: <defaults>
</compile_context>

<pallas_src>
import functools
import math

import jax
import jax.numpy as jnp
from jax import lax
from jax.experimental import pallas as pl
from jax.experimental.pallas import tpu as pltpu
from jax.experimental.pallas import tpu_sc as plsc

_NC = 2
_NS = 16
_NW = _NC * _NS

_LP = 16
_NEG = -1e30


def _gather_body(CW, nchunks, EW, hv, cid, did, gc, gd, idxc, idxd, rowsc, rowsd, semc, semd, semi, semj):
    wid = lax.axis_index("s") * _NC + lax.axis_index("c")
    base0 = wid * EW

    def fetch(i, b):
        base = base0 + i * CW
        c1 = pltpu.async_copy(cid.at[pl.ds(base, CW)], idxc.at[b], semi.at[b])
        c2 = pltpu.async_copy(did.at[pl.ds(base, CW)], idxd.at[b], semj.at[b])
        c1.wait()
        c2.wait()
        pltpu.async_copy(hv.at[idxc.at[b]], rowsc.at[b], semc.at[b])
        pltpu.async_copy(hv.at[idxd.at[b]], rowsd.at[b], semd.at[b])

    fetch(0, 0)

    def body(i, carry):
        b = lax.rem(i, 2)
        @pl.when(i + 1 < nchunks)
        def _():
            fetch(i + 1, 1 - b)

        pltpu.make_async_copy(hv.at[idxc.at[b]], rowsc.at[b], semc.at[b]).wait()
        pltpu.make_async_copy(hv.at[idxd.at[b]], rowsd.at[b], semd.at[b]).wait()
        base = base0 + i * CW
        pltpu.sync_copy(rowsc.at[b], gc.at[pl.ds(base, CW)])
        pltpu.sync_copy(rowsd.at[b], gd.at[pl.ds(base, CW)])
        return carry

    lax.fori_loop(0, nchunks, body, 0)


def _make_gather(E, N, H, dtype):
    CW = 80
    EW = E // _NW
    nchunks = EW // CW
    mesh = plsc.VectorSubcoreMesh(core_axis_name="c", subcore_axis_name="s")
    return pl.kernel(
        functools.partial(_gather_body, CW, nchunks, EW),
        out_type=[
            jax.ShapeDtypeStruct((E, H), dtype),
            jax.ShapeDtypeStruct((E, H), dtype),
        ],
        mesh=mesh,
        scratch_types=[
            pltpu.VMEM((2, CW), jnp.int32),
            pltpu.VMEM((2, CW), jnp.int32),
            pltpu.VMEM((2, CW, H), dtype),
            pltpu.VMEM((2, CW, H), dtype),
            pltpu.SemaphoreType.DMA((2,)),
            pltpu.SemaphoreType.DMA((2,)),
            pltpu.SemaphoreType.DMA((2,)),
            pltpu.SemaphoreType.DMA((2,)),
        ],
    )


def _scatter_body(CW, nchunks, EW, NP, TW, vals, cid, zS, rseq, sp, shS, idx, ubuf, semadd, semld, semld2):
    c = lax.axis_index("c")
    s = lax.axis_index("s")
    wid = s * _NC + c
    rows = NP // _NS
    r0 = s * rows

    def set_seq(j, b):
        pltpu.sync_copy(rseq.at[pl.ds(r0 + j * CW, CW)], idx.at[b])

    pltpu.sync_copy(zS.at[pl.ds(0, CW)], ubuf.at[0])
    for j in range(rows // CW):
        set_seq(j, 0)
        pltpu.sync_copy(ubuf.at[0], shS.at[idx.at[0]])
    plsc.subcore_barrier()

    base0 = wid * EW

    def body(i, carry):
        b = lax.rem(i, 2)
        @pl.when(i >= 2)
        def _():
            pltpu.make_async_copy(ubuf.at[b], shS.at[idx.at[b]],
                                  semadd.at[b]).wait()

        base = base0 + i * CW
        ci = pltpu.async_copy(cid.at[pl.ds(base, CW)], idx.at[b], semld.at[b])
        vi = pltpu.async_copy(vals.at[pl.ds(base, CW)], ubuf.at[b],
                              semld2.at[b])
        ci.wait()
        vi.wait()
        pltpu.async_copy(ubuf.at[b], shS.at[idx.at[b]], semadd.at[b], add=True)
        return carry

    lax.fori_loop(0, nchunks, body, 0)
    for b in range(2):
        pltpu.make_async_copy(ubuf.at[b], shS.at[idx.at[b]], semadd.at[b]).wait()
    plsc.subcore_barrier()
    for j in range(rows // CW):
        set_seq(j, 0)
        pltpu.sync_copy(shS.at[idx.at[0]], ubuf.at[0])
        pltpu.sync_copy(ubuf.at[0], sp.at[c, pl.ds(r0 + j * CW, CW)])


def _make_scatter(E, NP, TW):
    CW = 80
    EW = E // _NW
    nchunks = EW // CW
    mesh = plsc.VectorSubcoreMesh(core_axis_name="c", subcore_axis_name="s")
    return pl.kernel(
        functools.partial(_scatter_body, CW, nchunks, EW, NP, TW),
        out_type=jax.ShapeDtypeStruct((_NC, NP, TW), jnp.float32),
        mesh=mesh,
        scratch_types=[
            pltpu.VMEM_SHARED((NP, TW), jnp.float32),
            pltpu.VMEM((2, CW), jnp.int32),
            pltpu.VMEM((2, CW, TW), jnp.float32),
            pltpu.SemaphoreType.DMA((2,)),
            pltpu.SemaphoreType.DMA((2,)),
            pltpu.SemaphoreType.DMA((2,)),
        ],
    )


def _logits_body(ea, gc, gd, wc, we, wd, b1, w2, b2, w3, b3, lo, gmax):
    t = jnp.dot(gc[...], wc[...], preferred_element_type=jnp.float32)
    t = t + jnp.dot(ea[...], we[...], preferred_element_type=jnp.float32)
    t = t + jnp.dot(gd[...], wd[...], preferred_element_type=jnp.float32)
    t = jnp.maximum(t + b1[...], 0.0)
    t = jnp.maximum(jnp.dot(t, w2[...], preferred_element_type=jnp.float32) + b2[...], 0.0)
    l = jnp.dot(t, w3[...], preferred_element_type=jnp.float32) + b3[...]
    lo[...] = l
    m = jnp.max(l)

    @pl.when(pl.program_id(0) == 0)
    def _init():
        gmax[...] = jnp.full((8, 128), m, jnp.float32)

    @pl.when(pl.program_id(0) > 0)
    def _acc():
        gmax[...] = jnp.maximum(gmax[...], m)


def _gelu(x):
    return x * 0.5 * (1.0 + lax.erf(x * (1.0 / math.sqrt(2.0))))


def _values_body(ea, gd, lo, gmax, w1e, w1d, b1, w2, b2, w3, b3, K, u_out, w_out):
    v = jnp.dot(ea[...], w1e[...], preferred_element_type=jnp.float32)
    v = v + jnp.dot(gd[...], w1d[...], preferred_element_type=jnp.float32)
    v = _gelu(v + b1[...])
    v = _gelu(jnp.dot(v, w2[...], preferred_element_type=jnp.float32) + b2[...])
    V = jnp.dot(v, w3[...], preferred_element_type=jnp.float32) + b3[...]
    w = jnp.exp(lo[...] - gmax[0:1, :_LP])
    wrep = jnp.dot(w, K[...], preferred_element_type=jnp.float32,
                   precision=lax.Precision.HIGHEST)
    w_out[...] = wrep
    u_out[...] = V * wrep


def _final_body(sp, wp, wo, out):
    S = sp[0] + sp[1]
    W = wp[0] + wp[1]
    W = jnp.where(W > 0.0, W, 1.0)
    out[...] = jnp.dot(S / W, wo[...], preferred_element_type=jnp.float32)


def kernel(h_V, edge_index, edge_attr, wv1, bv1, wv2, bv2, wv3, bv3,
           wb1, bb1, wb2, bb2, wb3, bb3, wo):
    N, H = h_V.shape
    E = edge_index.shape[1]
    NH = wb3.shape[1]
    d = H // NH
    f32 = jnp.float32

    center = edge_index[0]
    dst = edge_index[1]
    wb1c, wb1e, wb1d = wb1[:H], wb1[H:2 * H], wb1[2 * H:]
    wv1e, wv1d = wv1[:H], wv1[H:]
    scale = 1.0 / math.sqrt(d)
    wb3p = jnp.concatenate([wb3 * scale, jnp.zeros((H, _LP - NH), f32)], axis=1)
    bb3p = jnp.concatenate([bb3 * scale, jnp.full((_LP - NH,), _NEG, f32)])
    K = jnp.concatenate(
        [jnp.kron(jnp.eye(NH, dtype=f32), jnp.ones((1, d), f32)),
         jnp.zeros((_LP - NH, H), f32)], axis=0)
    b1b = bb1.reshape(1, H)
    b2b = bb2.reshape(1, H)
    b3b = bb3p.reshape(1, _LP)
    v1b = bv1.reshape(1, H)
    v2b = bv2.reshape(1, H)
    v3b = bv3.reshape(1, H)

    gc, gd = _make_gather(E, N, H, f32)(h_V, center, dst)

    BE = 4000
    grid = E // BE
    row_spec = pl.BlockSpec((BE, H), lambda i: (i, 0))
    full = lambda shape: pl.BlockSpec(shape, lambda i: tuple(0 for _ in shape))
    logits, gmax = pl.pallas_call(
        _logits_body,
        grid=(grid,),
        in_specs=[row_spec, row_spec, row_spec,
                  full((H, H)), full((H, H)), full((H, H)), full((1, H)),
                  full((H, H)), full((1, H)), full((H, _LP)), full((1, _LP))],
        out_specs=[pl.BlockSpec((BE, _LP), lambda i: (i, 0)),
                   pl.BlockSpec((8, 128), lambda i: (0, 0))],
        out_shape=[jax.ShapeDtypeStruct((E, _LP), f32),
                   jax.ShapeDtypeStruct((8, 128), f32)],
    )(edge_attr, gc, gd, wb1c, wb1e, wb1d, b1b, wb2, b2b, wb3p, b3b)

    u, w16 = pl.pallas_call(
        _values_body,
        grid=(grid,),
        in_specs=[row_spec, row_spec,
                  pl.BlockSpec((BE, _LP), lambda i: (i, 0)), full((8, 128)),
                  full((H, H)), full((H, H)), full((1, H)),
                  full((H, H)), full((1, H)), full((H, H)), full((1, H)),
                  full((_LP, H))],
        out_specs=[row_spec, row_spec],
        out_shape=[jax.ShapeDtypeStruct((E, H), f32),
                   jax.ShapeDtypeStruct((E, H), f32)],
    )(edge_attr, gd, logits, gmax, wv1e, wv1d, v1b, wv2, v2b, wv3, v3b, K)

    NP = ((N + 80 * _NS - 1) // (80 * _NS)) * (80 * _NS)
    zS = jnp.zeros((NP, H), f32)
    rseq = jnp.arange(NP, dtype=jnp.int32)
    scatter = _make_scatter(E, NP, H)
    sp = scatter(u, center, zS, rseq)
    wp = scatter(w16, center, zS, rseq)

    BN = NP // 8
    out = pl.pallas_call(
        _final_body,
        grid=(NP // BN,),
        in_specs=[pl.BlockSpec((_NC, BN, H), lambda i: (0, i, 0)),
                  pl.BlockSpec((_NC, BN, H), lambda i: (0, i, 0)),
                  full((H, H))],
        out_specs=pl.BlockSpec((BN, H), lambda i: (i, 0)),
        out_shape=jax.ShapeDtypeStruct((NP, H), f32),
    )(sp, wp, wo)
    return out[:N]

# --- scband reference (transcript-rebuilt; emitter-appended) ---
"""Pipeline reference for scband-neighbor-attention-76544907149931 (READ-ONLY COPY).

The authoritative reference and input builder live on the scoring server;
editing this copy changes nothing except your own understanding.
"""

import jax, jax.numpy as jnp
import numpy as np
import math

N = 10000
E = 320000
H = 128
NH = 4


def setup_inputs(seed: int = 0) -> dict:
    key = jax.random.key(seed)
    ks = jax.random.split(key, 20)
    h_V = jax.random.normal(ks[0], (N, H), dtype=jnp.float32)
    edge_index = jax.random.randint(ks[1], (2, E), 0, N, dtype=jnp.int32)
    edge_attr = jax.random.normal(ks[2], (E, H), dtype=jnp.float32)
    def lin(k, fan_in, fan_out):
        bound = 1.0 / math.sqrt(fan_in)
        kw, kb = jax.random.split(k)
        W = jax.random.uniform(kw, (fan_in, fan_out), minval=-bound, maxval=bound, dtype=jnp.float32)
        b = jax.random.uniform(kb, (fan_out,), minval=-bound, maxval=bound, dtype=jnp.float32)
        return W, b
    wv1, bv1 = lin(ks[3], 2 * H, H)
    wv2, bv2 = lin(ks[4], H, H)
    wv3, bv3 = lin(ks[5], H, H)
    wb1, bb1 = lin(ks[6], 3 * H, H)
    wb2, bb2 = lin(ks[7], H, H)
    wb3, bb3 = lin(ks[8], H, NH)
    wo = jax.random.uniform(ks[9], (H, H), minval=-1.0 / math.sqrt(H), maxval=1.0 / math.sqrt(H), dtype=jnp.float32)
    return {
        'h_V': h_V, 'edge_index': edge_index, 'edge_attr': edge_attr,
        'wv1': wv1, 'bv1': bv1, 'wv2': wv2, 'bv2': bv2, 'wv3': wv3, 'bv3': bv3,
        'wb1': wb1, 'bb1': bb1, 'wb2': wb2, 'bb2': bb2, 'wb3': wb3, 'bb3': bb3,
        'wo': wo,
    }


def reference(h_V, edge_index, edge_attr, wv1, bv1, wv2, bv2, wv3, bv3, wb1, bb1, wb2, bb2, wb3, bb3, wo):
    center_id = edge_index[0]
    dst_idx = edge_index[1]
    n_heads = NH
    d = H // n_heads
    h_E = jnp.concatenate([edge_attr, h_V[dst_idx]], axis=-1)
    bias_in = jnp.concatenate([h_V[center_id], h_E], axis=-1)
    # Bias MLP: Linear -> ReLU -> Linear -> ReLU -> Linear(n_heads)
    t = jax.nn.relu(bias_in @ wb1 + bb1)
    t = jax.nn.relu(t @ wb2 + bb2)
    w = (t @ wb3 + bb3).reshape(E, n_heads, 1)
    attend_logits = w / math.sqrt(d)
    # W_V MLP: Linear -> GELU -> Linear -> GELU -> Linear
    v = jax.nn.gelu(h_E @ wv1 + bv1, approximate=False)
    v = jax.nn.gelu(v @ wv2 + bv2, approximate=False)
    V = (v @ wv3 + bv3).reshape(-1, n_heads, d)
    # scatter_softmax over edges grouped by center_id
    seg_max = jax.ops.segment_max(attend_logits, center_id, num_segments=N)
    ex = jnp.exp(attend_logits - seg_max[center_id])
    denom = jax.ops.segment_sum(ex, center_id, num_segments=N)
    attend = ex / denom[center_id]
    # scatter_sum aggregation
    h_out = jax.ops.segment_sum(attend * V, center_id, num_segments=N).reshape(-1, H)
    return h_out @ wo

if __name__ == "__main__":
    import jax
    _d = setup_inputs()
    print(jax.jit(kernel)(*tuple(_d.values())))

</pallas_src>

<mosaic_0001>
#map = affine_map<(d0, d1) -> (0, 0)>
#map1 = affine_map<(d0, d1) -> (0)>
#map2 = affine_map<(d0, d1) -> (0, 0, 0)>
module attributes {stable_mosaic.version = 14 : i64} {
  func.func @_scatter_body(%arg0: i32, %arg1: i32, %arg2: memref<320000x128xf32, #tpu.memory_space<hbm>>, %arg3: memref<320000xi32, #tpu.memory_space<hbm>>, %arg4: memref<10240x128xf32, #tpu.memory_space<hbm>>, %arg5: memref<10240xi32, #tpu.memory_space<hbm>>, %arg6: memref<2x10240x128xf32, #tpu.memory_space<hbm>>, %arg7: memref<10240x128xf32, #tpu.memory_space<vmem_shared>>, %arg8: memref<2x80xi32, #tpu.memory_space<vmem>>, %arg9: memref<2x80x128xf32, #tpu.memory_space<vmem>>, %arg10: memref<2x!tpu.dma_semaphore, #tpu.memory_space<semaphore_mem>>, %arg11: memref<2x!tpu.dma_semaphore, #tpu.memory_space<semaphore_mem>>, %arg12: memref<2x!tpu.dma_semaphore, #tpu.memory_space<semaphore_mem>>) attributes {dimension_semantics = [#tpu.dimension_semantics<core_parallel>, #tpu.dimension_semantics<subcore_parallel>], iteration_bounds = array<i64: 2, 16>, scalar_prefetch = 0 : i64, scratch_operands = 6 : i64, tpu.core_type = #tpu.core_type<sc_vector_subcore>, window_params = [{transform_indices = #map}, {transform_indices = #map1}, {transform_indices = #map}, {transform_indices = #map1}, {transform_indices = #map2}]} {
    %mul3A = arith.constant 2 : i32
    %mul3A_0 = arith.muli %arg1, %mul3A : i32
    %add3A = arith.addi %mul3A_0, %arg0 : i32
    %mul3A_1 = arith.constant 640 : i32
    %mul3A_2 = arith.muli %arg1, %mul3A_1 : i32
    %run_scoped3A = arith.constant 0 : i32
    "tpu.region"() ({
      %run_scoped3A_144 = tpu.sem_alloc : memref<!tpu.dma_semaphore, #tpu.memory_space<semaphore_mem>>
      %dma_start3A = arith.constant 0 : i32
      %dma_start3A_145 = arith.constant 0 : i32
      %dma_start3A_146 = tpu.memref_slice %arg9[%run_scoped3A, %dma_start3A, %dma_start3A_145] : memref<2x80x128xf32, #tpu.memory_space<vmem>> -> memref<1x80x128xf32, #tpu.memory_space<vmem>>
      %dma_start3A_147 = tpu.memref_squeeze %dma_start3A_146 : memref<1x80x128xf32, #tpu.memory_space<vmem>> -> memref<80x128xf32, #tpu.memory_space<vmem>>
      %dma_start3A_148 = arith.constant 0 : i32
      %dma_start3A_149 = arith.constant 0 : i32
      %dma_start3A_150 = tpu.memref_slice %arg4[%dma_start3A_148, %dma_start3A_149] : memref<10240x128xf32, #tpu.memory_space<hbm>> -> memref<80x128xf32, #tpu.memory_space<hbm>>
      %dma_start3A_151 = arith.constant 0 : i32
      %dma_start3A_152 = arith.constant 0 : i32
      %dma_start3A_153 = tpu.memref_slice %arg9[%run_scoped3A, %dma_start3A_151, %dma_start3A_152] : memref<2x80x128xf32, #tpu.memory_space<vmem>> -> memref<1x80x128xf32, #tpu.memory_space<vmem>>
      %dma_start3A_154 = tpu.memref_squeeze %dma_start3A_153 : memref<1x80x128xf32, #tpu.memory_space<vmem>> -> memref<80x128xf32, #tpu.memory_space<vmem>>
      %dma_start3A_155 = arith.constant 0 : i32
      %dma_start3A_156 = arith.constant 0 : i32
      %dma_start3A_157 = tpu.memref_slice %arg4[%dma_start3A_155, %dma_start3A_156] : memref<10240x128xf32, #tpu.memory_space<hbm>> -> memref<80x128xf32, #tpu.memory_space<hbm>>
      tpu.enqueue_dma source(%dma_start3A_157 : memref<80x128xf32, #tpu.memory_space<hbm>>) target(%dma_start3A_154 : memref<80x128xf32, #tpu.memory_space<vmem>>) target_semaphore(%run_scoped3A_144 : memref<!tpu.dma_semaphore, #tpu.memory_space<semaphore_mem>>)
      %dma_wait3A_158 = arith.constant 0 : i32
      %dma_wait3A_159 = arith.constant 0 : i32
      %dma_wait3A_160 = tpu.memref_slice %arg9[%run_scoped3A, %dma_wait3A_158, %dma_wait3A_159] : memref<2x80x128xf32, #tpu.memory_space<vmem>> -> memref<1x80x128xf32, #tpu.memory_space<vmem>>
      %dma_wait3A_161 = tpu.memref_squeeze %dma_wait3A_160 : memref<1x80x128xf32, #tpu.memory_space<vmem>> -> memref<80x128xf32, #tpu.memory_space<vmem>>
      %dma_wait3A_162 = arith.constant 0 : i32
      %dma_wait3A_163 = arith.constant 0 : i32
      %dma_wait3A_164 = tpu.memref_slice %arg4[%dma_wait3A_162, %dma_wait3A_163] : memref<10240x128xf32, #tpu.memory_space<hbm>> -> memref<80x128xf32, #tpu.memory_space<hbm>>
      %dma_wait3A_165 = arith.constant 0 : i32
      %dma_wait3A_166 = arith.constant 0 : i32
      %dma_wait3A_167 = tpu.memref_slice %arg9[%run_scoped3A, %dma_wait3A_165, %dma_wait3A_166] : memref<2x80x128xf32, #tpu.memory_space<vmem>> -> memref<1x80x128xf32, #tpu.memory_space<vmem>>
      %dma_wait3A_168 = tpu.memref_squeeze %dma_wait3A_167 : memref<1x80x128xf32, #tpu.memory_space<vmem>> -> memref<80x128xf32, #tpu.memory_space<vmem>>
      %dma_wait3A_169 = arith.constant 0 : i32
      %dma_wait3A_170 = arith.constant 0 : i32
      %dma_wait3A_171 = tpu.memref_slice %arg4[%dma_wait3A_169, %dma_wait3A_170] : memref<10240x128xf32, #tpu.memory_space<hbm>> -> memref<80x128xf32, #tpu.memory_space<hbm>>
      tpu.wait_dma2 semaphore(%run_scoped3A_144 : memref<!tpu.dma_semaphore, #tpu.memory_space<semaphore_mem>>) src(%dma_wait3A_171 : memref<80x128xf32, #tpu.memory_space<hbm>>) dst(%dma_wait3A_168 : memref<80x128xf32, #tpu.memory_space<vmem>>)
      tpu.yield
    }) : () -> ()
    %add3A_3 = arith.constant 0 : i32
    %add3A_4 = arith.addi %mul3A_2, %add3A_3 : i32
    %run_scoped3A_5 = arith.constant 0 : i32
    "tpu.region"() ({
      %run_scoped3A_144 = tpu.sem_alloc : memref<!tpu.dma_semaphore, #tpu.memory_space<semaphore_mem>>
      %dma_start3A = arith.constant 0 : i32
      %dma_start3A_145 = tpu.memref_slice %arg8[%run_scoped3A_5, %dma_start3A] : memref<2x80xi32, #tpu.memory_space<vmem>> -> memref<1x80xi32, #tpu.memory_space<vmem>>
      %dma_start3A_146 = tpu.memref_squeeze %dma_start3A_145 : memref<1x80xi32, #tpu.memory_space<vmem>> -> memref<80xi32, #tpu.memory_space<vmem>>
      %dma_start3A_147 = tpu.memref_slice %arg5[%add3A_4] : memref<10240xi32, #tpu.memory_space<hbm>> -> memref<80xi32, #tpu.memory_space<hbm>>
      %dma_start3A_148 = arith.constant 0 : i32
      %dma_start3A_149 = tpu.memref_slice %arg8[%run_scoped3A_5, %dma_start3A_148] : memref<2x80xi32, #tpu.memory_space<vmem>> -> memref<1x80xi32, #tpu.memory_space<vmem>>
      %dma_start3A_150 = tpu.memref_squeeze %dma_start3A_149 : memref<1x80xi32, #tpu.memory_space<vmem>> -> memref<80xi32, #tpu.memory_space<vmem>>
      %dma_start3A_151 = tpu.memref_slice %arg5[%add3A_4] : memref<10240xi32, #tpu.memory_space<hbm>> -> memref<80xi32, #tpu.memory_space<hbm>>
      tpu.enqueue_dma source(%dma_start3A_151 : memref<80xi32, #tpu.memory_space<hbm>>) target(%dma_start3A_150 : memref<80xi32, #tpu.memory_space<vmem>>) target_semaphore(%run_scoped3A_144 : memref<!tpu.dma_semaphore, #tpu.memory_space<semaphore_mem>>)
      %dma_wait3A_152 = arith.constant 0 : i32
      %dma_wait3A_153 = tpu.memref_slice %arg8[%run_scoped3A_5, %dma_wait3A_152] : memref<2x80xi32, #tpu.memory_space<vmem>> -> memref<1x80xi32, #tpu.memory_space<vmem>>
      %dma_wait3A_154 = tpu.memref_squeeze %dma_wait3A_153 : memref<1x80xi32, #tpu.memory_space<vmem>> -> memref<80xi32, #tpu.memory_space<vmem>>
      %dma_wait3A_155 = tpu.memref_slice %arg5[%add3A_4] : memref<10240xi32, #tpu.memory_space<hbm>> -> memref<80xi32, #tpu.memory_space<hbm>>
      %dma_wait3A_156 = arith.constant 0 : i32
      %dma_wait3A_157 = tpu.memref_slice %arg8[%run_scoped3A_5, %dma_wait3A_156] : memref<2x80xi32, #tpu.memory_space<vmem>> -> memref<1x80xi32, #tpu.memory_space<vmem>>
      %dma_wait3A_158 = tpu.memref_squeeze %dma_wait3A_157 : memref<1x80xi32, #tpu.memory_space<vmem>> -> memref<80xi32, #tpu.memory_space<vmem>>
      %dma_wait3A_159 = tpu.memref_slice %arg5[%add3A_4] : memref<10240xi32, #tpu.memory_space<hbm>> -> memref<80xi32, #tpu.memory_space<hbm>>
      tpu.wait_dma2 semaphore(%run_scoped3A_144 : memref<!tpu.dma_semaphore, #tpu.memory_space<semaphore_mem>>) src(%dma_wait3A_159 : memref<80xi32, #tpu.memory_space<hbm>>) dst(%dma_wait3A_158 : memref<80xi32, #tpu.memory_space<vmem>>)
      tpu.yield
    }) : () -> ()
    %run_scoped3A_6 = arith.constant 0 : i32
    %run_scoped3A_7 = arith.constant 0 : i32
    "tpu.region"() ({
      %run_scoped3A_144 = tpu.sem_alloc : memref<!tpu.dma_semaphore, #tpu.memory_space<semaphore_mem>>
      %dma_start3A = arith.constant 0 : i32
      %dma_start3A_145 = arith.constant 0 : i32
      %dma_start3A_146 = tpu.memref_slice %arg9[%run_scoped3A_6, %dma_start3A, %dma_start3A_145] : memref<2x80x128xf32, #tpu.memory_space<vmem>> -> memref<1x80x128xf32, #tpu.memory_space<vmem>>
      %dma_start3A_147 = tpu.memref_squeeze %dma_start3A_146 : memref<1x80x128xf32, #tpu.memory_space<vmem>> -> memref<80x128xf32, #tpu.memory_space<vmem>>
      %dma_start3A_148 = arith.constant 0 : i32
      %dma_start3A_149 = tpu.memref_slice %arg8[%run_scoped3A_7, %dma_start3A_148] : memref<2x80xi32, #tpu.memory_space<vmem>> -> memref<1x80xi32, #tpu.memory_space<vmem>>
      %dma_start3A_150 = tpu.memref_squeeze %dma_start3A_149 : memref<1x80xi32, #tpu.memory_space<vmem>> -> memref<80xi32, #tpu.memory_space<vmem>>
      %dma_start3A_151 = arith.constant 0 : i32
      %dma_start3A_152 = arith.constant 0 : i32
      %dma_start3A_153 = tpu.memref_slice %arg7[%dma_start3A_151, %dma_start3A_152] : memref<10240x128xf32, #tpu.memory_space<vmem_shared>> -> memref<10240x128xf32, #tpu.memory_space<vmem_shared>>
      tpu.enqueue_indirect_dma source(%dma_start3A_147 : memref<80x128xf32, #tpu.memory_space<vmem>>) target(%dma_start3A_153 : memref<10240x128xf32, #tpu.memory_space<vmem_shared>>) offsets(%dma_start3A_150 : memref<80xi32, #tpu.memory_space<vmem>>) semaphore(%run_scoped3A_144 : memref<!tpu.dma_semaphore, #tpu.memory_space<semaphore_mem>>)
      %dma_wait3A_154 = arith.constant 0 : i32
      %dma_wait3A_155 = arith.constant 0 : i32
      %dma_wait3A_156 = tpu.memref_slice %arg9[%run_scoped3A_6, %dma_wait3A_154, %dma_wait3A_155] : memref<2x80x128xf32, #tpu.memory_space<vmem>> -> memref<1x80x128xf32, #tpu.memory_space<vmem>>
      %dma_wait3A_157 = tpu.memref_squeeze %dma_wait3A_156 : memref<1x80x128xf32, #tpu.memory_space<vmem>> -> memref<80x128xf32, #tpu.memory_space<vmem>>
      %dma_wait3A_158 = arith.constant 0 : i32
      %dma_wait3A_159 = tpu.memref_slice %arg8[%run_scoped3A_7, %dma_wait3A_158] : memref<2x80xi32, #tpu.memory_space<vmem>> -> memref<1x80xi32, #tpu.memory_space<vmem>>
      %dma_wait3A_160 = tpu.memref_squeeze %dma_wait3A_159 : memref<1x80xi32, #tpu.memory_space<vmem>> -> memref<80xi32, #tpu.memory_space<vmem>>
      %dma_wait3A_161 = arith.constant 0 : i32
      %dma_wait3A_162 = arith.constant 0 : i32
      %dma_wait3A_163 = tpu.memref_slice %arg7[%dma_wait3A_161, %dma_wait3A_162] : memref<10240x128xf32, #tpu.memory_space<vmem_shared>> -> memref<10240x128xf32, #tpu.memory_space<vmem_shared>>
      tpu.wait_indirect_dma semaphore(%run_scoped3A_144 : memref<!tpu.dma_semaphore, #tpu.memory_space<semaphore_mem>>) src(%dma_wait3A_157 : memref<80x128xf32, #tpu.memory_space<vmem>>) dst(%dma_wait3A_163 : memref<10240x128xf32, #tpu.memory_space<vmem_shared>>)
      tpu.yield
    }) : () -> ()
    %add3A_8 = arith.constant 80 : i32
    %add3A_9 = arith.addi %mul3A_2, %add3A_8 : i32
    %run_scoped3A_10 = arith.constant 0 : i32
    "tpu.region"() ({
      %run_scoped3A_144 = tpu.sem_alloc : memref<!tpu.dma_semaphore, #tpu.memory_space<semaphore_mem>>
      %dma_start3A = arith.constant 0 : i32
      %dma_start3A_145 = tpu.memref_slice %arg8[%run_scoped3A_10, %dma_start3A] : memref<2x80xi32, #tpu.memory_space<vmem>> -> memref<1x80xi32, #tpu.memory_space<vmem>>
      %dma_start3A_146 = tpu.memref_squeeze %dma_start3A_145 : memref<1x80xi32, #tpu.memory_space<vmem>> -> memref<80xi32, #tpu.memory_space<vmem>>
      %dma_start3A_147 = tpu.memref_slice %arg5[%add3A_9] : memref<10240xi32, #tpu.memory_space<hbm>> -> memref<80xi32, #tpu.memory_space<hbm>>
      %dma_start3A_148 = arith.constant 0 : i32
      %dma_start3A_149 = tpu.memref_slice %arg8[%run_scoped3A_10, %dma_start3A_148] : memref<2x80xi32, #tpu.memory_space<vmem>> -> memref<1x80xi32, #tpu.memory_space<vmem>>
      %dma_start3A_150 = tpu.memref_squeeze %dma_start3A_149 : memref<1x80xi32, #tpu.memory_space<vmem>> -> memref<80xi32, #tpu.memory_space<vmem>>
      %dma_start3A_151 = tpu.memref_slice %arg5[%add3A_9] : memref<10240xi32, #tpu.memory_space<hbm>> -> memref<80xi32, #tpu.memory_space<hbm>>
      tpu.enqueue_dma source(%dma_start3A_151 : memref<80xi32, #tpu.memory_space<hbm>>) target(%dma_start3A_150 : memref<80xi32, #tpu.memory_space<vmem>>) target_semaphore(%run_scoped3A_144 : memref<!tpu.dma_semaphore, #tpu.memory_space<semaphore_mem>>)
      %dma_wait3A_152 = arith.constant 0 : i32
      %dma_wait3A_153 = tpu.memref_slice %arg8[%run_scoped3A_10, %dma_wait3A_152] : memref<2x80xi32, #tpu.memory_space<vmem>> -> memref<1x80xi32, #tpu.memory_space<vmem>>
      %dma_wait3A_154 = tpu.memref_squeeze %dma_wait3A_153 : memref<1x80xi32, #tpu.memory_space<vmem>> -> memref<80xi32, #tpu.memory_space<vmem>>
      %dma_wait3A_155 = tpu.memref_slice %arg5[%add3A_9] : memref<10240xi32, #tpu.memory_space<hbm>> -> memref<80xi32, #tpu.memory_space<hbm>>
      %dma_wait3A_156 = arith.constant 0 : i32
      %dma_wait3A_157 = tpu.memref_slice %arg8[%run_scoped3A_10, %dma_wait3A_156] : memref<2x80xi32, #tpu.memory_space<vmem>> -> memref<1x80xi32, #tpu.memory_space<vmem>>
      %dma_wait3A_158 = tpu.memref_squeeze %dma_wait3A_157 : memref<1x80xi32, #tpu.memory_space<vmem>> -> memref<80xi32, #tpu.memory_space<vmem>>
      %dma_wait3A_159 = tpu.memref_slice %arg5[%add3A_9] : memref<10240xi32, #tpu.memory_space<hbm>> -> memref<80xi32, #tpu.memory_space<hbm>>
      tpu.wait_dma2 semaphore(%run_scoped3A_144 : memref<!tpu.dma_semaphore, #tpu.memory_space<semaphore_mem>>) src(%dma_wait3A_159 : memref<80xi32, #tpu.memory_space<hbm>>) dst(%dma_wait3A_158 : memref<80xi32, #tpu.memory_space<vmem>>)
      tpu.yield
    }) : () -> ()
    %run_scoped3A_11 = arith.constant 0 : i32
    %run_scoped3A_12 = arith.constant 0 : i32
    "tpu.region"() ({
      %run_scoped3A_144 = tpu.sem_alloc : memref<!tpu.dma_semaphore, #tpu.memory_space<semaphore_mem>>
      %dma_start3A = arith.constant 0 : i32
      %dma_start3A_145 = arith.constant 0 : i32
      %dma_start3A_146 = tpu.memref_slice %arg9[%run_scoped3A_11, %dma_start3A, %dma_start3A_145] : memref<2x80x128xf32, #tpu.memory_space<vmem>> -> memref<1x80x128xf32, #tpu.memory_space<vmem>>
      %dma_start3A_147 = tpu.memref_squeeze %dma_start3A_146 : memref<1x80x128xf32, #tpu.memory_space<vmem>> -> memref<80x128xf32, #tpu.memory_space<vmem>>
      %dma_start3A_148 = arith.constant 0 : i32
      %dma_start3A_149 = tpu.memref_slice %arg8[%run_scoped3A_12, %dma_start3A_148] : memref<2x80xi32, #tpu.memory_space<vmem>> -> memref<1x80xi32, #tpu.memory_space<vmem>>
      %dma_start3A_150 = tpu.memref_squeeze %dma_start3A_149 : memref<1x80xi32, #tpu.memory_space<vmem>> -> memref<80xi32, #tpu.memory_space<vmem>>
      %dma_start3A_151 = arith.constant 0 : i32
      %dma_start3A_152 = arith.constant 0 : i32
      %dma_start3A_153 = tpu.memref_slice %arg7[%dma_start3A_151, %dma_start3A_152] : memref<10240x128xf32, #tpu.memory_space<vmem_shared>> -> memref<10240x128xf32, #tpu.memory_space<vmem_shared>>
      tpu.enqueue_indirect_dma source(%dma_start3A_147 : memref<80x128xf32, #tpu.memory_space<vmem>>) target(%dma_start3A_153 : memref<10240x128xf32, #tpu.memory_space<vmem_shared>>) offsets(%dma_start3A_150 : memref<80xi32, #tpu.memory_space<vmem>>) semaphore(%run_scoped3A_144 : memref<!tpu.dma_semaphore, #tpu.memory_space<semaphore_mem>>)
      %dma_wait3A_154 = arith.constant 0 : i32
      %dma_wait3A_155 = arith.constant 0 : i32
      %dma_wait3A_156 = tpu.memref_slice %arg9[%run_scoped3A_11, %dma_wait3A_154, %dma_wait3A_155] : memref<2x80x128xf32, #tpu.memory_space<vmem>> -> memref<1x80x128xf32, #tpu.memory_space<vmem>>
      %dma_wait3A_157 = tpu.memref_squeeze %dma_wait3A_156 : memref<1x80x128xf32, #tpu.memory_space<vmem>> -> memref<80x128xf32, #tpu.memory_space<vmem>>
      %dma_wait3A_158 = arith.constant 0 : i32
      %dma_wait3A_159 = tpu.memref_slice %arg8[%run_scoped3A_12, %dma_wait3A_158] : memref<2x80xi32, #tpu.memory_space<vmem>> -> memref<1x80xi32, #tpu.memory_space<vmem>>
      %dma_wait3A_160 = tpu.memref_squeeze %dma_wait3A_159 : memref<1x80xi32, #tpu.memory_space<vmem>> -> memref<80xi32, #tpu.memory_space<vmem>>
      %dma_wait3A_161 = arith.constant 0 : i32
      %dma_wait3A_162 = arith.constant 0 : i32
      %dma_wait3A_163 = tpu.memref_slice %arg7[%dma_wait3A_161, %dma_wait3A_162] : memref<10240x128xf32, #tpu.memory_space<vmem_shared>> -> memref<10240x128xf32, #tpu.memory_space<vmem_shared>>
      tpu.wait_indirect_dma semaphore(%run_scoped3A_144 : memref<!tpu.dma_semaphore, #tpu.memory_space<semaphore_mem>>) src(%dma_wait3A_157 : memref<80x128xf32, #tpu.memory_space<vmem>>) dst(%dma_wait3A_163 : memref<10240x128xf32, #tpu.memory_space<vmem_shared>>)
      tpu.yield
    }) : () -> ()
    %add3A_13 = arith.constant 160 : i32
    %add3A_14 = arith.addi %mul3A_2, %add3A_13 : i32
    %run_scoped3A_15 = arith.constant 0 : i32
    "tpu.region"() ({
      %run_scoped3A_144 = tpu.sem_alloc : memref<!tpu.dma_semaphore, #tpu.memory_space<semaphore_mem>>
      %dma_start3A = arith.constant 0 : i32
      %dma_start3A_145 = tpu.memref_slice %arg8[%run_scoped3A_15, %dma_start3A] : memref<2x80xi32, #tpu.memory_space<vmem>> -> memref<1x80xi32, #tpu.memory_space<vmem>>
      %dma_start3A_146 = tpu.memref_squeeze %dma_start3A_145 : memref<1x80xi32, #tpu.memory_space<vmem>> -> memref<80xi32, #tpu.memory_space<vmem>>
      %dma_start3A_147 = tpu.memref_slice %arg5[%add3A_14] : memref<10240xi32, #tpu.memory_space<hbm>> -> memref<80xi32, #tpu.memory_space<hbm>>
      %dma_start3A_148 = arith.constant 0 : i32
      %dma_start3A_149 = tpu.memref_slice %arg8[%run_scoped3A_15, %dma_start3A_148] : memref<2x80xi32, #tpu.memory_space<vmem>> -> memref<1x80xi32, #tpu.memory_space<vmem>>
      %dma_start3A_150 = tpu.memref_squeeze %dma_start3A_149 : memref<1x80xi32, #tpu.memory_space<vmem>> -> memref<80xi32, #tpu.memory_space<vmem>>
      %dma_start3A_151 = tpu.memref_slice %arg5[%add3A_14] : memref<10240xi32, #tpu.memory_space<hbm>> -> memref<80xi32, #tpu.memory_space<hbm>>
      tpu.enqueue_dma source(%dma_start3A_151 : memref<80xi32, #tpu.memory_space<hbm>>) target(%dma_start3A_150 : memref<80xi32, #tpu.memory_space<vmem>>) target_semaphore(%run_scoped3A_144 : memref<!tpu.dma_semaphore, #tpu.memory_space<semaphore_mem>>)
      %dma_wait3A_152 = arith.constant 0 : i32
      %dma_wait3A_153 = tpu.memref_slice %arg8[%run_scoped3A_15, %dma_wait3A_152] : memref<2x80xi32, #tpu.memory_space<vmem>> -> memref<1x80xi32, #tpu.memory_space<vmem>>
      %dma_wait3A_154 = tpu.memref_squeeze %dma_wait3A_153 : memref<1x80xi32, #tpu.memory_space<vmem>> -> memref<80xi32, #tpu.memory_space<vmem>>
      %dma_wait3A_155 = tpu.memref_slice %arg5[%add3A_14] : memref<10240xi32, #tpu.memory_space<hbm>> -> memref<80xi32, #tpu.memory_space<hbm>>
      %dma_wait3A_156 = arith.constant 0 : i32
      %dma_wait3A_157 = tpu.memref_slice %arg8[%run_scoped3A_15, %dma_wait3A_156] : memref<2x80xi32, #tpu.memory_space<vmem>> -> memref<1x80xi32, #tpu.memory_space<vmem>>
      %dma_wait3A_158 = tpu.memref_squeeze %dma_wait3A_157 : memref<1x80xi32, #tpu.memory_space<vmem>> -> memref<80xi32, #tpu.memory_space<vmem>>
      %dma_wait3A_159 = tpu.memref_slice %arg5[%add3A_14] : memref<10240xi32, #tpu.memory_space<hbm>> -> memref<80xi32, #tpu.memory_space<hbm>>
      tpu.wait_dma2 semaphore(%run_scoped3A_144 : memref<!tpu.dma_semaphore, #tpu.memory_space<semaphore_mem>>) src(%dma_wait3A_159 : memref<80xi32, #tpu.memory_space<hbm>>) dst(%dma_wait3A_158 : memref<80xi32, #tpu.memory_space<vmem>>)
      tpu.yield
    }) : () -> ()
    %run_scoped3A_16 = arith.constant 0 : i32
    %run_scoped3A_17 = arith.constant 0 : i32
    "tpu.region"() ({
      %run_scoped3A_144 = tpu.sem_alloc : memref<!tpu.dma_semaphore, #tpu.memory_space<semaphore_mem>>
      %dma_start3A = arith.constant 0 : i32
      %dma_start3A_145 = arith.constant 0 : i32
      %dma_start3A_146 = tpu.memref_slice %arg9[%run_scoped3A_16, %dma_start3A, %dma_start3A_145] : memref<2x80x128xf32, #tpu.memory_space<vmem>> -> memref<1x80x128xf32, #tpu.memory_space<vmem>>
      %dma_start3A_147 = tpu.memref_squeeze %dma_start3A_146 : memref<1x80x128xf32, #tpu.memory_space<vmem>> -> memref<80x128xf32, #tpu.memory_space<vmem>>
      %dma_start3A_148 = arith.constant 0 : i32
      %dma_start3A_149 = tpu.memref_slice %arg8[%run_scoped3A_17, %dma_start3A_148] : memref<2x80xi32, #tpu.memory_space<vmem>> -> memref<1x80xi32, #tpu.memory_space<vmem>>
      %dma_start3A_150 = tpu.memref_squeeze %dma_start3A_149 : memref<1x80xi32, #tpu.memory_space<vmem>> -> memref<80xi32, #tpu.memory_space<vmem>>
      %dma_start3A_151 = arith.constant 0 : i32
      %dma_start3A_152 = arith.constant 0 : i32
      %dma_start3A_153 = tpu.memref_slice %arg7[%dma_start3A_151, %dma_start3A_152] : memref<10240x128xf32, #tpu.memory_space<vmem_shared>> -> memref<10240x128xf32, #tpu.memory_space<vmem_shared>>
      tpu.enqueue_indirect_dma source(%dma_start3A_147 : memref<80x128xf32, #tpu.memory_space<vmem>>) target(%dma_start3A_153 : memref<10240x128xf32, #tpu.memory_space<vmem_shared>>) offsets(%dma_start3A_150 : memref<80xi32, #tpu.memory_space<vmem>>) semaphore(%run_scoped3A_144 : memref<!tpu.dma_semaphore, #tpu.memory_space<semaphore_mem>>)
      %dma_wait3A_154 = arith.constant 0 : i32
      %dma_wait3A_155 = arith.constant 0 : i32
      %dma_wait3A_156 = tpu.memref_slice %arg9[%run_scoped3A_16, %dma_wait3A_154, %dma_wait3A_155] : memref<2x80x128xf32, #tpu.memory_space<vmem>> -> memref<1x80x128xf32, #tpu.memory_space<vmem>>
      %dma_wait3A_157 = tpu.memref_squeeze %dma_wait3A_156 : memref<1x80x128xf32, #tpu.memory_space<vmem>> -> memref<80x128xf32, #tpu.memory_space<vmem>>
      %dma_wait3A_158 = arith.constant 0 : i32
      %dma_wait3A_159 = tpu.memref_slice %arg8[%run_scoped3A_17, %dma_wait3A_158] : memref<2x80xi32, #tpu.memory_space<vmem>> -> memref<1x80xi32, #tpu.memory_space<vmem>>
      %dma_wait3A_160 = tpu.memref_squeeze %dma_wait3A_159 : memref<1x80xi32, #tpu.memory_space<vmem>> -> memref<80xi32, #tpu.memory_space<vmem>>
      %dma_wait3A_161 = arith.constant 0 : i32
      %dma_wait3A_162 = arith.constant 0 : i32
      %dma_wait3A_163 = tpu.memref_slice %arg7[%dma_wait3A_161, %dma_wait3A_162] : memref<10240x128xf32, #tpu.memory_space<vmem_shared>> -> memref<10240x128xf32, #tpu.memory_space<vmem_shared>>
      tpu.wait_indirect_dma semaphore(%run_scoped3A_144 : memref<!tpu.dma_semaphore, #tpu.memory_space<semaphore_mem>>) src(%dma_wait3A_157 : memref<80x128xf32, #tpu.memory_space<vmem>>) dst(%dma_wait3A_163 : memref<10240x128xf32, #tpu.memory_space<vmem_shared>>)
      tpu.yield
    }) : () -> ()
    %add3A_18 = arith.constant 240 : i32
    %add3A_19 = arith.addi %mul3A_2, %add3A_18 : i32
    %run_scoped3A_20 = arith.constant 0 : i32
    "tpu.region"() ({
      %run_scoped3A_144 = tpu.sem_alloc : memref<!tpu.dma_semaphore, #tpu.memory_space<semaphore_mem>>
      %dma_start3A = arith.constant 0 : i32
      %dma_start3A_145 = tpu.memref_slice %arg8[%run_scoped3A_20, %dma_start3A] : memref<2x80xi32, #tpu.memory_space<vmem>> -> memref<1x80xi32, #tpu.memory_space<vmem>>
      %dma_start3A_146 = tpu.memref_squeeze %dma_start3A_145 : memref<1x80xi32, #tpu.memory_space<vmem>> -> memref<80xi32, #tpu.memory_space<vmem>>
      %dma_start3A_147 = tpu.memref_slice %arg5[%add3A_19] : memref<10240xi32, #tpu.memory_space<hbm>> -> memref<80xi32, #tpu.memory_space<hbm>>
      %dma_start3A_148 = arith.constant 0 : i32
      %dma_start3A_149 = tpu.memref_slice %arg8[%run_scoped3A_20, %dma_start3A_148] : memref<2x80xi32, #tpu.memory_space<vmem>> -> memref<1x80xi32, #tpu.memory_space<vmem>>
      %dma_start3A_150 = tpu.memref_squeeze %dma_start3A_149 : memref<1x80xi32, #tpu.memory_space<vmem>> -> memref<80xi32, #tpu.memory_space<vmem>>
      %dma_start3A_151 = tpu.memref_slice %arg5[%add3A_19] : memref<10240xi32, #tpu.memory_space<hbm>> -> memref<80xi32, #tpu.memory_space<hbm>>
      tpu.enqueue_dma source(%dma_start3A_151 : memref<80xi32, #tpu.memory_space<hbm>>) target(%dma_start3A_150 : memref<80xi32, #tpu.memory_space<vmem>>) target_semaphore(%run_scoped3A_144 : memref<!tpu.dma_semaphore, #tpu.memory_space<semaphore_mem>>)
      %dma_wait3A_152 = arith.constant 0 : i32
      %dma_wait3A_153 = tpu.memref_slice %arg8[%run_scoped3A_20, %dma_wait3A_152] : memref<2x80xi32, #tpu.memory_space<vmem>> -> memref<1x80xi32, #tpu.memory_space<vmem>>
      %dma_wait3A_154 = tpu.memref_squeeze %dma_wait3A_153 : memref<1x80xi32, #tpu.memory_space<vmem>> -> memref<80xi32, #tpu.memory_space<vmem>>
      %dma_wait3A_155 = tpu.memref_slice %arg5[%add3A_19] : memref<10240xi32, #tpu.memory_space<hbm>> -> memref<80xi32, #tpu.memory_space<hbm>>
      %dma_wait3A_156 = arith.constant 0 : i32
      %dma_wait3A_157 = tpu.memref_slice %arg8[%run_scoped3A_20, %dma_wait3A_156] : memref<2x80xi32, #tpu.memory_space<vmem>> -> memref<1x80xi32, #tpu.memory_space<vmem>>
      %dma_wait3A_158 = tpu.memref_squeeze %dma_wait3A_157 : memref<1x80xi32, #tpu.memory_space<vmem>> -> memref<80xi32, #tpu.memory_space<vmem>>
      %dma_wait3A_159 = tpu.memref_slice %arg5[%add3A_19] : memref<10240xi32, #tpu.memory_space<hbm>> -> memref<80xi32, #tpu.memory_space<hbm>>
      tpu.wait_dma2 semaphore(%run_scoped3A_144 : memref<!tpu.dma_semaphore, #tpu.memory_space<semaphore_mem>>) src(%dma_wait3A_159 : memref<80xi32, #tpu.memory_space<hbm>>) dst(%dma_wait3A_158 : memref<80xi32, #tpu.memory_space<vmem>>)
      tpu.yield
    }) : () -> ()
    %run_scoped3A_21 = arith.constant 0 : i32
    %run_scoped3A_22 = arith.constant 0 : i32
    "tpu.region"() ({
      %run_scoped3A_144 = tpu.sem_alloc : memref<!tpu.dma_semaphore, #tpu.memory_space<semaphore_mem>>
      %dma_start3A = arith.constant 0 : i32
      %dma_start3A_145 = arith.constant 0 : i32
      %dma_start3A_146 = tpu.memref_slice %arg9[%run_scoped3A_21, %dma_start3A, %dma_start3A_145] : memref<2x80x128xf32, #tpu.memory_space<vmem>> -> memref<1x80x128xf32, #tpu.memory_space<vmem>>
      %dma_start3A_147 = tpu.memref_squeeze %dma_start3A_146 : memref<1x80x128xf32, #tpu.memory_space<vmem>> -> memref<80x128xf32, #tpu.memory_space<vmem>>
      %dma_start3A_148 = arith.constant 0 : i32
      %dma_start3A_149 = tpu.memref_slice %arg8[%run_scoped3A_22, %dma_start3A_148] : memref<2x80xi32, #tpu.memory_space<vmem>> -> memref<1x80xi32, #tpu.memory_space<vmem>>
      %dma_start3A_150 = tpu.memref_squeeze %dma_start3A_149 : memref<1x80xi32, #tpu.memory_space<vmem>> -> memref<80xi32, #tpu.memory_space<vmem>>
      %dma_start3A_151 = arith.constant 0 : i32
      %dma_start3A_152 = arith.constant 0 : i32
      %dma_start3A_153 = tpu.memref_slice %arg7[%dma_start3A_151, %dma_start3A_152] : memref<10240x128xf32, #tpu.memory_space<vmem_shared>> -> memref<10240x128xf32, #tpu.memory_space<vmem_shared>>
      tpu.enqueue_indirect_dma source(%dma_start3A_147 : memref<80x128xf32, #tpu.memory_space<vmem>>) target(%dma_start3A_153 : memref<10240x128xf32, #tpu.memory_space<vmem_shared>>) offsets(%dma_start3A_150 : memref<80xi32, #tpu.memory_space<vmem>>) semaphore(%run_scoped3A_144 : memref<!tpu.dma_semaphore, #tpu.memory_space<semaphore_mem>>)
      %dma_wait3A_154 = arith.constant 0 : i32
      %dma_wait3A_155 = arith.constant 0 : i32
      %dma_wait3A_156 = tpu.memref_slice %arg9[%run_scoped3A_21, %dma_wait3A_154, %dma_wait3A_155] : memref<2x80x128xf32, #tpu.memory_space<vmem>> -> memref<1x80x128xf32, #tpu.memory_space<vmem>>
      %dma_wait3A_157 = tpu.memref_squeeze %dma_wait3A_156 : memref<1x80x128xf32, #tpu.memory_space<vmem>> -> memref<80x128xf32, #tpu.memory_space<vmem>>
      %dma_wait3A_158 = arith.constant 0 : i32
      %dma_wait3A_159 = tpu.memref_slice %arg8[%run_scoped3A_22, %dma_wait3A_158] : memref<2x80xi32, #tpu.memory_space<vmem>> -> memref<1x80xi32, #tpu.memory_space<vmem>>
      %dma_wait3A_160 = tpu.memref_squeeze %dma_wait3A_159 : memref<1x80xi32, #tpu.memory_space<vmem>> -> memref<80xi32, #tpu.memory_space<vmem>>
      %dma_wait3A_161 = arith.constant 0 : i32
      %dma_wait3A_162 = arith.constant 0 : i32
      %dma_wait3A_163 = tpu.memref_slice %arg7[%dma_wait3A_161, %dma_wait3A_162] : memref<10240x128xf32, #tpu.memory_space<vmem_shared>> -> memref<10240x128xf32, #tpu.memory_space<vmem_shared>>
      tpu.wait_indirect_dma semaphore(%run_scoped3A_144 : memref<!tpu.dma_semaphore, #tpu.memory_space<semaphore_mem>>) src(%dma_wait3A_157 : memref<80x128xf32, #tpu.memory_space<vmem>>) dst(%dma_wait3A_163 : memref<10240x128xf32, #tpu.memory_space<vmem_shared>>)
      tpu.yield
    }) : () -> ()
    %add3A_23 = arith.constant 320 : i32
    %add3A_24 = arith.addi %mul3A_2, %add3A_23 : i32
    %run_scoped3A_25 = arith.constant 0 : i32
    "tpu.region"() ({
      %run_scoped3A_144 = tpu.sem_alloc : memref<!tpu.dma_semaphore, #tpu.memory_space<semaphore_mem>>
      %dma_start3A = arith.constant 0 : i32
      %dma_start3A_145 = tpu.memref_slice %arg8[%run_scoped3A_25, %dma_start3A] : memref<2x80xi32, #tpu.memory_space<vmem>> -> memref<1x80xi32, #tpu.memory_space<vmem>>
      %dma_start3A_146 = tpu.memref_squeeze %dma_start3A_145 : memref<1x80xi32, #tpu.memory_space<vmem>> -> memref<80xi32, #tpu.memory_space<vmem>>
      %dma_start3A_147 = tpu.memref_slice %arg5[%add3A_24] : memref<10240xi32, #tpu.memory_space<hbm>> -> memref<80xi32, #tpu.memory_space<hbm>>
      %dma_start3A_148 = arith.constant 0 : i32
      %dma_start3A_149 = tpu.memref_slice %arg8[%run_scoped3A_25, %dma_start3A_148] : memref<2x80xi32, #tpu.memory_space<vmem>> -> memref<1x80xi32, #tpu.memory_space<vmem>>
      %dma_start3A_150 = tpu.memref_squeeze %dma_start3A_149 : memref<1x80xi32, #tpu.memory_space<vmem>> -> memref<80xi32, #tpu.memory_space<vmem>>
      %dma_start3A_151 = tpu.memref_slice %arg5[%add3A_24] : memref<10240xi32, #tpu.memory_space<hbm>> -> memref<80xi32, #tpu.memory_space<hbm>>
      tpu.enqueue_dma source(%dma_start3A_151 : memref<80xi32, #tpu.memory_space<hbm>>) target(%dma_start3A_150 : memref<80xi32, #tpu.memory_space<vmem>>) target_semaphore(%run_scoped3A_144 : memref<!tpu.dma_semaphore, #tpu.memory_space<semaphore_mem>>)
      %dma_wait3A_152 = arith.constant 0 : i32
      %dma_wait3A_153 = tpu.memref_slice %arg8[%run_scoped3A_25, %dma_wait3A_152] : memref<2x80xi32, #tpu.memory_space<vmem>> -> memref<1x80xi32, #tpu.memory_space<vmem>>
      %dma_wait3A_154 = tpu.memref_squeeze %dma_wait3A_153 : memref<1x80xi32, #tpu.memory_space<vmem>> -> memref<80xi32, #tpu.memory_space<vmem>>
      %dma_wait3A_155 = tpu.memref_slice %arg5[%add3A_24] : memref<10240xi32, #tpu.memory_space<hbm>> -> memref<80xi32, #tpu.memory_space<hbm>>
      %dma_wait3A_156 = arith.constant 0 : i32
      %dma_wait3A_157 = tpu.memref_slice %arg8[%run_scoped3A_25, %dma_wait3A_156] : memref<2x80xi32, #tpu.memory_space<vmem>> -> memref<1x80xi32, #tpu.memory_space<vmem>>
      %dma_wait3A_158 = tpu.memref_squeeze %dma_wait3A_157 : memref<1x80xi32, #tpu.memory_space<vmem>> -> memref<80xi32, #tpu.memory_space<vmem>>
      %dma_wait3A_159 = tpu.memref_slice %arg5[%add3A_24] : memref<10240xi32, #tpu.memory_space<hbm>> -> memref<80xi32, #tpu.memory_space<hbm>>
      tpu.wait_dma2 semaphore(%run_scoped3A_144 : memref<!tpu.dma_semaphore, #tpu.memory_space<semaphore_mem>>) src(%dma_wait3A_159 : memref<80xi32, #tpu.memory_space<hbm>>) dst(%dma_wait3A_158 : memref<80xi32, #tpu.memory_space<vmem>>)
      tpu.yield
    }) : () -> ()
    %run_scoped3A_26 = arith.constant 0 : i32
    %run_scoped3A_27 = arith.constant 0 : i32
    "tpu.region"() ({
      %run_scoped3A_144 = tpu.sem_alloc : memref<!tpu.dma_semaphore, #tpu.memory_space<semaphore_mem>>
      %dma_start3A = arith.constant 0 : i32
      %dma_start3A_145 = arith.constant 0 : i32
      %dma_start3A_146 = tpu.memref_slice %arg9[%run_scoped3A_26, %dma_start3A, %dma_start3A_145] : memref<2x80x128xf32, #tpu.memory_space<vmem>> -> memref<1x80x128xf32, #tpu.memory_space<vmem>>
      %dma_start3A_147 = tpu.memref_squeeze %dma_start3A_146 : memref<1x80x128xf32, #tpu.memory_space<vmem>> -> memref<80x128xf32, #tpu.memory_space<vmem>>
      %dma_start3A_148 = arith.constant 0 : i32
      %dma_start3A_149 = tpu.memref_slice %arg8[%run_scoped3A_27, %dma_start3A_148] : memref<2x80xi32, #tpu.memory_space<vmem>> -> memref<1x80xi32, #tpu.memory_space<vmem>>
      %dma_start3A_150 = tpu.memref_squeeze %dma_start3A_149 : memref<1x80xi32, #tpu.memory_space<vmem>> -> memref<80xi32, #tpu.memory_space<vmem>>
      %dma_start3A_151 = arith.constant 0 : i32
      %dma_start3A_152 = arith.constant 0 : i32
      %dma_start3A_153 = tpu.memref_slice %arg7[%dma_start3A_151, %dma_start3A_152] : memref<10240x128xf32, #tpu.memory_space<vmem_shared>> -> memref<10240x128xf32, #tpu.memory_space<vmem_shared>>
      tpu.enqueue_indirect_dma source(%dma_start3A_147 : memref<80x128xf32, #tpu.memory_space<vmem>>) target(%dma_start3A_153 : memref<10240x128xf32, #tpu.memory_space<vmem_shared>>) offsets(%dma_start3A_150 : memref<80xi32, #tpu.memory_space<vmem>>) semaphore(%run_scoped3A_144 : memref<!tpu.dma_semaphore, #tpu.memory_space<semaphore_mem>>)
      %dma_wait3A_154 = arith.constant 0 : i32
      %dma_wait3A_155 = arith.constant 0 : i32
      %dma_wait3A_156 = tpu.memref_slice %arg9[%run_scoped3A_26, %dma_wait3A_154, %dma_wait3A_155] : memref<2x80x128xf32, #tpu.memory_space<vmem>> -> memref<1x80x128xf32, #tpu.memory_space<vmem>>
      %dma_wait3A_157 = tpu.memref_squeeze %dma_wait3A_156 : memref<1x80x128xf32, #tpu.memory_space<vmem>> -> memref<80x128xf32, #tpu.memory_space<vmem>>
      %dma_wait3A_158 = arith.constant 0 : i32
      %dma_wait3A_159 = tpu.memref_slice %arg8[%run_scoped3A_27, %dma_wait3A_158] : memref<2x80xi32, #tpu.memory_space<vmem>> -> memref<1x80xi32, #tpu.memory_space<vmem>>
      %dma_wait3A_160 = tpu.memref_squeeze %dma_wait3A_159 : memref<1x80xi32, #tpu.memory_space<vmem>> -> memref<80xi32, #tpu.memory_space<vmem>>
      %dma_wait3A_161 = arith.constant 0 : i32
      %dma_wait3A_162 = arith.constant 0 : i32
      %dma_wait3A_163 = tpu.memref_slice %arg7[%dma_wait3A_161, %dma_wait3A_162] : memref<10240x128xf32, #tpu.memory_space<vmem_shared>> -> memref<10240x128xf32, #tpu.memory_space<vmem_shared>>
      tpu.wait_indirect_dma semaphore(%run_scoped3A_144 : memref<!tpu.dma_semaphore, #tpu.memory_space<semaphore_mem>>) src(%dma_wait3A_157 : memref<80x128xf32, #tpu.memory_space<vmem>>) dst(%dma_wait3A_163 : memref<10240x128xf32, #tpu.memory_space<vmem_shared>>)
      tpu.yield
    }) : () -> ()
    %add3A_28 = arith.constant 400 : i32
    %add3A_29 = arith.addi %mul3A_2, %add3A_28 : i32
    %run_scoped3A_30 = arith.constant 0 : i32
    "tpu.region"() ({
      %run_scoped3A_144 = tpu.sem_alloc : memref<!tpu.dma_semaphore, #tpu.memory_space<semaphore_mem>>
      %dma_start3A = arith.constant 0 : i32
      %dma_start3A_145 = tpu.memref_slice %arg8[%run_scoped3A_30, %dma_start3A] : memref<2x80xi32, #tpu.memory_space<vmem>> -> memref<1x80xi32, #tpu.memory_space<vmem>>
      %dma_start3A_146 = tpu.memref_squeeze %dma_start3A_145 : memref<1x80xi32, #tpu.memory_space<vmem>> -> memref<80xi32, #tpu.memory_space<vmem>>
      %dma_start3A_147 = tpu.memref_slice %arg5[%add3A_29] : memref<10240xi32, #tpu.memory_space<hbm>> -> memref<80xi32, #tpu.memory_space<hbm>>
      %dma_start3A_148 = arith.constant 0 : i32
      %dma_start3A_149 = tpu.memref_slice %arg8[%run_scoped3A_30, %dma_start3A_148] : memref<2x80xi32, #tpu.memory_space<vmem>> -> memref<1x80xi32, #tpu.memory_space<vmem>>
      %dma_start3A_150 = tpu.memref_squeeze %dma_start3A_149 : memref<1x80xi32, #tpu.memory_space<vmem>> -> memref<80xi32, #tpu.memory_space<vmem>>
      %dma_start3A_151 = tpu.memref_slice %arg5[%add3A_29] : memref<10240xi32, #tpu.memory_space<hbm>> -> memref<80xi32, #tpu.memory_space<hbm>>
      tpu.enqueue_dma source(%dma_start3A_151 : memref<80xi32, #tpu.memory_space<hbm>>) target(%dma_start3A_150 : memref<80xi32, #tpu.memory_space<vmem>>) target_semaphore(%run_scoped3A_144 : memref<!tpu.dma_semaphore, #tpu.memory_space<semaphore_mem>>)
      %dma_wait3A_152 = arith.constant 0 : i32
      %dma_wait3A_153 = tpu.memref_slice %arg8[%run_scoped3A_30, %dma_wait3A_152] : memref<2x80xi32, #tpu.memory_space<vmem>> -> memref<1x80xi32, #tpu.memory_space<vmem>>
      %dma_wait3A_154 = tpu.memref_squeeze %dma_wait3A_153 : memref<1x80xi32, #tpu.memory_space<vmem>> -> memref<80xi32, #tpu.memory_space<vmem>>
      %dma_wait3A_155 = tpu.memref_slice %arg5[%add3A_29] : memref<10240xi32, #tpu.memory_space<hbm>> -> memref<80xi32, #tpu.memory_space<hbm>>
      %dma_wait3A_156 = arith.constant 0 : i32
      %dma_wait3A_157 = tpu.memref_slice %arg8[%run_scoped3A_30, %dma_wait3A_156] : memref<2x80xi32, #tpu.memory_space<vmem>> -> memref<1x80xi32, #tpu.memory_space<vmem>>
      %dma_wait3A_158 = tpu.memref_squeeze %dma_wait3A_157 : memref<1x80xi32, #tpu.memory_space<vmem>> -> memref<80xi32, #tpu.memory_space<vmem>>
      %dma_wait3A_159 = tpu.memref_slice %arg5[%add3A_29] : memref<10240xi32, #tpu.memory_space<hbm>> -> memref<80xi32, #tpu.memory_space<hbm>>
      tpu.wait_dma2 semaphore(%run_scoped3A_144 : memref<!tpu.dma_semaphore, #tpu.memory_space<semaphore_mem>>) src(%dma_wait3A_159 : memref<80xi32, #tpu.memory_space<hbm>>) dst(%dma_wait3A_158 : memref<80xi32, #tpu.memory_space<vmem>>)
      tpu.yield
    }) : () -> ()
    %run_scoped3A_31 = arith.constant 0 : i32
    %run_scoped3A_32 = arith.constant 0 : i32
    "tpu.region"() ({
      %run_scoped3A_144 = tpu.sem_alloc : memref<!tpu.dma_semaphore, #tpu.memory_space<semaphore_mem>>
      %dma_start3A = arith.constant 0 : i32
      %dma_start3A_145 = arith.constant 0 : i32
      %dma_start3A_146 = tpu.memref_slice %arg9[%run_scoped3A_31, %dma_start3A, %dma_start3A_145] : memref<2x80x128xf32, #tpu.memory_space<vmem>> -> memref<1x80x128xf32, #tpu.memory_space<vmem>>
      %dma_start3A_147 = tpu.memref_squeeze %dma_start3A_146 : memref<1x80x128xf32, #tpu.memory_space<vmem>> -> memref<80x128xf32, #tpu.memory_space<vmem>>
      %dma_start3A_148 = arith.constant 0 : i32
      %dma_start3A_149 = tpu.memref_slice %arg8[%run_scoped3A_32, %dma_start3A_148] : memref<2x80xi32, #tpu.memory_space<vmem>> -> memref<1x80xi32, #tpu.memory_space<vmem>>
      %dma_start3A_150 = tpu.memref_squeeze %dma_start3A_149 : memref<1x80xi32, #tpu.memory_space<vmem>> -> memref<80xi32, #tpu.memory_space<vmem>>
      %dma_start3A_151 = arith.constant 0 : i32
      %dma_start3A_152 = arith.constant 0 : i32
      %dma_start3A_153 = tpu.memref_slice %arg7[%dma_start3A_151, %dma_start3A_152] : memref<10240x128xf32, #tpu.memory_space<vmem_shared>> -> memref<10240x128xf32, #tpu.memory_space<vmem_shared>>
      tpu.enqueue_indirect_dma source(%dma_start3A_147 : memref<80x128xf32, #tpu.memory_space<vmem>>) target(%dma_start3A_153 : memref<10240x128xf32, #tpu.memory_space<vmem_shared>>) offsets(%dma_start3A_150 : memref<80xi32, #tpu.memory_space<vmem>>) semaphore(%run_scoped3A_144 : memref<!tpu.dma_semaphore, #tpu.memory_space<semaphore_mem>>)
      %dma_wait3A_154 = arith.constant 0 : i32
      %dma_wait3A_155 = arith.constant 0 : i32
      %dma_wait3A_156 = tpu.memref_slice %arg9[%run_scoped3A_31, %dma_wait3A_154, %dma_wait3A_155] : memref<2x80x128xf32, #tpu.memory_space<vmem>> -> memref<1x80x128xf32, #tpu.memory_space<vmem>>
      %dma_wait3A_157 = tpu.memref_squeeze %dma_wait3A_156 : memref<1x80x128xf32, #tpu.memory_space<vmem>> -> memref<80x128xf32, #tpu.memory_space<vmem>>
      %dma_wait3A_158 = arith.constant 0 : i32
      %dma_wait3A_159 = tpu.memref_slice %arg8[%run_scoped3A_32, %dma_wait3A_158] : memref<2x80xi32, #tpu.memory_space<vmem>> -> memref<1x80xi32, #tpu.memory_space<vmem>>
      %dma_wait3A_160 = tpu.memref_squeeze %dma_wait3A_159 : memref<1x80xi32, #tpu.memory_space<vmem>> -> memref<80xi32, #tpu.memory_space<vmem>>
      %dma_wait3A_161 = arith.constant 0 : i32
      %dma_wait3A_162 = arith.constant 0 : i32
      %dma_wait3A_163 = tpu.memref_slice %arg7[%dma_wait3A_161, %dma_wait3A_162] : memref<10240x128xf32, #tpu.memory_space<vmem_shared>> -> memref<10240x128xf32, #tpu.memory_space<vmem_shared>>
      tpu.wait_indirect_dma semaphore(%run_scoped3A_144 : memref<!tpu.dma_semaphore, #tpu.memory_space<semaphore_mem>>) src(%dma_wait3A_157 : memref<80x128xf32, #tpu.memory_space<vmem>>) dst(%dma_wait3A_163 : memref<10240x128xf32, #tpu.memory_space<vmem_shared>>)
      tpu.yield
    }) : () -> ()
    %add3A_33 = arith.constant 480 : i32
    %add3A_34 = arith.addi %mul3A_2, %add3A_33 : i32
    %run_scoped3A_35 = arith.constant 0 : i32
    "tpu.region"() ({
      %run_scoped3A_144 = tpu.sem_alloc : memref<!tpu.dma_semaphore, #tpu.memory_space<semaphore_mem>>
      %dma_start3A = arith.constant 0 : i32
      %dma_start3A_145 = tpu.memref_slice %arg8[%run_scoped3A_35, %dma_start3A] : memref<2x80xi32, #tpu.memory_space<vmem>> -> memref<1x80xi32, #tpu.memory_space<vmem>>
      %dma_start3A_146 = tpu.memref_squeeze %dma_start3A_145 : memref<1x80xi32, #tpu.memory_space<vmem>> -> memref<80xi32, #tpu.memory_space<vmem>>
      %dma_start3A_147 = tpu.memref_slice %arg5[%add3A_34] : memref<10240xi32, #tpu.memory_space<hbm>> -> memref<80xi32, #tpu.memory_space<hbm>>
      %dma_start3A_148 = arith.constant 0 : i32
      %dma_start3A_149 = tpu.memref_slice %arg8[%run_scoped3A_35, %dma_start3A_148] : memref<2x80xi32, #tpu.memory_space<vmem>> -> memref<1x80xi32, #tpu.memory_space<vmem>>
      %dma_start3A_150 = tpu.memref_squeeze %dma_start3A_149 : memref<1x80xi32, #tpu.memory_space<vmem>> -> memref<80xi32, #tpu.memory_space<vmem>>
      %dma_start3A_151 = tpu.memref_slice %arg5[%add3A_34] : memref<10240xi32, #tpu.memory_space<hbm>> -> memref<80xi32, #tpu.memory_space<hbm>>
      tpu.enqueue_dma source(%dma_start3A_151 : memref<80xi32, #tpu.memory_space<hbm>>) target(%dma_start3A_150 : memref<80xi32, #tpu.memory_space<vmem>>) target_semaphore(%run_scoped3A_144 : memref<!tpu.dma_semaphore, #tpu.memory_space<semaphore_mem>>)
      %dma_wait3A_152 = arith.constant 0 : i32
      %dma_wait3A_153 = tpu.memref_slice %arg8[%run_scoped3A_35, %dma_wait3A_152] : memref<2x80xi32, #tpu.memory_space<vmem>> -> memref<1x80xi32, #tpu.memory_space<vmem>>
      %dma_wait3A_154 = tpu.memref_squeeze %dma_wait3A_153 : memref<1x80xi32, #tpu.memory_space<vmem>> -> memref<80xi32, #tpu.memory_space<vmem>>
      %dma_wait3A_155 = tpu.memref_slice %arg5[%add3A_34] : memref<10240xi32, #tpu.memory_space<hbm>> -> memref<80xi32, #tpu.memory_space<hbm>>
      %dma_wait3A_156 = arith.constant 0 : i32
      %dma_wait3A_157 = tpu.memref_slice %arg8[%run_scoped3A_35, %dma_wait3A_156] : memref<2x80xi32, #tpu.memory_space<vmem>> -> memref<1x80xi32, #tpu.memory_space<vmem>>
      %dma_wait3A_158 = tpu.memref_squeeze %dma_wait3A_157 : memref<1x80xi32, #tpu.memory_space<vmem>> -> memref<80xi32, #tpu.memory_space<vmem>>
      %dma_wait3A_159 = tpu.memref_slice %arg5[%add3A_34] : memref<10240xi32, #tpu.memory_space<hbm>> -> memref<80xi32, #tpu.memory_space<hbm>>
      tpu.wait_dma2 semaphore(%run_scoped3A_144 : memref<!tpu.dma_semaphore, #tpu.memory_space<semaphore_mem>>) src(%dma_wait3A_159 : memref<80xi32, #tpu.memory_space<hbm>>) dst(%dma_wait3A_158 : memref<80xi32, #tpu.memory_space<vmem>>)
      tpu.yield
    }) : () -> ()
    %run_scoped3A_36 = arith.constant 0 : i32
    %run_scoped3A_37 = arith.constant 0 : i32
    "tpu.region"() ({
      %run_scoped3A_144 = tpu.sem_alloc : memref<!tpu.dma_semaphore, #tpu.memory_space<semaphore_mem>>
      %dma_start3A = arith.constant 0 : i32
      %dma_start3A_145 = arith.constant 0 : i32
      %dma_start3A_146 = tpu.memref_slice %arg9[%run_scoped3A_36, %dma_start3A, %dma_start3A_145] : memref<2x80x128xf32, #tpu.memory_space<vmem>> -> memref<1x80x128xf32, #tpu.memory_space<vmem>>
      %dma_start3A_147 = tpu.memref_squeeze %dma_start3A_146 : memref<1x80x128xf32, #tpu.memory_space<vmem>> -> memref<80x128xf32, #tpu.memory_space<vmem>>
      %dma_start3A_148 = arith.constant 0 : i32
      %dma_start3A_149 = tpu.memref_slice %arg8[%run_scoped3A_37, %dma_start3A_148] : memref<2x80xi32, #tpu.memory_space<vmem>> -> memref<1x80xi32, #tpu.memory_space<vmem>>
      %dma_start3A_150 = tpu.memref_squeeze %dma_start3A_149 : memref<1x80xi32, #tpu.memory_space<vmem>> -> memref<80xi32, #tpu.memory_space<vmem>>
      %dma_start3A_151 = arith.constant 0 : i32
      %dma_start3A_152 = arith.constant 0 : i32
      %dma_start3A_153 = tpu.memref_slice %arg7[%dma_start3A_151, %dma_start3A_152] : memref<10240x128xf32, #tpu.memory_space<vmem_shared>> -> memref<10240x128xf32, #tpu.memory_space<vmem_shared>>
      tpu.enqueue_indirect_dma source(%dma_start3A_147 : memref<80x128xf32, #tpu.memory_space<vmem>>) target(%dma_start3A_153 : memref<10240x128xf32, #tpu.memory_space<vmem_shared>>) offsets(%dma_start3A_150 : memref<80xi32, #tpu.memory_space<vmem>>) semaphore(%run_scoped3A_144 : memref<!tpu.dma_semaphore, #tpu.memory_space<semaphore_mem>>)
      %dma_wait3A_154 = arith.constant 0 : i32
      %dma_wait3A_155 = arith.constant 0 : i32
      %dma_wait3A_156 = tpu.memref_slice %arg9[%run_scoped3A_36, %dma_wait3A_154, %dma_wait3A_155] : memref<2x80x128xf32, #tpu.memory_space<vmem>> -> memref<1x80x128xf32, #tpu.memory_space<vmem>>
      %dma_wait3A_157 = tpu.memref_squeeze %dma_wait3A_156 : memref<1x80x128xf32, #tpu.memory_space<vmem>> -> memref<80x128xf32, #tpu.memory_space<vmem>>
      %dma_wait3A_158 = arith.constant 0 : i32
      %dma_wait3A_159 = tpu.memref_slice %arg8[%run_scoped3A_37, %dma_wait3A_158] : memref<2x80xi32, #tpu.memory_space<vmem>> -> memref<1x80xi32, #tpu.memory_space<vmem>>
      %dma_wait3A_160 = tpu.memref_squeeze %dma_wait3A_159 : memref<1x80xi32, #tpu.memory_space<vmem>> -> memref<80xi32, #tpu.memory_space<vmem>>
      %dma_wait3A_161 = arith.constant 0 : i32
      %dma_wait3A_162 = arith.constant 0 : i32
      %dma_wait3A_163 = tpu.memref_slice %arg7[%dma_wait3A_161, %dma_wait3A_162] : memref<10240x128xf32, #tpu.memory_space<vmem_shared>> -> memref<10240x128xf32, #tpu.memory_space<vmem_shared>>
      tpu.wait_indirect_dma semaphore(%run_scoped3A_144 : memref<!tpu.dma_semaphore, #tpu.memory_space<semaphore_mem>>) src(%dma_wait3A_157 : memref<80x128xf32, #tpu.memory_space<vmem>>) dst(%dma_wait3A_163 : memref<10240x128xf32, #tpu.memory_space<vmem_shared>>)
      tpu.yield
    }) : () -> ()
    %add3A_38 = arith.constant 560 : i32
    %add3A_39 = arith.addi %mul3A_2, %add3A_38 : i32
    %run_scoped3A_40 = arith.constant 0 : i32
    "tpu.region"() ({
      %run_scoped3A_144 = tpu.sem_alloc : memref<!tpu.dma_semaphore, #tpu.memory_space<semaphore_mem>>
      %dma_start3A = arith.constant 0 : i32
      %dma_start3A_145 = tpu.memref_slice %arg8[%run_scoped3A_40, %dma_start3A] : memref<2x80xi32, #tpu.memory_space<vmem>> -> memref<1x80xi32, #tpu.memory_space<vmem>>
      %dma_start3A_146 = tpu.memref_squeeze %dma_start3A_145 : memref<1x80xi32, #tpu.memory_space<vmem>> -> memref<80xi32, #tpu.memory_space<vmem>>
      %dma_start3A_147 = tpu.memref_slice %arg5[%add3A_39] : memref<10240xi32, #tpu.memory_space<hbm>> -> memref<80xi32, #tpu.memory_space<hbm>>
      %dma_start3A_148 = arith.constant 0 : i32
      %dma_start3A_149 = tpu.memref_slice %arg8[%run_scoped3A_40, %dma_start3A_148] : memref<2x80xi32, #tpu.memory_space<vmem>> -> memref<1x80xi32, #tpu.memory_space<vmem>>
      %dma_start3A_150 = tpu.memref_squeeze %dma_start3A_149 : memref<1x80xi32, #tpu.memory_space<vmem>> -> memref<80xi32, #tpu.memory_space<vmem>>
      %dma_start3A_151 = tpu.memref_slice %arg5[%add3A_39] : memref<10240xi32, #tpu.memory_space<hbm>> -> memref<80xi32, #tpu.memory_space<hbm>>
      tpu.enqueue_dma source(%dma_start3A_151 : memref<80xi32, #tpu.memory_space<hbm>>) target(%dma_start3A_150 : memref<80xi32, #tpu.memory_space<vmem>>) target_semaphore(%run_scoped3A_144 : memref<!tpu.dma_semaphore, #tpu.memory_space<semaphore_mem>>)
      %dma_wait3A_152 = arith.constant 0 : i32
      %dma_wait3A_153 = tpu.memref_slice %arg8[%run_scoped3A_40, %dma_wait3A_152] : memref<2x80xi32, #tpu.memory_space<vmem>> -> memref<1x80xi32, #tpu.memory_space<vmem>>
      %dma_wait3A_154 = tpu.memref_squeeze %dma_wait3A_153 : memref<1x80xi32, #tpu.memory_space<vmem>> -> memref<80xi32, #tpu.memory_space<vmem>>
      %dma_wait3A_155 = tpu.memref_slice %arg5[%add3A_39] : memref<10240xi32, #tpu.memory_space<hbm>> -> memref<80xi32, #tpu.memory_space<hbm>>
      %dma_wait3A_156 = arith.constant 0 : i32
      %dma_wait3A_157 = tpu.memref_slice %arg8[%run_scoped3A_40, %dma_wait3A_156] : memref<2x80xi32, #tpu.memory_space<vmem>> -> memref<1x80xi32, #tpu.memory_space<vmem>>
      %dma_wait3A_158 = tpu.memref_squeeze %dma_wait3A_157 : memref<1x80xi32, #tpu.memory_space<vmem>> -> memref<80xi32, #tpu.memory_space<vmem>>
      %dma_wait3A_159 = tpu.memref_slice %arg5[%add3A_39] : memref<10240xi32, #tpu.memory_space<hbm>> -> memref<80xi32, #tpu.memory_space<hbm>>
      tpu.wait_dma2 semaphore(%run_scoped3A_144 : memref<!tpu.dma_semaphore, #tpu.memory_space<semaphore_mem>>) src(%dma_wait3A_159 : memref<80xi32, #tpu.memory_space<hbm>>) dst(%dma_wait3A_158 : memref<80xi32, #tpu.memory_space<vmem>>)
      tpu.yield
    }) : () -> ()
    %run_scoped3A_41 = arith.constant 0 : i32
    %run_scoped3A_42 = arith.constant 0 : i32
    "tpu.region"() ({
      %run_scoped3A_144 = tpu.sem_alloc : memref<!tpu.dma_semaphore, #tpu.memory_space<semaphore_mem>>
      %dma_start3A = arith.constant 0 : i32
      %dma_start3A_145 = arith.constant 0 : i32
      %dma_start3A_146 = tpu.memref_slice %arg9[%run_scoped3A_41, %dma_start3A, %dma_start3A_145] : memref<2x80x128xf32, #tpu.memory_space<vmem>> -> memref<1x80x128xf32, #tpu.memory_space<vmem>>
      %dma_start3A_147 = tpu.memref_squeeze %dma_start3A_146 : memref<1x80x128xf32, #tpu.memory_space<vmem>> -> memref<80x128xf32, #tpu.memory_space<vmem>>
      %dma_start3A_148 = arith.constant 0 : i32
      %dma_start3A_149 = tpu.memref_slice %arg8[%run_scoped3A_42, %dma_start3A_148] : memref<2x80xi32, #tpu.memory_space<vmem>> -> memref<1x80xi32, #tpu.memory_space<vmem>>
      %dma_start3A_150 = tpu.memref_squeeze %dma_start3A_149 : memref<1x80xi32, #tpu.memory_space<vmem>> -> memref<80xi32, #tpu.memory_space<vmem>>
      %dma_start3A_151 = arith.constant 0 : i32
      %dma_start3A_152 = arith.constant 0 : i32
      %dma_start3A_153 = tpu.memref_slice %arg7[%dma_start3A_151, %dma_start3A_152] : memref<10240x128xf32, #tpu.memory_space<vmem_shared>> -> memref<10240x128xf32, #tpu.memory_space<vmem_shared>>
      tpu.enqueue_indirect_dma source(%dma_start3A_147 : memref<80x128xf32, #tpu.memory_space<vmem>>) target(%dma_start3A_153 : memref<10240x128xf32, #tpu.memory_space<vmem_shared>>) offsets(%dma_start3A_150 : memref<80xi32, #tpu.memory_space<vmem>>) semaphore(%run_scoped3A_144 : memref<!tpu.dma_semaphore, #tpu.memory_space<semaphore_mem>>)
      %dma_wait3A_154 = arith.constant 0 : i32
      %dma_wait3A_155 = arith.constant 0 : i32
      %dma_wait3A_156 = tpu.memref_slice %arg9[%run_scoped3A_41, %dma_wait3A_154, %dma_wait3A_155] : memref<2x80x128xf32, #tpu.memory_space<vmem>> -> memref<1x80x128xf32, #tpu.memory_space<vmem>>
      %dma_wait3A_157 = tpu.memref_squeeze %dma_wait3A_156 : memref<1x80x128xf32, #tpu.memory_space<vmem>> -> memref<80x128xf32, #tpu.memory_space<vmem>>
      %dma_wait3A_158 = arith.constant 0 : i32
      %dma_wait3A_159 = tpu.memref_slice %arg8[%run_scoped3A_42, %dma_wait3A_158] : memref<2x80xi32, #tpu.memory_space<vmem>> -> memref<1x80xi32, #tpu.memory_space<vmem>>
      %dma_wait3A_160 = tpu.memref_squeeze %dma_wait3A_159 : memref<1x80xi32, #tpu.memory_space<vmem>> -> memref<80xi32, #tpu.memory_space<vmem>>
      %dma_wait3A_161 = arith.constant 0 : i32
      %dma_wait3A_162 = arith.constant 0 : i32
      %dma_wait3A_163 = tpu.memref_slice %arg7[%dma_wait3A_161, %dma_wait3A_162] : memref<10240x128xf32, #tpu.memory_space<vmem_shared>> -> memref<10240x128xf32, #tpu.memory_space<vmem_shared>>
      tpu.wait_indirect_dma semaphore(%run_scoped3A_144 : memref<!tpu.dma_semaphore, #tpu.memory_space<semaphore_mem>>) src(%dma_wait3A_157 : memref<80x128xf32, #tpu.memory_space<vmem>>) dst(%dma_wait3A_163 : memref<10240x128xf32, #tpu.memory_space<vmem_shared>>)
      tpu.yield
    }) : () -> ()
    %barrier3A = arith.constant 0 : index
    tpu.barrier barrier_id(%barrier3A)
    %mul3A_43 = arith.constant 10000 : i32
    %mul3A_44 = arith.muli %add3A, %mul3A_43 : i32
    %scan3A = arith.constant 0 : i32
    %scan3A_45 = arith.constant 0 : i32
    %scan3A_46 = arith.constant 125 : i32
    %scan3A_47 = arith.addi %scan3A_45, %scan3A_46 : i32
    %scan3A_48 = arith.constant 1 : i32
    scf.for %scan3A_144 = %scan3A_45 to %scan3A_47 step %scan3A_48  : i32 {
      %rem3A = arith.constant 2 : i32
      %rem3A_145 = arith.remsi %scan3A_144, %rem3A : i32
      %ge3A = arith.constant 2 : i32
      %ge3A_146 = arith.cmpi sge, %scan3A_144, %ge3A : i32
      %convert_element_type3A = arith.extui %ge3A_146 : i1 to i32
      %cond3A = arith.constant 0 : i32
      %cond3A_147 = arith.cmpi ne, %convert_element_type3A, %cond3A : i32
      scf.if %cond3A_147 {
        %dma_wait3A_210 = arith.constant 0 : i32
        %dma_wait3A_211 = arith.constant 0 : i32
        %dma_wait3A_212 = tpu.memref_slice %arg9[%rem3A_145, %dma_wait3A_210, %dma_wait3A_211] : memref<2x80x128xf32, #tpu.memory_space<vmem>> -> memref<1x80x128xf32, #tpu.memory_space<vmem>>
        %dma_wait3A_213 = tpu.memref_squeeze %dma_wait3A_212 : memref<1x80x128xf32, #tpu.memory_space<vmem>> -> memref<80x128xf32, #tpu.memory_space<vmem>>
        %dma_wait3A_214 = arith.constant 0 : i32
        %dma_wait3A_215 = tpu.memref_slice %arg8[%rem3A_145, %dma_wait3A_214] : memref<2x80xi32, #tpu.memory_space<vmem>> -> memref<1x80xi32, #tpu.memory_space<vmem>>
        %dma_wait3A_216 = tpu.memref_squeeze %dma_wait3A_215 : memref<1x80xi32, #tpu.memory_space<vmem>> -> memref<80xi32, #tpu.memory_space<vmem>>
        %dma_wait3A_217 = arith.constant 0 : i32
        %dma_wait3A_218 = arith.constant 0 : i32
        %dma_wait3A_219 = tpu.memref_slice %arg7[%dma_wait3A_217, %dma_wait3A_218] : memref<10240x128xf32, #tpu.memory_space<vmem_shared>> -> memref<10240x128xf32, #tpu.memory_space<vmem_shared>>
        %dma_wait3A_220 = tpu.memref_slice %arg10[%rem3A_145] : memref<2x!tpu.dma_semaphore, #tpu.memory_space<semaphore_mem>> -> memref<1x!tpu.dma_semaphore, #tpu.memory_space<semaphore_mem>>
        %dma_wait3A_221 = tpu.memref_squeeze %dma_wait3A_220 : memref<1x!tpu.dma_semaphore, #tpu.memory_space<semaphore_mem>> -> memref<!tpu.dma_semaphore, #tpu.memory_space<semaphore_mem>>
        tpu.wait_indirect_dma semaphore(%dma_wait3A_221 : memref<!tpu.dma_semaphore, #tpu.memory_space<semaphore_mem>>) src(%dma_wait3A_213 : memref<80x128xf32, #tpu.memory_space<vmem>>) dst(%dma_wait3A_219 : memref<10240x128xf32, #tpu.memory_space<vmem_shared>>)
      } else {
      }
      %mul3A_148 = arith.constant 80 : i32
      %mul3A_149 = arith.muli %scan3A_144, %mul3A_148 : i32
      %add3A_150 = arith.addi %mul3A_44, %mul3A_149 : i32
      %dma_start3A = arith.constant 0 : i32
      %dma_start3A_151 = tpu.memref_slice %arg8[%rem3A_145, %dma_start3A] : memref<2x80xi32, #tpu.memory_space<vmem>> -> memref<1x80xi32, #tpu.memory_space<vmem>>
      %dma_start3A_152 = tpu.memref_squeeze %dma_start3A_151 : memref<1x80xi32, #tpu.memory_space<vmem>> -> memref<80xi32, #tpu.memory_space<vmem>>
      %dma_start3A_153 = tpu.memref_slice %arg3[%add3A_150] : memref<320000xi32, #tpu.memory_space<hbm>> -> memref<80xi32, #tpu.memory_space<hbm>>
      %dma_start3A_154 = tpu.memref_slice %arg11[%rem3A_145] : memref<2x!tpu.dma_semaphore, #tpu.memory_space<semaphore_mem>> -> memref<1x!tpu.dma_semaphore, #tpu.memory_space<semaphore_mem>>
      %dma_start3A_155 = tpu.memref_squeeze %dma_start3A_154 : memref<1x!tpu.dma_semaphore, #tpu.memory_space<semaphore_mem>> -> memref<!tpu.dma_semaphore, #tpu.memory_space<semaphore_mem>>
      %dma_start3A_156 = arith.constant 0 : i32
      %dma_start3A_157 = tpu.memref_slice %arg8[%rem3A_145, %dma_start3A_156] : memref<2x80xi32, #tpu.memory_space<vmem>> -> memref<1x80xi32, #tpu.memory_space<vmem>>
      %dma_start3A_158 = tpu.memref_squeeze %dma_start3A_157 : memref<1x80xi32, #tpu.memory_space<vmem>> -> memref<80xi32, #tpu.memory_space<vmem>>
      %dma_start3A_159 = tpu.memref_slice %arg3[%add3A_150] : memref<320000xi32, #tpu.memory_space<hbm>> -> memref<80xi32, #tpu.memory_space<hbm>>
      tpu.enqueue_dma source(%dma_start3A_159 : memref<80xi32, #tpu.memory_space<hbm>>) target(%dma_start3A_158 : memref<80xi32, #tpu.memory_space<vmem>>) target_semaphore(%dma_start3A_155 : memref<!tpu.dma_semaphore, #tpu.memory_space<semaphore_mem>>)
      %dma_start3A_160 = arith.constant 0 : i32
      %dma_start3A_161 = arith.constant 0 : i32
      %dma_start3A_162 = tpu.memref_slice %arg9[%rem3A_145, %dma_start3A_160, %dma_start3A_161] : memref<2x80x128xf32, #tpu.memory_space<vmem>> -> memref<1x80x128xf32, #tpu.memory_space<vmem>>
      %dma_start3A_163 = tpu.memref_squeeze %dma_start3A_162 : memref<1x80x128xf32, #tpu.memory_space<vmem>> -> memref<80x128xf32, #tpu.memory_space<vmem>>
      %dma_start3A_164 = arith.constant 0 : i32
      %dma_start3A_165 = tpu.memref_slice %arg2[%add3A_150, %dma_start3A_164] : memref<320000x128xf32, #tpu.memory_space<hbm>> -> memref<80x128xf32, #tpu.memory_space<hbm>>
      %dma_start3A_166 = tpu.memref_slice %arg12[%rem3A_145] : memref<2x!tpu.dma_semaphore, #tpu.memory_space<semaphore_mem>> -> memref<1x!tpu.dma_semaphore, #tpu.memory_space<semaphore_mem>>
      %dma_start3A_167 = tpu.memref_squeeze %dma_start3A_166 : memref<1x!tpu.dma_semaphore, #tpu.memory_space<semaphore_mem>> -> memref<!tpu.dma_semaphore, #tpu.memory_space<semaphore_mem>>
      %dma_start3A_168 = arith.constant 0 : i32
      %dma_start3A_169 = arith.constant 0 : i32
      %dma_start3A_170 = tpu.memref_slice %arg9[%rem3A_145, %dma_start3A_168, %dma_start3A_169] : memref<2x80x128xf32, #tpu.memory_space<vmem>> -> memref<1x80x128xf32, #tpu.memory_space<vmem>>
      %dma_start3A_171 = tpu.memref_squeeze %dma_start3A_170 : memref<1x80x128xf32, #tpu.memory_space<vmem>> -> memref<80x128xf32, #tpu.memory_space<vmem>>
      %dma_start3A_172 = arith.constant 0 : i32
      %dma_start3A_173 = tpu.memref_slice %arg2[%add3A_150, %dma_start3A_172] : memref<320000x128xf32, #tpu.memory_space<hbm>> -> memref<80x128xf32, #tpu.memory_space<hbm>>
      tpu.enqueue_dma source(%dma_start3A_173 : memref<80x128xf32, #tpu.memory_space<hbm>>) target(%dma_start3A_171 : memref<80x128xf32, #tpu.memory_space<vmem>>) target_semaphore(%dma_start3A_167 : memref<!tpu.dma_semaphore, #tpu.memory_space<semaphore_mem>>)
      %dma_wait3A_174 = arith.constant 0 : i32
      %dma_wait3A_175 = tpu.memref_slice %arg8[%rem3A_145, %dma_wait3A_174] : memref<2x80xi32, #tpu.memory_space<vmem>> -> memref<1x80xi32, #tpu.memory_space<vmem>>
      %dma_wait3A_176 = tpu.memref_squeeze %dma_wait3A_175 : memref<1x80xi32, #tpu.memory_space<vmem>> -> memref<80xi32, #tpu.memory_space<vmem>>
      %dma_wait3A_177 = tpu.memref_slice %arg3[%add3A_150] : memref<320000xi32, #tpu.memory_space<hbm>> -> memref<80xi32, #tpu.memory_space<hbm>>
      %dma_wait3A_178 = tpu.memref_slice %arg11[%rem3A_145] : memref<2x!tpu.dma_semaphore, #tpu.memory_space<semaphore_mem>> -> memref<1x!tpu.dma_semaphore, #tpu.memory_space<semaphore_mem>>
      %dma_wait3A_179 = tpu.memref_squeeze %dma_wait3A_178 : memref<1x!tpu.dma_semaphore, #tpu.memory_space<semaphore_mem>> -> memref<!tpu.dma_semaphore, #tpu.memory_space<semaphore_mem>>
      %dma_wait3A_180 = arith.constant 0 : i32
      %dma_wait3A_181 = tpu.memref_slice %arg8[%rem3A_145, %dma_wait3A_180] : memref<2x80xi32, #tpu.memory_space<vmem>> -> memref<1x80xi32, #tpu.memory_space<vmem>>
      %dma_wait3A_182 = tpu.memref_squeeze %dma_wait3A_181 : memref<1x80xi32, #tpu.memory_space<vmem>> -> memref<80xi32, #tpu.memory_space<vmem>>
      %dma_wait3A_183 = tpu.memref_slice %arg3[%add3A_150] : memref<320000xi32, #tpu.memory_space<hbm>> -> memref<80xi32, #tpu.memory_space<hbm>>
      tpu.wait_dma2 semaphore(%dma_wait3A_179 : memref<!tpu.dma_semaphore, #tpu.memory_space<semaphore_mem>>) src(%dma_wait3A_183 : memref<80xi32, #tpu.memory_space<hbm>>) dst(%dma_wait3A_182 : memref<80xi32, #tpu.memory_space<vmem>>)
      %dma_wait3A_184 = arith.constant 0 : i32
      %dma_wait3A_185 = arith.constant 0 : i32
      %dma_wait3A_186 = tpu.memref_slice %arg9[%rem3A_145, %dma_wait3A_184, %dma_wait3A_185] : memref<2x80x128xf32, #tpu.memory_space<vmem>> -> memref<1x80x128xf32, #tpu.memory_space<vmem>>
      %dma_wait3A_187 = tpu.memref_squeeze %dma_wait3A_186 : memref<1x80x128xf32, #tpu.memory_space<vmem>> -> memref<80x128xf32, #tpu.memory_space<vmem>>
      %dma_wait3A_188 = arith.constant 0 : i32
      %dma_wait3A_189 = tpu.memref_slice %arg2[%add3A_150, %dma_wait3A_188] : memref<320000x128xf32, #tpu.memory_space<hbm>> -> memref<80x128xf32, #tpu.memory_space<hbm>>
      %dma_wait3A_190 = tpu.memref_slice %arg12[%rem3A_145] : memref<2x!tpu.dma_semaphore, #tpu.memory_space<semaphore_mem>> -> memref<1x!tpu.dma_semaphore, #tpu.memory_space<semaphore_mem>>
      %dma_wait3A_191 = tpu.memref_squeeze %dma_wait3A_190 : memref<1x!tpu.dma_semaphore, #tpu.memory_space<semaphore_mem>> -> memref<!tpu.dma_semaphore, #tpu.memory_space<semaphore_mem>>
      %dma_wait3A_192 = arith.constant 0 : i32
      %dma_wait3A_193 = arith.constant 0 : i32
      %dma_wait3A_194 = tpu.memref_slice %arg9[%rem3A_145, %dma_wait3A_192, %dma_wait3A_193] : memref<2x80x128xf32, #tpu.memory_space<vmem>> -> memref<1x80x128xf32, #tpu.memory_space<vmem>>
      %dma_wait3A_195 = tpu.memref_squeeze %dma_wait3A_194 : memref<1x80x128xf32, #tpu.memory_space<vmem>> -> memref<80x128xf32, #tpu.memory_space<vmem>>
      %dma_wait3A_196 = arith.constant 0 : i32
      %dma_wait3A_197 = tpu.memref_slice %arg2[%add3A_150, %dma_wait3A_196] : memref<320000x128xf32, #tpu.memory_space<hbm>> -> memref<80x128xf32, #tpu.memory_space<hbm>>
      tpu.wait_dma2 semaphore(%dma_wait3A_191 : memref<!tpu.dma_semaphore, #tpu.memory_space<semaphore_mem>>) src(%dma_wait3A_197 : memref<80x128xf32, #tpu.memory_space<hbm>>) dst(%dma_wait3A_195 : memref<80x128xf32, #tpu.memory_space<vmem>>)
      %dma_start3A_198 = arith.constant 0 : i32
      %dma_start3A_199 = arith.constant 0 : i32
      %dma_start3A_200 = tpu.memref_slice %arg9[%rem3A_145, %dma_start3A_198, %dma_start3A_199] : memref<2x80x128xf32, #tpu.memory_space<vmem>> -> memref<1x80x128xf32, #tpu.memory_space<vmem>>
      %dma_start3A_201 = tpu.memref_squeeze %dma_start3A_200 : memref<1x80x128xf32, #tpu.memory_space<vmem>> -> memref<80x128xf32, #tpu.memory_space<vmem>>
      %dma_start3A_202 = arith.constant 0 : i32
      %dma_start3A_203 = tpu.memref_slice %arg8[%rem3A_145, %dma_start3A_202] : memref<2x80xi32, #tpu.memory_space<vmem>> -> memref<1x80xi32, #tpu.memory_space<vmem>>
      %dma_start3A_204 = tpu.memref_squeeze %dma_start3A_203 : memref<1x80xi32, #tpu.memory_space<vmem>> -> memref<80xi32, #tpu.memory_space<vmem>>
      %dma_start3A_205 = arith.constant 0 : i32
      %dma_start3A_206 = arith.constant 0 : i32
      %dma_start3A_207 = tpu.memref_slice %arg7[%dma_start3A_205, %dma_start3A_206] : memref<10240x128xf32, #tpu.memory_space<vmem_shared>> -> memref<10240x128xf32, #tpu.memory_space<vmem_shared>>
      %dma_start3A_208 = tpu.memref_slice %arg10[%rem3A_145] : memref<2x!tpu.dma_semaphore, #tpu.memory_space<semaphore_mem>> -> memref<1x!tpu.dma_semaphore, #tpu.memory_space<semaphore_mem>>
      %dma_start3A_209 = tpu.memref_squeeze %dma_start3A_208 : memref<1x!tpu.dma_semaphore, #tpu.memory_space<semaphore_mem>> -> memref<!tpu.dma_semaphore, #tpu.memory_space<semaphore_mem>>
      tpu.enqueue_indirect_dma source(%dma_start3A_201 : memref<80x128xf32, #tpu.memory_space<vmem>>) target(%dma_start3A_207 : memref<10240x128xf32, #tpu.memory_space<vmem_shared>>) offsets(%dma_start3A_204 : memref<80xi32, #tpu.memory_space<vmem>>) semaphore(%dma_start3A_209 : memref<!tpu.dma_semaphore, #tpu.memory_space<semaphore_mem>>) {add = true}
    }
    %scan3A_49 = arith.constant 125 : i32
    %dma_wait3A = arith.constant 0 : i32
    %dma_wait3A_50 = arith.constant 0 : i32
    %dma_wait3A_51 = arith.constant 0 : i32
    %dma_wait3A_52 = arith.constant 0 : i32
    %dma_wait3A_53 = arith.constant 0 : i32
    %dma_wait3A_54 = tpu.memref_slice %arg9[%dma_wait3A, %dma_wait3A_52, %dma_wait3A_53] : memref<2x80x128xf32, #tpu.memory_space<vmem>> -> memref<1x80x128xf32, #tpu.memory_space<vmem>>
    %dma_wait3A_55 = tpu.memref_squeeze %dma_wait3A_54 : memref<1x80x128xf32, #tpu.memory_space<vmem>> -> memref<80x128xf32, #tpu.memory_space<vmem>>
    %dma_wait3A_56 = arith.constant 0 : i32
    %dma_wait3A_57 = tpu.memref_slice %arg8[%dma_wait3A_50, %dma_wait3A_56] : memref<2x80xi32, #tpu.memory_space<vmem>> -> memref<1x80xi32, #tpu.memory_space<vmem>>
    %dma_wait3A_58 = tpu.memref_squeeze %dma_wait3A_57 : memref<1x80xi32, #tpu.memory_space<vmem>> -> memref<80xi32, #tpu.memory_space<vmem>>
    %dma_wait3A_59 = arith.constant 0 : i32
    %dma_wait3A_60 = arith.constant 0 : i32
    %dma_wait3A_61 = tpu.memref_slice %arg7[%dma_wait3A_59, %dma_wait3A_60] : memref<10240x128xf32, #tpu.memory_space<vmem_shared>> -> memref<10240x128xf32, #tpu.memory_space<vmem_shared>>
    %dma_wait3A_62 = tpu.memref_slice %arg10[%dma_wait3A_51] : memref<2x!tpu.dma_semaphore, #tpu.memory_space<semaphore_mem>> -> memref<1x!tpu.dma_semaphore, #tpu.memory_space<semaphore_mem>>
    %dma_wait3A_63 = tpu.memref_squeeze %dma_wait3A_62 : memref<1x!tpu.dma_semaphore, #tpu.memory_space<semaphore_mem>> -> memref<!tpu.dma_semaphore, #tpu.memory_space<semaphore_mem>>
    tpu.wait_indirect_dma semaphore(%dma_wait3A_63 : memref<!tpu.dma_semaphore, #tpu.memory_space<semaphore_mem>>) src(%dma_wait3A_55 : memref<80x128xf32, #tpu.memory_space<vmem>>) dst(%dma_wait3A_61 : memref<10240x128xf32, #tpu.memory_space<vmem_shared>>)
    %dma_wait3A_64 = arith.constant 1 : i32
    %dma_wait3A_65 = arith.constant 1 : i32
    %dma_wait3A_66 = arith.constant 1 : i32
    %dma_wait3A_67 = arith.constant 0 : i32
    %dma_wait3A_68 = arith.constant 0 : i32
    %dma_wait3A_69 = tpu.memref_slice %arg9[%dma_wait3A_64, %dma_wait3A_67, %dma_wait3A_68] : memref<2x80x128xf32, #tpu.memory_space<vmem>> -> memref<1x80x128xf32, #tpu.memory_space<vmem>>
    %dma_wait3A_70 = tpu.memref_squeeze %dma_wait3A_69 : memref<1x80x128xf32, #tpu.memory_space<vmem>> -> memref<80x128xf32, #tpu.memory_space<vmem>>
    %dma_wait3A_71 = arith.constant 0 : i32
    %dma_wait3A_72 = tpu.memref_slice %arg8[%dma_wait3A_65, %dma_wait3A_71] : memref<2x80xi32, #tpu.memory_space<vmem>> -> memref<1x80xi32, #tpu.memory_space<vmem>>
    %dma_wait3A_73 = tpu.memref_squeeze %dma_wait3A_72 : memref<1x80xi32, #tpu.memory_space<vmem>> -> memref<80xi32, #tpu.memory_space<vmem>>
    %dma_wait3A_74 = arith.constant 0 : i32
    %dma_wait3A_75 = arith.constant 0 : i32
    %dma_wait3A_76 = tpu.memref_slice %arg7[%dma_wait3A_74, %dma_wait3A_75] : memref<10240x128xf32, #tpu.memory_space<vmem_shared>> -> memref<10240x128xf32, #tpu.memory_space<vmem_shared>>
    %dma_wait3A_77 = tpu.memref_slice %arg10[%dma_wait3A_66] : memref<2x!tpu.dma_semaphore, #tpu.memory_space<semaphore_mem>> -> memref<1x!tpu.dma_semaphore, #tpu.memory_space<semaphore_mem>>
    %dma_wait3A_78 = tpu.memref_squeeze %dma_wait3A_77 : memref<1x!tpu.dma_semaphore, #tpu.memory_space<semaphore_mem>> -> memref<!tpu.dma_semaphore, #tpu.memory_space<semaphore_mem>>
    tpu.wait_indirect_dma semaphore(%dma_wait3A_78 : memref<!tpu.dma_semaphore, #tpu.memory_space<semaphore_mem>>) src(%dma_wait3A_70 : memref<80x128xf32, #tpu.memory_space<vmem>>) dst(%dma_wait3A_76 : memref<10240x128xf32, #tpu.memory_space<vmem_shared>>)
    %barrier3A_79 = arith.constant 0 : index
    tpu.barrier barrier_id(%barrier3A_79)
    %add3A_80 = arith.constant 0 : i32
    %add3A_81 = arith.addi %mul3A_2, %add3A_80 : i32
    %run_scoped3A_82 = arith.constant 0 : i32
    "tpu.region"() ({
      %run_scoped3A_144 = tpu.sem_alloc : memref<!tpu.dma_semaphore, #tpu.memory_space<semaphore_mem>>
      %dma_start3A = arith.constant 0 : i32
      %dma_start3A_145 = tpu.memref_slice %arg8[%run_scoped3A_82, %dma_start3A] : memref<2x80xi32, #tpu.memory_space<vmem>> -> memref<1x80xi32, #tpu.memory_space<vmem>>
      %dma_start3A_146 = tpu.memref_squeeze %dma_start3A_145 : memref<1x80xi32, #tpu.memory_space<vmem>> -> memref<80xi32, #tpu.memory_space<vmem>>
      %dma_start3A_147 = tpu.memref_slice %arg5[%add3A_81] : memref<10240xi32, #tpu.memory_space<hbm>> -> memref<80xi32, #tpu.memory_space<hbm>>
      %dma_start3A_148 = arith.constant 0 : i32
      %dma_start3A_149 = tpu.memref_slice %arg8[%run_scoped3A_82, %dma_start3A_148] : memref<2x80xi32, #tpu.memory_space<vmem>> -> memref<1x80xi32, #tpu.memory_space<vmem>>
      %dma_start3A_150 = tpu.memref_squeeze %dma_start3A_149 : memref<1x80xi32, #tpu.memory_space<vmem>> -> memref<80xi32, #tpu.memory_space<vmem>>
      %dma_start3A_151 = tpu.memref_slice %arg5[%add3A_81] : memref<10240xi32, #tpu.memory_space<hbm>> -> memref<80xi32, #tpu.memory_space<hbm>>
      tpu.enqueue_dma source(%dma_start3A_151 : memref<80xi32, #tpu.memory_space<hbm>>) target(%dma_start3A_150 : memref<80xi32, #tpu.memory_space<vmem>>) target_semaphore(%run_scoped3A_144 : memref<!tpu.dma_semaphore, #tpu.memory_space<semaphore_mem>>)
      %dma_wait3A_152 = arith.constant 0 : i32
      %dma_wait3A_153 = tpu.memref_slice %arg8[%run_scoped3A_82, %dma_wait3A_152] : memref<2x80xi32, #tpu.memory_space<vmem>> -> memref<1x80xi32, #tpu.memory_space<vmem>>
      %dma_wait3A_154 = tpu.memref_squeeze %dma_wait3A_153 : memref<1x80xi32, #tpu.memory_space<vmem>> -> memref<80xi32, #tpu.memory_space<vmem>>
      %dma_wait3A_155 = tpu.memref_slice %arg5[%add3A_81] : memref<10240xi32, #tpu.memory_space<hbm>> -> memref<80xi32, #tpu.memory_space<hbm>>
      %dma_wait3A_156 = arith.constant 0 : i32
      %dma_wait3A_157 = tpu.memref_slice %arg8[%run_scoped3A_82, %dma_wait3A_156] : memref<2x80xi32, #tpu.memory_space<vmem>> -> memref<1x80xi32, #tpu.memory_space<vmem>>
      %dma_wait3A_158 = tpu.memref_squeeze %dma_wait3A_157 : memref<1x80xi32, #tpu.memory_space<vmem>> -> memref<80xi32, #tpu.memory_space<vmem>>
      %dma_wait3A_159 = tpu.memref_slice %arg5[%add3A_81] : memref<10240xi32, #tpu.memory_space<hbm>> -> memref<80xi32, #tpu.memory_space<hbm>>
      tpu.wait_dma2 semaphore(%run_scoped3A_144 : memref<!tpu.dma_semaphore, #tpu.memory_space<semaphore_mem>>) src(%dma_wait3A_159 : memref<80xi32, #tpu.memory_space<hbm>>) dst(%dma_wait3A_158 : memref<80xi32, #tpu.memory_space<vmem>>)
      tpu.yield
    }) : () -> ()
    %run_scoped3A_83 = arith.constant 0 : i32
    %run_scoped3A_84 = arith.constant 0 : i32
    "tpu.region"() ({
      %run_scoped3A_144 = tpu.sem_alloc : memref<!tpu.dma_semaphore, #tpu.memory_space<semaphore_mem>>
      %dma_start3A = arith.constant 0 : i32
      %dma_start3A_145 = arith.constant 0 : i32
      %dma_start3A_146 = tpu.memref_slice %arg9[%run_scoped3A_84, %dma_start3A, %dma_start3A_145] : memref<2x80x128xf32, #tpu.memory_space<vmem>> -> memref<1x80x128xf32, #tpu.memory_space<vmem>>
      %dma_start3A_147 = tpu.memref_squeeze %dma_start3A_146 : memref<1x80x128xf32, #tpu.memory_space<vmem>> -> memref<80x128xf32, #tpu.memory_space<vmem>>
      %dma_start3A_148 = arith.constant 0 : i32
      %dma_start3A_149 = tpu.memref_slice %arg8[%run_scoped3A_83, %dma_start3A_148] : memref<2x80xi32, #tpu.memory_space<vmem>> -> memref<1x80xi32, #tpu.memory_space<vmem>>
      %dma_start3A_150 = tpu.memref_squeeze %dma_start3A_149 : memref<1x80xi32, #tpu.memory_space<vmem>> -> memref<80xi32, #tpu.memory_space<vmem>>
      %dma_start3A_151 = arith.constant 0 : i32
      %dma_start3A_152 = arith.constant 0 : i32
      %dma_start3A_153 = tpu.memref_slice %arg7[%dma_start3A_151, %dma_start3A_152] : memref<10240x128xf32, #tpu.memory_space<vmem_shared>> -> memref<10240x128xf32, #tpu.memory_space<vmem_shared>>
      tpu.enqueue_indirect_dma source(%dma_start3A_153 : memref<10240x128xf32, #tpu.memory_space<vmem_shared>>) target(%dma_start3A_147 : memref<80x128xf32, #tpu.memory_space<vmem>>) offsets(%dma_start3A_150 : memref<80xi32, #tpu.memory_space<vmem>>) semaphore(%run_scoped3A_144 : memref<!tpu.dma_semaphore, #tpu.memory_space<semaphore_mem>>)
      %dma_wait3A_154 = arith.constant 0 : i32
      %dma_wait3A_155 = arith.constant 0 : i32
      %dma_wait3A_156 = tpu.memref_slice %arg9[%run_scoped3A_84, %dma_wait3A_154, %dma_wait3A_155] : memref<2x80x128xf32, #tpu.memory_space<vmem>> -> memref<1x80x128xf32, #tpu.memory_space<vmem>>
      %dma_wait3A_157 = tpu.memref_squeeze %dma_wait3A_156 : memref<1x80x128xf32, #tpu.memory_space<vmem>> -> memref<80x128xf32, #tpu.memory_space<vmem>>
      %dma_wait3A_158 = arith.constant 0 : i32
      %dma_wait3A_159 = tpu.memref_slice %arg8[%run_scoped3A_83, %dma_wait3A_158] : memref<2x80xi32, #tpu.memory_space<vmem>> -> memref<1x80xi32, #tpu.memory_space<vmem>>
      %dma_wait3A_160 = tpu.memref_squeeze %dma_wait3A_159 : memref<1x80xi32, #tpu.memory_space<vmem>> -> memref<80xi32, #tpu.memory_space<vmem>>
      %dma_wait3A_161 = arith.constant 0 : i32
      %dma_wait3A_162 = arith.constant 0 : i32
      %dma_wait3A_163 = tpu.memref_slice %arg7[%dma_wait3A_161, %dma_wait3A_162] : memref<10240x128xf32, #tpu.memory_space<vmem_shared>> -> memref<10240x128xf32, #tpu.memory_space<vmem_shared>>
      tpu.wait_indirect_dma semaphore(%run_scoped3A_144 : memref<!tpu.dma_semaphore, #tpu.memory_space<semaphore_mem>>) src(%dma_wait3A_163 : memref<10240x128xf32, #tpu.memory_space<vmem_shared>>) dst(%dma_wait3A_157 : memref<80x128xf32, #tpu.memory_space<vmem>>)
      tpu.yield
    }) : () -> ()
    %add3A_85 = arith.constant 0 : i32
    %add3A_86 = arith.addi %mul3A_2, %add3A_85 : i32
    %run_scoped3A_87 = arith.constant 0 : i32
    "tpu.region"() ({
      %run_scoped3A_144 = tpu.sem_alloc : memref<!tpu.dma_semaphore, #tpu.memory_space<semaphore_mem>>
      %dma_start3A = arith.constant 0 : i32
      %dma_start3A_145 = arith.constant 0 : i32
      %dma_start3A_146 = tpu.memref_slice %arg9[%run_scoped3A_87, %dma_start3A, %dma_start3A_145] : memref<2x80x128xf32, #tpu.memory_space<vmem>> -> memref<1x80x128xf32, #tpu.memory_space<vmem>>
      %dma_start3A_147 = tpu.memref_squeeze %dma_start3A_146 : memref<1x80x128xf32, #tpu.memory_space<vmem>> -> memref<80x128xf32, #tpu.memory_space<vmem>>
      %dma_start3A_148 = arith.constant 0 : i32
      %dma_start3A_149 = tpu.memref_slice %arg6[%arg0, %add3A_86, %dma_start3A_148] : memref<2x10240x128xf32, #tpu.memory_space<hbm>> -> memref<1x80x128xf32, #tpu.memory_space<hbm>>
      %dma_start3A_150 = tpu.memref_squeeze %dma_start3A_149 : memref<1x80x128xf32, #tpu.memory_space<hbm>> -> memref<80x128xf32, #tpu.memory_space<hbm>>
      %dma_start3A_151 = arith.constant 0 : i32
      %dma_start3A_152 = tpu.memref_slice %arg6[%arg0, %add3A_86, %dma_start3A_151] : memref<2x10240x128xf32, #tpu.memory_space<hbm>> -> memref<1x80x128xf32, #tpu.memory_space<hbm>>
      %dma_start3A_153 = tpu.memref_squeeze %dma_start3A_152 : memref<1x80x128xf32, #tpu.memory_space<hbm>> -> memref<80x128xf32, #tpu.memory_space<hbm>>
      %dma_start3A_154 = arith.constant 0 : i32
      %dma_start3A_155 = arith.constant 0 : i32
      %dma_start3A_156 = tpu.memref_slice %arg9[%run_scoped3A_87, %dma_start3A_154, %dma_start3A_155] : memref<2x80x128xf32, #tpu.memory_space<vmem>> -> memref<1x80x128xf32, #tpu.memory_space<vmem>>
      %dma_start3A_157 = tpu.memref_squeeze %dma_start3A_156 : memref<1x80x128xf32, #tpu.memory_space<vmem>> -> memref<80x128xf32, #tpu.memory_space<vmem>>
      tpu.enqueue_dma source(%dma_start3A_157 : memref<80x128xf32, #tpu.memory_space<vmem>>) target(%dma_start3A_153 : memref<80x128xf32, #tpu.memory_space<hbm>>) target_semaphore(%run_scoped3A_144 : memref<!tpu.dma_semaphore, #tpu.memory_space<semaphore_mem>>)
      %dma_wait3A_158 = arith.constant 0 : i32
      %dma_wait3A_159 = arith.constant 0 : i32
      %dma_wait3A_160 = tpu.memref_slice %arg9[%run_scoped3A_87, %dma_wait3A_158, %dma_wait3A_159] : memref<2x80x128xf32, #tpu.memory_space<vmem>> -> memref<1x80x128xf32, #tpu.memory_space<vmem>>
      %dma_wait3A_161 = tpu.memref_squeeze %dma_wait3A_160 : memref<1x80x128xf32, #tpu.memory_space<vmem>> -> memref<80x128xf32, #tpu.memory_space<vmem>>
      %dma_wait3A_162 = arith.constant 0 : i32
      %dma_wait3A_163 = tpu.memref_slice %arg6[%arg0, %add3A_86, %dma_wait3A_162] : memref<2x10240x128xf32, #tpu.memory_space<hbm>> -> memref<1x80x128xf32, #tpu.memory_space<hbm>>
      %dma_wait3A_164 = tpu.memref_squeeze %dma_wait3A_163 : memref<1x80x128xf32, #tpu.memory_space<hbm>> -> memref<80x128xf32, #tpu.memory_space<hbm>>
      %dma_wait3A_165 = arith.constant 0 : i32
      %dma_wait3A_166 = tpu.memref_slice %arg6[%arg0, %add3A_86, %dma_wait3A_165] : memref<2x10240x128xf32, #tpu.memory_space<hbm>> -> memref<1x80x128xf32, #tpu.memory_space<hbm>>
      %dma_wait3A_167 = tpu.memref_squeeze %dma_wait3A_166 : memref<1x80x128xf32, #tpu.memory_space<hbm>> -> memref<80x128xf32, #tpu.memory_space<hbm>>
      %dma_wait3A_168 = arith.constant 0 : i32
      %dma_wait3A_169 = arith.constant 0 : i32
      %dma_wait3A_170 = tpu.memref_slice %arg9[%run_scoped3A_87, %dma_wait3A_168, %dma_wait3A_169] : memref<2x80x128xf32, #tpu.memory_space<vmem>> -> memref<1x80x128xf32, #tpu.memory_space<vmem>>
      %dma_wait3A_171 = tpu.memref_squeeze %dma_wait3A_170 : memref<1x80x128xf32, #tpu.memory_space<vmem>> -> memref<80x128xf32, #tpu.memory_space<vmem>>
      tpu.wait_dma2 semaphore(%run_scoped3A_144 : memref<!tpu.dma_semaphore, #tpu.memory_space<semaphore_mem>>) src(%dma_wait3A_171 : memref<80x128xf32, #tpu.memory_space<vmem>>) dst(%dma_wait3A_167 : memref<80x128xf32, #tpu.memory_space<hbm>>)
      tpu.yield
    }) : () -> ()
    %add3A_88 = arith.constant 80 : i32
    %add3A_89 = arith.addi %mul3A_2, %add3A_88 : i32
    %run_scoped3A_90 = arith.constant 0 : i32
    "tpu.region"() ({
      %run_scoped3A_144 = tpu.sem_alloc : memref<!tpu.dma_semaphore, #tpu.memory_space<semaphore_mem>>
      %dma_start3A = arith.constant 0 : i32
      %dma_start3A_145 = tpu.memref_slice %arg8[%run_scoped3A_90, %dma_start3A] : memref<2x80xi32, #tpu.memory_space<vmem>> -> memref<1x80xi32, #tpu.memory_space<vmem>>
      %dma_start3A_146 = tpu.memref_squeeze %dma_start3A_145 : memref<1x80xi32, #tpu.memory_space<vmem>> -> memref<80xi32, #tpu.memory_space<vmem>>
      %dma_start3A_147 = tpu.memref_slice %arg5[%add3A_89] : memref<10240xi32, #tpu.memory_space<hbm>> -> memref<80xi32, #tpu.memory_space<hbm>>
      %dma_start3A_148 = arith.constant 0 : i32
      %dma_start3A_149 = tpu.memref_slice %arg8[%run_scoped3A_90, %dma_start3A_148] : memref<2x80xi32, #tpu.memory_space<vmem>> -> memref<1x80xi32, #tpu.memory_space<vmem>>
      %dma_start3A_150 = tpu.memref_squeeze %dma_start3A_149 : memref<1x80xi32, #tpu.memory_space<vmem>> -> memref<80xi32, #tpu.memory_space<vmem>>
      %dma_start3A_151 = tpu.memref_slice %arg5[%add3A_89] : memref<10240xi32, #tpu.memory_space<hbm>> -> memref<80xi32, #tpu.memory_space<hbm>>
      tpu.enqueue_dma source(%dma_start3A_151 : memref<80xi32, #tpu.memory_space<hbm>>) target(%dma_start3A_150 : memref<80xi32, #tpu.memory_space<vmem>>) target_semaphore(%run_scoped3A_144 : memref<!tpu.dma_semaphore, #tpu.memory_space<semaphore_mem>>)
      %dma_wait3A_152 = arith.constant 0 : i32
      %dma_wait3A_153 = tpu.memref_slice %arg8[%run_scoped3A_90, %dma_wait3A_152] : memref<2x80xi32, #tpu.memory_space<vmem>> -> memref<1x80xi32, #tpu.memory_space<vmem>>
      %dma_wait3A_154 = tpu.memref_squeeze %dma_wait3A_153 : memref<1x80xi32, #tpu.memory_space<vmem>> -> memref<80xi32, #tpu.memory_space<vmem>>
      %dma_wait3A_155 = tpu.memref_slice %arg5[%add3A_89] : memref<10240xi32, #tpu.memory_space<hbm>> -> memref<80xi32, #tpu.memory_space<hbm>>
      %dma_wait3A_156 = arith.constant 0 : i32
      %dma_wait3A_157 = tpu.memref_slice %arg8[%run_scoped3A_90, %dma_wait3A_156] : memref<2x80xi32, #tpu.memory_space<vmem>> -> memref<1x80xi32, #tpu.memory_space<vmem>>
      %dma_wait3A_158 = tpu.memref_squeeze %dma_wait3A_157 : memref<1x80xi32, #tpu.memory_space<vmem>> -> memref<80xi32, #tpu.memory_space<vmem>>
      %dma_wait3A_159 = tpu.memref_slice %arg5[%add3A_89] : memref<10240xi32, #tpu.memory_space<hbm>> -> memref<80xi32, #tpu.memory_space<hbm>>
      tpu.wait_dma2 semaphore(%run_scoped3A_144 : memref<!tpu.dma_semaphore, #tpu.memory_space<semaphore_mem>>) src(%dma_wait3A_159 : memref<80xi32, #tpu.memory_space<hbm>>) dst(%dma_wait3A_158 : memref<80xi32, #tpu.memory_space<vmem>>)
      tpu.yield
    }) : () -> ()
    %run_scoped3A_91 = arith.constant 0 : i32
    %run_scoped3A_92 = arith.constant 0 : i32
    "tpu.region"() ({
      %run_scoped3A_144 = tpu.sem_alloc : memref<!tpu.dma_semaphore, #tpu.memory_space<semaphore_mem>>
      %dma_start3A = arith.constant 0 : i32
      %dma_start3A_145 = arith.constant 0 : i32
      %dma_start3A_146 = tpu.memref_slice %arg9[%run_scoped3A_92, %dma_start3A, %dma_start3A_145] : memref<2x80x128xf32, #tpu.memory_space<vmem>> -> memref<1x80x128xf32, #tpu.memory_space<vmem>>
      %dma_start3A_147 = tpu.memref_squeeze %dma_start3A_146 : memref<1x80x128xf32, #tpu.memory_space<vmem>> -> memref<80x128xf32, #tpu.memory_space<vmem>>
      %dma_start3A_148 = arith.constant 0 : i32
      %dma_start3A_149 = tpu.memref_slice %arg8[%run_scoped3A_91, %dma_start3A_148] : memref<2x80xi32, #tpu.memory_space<vmem>> -> memref<1x80xi32, #tpu.memory_space<vmem>>
      %dma_start3A_150 = tpu.memref_squeeze %dma_start3A_149 : memref<1x80xi32, #tpu.memory_space<vmem>> -> memref<80xi32, #tpu.memory_space<vmem>>
      %dma_start3A_151 = arith.constant 0 : i32
      %dma_start3A_152 = arith.constant 0 : i32
      %dma_start3A_153 = tpu.memref_slice %arg7[%dma_start3A_151, %dma_start3A_152] : memref<10240x128xf32, #tpu.memory_space<vmem_shared>> -> memref<10240x128xf32, #tpu.memory_space<vmem_shared>>
      tpu.enqueue_indirect_dma source(%dma_start3A_153 : memref<10240x128xf32, #tpu.memory_space<vmem_shared>>) target(%dma_start3A_147 : memref<80x128xf32, #tpu.memory_space<vmem>>) offsets(%dma_start3A_150 : memref<80xi32, #tpu.memory_space<vmem>>) semaphore(%run_scoped3A_144 : memref<!tpu.dma_semaphore, #tpu.memory_space<semaphore_mem>>)
      %dma_wait3A_154 = arith.constant 0 : i32
      %dma_wait3A_155 = arith.constant 0 : i32
      %dma_wait3A_156 = tpu.memref_slice %arg9[%run_scoped3A_92, %dma_wait3A_154, %dma_wait3A_155] : memref<2x80x128xf32, #tpu.memory_space<vmem>> -> memref<1x80x128xf32, #tpu.memory_space<vmem>>
      %dma_wait3A_157 = tpu.memref_squeeze %dma_wait3A_156 : memref<1x80x128xf32, #tpu.memory_space<vmem>> -> memref<80x128xf32, #tpu.memory_space<vmem>>
      %dma_wait3A_158 = arith.constant 0 : i32
      %dma_wait3A_159 = tpu.memref_slice %arg8[%run_scoped3A_91, %dma_wait3A_158] : memref<2x80xi32, #tpu.memory_space<vmem>> -> memref<1x80xi32, #tpu.memory_space<vmem>>
      %dma_wait3A_160 = tpu.memref_squeeze %dma_wait3A_159 : memref<1x80xi32, #tpu.memory_space<vmem>> -> memref<80xi32, #tpu.memory_space<vmem>>
      %dma_wait3A_161 = arith.constant 0 : i32
      %dma_wait3A_162 = arith.constant 0 : i32
      %dma_wait3A_163 = tpu.memref_slice %arg7[%dma_wait3A_161, %dma_wait3A_162] : memref<10240x128xf32, #tpu.memory_space<vmem_shared>> -> memref<10240x128xf32, #tpu.memory_space<vmem_shared>>
      tpu.wait_indirect_dma semaphore(%run_scoped3A_144 : memref<!tpu.dma_semaphore, #tpu.memory_space<semaphore_mem>>) src(%dma_wait3A_163 : memref<10240x128xf32, #tpu.memory_space<vmem_shared>>) dst(%dma_wait3A_157 : memref<80x128xf32, #tpu.memory_space<vmem>>)
      tpu.yield
    }) : () -> ()
    %add3A_93 = arith.constant 80 : i32
    %add3A_94 = arith.addi %mul3A_2, %add3A_93 : i32
    %run_scoped3A_95 = arith.constant 0 : i32
    "tpu.region"() ({
      %run_scoped3A_144 = tpu.sem_alloc : memref<!tpu.dma_semaphore, #tpu.memory_space<semaphore_mem>>
      %dma_start3A = arith.constant 0 : i32
      %dma_start3A_145 = arith.constant 0 : i32
      %dma_start3A_146 = tpu.memref_slice %arg9[%run_scoped3A_95, %dma_start3A, %dma_start3A_145] : memref<2x80x128xf32, #tpu.memory_space<vmem>> -> memref<1x80x128xf32, #tpu.memory_space<vmem>>
      %dma_start3A_147 = tpu.memref_squeeze %dma_start3A_146 : memref<1x80x128xf32, #tpu.memory_space<vmem>> -> memref<80x128xf32, #tpu.memory_space<vmem>>
      %dma_start3A_148 = arith.constant 0 : i32
      %dma_start3A_149 = tpu.memref_slice %arg6[%arg0, %add3A_94, %dma_start3A_148] : memref<2x10240x128xf32, #tpu.memory_space<hbm>> -> memref<1x80x128xf32, #tpu.memory_space<hbm>>
      %dma_start3A_150 = tpu.memref_squeeze %dma_start3A_149 : memref<1x80x128xf32, #tpu.memory_space<hbm>> -> memref<80x128xf32, #tpu.memory_space<hbm>>
      %dma_start3A_151 = arith.constant 0 : i32
      %dma_start3A_152 = tpu.memref_slice %arg6[%arg0, %add3A_94, %dma_start3A_151] : memref<2x10240x128xf32, #tpu.memory_space<hbm>> -> memref<1x80x128xf32, #tpu.memory_space<hbm>>
      %dma_start3A_153 = tpu.memref_squeeze %dma_start3A_152 : memref<1x80x128xf32, #tpu.memory_space<hbm>> -> memref<80x128xf32, #tpu.memory_space<hbm>>
      %dma_start3A_154 = arith.constant 0 : i32
      %dma_start3A_155 = arith.constant 0 : i32
      %dma_start3A_156 = tpu.memref_slice %arg9[%run_scoped3A_95, %dma_start3A_154, %dma_start3A_155] : memref<2x80x128xf32, #tpu.memory_space<vmem>> -> memref<1x80x128xf32, #tpu.memory_space<vmem>>
      %dma_start3A_157 = tpu.memref_squeeze %dma_start3A_156 : memref<1x80x128xf32, #tpu.memory_space<vmem>> -> memref<80x128xf32, #tpu.memory_space<vmem>>
      tpu.enqueue_dma source(%dma_start3A_157 : memref<80x128xf32, #tpu.memory_space<vmem>>) target(%dma_start3A_153 : memref<80x128xf32, #tpu.memory_space<hbm>>) target_semaphore(%run_scoped3A_144 : memref<!tpu.dma_semaphore, #tpu.memory_space<semaphore_mem>>)
      %dma_wait3A_158 = arith.constant 0 : i32
      %dma_wait3A_159 = arith.constant 0 : i32
      %dma_wait3A_160 = tpu.memref_slice %arg9[%run_scoped3A_95, %dma_wait3A_158, %dma_wait3A_159] : memref<2x80x128xf32, #tpu.memory_space<vmem>> -> memref<1x80x128xf32, #tpu.memory_space<vmem>>
      %dma_wait3A_161 = tpu.memref_squeeze %dma_wait3A_160 : memref<1x80x128xf32, #tpu.memory_space<vmem>> -> memref<80x128xf32, #tpu.memory_space<vmem>>
      %dma_wait3A_162 = arith.constant 0 : i32
      %dma_wait3A_163 = tpu.memref_slice %arg6[%arg0, %add3A_94, %dma_wait3A_162] : memref<2x10240x128xf32, #tpu.memory_space<hbm>> -> memref<1x80x128xf32, #tpu.memory_space<hbm>>
      %dma_wait3A_164 = tpu.memref_squeeze %dma_wait3A_163 : memref<1x80x128xf32, #tpu.memory_space<hbm>> -> memref<80x128xf32, #tpu.memory_space<hbm>>
      %dma_wait3A_165 = arith.constant 0 : i32
      %dma_wait3A_166 = tpu.memref_slice %arg6[%arg0, %add3A_94, %dma_wait3A_165] : memref<2x10240x128xf32, #tpu.memory_space<hbm>> -> memref<1x80x128xf32, #tpu.memory_space<hbm>>
      %dma_wait3A_167 = tpu.memref_squeeze %dma_wait3A_166 : memref<1x80x128xf32, #tpu.memory_space<hbm>> -> memref<80x128xf32, #tpu.memory_space<hbm>>
      %dma_wait3A_168 = arith.constant 0 : i32
      %dma_wait3A_169 = arith.constant 0 : i32
      %dma_wait3A_170 = tpu.memref_slice %arg9[%run_scoped3A_95, %dma_wait3A_168, %dma_wait3A_169] : memref<2x80x128xf32, #tpu.memory_space<vmem>> -> memref<1x80x128xf32, #tpu.memory_space<vmem>>
      %dma_wait3A_171 = tpu.memref_squeeze %dma_wait3A_170 : memref<1x80x128xf32, #tpu.memory_space<vmem>> -> memref<80x128xf32, #tpu.memory_space<vmem>>
      tpu.wait_dma2 semaphore(%run_scoped3A_144 : memref<!tpu.dma_semaphore, #tpu.memory_space<semaphore_mem>>) src(%dma_wait3A_171 : memref<80x128xf32, #tpu.memory_space<vmem>>) dst(%dma_wait3A_167 : memref<80x128xf32, #tpu.memory_space<hbm>>)
      tpu.yield
    }) : () -> ()
    %add3A_96 = arith.constant 160 : i32
    %add3A_97 = arith.addi %mul3A_2, %add3A_96 : i32
    %run_scoped3A_98 = arith.constant 0 : i32
    "tpu.region"() ({
      %run_scoped3A_144 = tpu.sem_alloc : memref<!tpu.dma_semaphore, #tpu.memory_space<semaphore_mem>>
      %dma_start3A = arith.constant 0 : i32
      %dma_start3A_145 = tpu.memref_slice %arg8[%run_scoped3A_98, %dma_start3A] : memref<2x80xi32, #tpu.memory_space<vmem>> -> memref<1x80xi32, #tpu.memory_space<vmem>>
      %dma_start3A_146 = tpu.memref_squeeze %dma_start3A_145 : memref<1x80xi32, #tpu.memory_space<vmem>> -> memref<80xi32, #tpu.memory_space<vmem>>
      %dma_start3A_147 = tpu.memref_slice %arg5[%add3A_97] : memref<10240xi32, #tpu.memory_space<hbm>> -> memref<80xi32, #tpu.memory_space<hbm>>
      %dma_start3A_148 = arith.constant 0 : i32
      %dma_start3A_149 = tpu.memref_slice %arg8[%run_scoped3A_98, %dma_start3A_148] : memref<2x80xi32, #tpu.memory_space<vmem>> -> memref<1x80xi32, #tpu.memory_space<vmem>>
      %dma_start3A_150 = tpu.memref_squeeze %dma_start3A_149 : memref<1x80xi32, #tpu.memory_space<vmem>> -> memref<80xi32, #tpu.memory_space<vmem>>
      %dma_start3A_151 = tpu.memref_slice %arg5[%add3A_97] : memref<10240xi32, #tpu.memory_space<hbm>> -> memref<80xi32, #tpu.memory_space<hbm>>
      tpu.enqueue_dma source(%dma_start3A_151 : memref<80xi32, #tpu.memory_space<hbm>>) target(%dma_start3A_150 : memref<80xi32, #tpu.memory_space<vmem>>) target_semaphore(%run_scoped3A_144 : memref<!tpu.dma_semaphore, #tpu.memory_space<semaphore_mem>>)
      %dma_wait3A_152 = arith.constant 0 : i32
      %dma_wait3A_153 = tpu.memref_slice %arg8[%run_scoped3A_98, %dma_wait3A_152] : memref<2x80xi32, #tpu.memory_space<vmem>> -> memref<1x80xi32, #tpu.memory_space<vmem>>
      %dma_wait3A_154 = tpu.memref_squeeze %dma_wait3A_153 : memref<1x80xi32, #tpu.memory_space<vmem>> -> memref<80xi32, #tpu.memory_space<vmem>>
      %dma_wait3A_155 = tpu.memref_slice %arg5[%add3A_97] : memref<10240xi32, #tpu.memory_space<hbm>> -> memref<80xi32, #tpu.memory_space<hbm>>
      %dma_wait3A_156 = arith.constant 0 : i32
      %dma_wait3A_157 = tpu.memref_slice %arg8[%run_scoped3A_98, %dma_wait3A_156] : memref<2x80xi32, #tpu.memory_space<vmem>> -> memref<1x80xi32, #tpu.memory_space<vmem>>
      %dma_wait3A_158 = tpu.memref_squeeze %dma_wait3A_157 : memref<1x80xi32, #tpu.memory_space<vmem>> -> memref<80xi32, #tpu.memory_space<vmem>>
      %dma_wait3A_159 = tpu.memref_slice %arg5[%add3A_97] : memref<10240xi32, #tpu.memory_space<hbm>> -> memref<80xi32, #tpu.memory_space<hbm>>
      tpu.wait_dma2 semaphore(%run_scoped3A_144 : memref<!tpu.dma_semaphore, #tpu.memory_space<semaphore_mem>>) src(%dma_wait3A_159 : memref<80xi32, #tpu.memory_space<hbm>>) dst(%dma_wait3A_158 : memref<80xi32, #tpu.memory_space<vmem>>)
      tpu.yield
    }) : () -> ()
    %run_scoped3A_99 = arith.constant 0 : i32
    %run_scoped3A_100 = arith.constant 0 : i32
    "tpu.region"() ({
      %run_scoped3A_144 = tpu.sem_alloc : memref<!tpu.dma_semaphore, #tpu.memory_space<semaphore_mem>>
      %dma_start3A = arith.constant 0 : i32
      %dma_start3A_145 = arith.constant 0 : i32
      %dma_start3A_146 = tpu.memref_slice %arg9[%run_scoped3A_100, %dma_start3A, %dma_start3A_145] : memref<2x80x128xf32, #tpu.memory_space<vmem>> -> memref<1x80x128xf32, #tpu.memory_space<vmem>>
      %dma_start3A_147 = tpu.memref_squeeze %dma_start3A_146 : memref<1x80x128xf32, #tpu.memory_space<vmem>> -> memref<80x128xf32, #tpu.memory_space<vmem>>
      %dma_start3A_148 = arith.constant 0 : i32
      %dma_start3A_149 = tpu.memref_slice %arg8[%run_scoped3A_99, %dma_start3A_148] : memref<2x80xi32, #tpu.memory_space<vmem>> -> memref<1x80xi32, #tpu.memory_space<vmem>>
      %dma_start3A_150 = tpu.memref_squeeze %dma_start3A_149 : memref<1x80xi32, #tpu.memory_space<vmem>> -> memref<80xi32, #tpu.memory_space<vmem>>
      %dma_start3A_151 = arith.constant 0 : i32
      %dma_start3A_152 = arith.constant 0 : i32
      %dma_start3A_153 = tpu.memref_slice %arg7[%dma_start3A_151, %dma_start3A_152] : memref<10240x128xf32, #tpu.memory_space<vmem_shared>> -> memref<10240x128xf32, #tpu.memory_space<vmem_shared>>
      tpu.enqueue_indirect_dma source(%dma_start3A_153 : memref<10240x128xf32, #tpu.memory_space<vmem_shared>>) target(%dma_start3A_147 : memref<80x128xf32, #tpu.memory_space<vmem>>) offsets(%dma_start3A_150 : memref<80xi32, #tpu.memory_space<vmem>>) semaphore(%run_scoped3A_144 : memref<!tpu.dma_semaphore, #tpu.memory_space<semaphore_mem>>)
      %dma_wait3A_154 = arith.constant 0 : i32
      %dma_wait3A_155 = arith.constant 0 : i32
      %dma_wait3A_156 = tpu.memref_slice %arg9[%run_scoped3A_100, %dma_wait3A_154, %dma_wait3A_155] : memref<2x80x128xf32, #tpu.memory_space<vmem>> -> memref<1x80x128xf32, #tpu.memory_space<vmem>>
      %dma_wait3A_157 = tpu.memref_squeeze %dma_wait3A_156 : memref<1x80x128xf32, #tpu.memory_space<vmem>> -> memref<80x128xf32, #tpu.memory_space<vmem>>
      %dma_wait3A_158 = arith.constant 0 : i32
      %dma_wait3A_159 = tpu.memref_slice %arg8[%run_scoped3A_99, %dma_wait3A_158] : memref<2x80xi32, #tpu.memory_space<vmem>> -> memref<1x80xi32, #tpu.memory_space<vmem>>
      %dma_wait3A_160 = tpu.memref_squeeze %dma_wait3A_159 : memref<1x80xi32, #tpu.memory_space<vmem>> -> memref<80xi32, #tpu.memory_space<vmem>>
      %dma_wait3A_161 = arith.constant 0 : i32
      %dma_wait3A_162 = arith.constant 0 : i32
      %dma_wait3A_163 = tpu.memref_slice %arg7[%dma_wait3A_161, %dma_wait3A_162] : memref<10240x128xf32, #tpu.memory_space<vmem_shared>> -> memref<10240x128xf32, #tpu.memory_space<vmem_shared>>
      tpu.wait_indirect_dma semaphore(%run_scoped3A_144 : memref<!tpu.dma_semaphore, #tpu.memory_space<semaphore_mem>>) src(%dma_wait3A_163 : memref<10240x128xf32, #tpu.memory_space<vmem_shared>>) dst(%dma_wait3A_157 : memref<80x128xf32, #tpu.memory_space<vmem>>)
      tpu.yield
    }) : () -> ()
    %add3A_101 = arith.constant 160 : i32
    %add3A_102 = arith.addi %mul3A_2, %add3A_101 : i32
    %run_scoped3A_103 = arith.constant 0 : i32
    "tpu.region"() ({
      %run_scoped3A_144 = tpu.sem_alloc : memref<!tpu.dma_semaphore, #tpu.memory_space<semaphore_mem>>
      %dma_start3A = arith.constant 0 : i32
      %dma_start3A_145 = arith.constant 0 : i32
      %dma_start3A_146 = tpu.memref_slice %arg9[%run_scoped3A_103, %dma_start3A, %dma_start3A_145] : memref<2x80x128xf32, #tpu.memory_space<vmem>> -> memref<1x80x128xf32, #tpu.memory_space<vmem>>
      %dma_start3A_147 = tpu.memref_squeeze %dma_start3A_146 : memref<1x80x128xf32, #tpu.memory_space<vmem>> -> memref<80x128xf32, #tpu.memory_space<vmem>>
      %dma_start3A_148 = arith.constant 0 : i32
      %dma_start3A_149 = tpu.memref_slice %arg6[%arg0, %add3A_102, %dma_start3A_148] : memref<2x10240x128xf32, #tpu.memory_space<hbm>> -> memref<1x80x128xf32, #tpu.memory_space<hbm>>
      %dma_start3A_150 = tpu.memref_squeeze %dma_start3A_149 : memref<1x80x128xf32, #tpu.memory_space<hbm>> -> memref<80x128xf32, #tpu.memory_space<hbm>>
      %dma_start3A_151 = arith.constant 0 : i32
      %dma_start3A_152 = tpu.memref_slice %arg6[%arg0, %add3A_102, %dma_start3A_151] : memref<2x10240x128xf32, #tpu.memory_space<hbm>> -> memref<1x80x128xf32, #tpu.memory_space<hbm>>
      %dma_start3A_153 = tpu.memref_squeeze %dma_start3A_152 : memref<1x80x128xf32, #tpu.memory_space<hbm>> -> memref<80x128xf32, #tpu.memory_space<hbm>>
      %dma_start3A_154 = arith.constant 0 : i32
      %dma_start3A_155 = arith.constant 0 : i32
      %dma_start3A_156 = tpu.memref_slice %arg9[%run_scoped3A_103, %dma_start3A_154, %dma_start3A_155] : memref<2x80x128xf32, #tpu.memory_space<vmem>> -> memref<1x80x128xf32, #tpu.memory_space<vmem>>
      %dma_start3A_157 = tpu.memref_squeeze %dma_start3A_156 : memref<1x80x128xf32, #tpu.memory_space<vmem>> -> memref<80x128xf32, #tpu.memory_space<vmem>>
      tpu.enqueue_dma source(%dma_start3A_157 : memref<80x128xf32, #tpu.memory_space<vmem>>) target(%dma_start3A_153 : memref<80x128xf32, #tpu.memory_space<hbm>>) target_semaphore(%run_scoped3A_144 : memref<!tpu.dma_semaphore, #tpu.memory_space<semaphore_mem>>)
      %dma_wait3A_158 = arith.constant 0 : i32
      %dma_wait3A_159 = arith.constant 0 : i32
      %dma_wait3A_160 = tpu.memref_slice %arg9[%run_scoped3A_103, %dma_wait3A_158, %dma_wait3A_159] : memref<2x80x128xf32, #tpu.memory_space<vmem>> -> memref<1x80x128xf32, #tpu.memory_space<vmem>>
      %dma_wait3A_161 = tpu.memref_squeeze %dma_wait3A_160 : memref<1x80x128xf32, #tpu.memory_space<vmem>> -> memref<80x128xf32, #tpu.memory_space<vmem>>
      %dma_wait3A_162 = arith.constant 0 : i32
      %dma_wait3A_163 = tpu.memref_slice %arg6[%arg0, %add3A_102, %dma_wait3A_162] : memref<2x10240x128xf32, #tpu.memory_space<hbm>> -> memref<1x80x128xf32, #tpu.memory_space<hbm>>
      %dma_wait3A_164 = tpu.memref_squeeze %dma_wait3A_163 : memref<1x80x128xf32, #tpu.memory_space<hbm>> -> memref<80x128xf32, #tpu.memory_space<hbm>>
      %dma_wait3A_165 = arith.constant 0 : i32
      %dma_wait3A_166 = tpu.memref_slice %arg6[%arg0, %add3A_102, %dma_wait3A_165] : memref<2x10240x128xf32, #tpu.memory_space<hbm>> -> memref<1x80x128xf32, #tpu.memory_space<hbm>>
      %dma_wait3A_167 = tpu.memref_squeeze %dma_wait3A_166 : memref<1x80x128xf32, #tpu.memory_space<hbm>> -> memref<80x128xf32, #tpu.memory_space<hbm>>
      %dma_wait3A_168 = arith.constant 0 : i32
      %dma_wait3A_169 = arith.constant 0 : i32
      %dma_wait3A_170 = tpu.memref_slice %arg9[%run_scoped3A_103, %dma_wait3A_168, %dma_wait3A_169] : memref<2x80x128xf32, #tpu.memory_space<vmem>> -> memref<1x80x128xf32, #tpu.memory_space<vmem>>
      %dma_wait3A_171 = tpu.memref_squeeze %dma_wait3A_170 : memref<1x80x128xf32, #tpu.memory_space<vmem>> -> memref<80x128xf32, #tpu.memory_space<vmem>>
      tpu.wait_dma2 semaphore(%run_scoped3A_144 : memref<!tpu.dma_semaphore, #tpu.memory_space<semaphore_mem>>) src(%dma_wait3A_171 : memref<80x128xf32, #tpu.memory_space<vmem>>) dst(%dma_wait3A_167 : memref<80x128xf32, #tpu.memory_space<hbm>>)
      tpu.yield
    }) : () -> ()
    %add3A_104 = arith.constant 240 : i32
    %add3A_105 = arith.addi %mul3A_2, %add3A_104 : i32
    %run_scoped3A_106 = arith.constant 0 : i32
    "tpu.region"() ({
      %run_scoped3A_144 = tpu.sem_alloc : memref<!tpu.dma_semaphore, #tpu.memory_space<semaphore_mem>>
      %dma_start3A = arith.constant 0 : i32
      %dma_start3A_145 = tpu.memref_slice %arg8[%run_scoped3A_106, %dma_start3A] : memref<2x80xi32, #tpu.memory_space<vmem>> -> memref<1x80xi32, #tpu.memory_space<vmem>>
      %dma_start3A_146 = tpu.memref_squeeze %dma_start3A_145 : memref<1x80xi32, #tpu.memory_space<vmem>> -> memref<80xi32, #tpu.memory_space<vmem>>
      %dma_start3A_147 = tpu.memref_slice %arg5[%add3A_105] : memref<10240xi32, #tpu.memory_space<hbm>> -> memref<80xi32, #tpu.memory_space<hbm>>
      %dma_start3A_148 = arith.constant 0 : i32
      %dma_start3A_149 = tpu.memref_slice %arg8[%run_scoped3A_106, %dma_start3A_148] : memref<2x80xi32, #tpu.memory_space<vmem>> -> memref<1x80xi32, #tpu.memory_space<vmem>>
      %dma_start3A_150 = tpu.memref_squeeze %dma_start3A_149 : memref<1x80xi32, #tpu.memory_space<vmem>> -> memref<80xi32, #tpu.memory_space<vmem>>
      %dma_start3A_151 = tpu.memref_slice %arg5[%add3A_105] : memref<10240xi32, #tpu.memory_space<hbm>> -> memref<80xi32, #tpu.memory_space<hbm>>
      tpu.enqueue_dma source(%dma_start3A_151 : memref<80xi32, #tpu.memory_space<hbm>>) target(%dma_start3A_150 : memref<80xi32, #tpu.memory_space<vmem>>) target_semaphore(%run_scoped3A_144 : memref<!tpu.dma_semaphore, #tpu.memory_space<semaphore_mem>>)
      %dma_wait3A_152 = arith.constant 0 : i32
      %dma_wait3A_153 = tpu.memref_slice %arg8[%run_scoped3A_106, %dma_wait3A_152] : memref<2x80xi32, #tpu.memory_space<vmem>> -> memref<1x80xi32, #tpu.memory_space<vmem>>
      %dma_wait3A_154 = tpu.memref_squeeze %dma_wait3A_153 : memref<1x80xi32, #tpu.memory_space<vmem>> -> memref<80xi32, #tpu.memory_space<vmem>>
      %dma_wait3A_155 = tpu.memref_slice %arg5[%add3A_105] : memref<10240xi32, #tpu.memory_space<hbm>> -> memref<80xi32, #tpu.memory_space<hbm>>
      %dma_wait3A_156 = arith.constant 0 : i32
      %dma_wait3A_157 = tpu.memref_slice %arg8[%run_scoped3A_106, %dma_wait3A_156] : memref<2x80xi32, #tpu.memory_space<vmem>> -> memref<1x80xi32, #tpu.memory_space<vmem>>
      %dma_wait3A_158 = tpu.memref_squeeze %dma_wait3A_157 : memref<1x80xi32, #tpu.memory_space<vmem>> -> memref<80xi32, #tpu.memory_space<vmem>>
      %dma_wait3A_159 = tpu.memref_slice %arg5[%add3A_105] : memref<10240xi32, #tpu.memory_space<hbm>> -> memref<80xi32, #tpu.memory_space<hbm>>
      tpu.wait_dma2 semaphore(%run_scoped3A_144 : memref<!tpu.dma_semaphore, #tpu.memory_space<semaphore_mem>>) src(%dma_wait3A_159 : memref<80xi32, #tpu.memory_space<hbm>>) dst(%dma_wait3A_158 : memref<80xi32, #tpu.memory_space<vmem>>)
      tpu.yield
    }) : () -> ()
    %run_scoped3A_107 = arith.constant 0 : i32
    %run_scoped3A_108 = arith.constant 0 : i32
    "tpu.region"() ({
      %run_scoped3A_144 = tpu.sem_alloc : memref<!tpu.dma_semaphore, #tpu.memory_space<semaphore_mem>>
      %dma_start3A = arith.constant 0 : i32
      %dma_start3A_145 = arith.constant 0 : i32
      %dma_start3A_146 = tpu.memref_slice %arg9[%run_scoped3A_108, %dma_start3A, %dma_start3A_145] : memref<2x80x128xf32, #tpu.memory_space<vmem>> -> memref<1x80x128xf32, #tpu.memory_space<vmem>>
      %dma_start3A_147 = tpu.memref_squeeze %dma_start3A_146 : memref<1x80x128xf32, #tpu.memory_space<vmem>> -> memref<80x128xf32, #tpu.memory_space<vmem>>
      %dma_start3A_148 = arith.constant 0 : i32
      %dma_start3A_149 = tpu.memref_slice %arg8[%run_scoped3A_107, %dma_start3A_148] : memref<2x80xi32, #tpu.memory_space<vmem>> -> memref<1x80xi32, #tpu.memory_space<vmem>>
      %dma_start3A_150 = tpu.memref_squeeze %dma_start3A_149 : memref<1x80xi32, #tpu.memory_space<vmem>> -> memref<80xi32, #tpu.memory_space<vmem>>
      %dma_start3A_151 = arith.constant 0 : i32
      %dma_start3A_152 = arith.constant 0 : i32
      %dma_start3A_153 = tpu.memref_slice %arg7[%dma_start3A_151, %dma_start3A_152] : memref<10240x128xf32, #tpu.memory_space<vmem_shared>> -> memref<10240x128xf32, #tpu.memory_space<vmem_shared>>
      tpu.enqueue_indirect_dma source(%dma_start3A_153 : memref<10240x128xf32, #tpu.memory_space<vmem_shared>>) target(%dma_start3A_147 : memref<80x128xf32, #tpu.memory_space<vmem>>) offsets(%dma_start3A_150 : memref<80xi32, #tpu.memory_space<vmem>>) semaphore(%run_scoped3A_144 : memref<!tpu.dma_semaphore, #tpu.memory_space<semaphore_mem>>)
      %dma_wait3A_154 = arith.constant 0 : i32
      %dma_wait3A_155 = arith.constant 0 : i32
      %dma_wait3A_156 = tpu.memref_slice %arg9[%run_scoped3A_108, %dma_wait3A_154, %dma_wait3A_155] : memref<2x80x128xf32, #tpu.memory_space<vmem>> -> memref<1x80x128xf32, #tpu.memory_space<vmem>>
      %dma_wait3A_157 = tpu.memref_squeeze %dma_wait3A_156 : memref<1x80x128xf32, #tpu.memory_space<vmem>> -> memref<80x128xf32, #tpu.memory_space<vmem>>
      %dma_wait3A_158 = arith.constant 0 : i32
      %dma_wait3A_159 = tpu.memref_slice %arg8[%run_scoped3A_107, %dma_wait3A_158] : memref<2x80xi32, #tpu.memory_space<vmem>> -> memref<1x80xi32, #tpu.memory_space<vmem>>
      %dma_wait3A_160 = tpu.memref_squeeze %dma_wait3A_159 : memref<1x80xi32, #tpu.memory_space<vmem>> -> memref<80xi32, #tpu.memory_space<vmem>>
      %dma_wait3A_161 = arith.constant 0 : i32
      %dma_wait3A_162 = arith.constant 0 : i32
      %dma_wait3A_163 = tpu.memref_slice %arg7[%dma_wait3A_161, %dma_wait3A_162] : memref<10240x128xf32, #tpu.memory_space<vmem_shared>> -> memref<10240x128xf32, #tpu.memory_space<vmem_shared>>
      tpu.wait_indirect_dma semaphore(%run_scoped3A_144 : memref<!tpu.dma_semaphore, #tpu.memory_space<semaphore_mem>>) src(%dma_wait3A_163 : memref<10240x128xf32, #tpu.memory_space<vmem_shared>>) dst(%dma_wait3A_157 : memref<80x128xf32, #tpu.memory_space<vmem>>)
      tpu.yield
    }) : () -> ()
    %add3A_109 = arith.constant 240 : i32
    %add3A_110 = arith.addi %mul3A_2, %add3A_109 : i32
    %run_scoped3A_111 = arith.constant 0 : i32
    "tpu.region"() ({
      %run_scoped3A_144 = tpu.sem_alloc : memref<!tpu.dma_semaphore, #tpu.memory_space<semaphore_mem>>
      %dma_start3A = arith.constant 0 : i32
      %dma_start3A_145 = arith.constant 0 : i32
      %dma_start3A_146 = tpu.memref_slice %arg9[%run_scoped3A_111, %dma_start3A, %dma_start3A_145] : memref<2x80x128xf32, #tpu.memory_space<vmem>> -> memref<1x80x128xf32, #tpu.memory_space<vmem>>
      %dma_start3A_147 = tpu.memref_squeeze %dma_start3A_146 : memref<1x80x128xf32, #tpu.memory_space<vmem>> -> memref<80x128xf32, #tpu.memory_space<vmem>>
      %dma_start3A_148 = arith.constant 0 : i32
      %dma_start3A_149 = tpu.memref_slice %arg6[%arg0, %add3A_110, %dma_start3A_148] : memref<2x10240x128xf32, #tpu.memory_space<hbm>> -> memref<1x80x128xf32, #tpu.memory_space<hbm>>
      %dma_start3A_150 = tpu.memref_squeeze %dma_start3A_149 : memref<1x80x128xf32, #tpu.memory_space<hbm>> -> memref<80x128xf32, #tpu.memory_space<hbm>>
      %dma_start3A_151 = arith.constant 0 : i32
      %dma_start3A_152 = tpu.memref_slice %arg6[%arg0, %add3A_110, %dma_start3A_151] : memref<2x10240x128xf32, #tpu.memory_space<hbm>> -> memref<1x80x128xf32, #tpu.memory_space<hbm>>
      %dma_start3A_153 = tpu.memref_squeeze %dma_start3A_152 : memref<1x80x128xf32, #tpu.memory_space<hbm>> -> memref<80x128xf32, #tpu.memory_space<hbm>>
      %dma_start3A_154 = arith.constant 0 : i32
      %dma_start3A_155 = arith.constant 0 : i32
      %dma_start3A_156 = tpu.memref_slice %arg9[%run_scoped3A_111, %dma_start3A_154, %dma_start3A_155] : memref<2x80x128xf32, #tpu.memory_space<vmem>> -> memref<1x80x128xf32, #tpu.memory_space<vmem>>
      %dma_start3A_157 = tpu.memref_squeeze %dma_start3A_156 : memref<1x80x128xf32, #tpu.memory_space<vmem>> -> memref<80x128xf32, #tpu.memory_space<vmem>>
      tpu.enqueue_dma source(%dma_start3A_157 : memref<80x128xf32, #tpu.memory_space<vmem>>) target(%dma_start3A_153 : memref<80x128xf32, #tpu.memory_space<hbm>>) target_semaphore(%run_scoped3A_144 : memref<!tpu.dma_semaphore, #tpu.memory_space<semaphore_mem>>)
      %dma_wait3A_158 = arith.constant 0 : i32
      %dma_wait3A_159 = arith.constant 0 : i32
      %dma_wait3A_160 = tpu.memref_slice %arg9[%run_scoped3A_111, %dma_wait3A_158, %dma_wait3A_159] : memref<2x80x128xf32, #tpu.memory_space<vmem>> -> memref<1x80x128xf32, #tpu.memory_space<vmem>>
      %dma_wait3A_161 = tpu.memref_squeeze %dma_wait3A_160 : memref<1x80x128xf32, #tpu.memory_space<vmem>> -> memref<80x128xf32, #tpu.memory_space<vmem>>
      %dma_wait3A_162 = arith.constant 0 : i32
      %dma_wait3A_163 = tpu.memref_slice %arg6[%arg0, %add3A_110, %dma_wait3A_162] : memref<2x10240x128xf32, #tpu.memory_space<hbm>> -> memref<1x80x128xf32, #tpu.memory_space<hbm>>
      %dma_wait3A_164 = tpu.memref_squeeze %dma_wait3A_163 : memref<1x80x128xf32, #tpu.memory_space<hbm>> -> memref<80x128xf32, #tpu.memory_space<hbm>>
      %dma_wait3A_165 = arith.constant 0 : i32
      %dma_wait3A_166 = tpu.memref_slice %arg6[%arg0, %add3A_110, %dma_wait3A_165] : memref<2x10240x128xf32, #tpu.memory_space<hbm>> -> memref<1x80x128xf32, #tpu.memory_space<hbm>>
      %dma_wait3A_167 = tpu.memref_squeeze %dma_wait3A_166 : memref<1x80x128xf32, #tpu.memory_space<hbm>> -> memref<80x128xf32, #tpu.memory_space<hbm>>
      %dma_wait3A_168 = arith.constant 0 : i32
      %dma_wait3A_169 = arith.constant 0 : i32
      %dma_wait3A_170 = tpu.memref_slice %arg9[%run_scoped3A_111, %dma_wait3A_168, %dma_wait3A_169] : memref<2x80x128xf32, #tpu.memory_space<vmem>> -> memref<1x80x128xf32, #tpu.memory_space<vmem>>
      %dma_wait3A_171 = tpu.memref_squeeze %dma_wait3A_170 : memref<1x80x128xf32, #tpu.memory_space<vmem>> -> memref<80x128xf32, #tpu.memory_space<vmem>>
      tpu.wait_dma2 semaphore(%run_scoped3A_144 : memref<!tpu.dma_semaphore, #tpu.memory_space<semaphore_mem>>) src(%dma_wait3A_171 : memref<80x128xf32, #tpu.memory_space<vmem>>) dst(%dma_wait3A_167 : memref<80x128xf32, #tpu.memory_space<hbm>>)
      tpu.yield
    }) : () -> ()
    %add3A_112 = arith.constant 320 : i32
    %add3A_113 = arith.addi %mul3A_2, %add3A_112 : i32
    %run_scoped3A_114 = arith.constant 0 : i32
    "tpu.region"() ({
      %run_scoped3A_144 = tpu.sem_alloc : memref<!tpu.dma_semaphore, #tpu.memory_space<semaphore_mem>>
      %dma_start3A = arith.constant 0 : i32
      %dma_start3A_145 = tpu.memref_slice %arg8[%run_scoped3A_114, %dma_start3A] : memref<2x80xi32, #tpu.memory_space<vmem>> -> memref<1x80xi32, #tpu.memory_space<vmem>>
      %dma_start3A_146 = tpu.memref_squeeze %dma_start3A_145 : memref<1x80xi32, #tpu.memory_space<vmem>> -> memref<80xi32, #tpu.memory_space<vmem>>
      %dma_start3A_147 = tpu.memref_slice %arg5[%add3A_113] : memref<10240xi32, #tpu.memory_space<hbm>> -> memref<80xi32, #tpu.memory_space<hbm>>
      %dma_start3A_148 = arith.constant 0 : i32
      %dma_start3A_149 = tpu.memref_slice %arg8[%run_scoped3A_114, %dma_start3A_148] : memref<2x80xi32, #tpu.memory_space<vmem>> -> memref<1x80xi32, #tpu.memory_space<vmem>>
      %dma_start3A_150 = tpu.memref_squeeze %dma_start3A_149 : memref<1x80xi32, #tpu.memory_space<vmem>> -> memref<80xi32, #tpu.memory_space<vmem>>
      %dma_start3A_151 = tpu.memref_slice %arg5[%add3A_113] : memref<10240xi32, #tpu.memory_space<hbm>> -> memref<80xi32, #tpu.memory_space<hbm>>
      tpu.enqueue_dma source(%dma_start3A_151 : memref<80xi32, #tpu.memory_space<hbm>>) target(%dma_start3A_150 : memref<80xi32, #tpu.memory_space<vmem>>) target_semaphore(%run_scoped3A_144 : memref<!tpu.dma_semaphore, #tpu.memory_space<semaphore_mem>>)
      %dma_wait3A_152 = arith.constant 0 : i32
      %dma_wait3A_153 = tpu.memref_slice %arg8[%run_scoped3A_114, %dma_wait3A_152] : memref<2x80xi32, #tpu.memory_space<vmem>> -> memref<1x80xi32, #tpu.memory_space<vmem>>
      %dma_wait3A_154 = tpu.memref_squeeze %dma_wait3A_153 : memref<1x80xi32, #tpu.memory_space<vmem>> -> memref<80xi32, #tpu.memory_space<vmem>>
      %dma_wait3A_155 = tpu.memref_slice %arg5[%add3A_113] : memref<10240xi32, #tpu.memory_space<hbm>> -> memref<80xi32, #tpu.memory_space<hbm>>
      %dma_wait3A_156 = arith.constant 0 : i32
      %dma_wait3A_157 = tpu.memref_slice %arg8[%run_scoped3A_114, %dma_wait3A_156] : memref<2x80xi32, #tpu.memory_space<vmem>> -> memref<1x80xi32, #tpu.memory_space<vmem>>
      %dma_wait3A_158 = tpu.memref_squeeze %dma_wait3A_157 : memref<1x80xi32, #tpu.memory_space<vmem>> -> memref<80xi32, #tpu.memory_space<vmem>>
      %dma_wait3A_159 = tpu.memref_slice %arg5[%add3A_113] : memref<10240xi32, #tpu.memory_space<hbm>> -> memref<80xi32, #tpu.memory_space<hbm>>
      tpu.wait_dma2 semaphore(%run_scoped3A_144 : memref<!tpu.dma_semaphore, #tpu.memory_space<semaphore_mem>>) src(%dma_wait3A_159 : memref<80xi32, #tpu.memory_space<hbm>>) dst(%dma_wait3A_158 : memref<80xi32, #tpu.memory_space<vmem>>)
      tpu.yield
    }) : () -> ()
    %run_scoped3A_115 = arith.constant 0 : i32
    %run_scoped3A_116 = arith.constant 0 : i32
    "tpu.region"() ({
      %run_scoped3A_144 = tpu.sem_alloc : memref<!tpu.dma_semaphore, #tpu.memory_space<semaphore_mem>>
      %dma_start3A = arith.constant 0 : i32
      %dma_start3A_145 = arith.constant 0 : i32
      %dma_start3A_146 = tpu.memref_slice %arg9[%run_scoped3A_116, %dma_start3A, %dma_start3A_145] : memref<2x80x128xf32, #tpu.memory_space<vmem>> -> memref<1x80x128xf32, #tpu.memory_space<vmem>>
      %dma_start3A_147 = tpu.memref_squeeze %dma_start3A_146 : memref<1x80x128xf32, #tpu.memory_space<vmem>> -> memref<80x128xf32, #tpu.memory_space<vmem>>
      %dma_start3A_148 = arith.constant 0 : i32
      %dma_start3A_149 = tpu.memref_slice %arg8[%run_scoped3A_115, %dma_start3A_148] : memref<2x80xi32, #tpu.memory_space<vmem>> -> memref<1x80xi32, #tpu.memory_space<vmem>>
      %dma_start3A_150 = tpu.memref_squeeze %dma_start3A_149 : memref<1x80xi32, #tpu.memory_space<vmem>> -> memref<80xi32, #tpu.memory_space<vmem>>
      %dma_start3A_151 = arith.constant 0 : i32
      %dma_start3A_152 = arith.constant 0 : i32
      %dma_start3A_153 = tpu.memref_slice %arg7[%dma_start3A_151, %dma_start3A_152] : memref<10240x128xf32, #tpu.memory_space<vmem_shared>> -> memref<10240x128xf32, #tpu.memory_space<vmem_shared>>
      tpu.enqueue_indirect_dma source(%dma_start3A_153 : memref<10240x128xf32, #tpu.memory_space<vmem_shared>>) target(%dma_start3A_147 : memref<80x128xf32, #tpu.memory_space<vmem>>) offsets(%dma_start3A_150 : memref<80xi32, #tpu.memory_space<vmem>>) semaphore(%run_scoped3A_144 : memref<!tpu.dma_semaphore, #tpu.memory_space<semaphore_mem>>)
      %dma_wait3A_154 = arith.constant 0 : i32
      %dma_wait3A_155 = arith.constant 0 : i32
      %dma_wait3A_156 = tpu.memref_slice %arg9[%run_scoped3A_116, %dma_wait3A_154, %dma_wait3A_155] : memref<2x80x128xf32, #tpu.memory_space<vmem>> -> memref<1x80x128xf32, #tpu.memory_space<vmem>>
      %dma_wait3A_157 = tpu.memref_squeeze %dma_wait3A_156 : memref<1x80x128xf32, #tpu.memory_space<vmem>> -> memref<80x128xf32, #tpu.memory_space<vmem>>
      %dma_wait3A_158 = arith.constant 0 : i32
      %dma_wait3A_159 = tpu.memref_slice %arg8[%run_scoped3A_115, %dma_wait3A_158] : memref<2x80xi32, #tpu.memory_space<vmem>> -> memref<1x80xi32, #tpu.memory_space<vmem>>
      %dma_wait3A_160 = tpu.memref_squeeze %dma_wait3A_159 : memref<1x80xi32, #tpu.memory_space<vmem>> -> memref<80xi32, #tpu.memory_space<vmem>>
      %dma_wait3A_161 = arith.constant 0 : i32
      %dma_wait3A_162 = arith.constant 0 : i32
      %dma_wait3A_163 = tpu.memref_slice %arg7[%dma_wait3A_161, %dma_wait3A_162] : memref<10240x128xf32, #tpu.memory_space<vmem_shared>> -> memref<10240x128xf32, #tpu.memory_space<vmem_shared>>
      tpu.wait_indirect_dma semaphore(%run_scoped3A_144 : memref<!tpu.dma_semaphore, #tpu.memory_space<semaphore_mem>>) src(%dma_wait3A_163 : memref<10240x128xf32, #tpu.memory_space<vmem_shared>>) dst(%dma_wait3A_157 : memref<80x128xf32, #tpu.memory_space<vmem>>)
      tpu.yield
    }) : () -> ()
    %add3A_117 = arith.constant 320 : i32
    %add3A_118 = arith.addi %mul3A_2, %add3A_117 : i32
    %run_scoped3A_119 = arith.constant 0 : i32
    "tpu.region"() ({
      %run_scoped3A_144 = tpu.sem_alloc : memref<!tpu.dma_semaphore, #tpu.memory_space<semaphore_mem>>
      %dma_start3A = arith.constant 0 : i32
      %dma_start3A_145 = arith.constant 0 : i32
      %dma_start3A_146 = tpu.memref_slice %arg9[%run_scoped3A_119, %dma_start3A, %dma_start3A_145] : memref<2x80x128xf32, #tpu.memory_space<vmem>> -> memref<1x80x128xf32, #tpu.memory_space<vmem>>
      %dma_start3A_147 = tpu.memref_squeeze %dma_start3A_146 : memref<1x80x128xf32, #tpu.memory_space<vmem>> -> memref<80x128xf32, #tpu.memory_space<vmem>>
      %dma_start3A_148 = arith.constant 0 : i32
      %dma_start3A_149 = tpu.memref_slice %arg6[%arg0, %add3A_118, %dma_start3A_148] : memref<2x10240x128xf32, #tpu.memory_space<hbm>> -> memref<1x80x128xf32, #tpu.memory_space<hbm>>
      %dma_start3A_150 = tpu.memref_squeeze %dma_start3A_149 : memref<1x80x128xf32, #tpu.memory_space<hbm>> -> memref<80x128xf32, #tpu.memory_space<hbm>>
      %dma_start3A_151 = arith.constant 0 : i32
      %dma_start3A_152 = tpu.memref_slice %arg6[%arg0, %add3A_118, %dma_start3A_151] : memref<2x10240x128xf32, #tpu.memory_space<hbm>> -> memref<1x80x128xf32, #tpu.memory_space<hbm>>
      %dma_start3A_153 = tpu.memref_squeeze %dma_start3A_152 : memref<1x80x128xf32, #tpu.memory_space<hbm>> -> memref<80x128xf32, #tpu.memory_space<hbm>>
      %dma_start3A_154 = arith.constant 0 : i32
      %dma_start3A_155 = arith.constant 0 : i32
      %dma_start3A_156 = tpu.memref_slice %arg9[%run_scoped3A_119, %dma_start3A_154, %dma_start3A_155] : memref<2x80x128xf32, #tpu.memory_space<vmem>> -> memref<1x80x128xf32, #tpu.memory_space<vmem>>
      %dma_start3A_157 = tpu.memref_squeeze %dma_start3A_156 : memref<1x80x128xf32, #tpu.memory_space<vmem>> -> memref<80x128xf32, #tpu.memory_space<vmem>>
      tpu.enqueue_dma source(%dma_start3A_157 : memref<80x128xf32, #tpu.memory_space<vmem>>) target(%dma_start3A_153 : memref<80x128xf32, #tpu.memory_space<hbm>>) target_semaphore(%run_scoped3A_144 : memref<!tpu.dma_semaphore, #tpu.memory_space<semaphore_mem>>)
      %dma_wait3A_158 = arith.constant 0 : i32
      %dma_wait3A_159 = arith.constant 0 : i32
      %dma_wait3A_160 = tpu.memref_slice %arg9[%run_scoped3A_119, %dma_wait3A_158, %dma_wait3A_159] : memref<2x80x128xf32, #tpu.memory_space<vmem>> -> memref<1x80x128xf32, #tpu.memory_space<vmem>>
      %dma_wait3A_161 = tpu.memref_squeeze %dma_wait3A_160 : memref<1x80x128xf32, #tpu.memory_space<vmem>> -> memref<80x128xf32, #tpu.memory_space<vmem>>
      %dma_wait3A_162 = arith.constant 0 : i32
      %dma_wait3A_163 = tpu.memref_slice %arg6[%arg0, %add3A_118, %dma_wait3A_162] : memref<2x10240x128xf32, #tpu.memory_space<hbm>> -> memref<1x80x128xf32, #tpu.memory_space<hbm>>
      %dma_wait3A_164 = tpu.memref_squeeze %dma_wait3A_163 : memref<1x80x128xf32, #tpu.memory_space<hbm>> -> memref<80x128xf32, #tpu.memory_space<hbm>>
      %dma_wait3A_165 = arith.constant 0 : i32
      %dma_wait3A_166 = tpu.memref_slice %arg6[%arg0, %add3A_118, %dma_wait3A_165] : memref<2x10240x128xf32, #tpu.memory_space<hbm>> -> memref<1x80x128xf32, #tpu.memory_space<hbm>>
      %dma_wait3A_167 = tpu.memref_squeeze %dma_wait3A_166 : memref<1x80x128xf32, #tpu.memory_space<hbm>> -> memref<80x128xf32, #tpu.memory_space<hbm>>
      %dma_wait3A_168 = arith.constant 0 : i32
      %dma_wait3A_169 = arith.constant 0 : i32
      %dma_wait3A_170 = tpu.memref_slice %arg9[%run_scoped3A_119, %dma_wait3A_168, %dma_wait3A_169] : memref<2x80x128xf32, #tpu.memory_space<vmem>> -> memref<1x80x128xf32, #tpu.memory_space<vmem>>
      %dma_wait3A_171 = tpu.memref_squeeze %dma_wait3A_170 : memref<1x80x128xf32, #tpu.memory_space<vmem>> -> memref<80x128xf32, #tpu.memory_space<vmem>>
      tpu.wait_dma2 semaphore(%run_scoped3A_144 : memref<!tpu.dma_semaphore, #tpu.memory_space<semaphore_mem>>) src(%dma_wait3A_171 : memref<80x128xf32, #tpu.memory_space<vmem>>) dst(%dma_wait3A_167 : memref<80x128xf32, #tpu.memory_space<hbm>>)
      tpu.yield
    }) : () -> ()
    %add3A_120 = arith.constant 400 : i32
    %add3A_121 = arith.addi %mul3A_2, %add3A_120 : i32
    %run_scoped3A_122 = arith.constant 0 : i32
    "tpu.region"() ({
      %run_scoped3A_144 = tpu.sem_alloc : memref<!tpu.dma_semaphore, #tpu.memory_space<semaphore_mem>>
      %dma_start3A = arith.constant 0 : i32
      %dma_start3A_145 = tpu.memref_slice %arg8[%run_scoped3A_122, %dma_start3A] : memref<2x80xi32, #tpu.memory_space<vmem>> -> memref<1x80xi32, #tpu.memory_space<vmem>>
      %dma_start3A_146 = tpu.memref_squeeze %dma_start3A_145 : memref<1x80xi32, #tpu.memory_space<vmem>> -> memref<80xi32, #tpu.memory_space<vmem>>
      %dma_start3A_147 = tpu.memref_slice %arg5[%add3A_121] : memref<10240xi32, #tpu.memory_space<hbm>> -> memref<80xi32, #tpu.memory_space<hbm>>
      %dma_start3A_148 = arith.constant 0 : i32
      %dma_start3A_149 = tpu.memref_slice %arg8[%run_scoped3A_122, %dma_start3A_148] : memref<2x80xi32, #tpu.memory_space<vmem>> -> memref<1x80xi32, #tpu.memory_space<vmem>>
      %dma_start3A_150 = tpu.memref_squeeze %dma_start3A_149 : memref<1x80xi32, #tpu.memory_space<vmem>> -> memref<80xi32, #tpu.memory_space<vmem>>
      %dma_start3A_151 = tpu.memref_slice %arg5[%add3A_121] : memref<10240xi32, #tpu.memory_space<hbm>> -> memref<80xi32, #tpu.memory_space<hbm>>
      tpu.enqueue_dma source(%dma_start3A_151 : memref<80xi32, #tpu.memory_space<hbm>>) target(%dma_start3A_150 : memref<80xi32, #tpu.memory_space<vmem>>) target_semaphore(%run_scoped3A_144 : memref<!tpu.dma_semaphore, #tpu.memory_space<semaphore_mem>>)
      %dma_wait3A_152 = arith.constant 0 : i32
      %dma_wait3A_153 = tpu.memref_slice %arg8[%run_scoped3A_122, %dma_wait3A_152] : memref<2x80xi32, #tpu.memory_space<vmem>> -> memref<1x80xi32, #tpu.memory_space<vmem>>
      %dma_wait3A_154 = tpu.memref_squeeze %dma_wait3A_153 : memref<1x80xi32, #tpu.memory_space<vmem>> -> memref<80xi32, #tpu.memory_space<vmem>>
      %dma_wait3A_155 = tpu.memref_slice %arg5[%add3A_121] : memref<10240xi32, #tpu.memory_space<hbm>> -> memref<80xi32, #tpu.memory_space<hbm>>
      %dma_wait3A_156 = arith.constant 0 : i32
      %dma_wait3A_157 = tpu.memref_slice %arg8[%run_scoped3A_122, %dma_wait3A_156] : memref<2x80xi32, #tpu.memory_space<vmem>> -> memref<1x80xi32, #tpu.memory_space<vmem>>
      %dma_wait3A_158 = tpu.memref_squeeze %dma_wait3A_157 : memref<1x80xi32, #tpu.memory_space<vmem>> -> memref<80xi32, #tpu.memory_space<vmem>>
      %dma_wait3A_159 = tpu.memref_slice %arg5[%add3A_121] : memref<10240xi32, #tpu.memory_space<hbm>> -> memref<80xi32, #tpu.memory_space<hbm>>
      tpu.wait_dma2 semaphore(%run_scoped3A_144 : memref<!tpu.dma_semaphore, #tpu.memory_space<semaphore_mem>>) src(%dma_wait3A_159 : memref<80xi32, #tpu.memory_space<hbm>>) dst(%dma_wait3A_158 : memref<80xi32, #tpu.memory_space<vmem>>)
      tpu.yield
    }) : () -> ()
    %run_scoped3A_123 = arith.constant 0 : i32
    %run_scoped3A_124 = arith.constant 0 : i32
    "tpu.region"() ({
      %run_scoped3A_144 = tpu.sem_alloc : memref<!tpu.dma_semaphore, #tpu.memory_space<semaphore_mem>>
      %dma_start3A = arith.constant 0 : i32
      %dma_start3A_145 = arith.constant 0 : i32
      %dma_start3A_146 = tpu.memref_slice %arg9[%run_scoped3A_124, %dma_start3A, %dma_start3A_145] : memref<2x80x128xf32, #tpu.memory_space<vmem>> -> memref<1x80x128xf32, #tpu.memory_space<vmem>>
      %dma_start3A_147 = tpu.memref_squeeze %dma_start3A_146 : memref<1x80x128xf32, #tpu.memory_space<vmem>> -> memref<80x128xf32, #tpu.memory_space<vmem>>
      %dma_start3A_148 = arith.constant 0 : i32
      %dma_start3A_149 = tpu.memref_slice %arg8[%run_scoped3A_123, %dma_start3A_148] : memref<2x80xi32, #tpu.memory_space<vmem>> -> memref<1x80xi32, #tpu.memory_space<vmem>>
      %dma_start3A_150 = tpu.memref_squeeze %dma_start3A_149 : memref<1x80xi32, #tpu.memory_space<vmem>> -> memref<80xi32, #tpu.memory_space<vmem>>
      %dma_start3A_151 = arith.constant 0 : i32
      %dma_start3A_152 = arith.constant 0 : i32
      %dma_start3A_153 = tpu.memref_slice %arg7[%dma_start3A_151, %dma_start3A_152] : memref<10240x128xf32, #tpu.memory_space<vmem_shared>> -> memref<10240x128xf32, #tpu.memory_space<vmem_shared>>
      tpu.enqueue_indirect_dma source(%dma_start3A_153 : memref<10240x128xf32, #tpu.memory_space<vmem_shared>>) target(%dma_start3A_147 : memref<80x128xf32, #tpu.memory_space<vmem>>) offsets(%dma_start3A_150 : memref<80xi32, #tpu.memory_space<vmem>>) semaphore(%run_scoped3A_144 : memref<!tpu.dma_semaphore, #tpu.memory_space<semaphore_mem>>)
      %dma_wait3A_154 = arith.constant 0 : i32
      %dma_wait3A_155 = arith.constant 0 : i32
      %dma_wait3A_156 = tpu.memref_slice %arg9[%run_scoped3A_124, %dma_wait3A_154, %dma_wait3A_155] : memref<2x80x128xf32, #tpu.memory_space<vmem>> -> memref<1x80x128xf32, #tpu.memory_space<vmem>>
      %dma_wait3A_157 = tpu.memref_squeeze %dma_wait3A_156 : memref<1x80x128xf32, #tpu.memory_space<vmem>> -> memref<80x128xf32, #tpu.memory_space<vmem>>
      %dma_wait3A_158 = arith.constant 0 : i32
      %dma_wait3A_159 = tpu.memref_slice %arg8[%run_scoped3A_123, %dma_wait3A_158] : memref<2x80xi32, #tpu.memory_space<vmem>> -> memref<1x80xi32, #tpu.memory_space<vmem>>
      %dma_wait3A_160 = tpu.memref_squeeze %dma_wait3A_159 : memref<1x80xi32, #tpu.memory_space<vmem>> -> memref<80xi32, #tpu.memory_space<vmem>>
      %dma_wait3A_161 = arith.constant 0 : i32
      %dma_wait3A_162 = arith.constant 0 : i32
      %dma_wait3A_163 = tpu.memref_slice %arg7[%dma_wait3A_161, %dma_wait3A_162] : memref<10240x128xf32, #tpu.memory_space<vmem_shared>> -> memref<10240x128xf32, #tpu.memory_space<vmem_shared>>
      tpu.wait_indirect_dma semaphore(%run_scoped3A_144 : memref<!tpu.dma_semaphore, #tpu.memory_space<semaphore_mem>>) src(%dma_wait3A_163 : memref<10240x128xf32, #tpu.memory_space<vmem_shared>>) dst(%dma_wait3A_157 : memref<80x128xf32, #tpu.memory_space<vmem>>)
      tpu.yield
    }) : () -> ()
    %add3A_125 = arith.constant 400 : i32
    %add3A_126 = arith.addi %mul3A_2, %add3A_125 : i32
    %run_scoped3A_127 = arith.constant 0 : i32
    "tpu.region"() ({
      %run_scoped3A_144 = tpu.sem_alloc : memref<!tpu.dma_semaphore, #tpu.memory_space<semaphore_mem>>
      %dma_start3A = arith.constant 0 : i32
      %dma_start3A_145 = arith.constant 0 : i32
      %dma_start3A_146 = tpu.memref_slice %arg9[%run_scoped3A_127, %dma_start3A, %dma_start3A_145] : memref<2x80x128xf32, #tpu.memory_space<vmem>> -> memref<1x80x128xf32, #tpu.memory_space<vmem>>
      %dma_start3A_147 = tpu.memref_squeeze %dma_start3A_146 : memref<1x80x128xf32, #tpu.memory_space<vmem>> -> memref<80x128xf32, #tpu.memory_space<vmem>>
      %dma_start3A_148 = arith.constant 0 : i32
      %dma_start3A_149 = tpu.memref_slice %arg6[%arg0, %add3A_126, %dma_start3A_148] : memref<2x10240x128xf32, #tpu.memory_space<hbm>> -> memref<1x80x128xf32, #tpu.memory_space<hbm>>
      %dma_start3A_150 = tpu.memref_squeeze %dma_start3A_149 : memref<1x80x128xf32, #tpu.memory_space<hbm>> -> memref<80x128xf32, #tpu.memory_space<hbm>>
      %dma_start3A_151 = arith.constant 0 : i32
      %dma_start3A_152 = tpu.memref_slice %arg6[%arg0, %add3A_126, %dma_start3A_151] : memref<2x10240x128xf32, #tpu.memory_space<hbm>> -> memref<1x80x128xf32, #tpu.memory_space<hbm>>
      %dma_start3A_153 = tpu.memref_squeeze %dma_start3A_152 : memref<1x80x128xf32, #tpu.memory_space<hbm>> -> memref<80x128xf32, #tpu.memory_space<hbm>>
      %dma_start3A_154 = arith.constant 0 : i32
      %dma_start3A_155 = arith.constant 0 : i32
      %dma_start3A_156 = tpu.memref_slice %arg9[%run_scoped3A_127, %dma_start3A_154, %dma_start3A_155] : memref<2x80x128xf32, #tpu.memory_space<vmem>> -> memref<1x80x128xf32, #tpu.memory_space<vmem>>
      %dma_start3A_157 = tpu.memref_squeeze %dma_start3A_156 : memref<1x80x128xf32, #tpu.memory_space<vmem>> -> memref<80x128xf32, #tpu.memory_space<vmem>>
      tpu.enqueue_dma source(%dma_start3A_157 : memref<80x128xf32, #tpu.memory_space<vmem>>) target(%dma_start3A_153 : memref<80x128xf32, #tpu.memory_space<hbm>>) target_semaphore(%run_scoped3A_144 : memref<!tpu.dma_semaphore, #tpu.memory_space<semaphore_mem>>)
      %dma_wait3A_158 = arith.constant 0 : i32
      %dma_wait3A_159 = arith.constant 0 : i32
      %dma_wait3A_160 = tpu.memref_slice %arg9[%run_scoped3A_127, %dma_wait3A_158, %dma_wait3A_159] : memref<2x80x128xf32, #tpu.memory_space<vmem>> -> memref<1x80x128xf32, #tpu.memory_space<vmem>>
      %dma_wait3A_161 = tpu.memref_squeeze %dma_wait3A_160 : memref<1x80x128xf32, #tpu.memory_space<vmem>> -> memref<80x128xf32, #tpu.memory_space<vmem>>
      %dma_wait3A_162 = arith.constant 0 : i32
      %dma_wait3A_163 = tpu.memref_slice %arg6[%arg0, %add3A_126, %dma_wait3A_162] : memref<2x10240x128xf32, #tpu.memory_space<hbm>> -> memref<1x80x128xf32, #tpu.memory_space<hbm>>
      %dma_wait3A_164 = tpu.memref_squeeze %dma_wait3A_163 : memref<1x80x128xf32, #tpu.memory_space<hbm>> -> memref<80x128xf32, #tpu.memory_space<hbm>>
      %dma_wait3A_165 = arith.constant 0 : i32
      %dma_wait3A_166 = tpu.memref_slice %arg6[%arg0, %add3A_126, %dma_wait3A_165] : memref<2x10240x128xf32, #tpu.memory_space<hbm>> -> memref<1x80x128xf32, #tpu.memory_space<hbm>>
      %dma_wait3A_167 = tpu.memref_squeeze %dma_wait3A_166 : memref<1x80x128xf32, #tpu.memory_space<hbm>> -> memref<80x128xf32, #tpu.memory_space<hbm>>
      %dma_wait3A_168 = arith.constant 0 : i32
      %dma_wait3A_169 = arith.constant 0 : i32
      %dma_wait3A_170 = tpu.memref_slice %arg9[%run_scoped3A_127, %dma_wait3A_168, %dma_wait3A_169] : memref<2x80x128xf32, #tpu.memory_space<vmem>> -> memref<1x80x128xf32, #tpu.memory_space<vmem>>
      %dma_wait3A_171 = tpu.memref_squeeze %dma_wait3A_170 : memref<1x80x128xf32, #tpu.memory_space<vmem>> -> memref<80x128xf32, #tpu.memory_space<vmem>>
      tpu.wait_dma2 semaphore(%run_scoped3A_144 : memref<!tpu.dma_semaphore, #tpu.memory_space<semaphore_mem>>) src(%dma_wait3A_171 : memref<80x128xf32, #tpu.memory_space<vmem>>) dst(%dma_wait3A_167 : memref<80x128xf32, #tpu.memory_space<hbm>>)
      tpu.yield
    }) : () -> ()
    %add3A_128 = arith.constant 480 : i32
    %add3A_129 = arith.addi %mul3A_2, %add3A_128 : i32
    %run_scoped3A_130 = arith.constant 0 : i32
    "tpu.region"() ({
      %run_scoped3A_144 = tpu.sem_alloc : memref<!tpu.dma_semaphore, #tpu.memory_space<semaphore_mem>>
      %dma_start3A = arith.constant 0 : i32
      %dma_start3A_145 = tpu.memref_slice %arg8[%run_scoped3A_130, %dma_start3A] : memref<2x80xi32, #tpu.memory_space<vmem>> -> memref<1x80xi32, #tpu.memory_space<vmem>>
      %dma_start3A_146 = tpu.memref_squeeze %dma_start3A_145 : memref<1x80xi32, #tpu.memory_space<vmem>> -> memref<80xi32, #tpu.memory_space<vmem>>
      %dma_start3A_147 = tpu.memref_slice %arg5[%add3A_129] : memref<10240xi32, #tpu.memory_space<hbm>> -> memref<80xi32, #tpu.memory_space<hbm>>
      %dma_start3A_148 = arith.constant 0 : i32
      %dma_start3A_149 = tpu.memref_slice %arg8[%run_scoped3A_130, %dma_start3A_148] : memref<2x80xi32, #tpu.memory_space<vmem>> -> memref<1x80xi32, #tpu.memory_space<vmem>>
      %dma_start3A_150 = tpu.memref_squeeze %dma_start3A_149 : memref<1x80xi32, #tpu.memory_space<vmem>> -> memref<80xi32, #tpu.memory_space<vmem>>
      %dma_start3A_151 = tpu.memref_slice %arg5[%add3A_129] : memref<10240xi32, #tpu.memory_space<hbm>> -> memref<80xi32, #tpu.memory_space<hbm>>
      tpu.enqueue_dma source(%dma_start3A_151 : memref<80xi32, #tpu.memory_space<hbm>>) target(%dma_start3A_150 : memref<80xi32, #tpu.memory_space<vmem>>) target_semaphore(%run_scoped3A_144 : memref<!tpu.dma_semaphore, #tpu.memory_space<semaphore_mem>>)
      %dma_wait3A_152 = arith.constant 0 : i32
      %dma_wait3A_153 = tpu.memref_slice %arg8[%run_scoped3A_130, %dma_wait3A_152] : memref<2x80xi32, #tpu.memory_space<vmem>> -> memref<1x80xi32, #tpu.memory_space<vmem>>
      %dma_wait3A_154 = tpu.memref_squeeze %dma_wait3A_153 : memref<1x80xi32, #tpu.memory_space<vmem>> -> memref<80xi32, #tpu.memory_space<vmem>>
      %dma_wait3A_155 = tpu.memref_slice %arg5[%add3A_129] : memref<10240xi32, #tpu.memory_space<hbm>> -> memref<80xi32, #tpu.memory_space<hbm>>
      %dma_wait3A_156 = arith.constant 0 : i32
      %dma_wait3A_157 = tpu.memref_slice %arg8[%run_scoped3A_130, %dma_wait3A_156] : memref<2x80xi32, #tpu.memory_space<vmem>> -> memref<1x80xi32, #tpu.memory_space<vmem>>
      %dma_wait3A_158 = tpu.memref_squeeze %dma_wait3A_157 : memref<1x80xi32, #tpu.memory_space<vmem>> -> memref<80xi32, #tpu.memory_space<vmem>>
      %dma_wait3A_159 = tpu.memref_slice %arg5[%add3A_129] : memref<10240xi32, #tpu.memory_space<hbm>> -> memref<80xi32, #tpu.memory_space<hbm>>
      tpu.wait_dma2 semaphore(%run_scoped3A_144 : memref<!tpu.dma_semaphore, #tpu.memory_space<semaphore_mem>>) src(%dma_wait3A_159 : memref<80xi32, #tpu.memory_space<hbm>>) dst(%dma_wait3A_158 : memref<80xi32, #tpu.memory_space<vmem>>)
      tpu.yield
    }) : () -> ()
    %run_scoped3A_131 = arith.constant 0 : i32
    %run_scoped3A_132 = arith.constant 0 : i32
    "tpu.region"() ({
      %run_scoped3A_144 = tpu.sem_alloc : memref<!tpu.dma_semaphore, #tpu.memory_space<semaphore_mem>>
      %dma_start3A = arith.constant 0 : i32
      %dma_start3A_145 = arith.constant 0 : i32
      %dma_start3A_146 = tpu.memref_slice %arg9[%run_scoped3A_132, %dma_start3A, %dma_start3A_145] : memref<2x80x128xf32, #tpu.memory_space<vmem>> -> memref<1x80x128xf32, #tpu.memory_space<vmem>>
      %dma_start3A_147 = tpu.memref_squeeze %dma_start3A_146 : memref<1x80x128xf32, #tpu.memory_space<vmem>> -> memref<80x128xf32, #tpu.memory_space<vmem>>
      %dma_start3A_148 = arith.constant 0 : i32
      %dma_start3A_149 = tpu.memref_slice %arg8[%run_scoped3A_131, %dma_start3A_148] : memref<2x80xi32, #tpu.memory_space<vmem>> -> memref<1x80xi32, #tpu.memory_space<vmem>>
      %dma_start3A_150 = tpu.memref_squeeze %dma_start3A_149 : memref<1x80xi32, #tpu.memory_space<vmem>> -> memref<80xi32, #tpu.memory_space<vmem>>
      %dma_start3A_151 = arith.constant 0 : i32
      %dma_start3A_152 = arith.constant 0 : i32
      %dma_start3A_153 = tpu.memref_slice %arg7[%dma_start3A_151, %dma_start3A_152] : memref<10240x128xf32, #tpu.memory_space<vmem_shared>> -> memref<10240x128xf32, #tpu.memory_space<vmem_shared>>
      tpu.enqueue_indirect_dma source(%dma_start3A_153 : memref<10240x128xf32, #tpu.memory_space<vmem_shared>>) target(%dma_start3A_147 : memref<80x128xf32, #tpu.memory_space<vmem>>) offsets(%dma_start3A_150 : memref<80xi32, #tpu.memory_space<vmem>>) semaphore(%run_scoped3A_144 : memref<!tpu.dma_semaphore, #tpu.memory_space<semaphore_mem>>)
      %dma_wait3A_154 = arith.constant 0 : i32
      %dma_wait3A_155 = arith.constant 0 : i32
      %dma_wait3A_156 = tpu.memref_slice %arg9[%run_scoped3A_132, %dma_wait3A_154, %dma_wait3A_155] : memref<2x80x128xf32, #tpu.memory_space<vmem>> -> memref<1x80x128xf32, #tpu.memory_space<vmem>>
      %dma_wait3A_157 = tpu.memref_squeeze %dma_wait3A_156 : memref<1x80x128xf32, #tpu.memory_space<vmem>> -> memref<80x128xf32, #tpu.memory_space<vmem>>
      %dma_wait3A_158 = arith.constant 0 : i32
      %dma_wait3A_159 = tpu.memref_slice %arg8[%run_scoped3A_131, %dma_wait3A_158] : memref<2x80xi32, #tpu.memory_space<vmem>> -> memref<1x80xi32, #tpu.memory_space<vmem>>
      %dma_wait3A_160 = tpu.memref_squeeze %dma_wait3A_159 : memref<1x80xi32, #tpu.memory_space<vmem>> -> memref<80xi32, #tpu.memory_space<vmem>>
      %dma_wait3A_161 = arith.constant 0 : i32
      %dma_wait3A_162 = arith.constant 0 : i32
      %dma_wait3A_163 = tpu.memref_slice %arg7[%dma_wait3A_161, %dma_wait3A_162] : memref<10240x128xf32, #tpu.memory_space<vmem_shared>> -> memref<10240x128xf32, #tpu.memory_space<vmem_shared>>
      tpu.wait_indirect_dma semaphore(%run_scoped3A_144 : memref<!tpu.dma_semaphore, #tpu.memory_space<semaphore_mem>>) src(%dma_wait3A_163 : memref<10240x128xf32, #tpu.memory_space<vmem_shared>>) dst(%dma_wait3A_157 : memref<80x128xf32, #tpu.memory_space<vmem>>)
      tpu.yield
    }) : () -> ()
    %add3A_133 = arith.constant 480 : i32
    %add3A_134 = arith.addi %mul3A_2, %add3A_133 : i32
    %run_scoped3A_135 = arith.constant 0 : i32
    "tpu.region"() ({
      %run_scoped3A_144 = tpu.sem_alloc : memref<!tpu.dma_semaphore, #tpu.memory_space<semaphore_mem>>
      %dma_start3A = arith.constant 0 : i32
      %dma_start3A_145 = arith.constant 0 : i32
      %dma_start3A_146 = tpu.memref_slice %arg9[%run_scoped3A_135, %dma_start3A, %dma_start3A_145] : memref<2x80x128xf32, #tpu.memory_space<vmem>> -> memref<1x80x128xf32, #tpu.memory_space<vmem>>
      %dma_start3A_147 = tpu.memref_squeeze %dma_start3A_146 : memref<1x80x128xf32, #tpu.memory_space<vmem>> -> memref<80x128xf32, #tpu.memory_space<vmem>>
      %dma_start3A_148 = arith.constant 0 : i32
      %dma_start3A_149 = tpu.memref_slice %arg6[%arg0, %add3A_134, %dma_start3A_148] : memref<2x10240x128xf32, #tpu.memory_space<hbm>> -> memref<1x80x128xf32, #tpu.memory_space<hbm>>
      %dma_start3A_150 = tpu.memref_squeeze %dma_start3A_149 : memref<1x80x128xf32, #tpu.memory_space<hbm>> -> memref<80x128xf32, #tpu.memory_space<hbm>>
      %dma_start3A_151 = arith.constant 0 : i32
      %dma_start3A_152 = tpu.memref_slice %arg6[%arg0, %add3A_134, %dma_start3A_151] : memref<2x10240x128xf32, #tpu.memory_space<hbm>> -> memref<1x80x128xf32, #tpu.memory_space<hbm>>
      %dma_start3A_153 = tpu.memref_squeeze %dma_start3A_152 : memref<1x80x128xf32, #tpu.memory_space<hbm>> -> memref<80x128xf32, #tpu.memory_space<hbm>>
      %dma_start3A_154 = arith.constant 0 : i32
      %dma_start3A_155 = arith.constant 0 : i32
      %dma_start3A_156 = tpu.memref_slice %arg9[%run_scoped3A_135, %dma_start3A_154, %dma_start3A_155] : memref<2x80x128xf32, #tpu.memory_space<vmem>> -> memref<1x80x128xf32, #tpu.memory_space<vmem>>
      %dma_start3A_157 = tpu.memref_squeeze %dma_start3A_156 : memref<1x80x128xf32, #tpu.memory_space<vmem>> -> memref<80x128xf32, #tpu.memory_space<vmem>>
      tpu.enqueue_dma source(%dma_start3A_157 : memref<80x128xf32, #tpu.memory_space<vmem>>) target(%dma_start3A_153 : memref<80x128xf32, #tpu.memory_space<hbm>>) target_semaphore(%run_scoped3A_144 : memref<!tpu.dma_semaphore, #tpu.memory_space<semaphore_mem>>)
      %dma_wait3A_158 = arith.constant 0 : i32
      %dma_wait3A_159 = arith.constant 0 : i32
      %dma_wait3A_160 = tpu.memref_slice %arg9[%run_scoped3A_135, %dma_wait3A_158, %dma_wait3A_159] : memref<2x80x128xf32, #tpu.memory_space<vmem>> -> memref<1x80x128xf32, #tpu.memory_space<vmem>>
      %dma_wait3A_161 = tpu.memref_squeeze %dma_wait3A_160 : memref<1x80x128xf32, #tpu.memory_space<vmem>> -> memref<80x128xf32, #tpu.memory_space<vmem>>
      %dma_wait3A_162 = arith.constant 0 : i32
      %dma_wait3A_163 = tpu.memref_slice %arg6[%arg0, %add3A_134, %dma_wait3A_162] : memref<2x10240x128xf32, #tpu.memory_space<hbm>> -> memref<1x80x128xf32, #tpu.memory_space<hbm>>
      %dma_wait3A_164 = tpu.memref_squeeze %dma_wait3A_163 : memref<1x80x128xf32, #tpu.memory_space<hbm>> -> memref<80x128xf32, #tpu.memory_space<hbm>>
      %dma_wait3A_165 = arith.constant 0 : i32
      %dma_wait3A_166 = tpu.memref_slice %arg6[%arg0, %add3A_134, %dma_wait3A_165] : memref<2x10240x128xf32, #tpu.memory_space<hbm>> -> memref<1x80x128xf32, #tpu.memory_space<hbm>>
      %dma_wait3A_167 = tpu.memref_squeeze %dma_wait3A_166 : memref<1x80x128xf32, #tpu.memory_space<hbm>> -> memref<80x128xf32, #tpu.memory_space<hbm>>
      %dma_wait3A_168 = arith.constant 0 : i32
      %dma_wait3A_169 = arith.constant 0 : i32
      %dma_wait3A_170 = tpu.memref_slice %arg9[%run_scoped3A_135, %dma_wait3A_168, %dma_wait3A_169] : memref<2x80x128xf32, #tpu.memory_space<vmem>> -> memref<1x80x128xf32, #tpu.memory_space<vmem>>
      %dma_wait3A_171 = tpu.memref_squeeze %dma_wait3A_170 : memref<1x80x128xf32, #tpu.memory_space<vmem>> -> memref<80x128xf32, #tpu.memory_space<vmem>>
      tpu.wait_dma2 semaphore(%run_scoped3A_144 : memref<!tpu.dma_semaphore, #tpu.memory_space<semaphore_mem>>) src(%dma_wait3A_171 : memref<80x128xf32, #tpu.memory_space<vmem>>) dst(%dma_wait3A_167 : memref<80x128xf32, #tpu.memory_space<hbm>>)
      tpu.yield
    }) : () -> ()
    %add3A_136 = arith.constant 560 : i32
    %add3A_137 = arith.addi %mul3A_2, %add3A_136 : i32
    %run_scoped3A_138 = arith.constant 0 : i32
    "tpu.region"() ({
      %run_scoped3A_144 = tpu.sem_alloc : memref<!tpu.dma_semaphore, #tpu.memory_space<semaphore_mem>>
      %dma_start3A = arith.constant 0 : i32
      %dma_start3A_145 = tpu.memref_slice %arg8[%run_scoped3A_138, %dma_start3A] : memref<2x80xi32, #tpu.memory_space<vmem>> -> memref<1x80xi32, #tpu.memory_space<vmem>>
      %dma_start3A_146 = tpu.memref_squeeze %dma_start3A_145 : memref<1x80xi32, #tpu.memory_space<vmem>> -> memref<80xi32, #tpu.memory_space<vmem>>
      %dma_start3A_147 = tpu.memref_slice %arg5[%add3A_137] : memref<10240xi32, #tpu.memory_space<hbm>> -> memref<80xi32, #tpu.memory_space<hbm>>
      %dma_start3A_148 = arith.constant 0 : i32
      %dma_start3A_149 = tpu.memref_slice %arg8[%run_scoped3A_138, %dma_start3A_148] : memref<2x80xi32, #tpu.memory_space<vmem>> -> memref<1x80xi32, #tpu.memory_space<vmem>>
      %dma_start3A_150 = tpu.memref_squeeze %dma_start3A_149 : memref<1x80xi32, #tpu.memory_space<vmem>> -> memref<80xi32, #tpu.memory_space<vmem>>
      %dma_start3A_151 = tpu.memref_slice %arg5[%add3A_137] : memref<10240xi32, #tpu.memory_space<hbm>> -> memref<80xi32, #tpu.memory_space<hbm>>
      tpu.enqueue_dma source(%dma_start3A_151 : memref<80xi32, #tpu.memory_space<hbm>>) target(%dma_start3A_150 : memref<80xi32, #tpu.memory_space<vmem>>) target_semaphore(%run_scoped3A_144 : memref<!tpu.dma_semaphore, #tpu.memory_space<semaphore_mem>>)
      %dma_wait3A_152 = arith.constant 0 : i32
      %dma_wait3A_153 = tpu.memref_slice %arg8[%run_scoped3A_138, %dma_wait3A_152] : memref<2x80xi32, #tpu.memory_space<vmem>> -> memref<1x80xi32, #tpu.memory_space<vmem>>
      %dma_wait3A_154 = tpu.memref_squeeze %dma_wait3A_153 : memref<1x80xi32, #tpu.memory_space<vmem>> -> memref<80xi32, #tpu.memory_space<vmem>>
      %dma_wait3A_155 = tpu.memref_slice %arg5[%add3A_137] : memref<10240xi32, #tpu.memory_space<hbm>> -> memref<80xi32, #tpu.memory_space<hbm>>
      %dma_wait3A_156 = arith.constant 0 : i32
      %dma_wait3A_157 = tpu.memref_slice %arg8[%run_scoped3A_138, %dma_wait3A_156] : memref<2x80xi32, #tpu.memory_space<vmem>> -> memref<1x80xi32, #tpu.memory_space<vmem>>
      %dma_wait3A_158 = tpu.memref_squeeze %dma_wait3A_157 : memref<1x80xi32, #tpu.memory_space<vmem>> -> memref<80xi32, #tpu.memory_space<vmem>>
      %dma_wait3A_159 = tpu.memref_slice %arg5[%add3A_137] : memref<10240xi32, #tpu.memory_space<hbm>> -> memref<80xi32, #tpu.memory_space<hbm>>
      tpu.wait_dma2 semaphore(%run_scoped3A_144 : memref<!tpu.dma_semaphore, #tpu.memory_space<semaphore_mem>>) src(%dma_wait3A_159 : memref<80xi32, #tpu.memory_space<hbm>>) dst(%dma_wait3A_158 : memref<80xi32, #tpu.memory_space<vmem>>)
      tpu.yield
    }) : () -> ()
    %run_scoped3A_139 = arith.constant 0 : i32
    %run_scoped3A_140 = arith.constant 0 : i32
    "tpu.region"() ({
      %run_scoped3A_144 = tpu.sem_alloc : memref<!tpu.dma_semaphore, #tpu.memory_space<semaphore_mem>>
      %dma_start3A = arith.constant 0 : i32
      %dma_start3A_145 = arith.constant 0 : i32
      %dma_start3A_146 = tpu.memref_slice %arg9[%run_scoped3A_140, %dma_start3A, %dma_start3A_145] : memref<2x80x128xf32, #tpu.memory_space<vmem>> -> memref<1x80x128xf32, #tpu.memory_space<vmem>>
      %dma_start3A_147 = tpu.memref_squeeze %dma_start3A_146 : memref<1x80x128xf32, #tpu.memory_space<vmem>> -> memref<80x128xf32, #tpu.memory_space<vmem>>
      %dma_start3A_148 = arith.constant 0 : i32
      %dma_start3A_149 = tpu.memref_slice %arg8[%run_scoped3A_139, %dma_start3A_148] : memref<2x80xi32, #tpu.memory_space<vmem>> -> memref<1x80xi32, #tpu.memory_space<vmem>>
      %dma_start3A_150 = tpu.memref_squeeze %dma_start3A_149 : memref<1x80xi32, #tpu.memory_space<vmem>> -> memref<80xi32, #tpu.memory_space<vmem>>
      %dma_start3A_151 = arith.constant 0 : i32
      %dma_start3A_152 = arith.constant 0 : i32
      %dma_start3A_153 = tpu.memref_slice %arg7[%dma_start3A_151, %dma_start3A_152] : memref<10240x128xf32, #tpu.memory_space<vmem_shared>> -> memref<10240x128xf32, #tpu.memory_space<vmem_shared>>
      tpu.enqueue_indirect_dma source(%dma_start3A_153 : memref<10240x128xf32, #tpu.memory_space<vmem_shared>>) target(%dma_start3A_147 : memref<80x128xf32, #tpu.memory_space<vmem>>) offsets(%dma_start3A_150 : memref<80xi32, #tpu.memory_space<vmem>>) semaphore(%run_scoped3A_144 : memref<!tpu.dma_semaphore, #tpu.memory_space<semaphore_mem>>)
      %dma_wait3A_154 = arith.constant 0 : i32
      %dma_wait3A_155 = arith.constant 0 : i32
      %dma_wait3A_156 = tpu.memref_slice %arg9[%run_scoped3A_140, %dma_wait3A_154, %dma_wait3A_155] : memref<2x80x128xf32, #tpu.memory_space<vmem>> -> memref<1x80x128xf32, #tpu.memory_space<vmem>>
      %dma_wait3A_157 = tpu.memref_squeeze %dma_wait3A_156 : memref<1x80x128xf32, #tpu.memory_space<vmem>> -> memref<80x128xf32, #tpu.memory_space<vmem>>
      %dma_wait3A_158 = arith.constant 0 : i32
      %dma_wait3A_159 = tpu.memref_slice %arg8[%run_scoped3A_139, %dma_wait3A_158] : memref<2x80xi32, #tpu.memory_space<vmem>> -> memref<1x80xi32, #tpu.memory_space<vmem>>
      %dma_wait3A_160 = tpu.memref_squeeze %dma_wait3A_159 : memref<1x80xi32, #tpu.memory_space<vmem>> -> memref<80xi32, #tpu.memory_space<vmem>>
      %dma_wait3A_161 = arith.constant 0 : i32
      %dma_wait3A_162 = arith.constant 0 : i32
      %dma_wait3A_163 = tpu.memref_slice %arg7[%dma_wait3A_161, %dma_wait3A_162] : memref<10240x128xf32, #tpu.memory_space<vmem_shared>> -> memref<10240x128xf32, #tpu.memory_space<vmem_shared>>
      tpu.wait_indirect_dma semaphore(%run_scoped3A_144 : memref<!tpu.dma_semaphore, #tpu.memory_space<semaphore_mem>>) src(%dma_wait3A_163 : memref<10240x128xf32, #tpu.memory_space<vmem_shared>>) dst(%dma_wait3A_157 : memref<80x128xf32, #tpu.memory_space<vmem>>)
      tpu.yield
    }) : () -> ()
    %add3A_141 = arith.constant 560 : i32
    %add3A_142 = arith.addi %mul3A_2, %add3A_141 : i32
    %run_scoped3A_143 = arith.constant 0 : i32
    "tpu.region"() ({
      %run_scoped3A_144 = tpu.sem_alloc : memref<!tpu.dma_semaphore, #tpu.memory_space<semaphore_mem>>
      %dma_start3A = arith.constant 0 : i32
      %dma_start3A_145 = arith.constant 0 : i32
      %dma_start3A_146 = tpu.memref_slice %arg9[%run_scoped3A_143, %dma_start3A, %dma_start3A_145] : memref<2x80x128xf32, #tpu.memory_space<vmem>> -> memref<1x80x128xf32, #tpu.memory_space<vmem>>
      %dma_start3A_147 = tpu.memref_squeeze %dma_start3A_146 : memref<1x80x128xf32, #tpu.memory_space<vmem>> -> memref<80x128xf32, #tpu.memory_space<vmem>>
      %dma_start3A_148 = arith.constant 0 : i32
      %dma_start3A_149 = tpu.memref_slice %arg6[%arg0, %add3A_142, %dma_start3A_148] : memref<2x10240x128xf32, #tpu.memory_space<hbm>> -> memref<1x80x128xf32, #tpu.memory_space<hbm>>
      %dma_start3A_150 = tpu.memref_squeeze %dma_start3A_149 : memref<1x80x128xf32, #tpu.memory_space<hbm>> -> memref<80x128xf32, #tpu.memory_space<hbm>>
      %dma_start3A_151 = arith.constant 0 : i32
      %dma_start3A_152 = tpu.memref_slice %arg6[%arg0, %add3A_142, %dma_start3A_151] : memref<2x10240x128xf32, #tpu.memory_space<hbm>> -> memref<1x80x128xf32, #tpu.memory_space<hbm>>
      %dma_start3A_153 = tpu.memref_squeeze %dma_start3A_152 : memref<1x80x128xf32, #tpu.memory_space<hbm>> -> memref<80x128xf32, #tpu.memory_space<hbm>>
      %dma_start3A_154 = arith.constant 0 : i32
      %dma_start3A_155 = arith.constant 0 : i32
      %dma_start3A_156 = tpu.memref_slice %arg9[%run_scoped3A_143, %dma_start3A_154, %dma_start3A_155] : memref<2x80x128xf32, #tpu.memory_space<vmem>> -> memref<1x80x128xf32, #tpu.memory_space<vmem>>
      %dma_start3A_157 = tpu.memref_squeeze %dma_start3A_156 : memref<1x80x128xf32, #tpu.memory_space<vmem>> -> memref<80x128xf32, #tpu.memory_space<vmem>>
      tpu.enqueue_dma source(%dma_start3A_157 : memref<80x128xf32, #tpu.memory_space<vmem>>) target(%dma_start3A_153 : memref<80x128xf32, #tpu.memory_space<hbm>>) target_semaphore(%run_scoped3A_144 : memref<!tpu.dma_semaphore, #tpu.memory_space<semaphore_mem>>)
      %dma_wait3A_158 = arith.constant 0 : i32
      %dma_wait3A_159 = arith.constant 0 : i32
      %dma_wait3A_160 = tpu.memref_slice %arg9[%run_scoped3A_143, %dma_wait3A_158, %dma_wait3A_159] : memref<2x80x128xf32, #tpu.memory_space<vmem>> -> memref<1x80x128xf32, #tpu.memory_space<vmem>>
      %dma_wait3A_161 = tpu.memref_squeeze %dma_wait3A_160 : memref<1x80x128xf32, #tpu.memory_space<vmem>> -> memref<80x128xf32, #tpu.memory_space<vmem>>
      %dma_wait3A_162 = arith.constant 0 : i32
      %dma_wait3A_163 = tpu.memref_slice %arg6[%arg0, %add3A_142, %dma_wait3A_162] : memref<2x10240x128xf32, #tpu.memory_space<hbm>> -> memref<1x80x128xf32, #tpu.memory_space<hbm>>
      %dma_wait3A_164 = tpu.memref_squeeze %dma_wait3A_163 : memref<1x80x128xf32, #tpu.memory_space<hbm>> -> memref<80x128xf32, #tpu.memory_space<hbm>>
      %dma_wait3A_165 = arith.constant 0 : i32
      %dma_wait3A_166 = tpu.memref_slice %arg6[%arg0, %add3A_142, %dma_wait3A_165] : memref<2x10240x128xf32, #tpu.memory_space<hbm>> -> memref<1x80x128xf32, #tpu.memory_space<hbm>>
      %dma_wait3A_167 = tpu.memref_squeeze %dma_wait3A_166 : memref<1x80x128xf32, #tpu.memory_space<hbm>> -> memref<80x128xf32, #tpu.memory_space<hbm>>
      %dma_wait3A_168 = arith.constant 0 : i32
      %dma_wait3A_169 = arith.constant 0 : i32
      %dma_wait3A_170 = tpu.memref_slice %arg9[%run_scoped3A_143, %dma_wait3A_168, %dma_wait3A_169] : memref<2x80x128xf32, #tpu.memory_space<vmem>> -> memref<1x80x128xf32, #tpu.memory_space<vmem>>
      %dma_wait3A_171 = tpu.memref_squeeze %dma_wait3A_170 : memref<1x80x128xf32, #tpu.memory_space<vmem>> -> memref<80x128xf32, #tpu.memory_space<vmem>>
      tpu.wait_dma2 semaphore(%run_scoped3A_144 : memref<!tpu.dma_semaphore, #tpu.memory_space<semaphore_mem>>) src(%dma_wait3A_171 : memref<80x128xf32, #tpu.memory_space<vmem>>) dst(%dma_wait3A_167 : memref<80x128xf32, #tpu.memory_space<hbm>>)
      tpu.yield
    }) : () -> ()
    return
  }
}

#map = affine_map<(d0, d1) -> (0, 0)>
#map1 = affine_map<(d0, d1) -> (0)>
#map2 = affine_map<(d0, d1) -> (0, 0, 0)>
module attributes {stable_mosaic.version = 14 : i64} {
  func.func @_scatter_body(%arg0: i32, %arg1: i32, %arg2: memref<320000x128xf32, #tpu.memory_space<hbm>>, %arg3: memref<320000xi32, #tpu.memory_space<hbm>>, %arg4: memref<10240x128xf32, #tpu.memory_space<hbm>>, %arg5: memref<10240xi32, #tpu.memory_space<hbm>>, %arg6: memref<2x10240x128xf32, #tpu.memory_space<hbm>>, %arg7: memref<10240x128xf32, #tpu.memory_space<vmem_shared>>, %arg8: memref<2x80xi32, #tpu.memory_space<vmem>>, %arg9: memref<2x80x128xf32, #tpu.memory_space<vmem>>, %arg10: memref<2x!tpu.dma_semaphore, #tpu.memory_space<semaphore_mem>>, %arg11: memref<2x!tpu.dma_semaphore, #tpu.memory_space<semaphore_mem>>, %arg12: memref<2x!tpu.dma_semaphore, #tpu.memory_space<semaphore_mem>>) attributes {dimension_semantics = [#tpu.dimension_semantics<core_parallel>, #tpu.dimension_semantics<subcore_parallel>], iteration_bounds = array<i64: 2, 16>, scalar_prefetch = 0 : i64, scratch_operands = 6 : i64, tpu.core_type = #tpu.core_type<sc_vector_subcore>, window_params = [{transform_indices = #map}, {transform_indices = #map1}, {transform_indices = #map}, {transform_indices = #map1}, {transform_indices = #map2}]} {
    %mul3A = arith.constant 2 : i32
    %mul3A_0 = arith.muli %arg1, %mul3A : i32
    %add3A = arith.addi %mul3A_0, %arg0 : i32
    %mul3A_1 = arith.constant 640 : i32
    %mul3A_2 = arith.muli %arg1, %mul3A_1 : i32
    %run_scoped3A = arith.constant 0 : i32
    "tpu.region"() ({
      %run_scoped3A_144 = tpu.sem_alloc : memref<!tpu.dma_semaphore, #tpu.memory_space<semaphore_mem>>
      %dma_start3A = arith.constant 0 : i32
      %dma_start3A_145 = arith.constant 0 : i32
      %dma_start3A_146 = tpu.memref_slice %arg9[%run_scoped3A, %dma_start3A, %dma_start3A_145] : memref<2x80x128xf32, #tpu.memory_space<vmem>> -> memref<1x80x128xf32, #tpu.memory_space<vmem>>
      %dma_start3A_147 = tpu.memref_squeeze %dma_start3A_146 : memref<1x80x128xf32, #tpu.memory_space<vmem>> -> memref<80x128xf32, #tpu.memory_space<vmem>>
      %dma_start3A_148 = arith.constant 0 : i32
      %dma_start3A_149 = arith.constant 0 : i32
      %dma_start3A_150 = tpu.memref_slice %arg4[%dma_start3A_148, %dma_start3A_149] : memref<10240x128xf32, #tpu.memory_space<hbm>> -> memref<80x128xf32, #tpu.memory_space<hbm>>
      %dma_start3A_151 = arith.constant 0 : i32
      %dma_start3A_152 = arith.constant 0 : i32
      %dma_start3A_153 = tpu.memref_slice %arg9[%run_scoped3A, %dma_start3A_151, %dma_start3A_152] : memref<2x80x128xf32, #tpu.memory_space<vmem>> -> memref<1x80x128xf32, #tpu.memory_space<vmem>>
      %dma_start3A_154 = tpu.memref_squeeze %dma_start3A_153 : memref<1x80x128xf32, #tpu.memory_space<vmem>> -> memref<80x128xf32, #tpu.memory_space<vmem>>
      %dma_start3A_155 = arith.constant 0 : i32
      %dma_start3A_156 = arith.constant 0 : i32
      %dma_start3A_157 = tpu.memref_slice %arg4[%dma_start3A_155, %dma_start3A_156] : memref<10240x128xf32, #tpu.memory_space<hbm>> -> memref<80x128xf32, #tpu.memory_space<hbm>>
      tpu.enqueue_dma source(%dma_start3A_157 : memref<80x128xf32, #tpu.memory_space<hbm>>) target(%dma_start3A_154 : memref<80x128xf32, #tpu.memory_space<vmem>>) target_semaphore(%run_scoped3A_144 : memref<!tpu.dma_semaphore, #tpu.memory_space<semaphore_mem>>)
      %dma_wait3A_158 = arith.constant 0 : i32
      %dma_wait3A_159 = arith.constant 0 : i32
      %dma_wait3A_160 = tpu.memref_slice %arg9[%run_scoped3A, %dma_wait3A_158, %dma_wait3A_159] : memref<2x80x128xf32, #tpu.memory_space<vmem>> -> memref<1x80x128xf32, #tpu.memory_space<vmem>>
      %dma_wait3A_161 = tpu.memref_squeeze %dma_wait3A_160 : memref<1x80x128xf32, #tpu.memory_space<vmem>> -> memref<80x128xf32, #tpu.memory_space<vmem>>
      %dma_wait3A_162 = arith.constant 0 : i32
      %dma_wait3A_163 = arith.constant 0 : i32
      %dma_wait3A_164 = tpu.memref_slice %arg4[%dma_wait3A_162, %dma_wait3A_163] : memref<10240x128xf32, #tpu.memory_space<hbm>> -> memref<80x128xf32, #tpu.memory_space<hbm>>
      %dma_wait3A_165 = arith.constant 0 : i32
      %dma_wait3A_166 = arith.constant 0 : i32
      %dma_wait3A_167 = tpu.memref_slice %arg9[%run_scoped3A, %dma_wait3A_165, %dma_wait3A_166] : memref<2x80x128xf32, #tpu.memory_space<vmem>> -> memref<1x80x128xf32, #tpu.memory_space<vmem>>
      %dma_wait3A_168 = tpu.memref_squeeze %dma_wait3A_167 : memref<1x80x128xf32, #tpu.memory_space<vmem>> -> memref<80x128xf32, #tpu.memory_space<vmem>>
      %dma_wait3A_169 = arith.constant 0 : i32
      %dma_wait3A_170 = arith.constant 0 : i32
      %dma_wait3A_171 = tpu.memref_slice %arg4[%dma_wait3A_169, %dma_wait3A_170] : memref<10240x128xf32, #tpu.memory_space<hbm>> -> memref<80x128xf32, #tpu.memory_space<hbm>>
      tpu.wait_dma2 semaphore(%run_scoped3A_144 : memref<!tpu.dma_semaphore, #tpu.memory_space<semaphore_mem>>) src(%dma_wait3A_171 : memref<80x128xf32, #tpu.memory_space<hbm>>) dst(%dma_wait3A_168 : memref<80x128xf32, #tpu.memory_space<vmem>>)
      tpu.yield
    }) : () -> ()
    %add3A_3 = arith.constant 0 : i32
    %add3A_4 = arith.addi %mul3A_2, %add3A_3 : i32
    %run_scoped3A_5 = arith.constant 0 : i32
    "tpu.region"() ({
      %run_scoped3A_144 = tpu.sem_alloc : memref<!tpu.dma_semaphore, #tpu.memory_space<semaphore_mem>>
      %dma_start3A = arith.constant 0 : i32
      %dma_start3A_145 = tpu.memref_slice %arg8[%run_scoped3A_5, %dma_start3A] : memref<2x80xi32, #tpu.memory_space<vmem>> -> memref<1x80xi32, #tpu.memory_space<vmem>>
      %dma_start3A_146 = tpu.memref_squeeze %dma_start3A_145 : memref<1x80xi32, #tpu.memory_space<vmem>> -> memref<80xi32, #tpu.memory_space<vmem>>
      %dma_start3A_147 = tpu.memref_slice %arg5[%add3A_4] : memref<10240xi32, #tpu.memory_space<hbm>> -> memref<80xi32, #tpu.memory_space<hbm>>
      %dma_start3A_148 = arith.constant 0 : i32
      %dma_start3A_149 = tpu.memref_slice %arg8[%run_scoped3A_5, %dma_start3A_148] : memref<2x80xi32, #tpu.memory_space<vmem>> -> memref<1x80xi32, #tpu.memory_space<vmem>>
      %dma_start3A_150 = tpu.memref_squeeze %dma_start3A_149 : memref<1x80xi32, #tpu.memory_space<vmem>> -> memref<80xi32, #tpu.memory_space<vmem>>
      %dma_start3A_151 = tpu.memref_slice %arg5[%add3A_4] : memref<10240xi32, #tpu.memory_space<hbm>> -> memref<80xi32, #tpu.memory_space<hbm>>
      tpu.enqueue_dma source(%dma_start3A_151 : memref<80xi32, #tpu.memory_space<hbm>>) target(%dma_start3A_150 : memref<80xi32, #tpu.memory_space<vmem>>) target_semaphore(%run_scoped3A_144 : memref<!tpu.dma_semaphore, #tpu.memory_space<semaphore_mem>>)
      %dma_wait3A_152 = arith.constant 0 : i32
      %dma_wait3A_153 = tpu.memref_slice %arg8[%run_scoped3A_5, %dma_wait3A_152] : memref<2x80xi32, #tpu.memory_space<vmem>> -> memref<1x80xi32, #tpu.memory_space<vmem>>
      %dma_wait3A_154 = tpu.memref_squeeze %dma_wait3A_153 : memref<1x80xi32, #tpu.memory_space<vmem>> -> memref<80xi32, #tpu.memory_space<vmem>>
      %dma_wait3A_155 = tpu.memref_slice %arg5[%add3A_4] : memref<10240xi32, #tpu.memory_space<hbm>> -> memref<80xi32, #tpu.memory_space<hbm>>
      %dma_wait3A_156 = arith.constant 0 : i32
      %dma_wait3A_157 = tpu.memref_slice %arg8[%run_scoped3A_5, %dma_wait3A_156] : memref<2x80xi32, #tpu.memory_space<vmem>> -> memref<1x80xi32, #tpu.memory_space<vmem>>
      %dma_wait3A_158 = tpu.memref_squeeze %dma_wait3A_157 : memref<1x80xi32, #tpu.memory_space<vmem>> -> memref<80xi32, #tpu.memory_space<vmem>>
      %dma_wait3A_159 = tpu.memref_slice %arg5[%add3A_4] : memref<10240xi32, #tpu.memory_space<hbm>> -> memref<80xi32, #tpu.memory_space<hbm>>
      tpu.wait_dma2 semaphore(%run_scoped3A_144 : memref<!tpu.dma_semaphore, #tpu.memory_space<semaphore_mem>>) src(%dma_wait3A_159 : memref<80xi32, #tpu.memory_space<hbm>>) dst(%dma_wait3A_158 : memref<80xi32, #tpu.memory_space<vmem>>)
      tpu.yield
    }) : () -> ()
    %run_scoped3A_6 = arith.constant 0 : i32
    %run_scoped3A_7 = arith.constant 0 : i32
    "tpu.region"() ({
      %run_scoped3A_144 = tpu.sem_alloc : memref<!tpu.dma_semaphore, #tpu.memory_space<semaphore_mem>>
      %dma_start3A = arith.constant 0 : i32
      %dma_start3A_145 = arith.constant 0 : i32
      %dma_start3A_146 = tpu.memref_slice %arg9[%run_scoped3A_6, %dma_start3A, %dma_start3A_145] : memref<2x80x128xf32, #tpu.memory_space<vmem>> -> memref<1x80x128xf32, #tpu.memory_space<vmem>>
      %dma_start3A_147 = tpu.memref_squeeze %dma_start3A_146 : memref<1x80x128xf32, #tpu.memory_space<vmem>> -> memref<80x128xf32, #tpu.memory_space<vmem>>
      %dma_start3A_148 = arith.constant 0 : i32
      %dma_start3A_149 = tpu.memref_slice %arg8[%run_scoped3A_7, %dma_start3A_148] : memref<2x80xi32, #tpu.memory_space<vmem>> -> memref<1x80xi32, #tpu.memory_space<vmem>>
      %dma_start3A_150 = tpu.memref_squeeze %dma_start3A_149 : memref<1x80xi32, #tpu.memory_space<vmem>> -> memref<80xi32, #tpu.memory_space<vmem>>
      %dma_start3A_151 = arith.constant 0 : i32
      %dma_start3A_152 = arith.constant 0 : i32
      %dma_start3A_153 = tpu.memref_slice %arg7[%dma_start3A_151, %dma_start3A_152] : memref<10240x128xf32, #tpu.memory_space<vmem_shared>> -> memref<10240x128xf32, #tpu.memory_space<vmem_shared>>
      tpu.enqueue_indirect_dma source(%dma_start3A_147 : memref<80x128xf32, #tpu.memory_space<vmem>>) target(%dma_start3A_153 : memref<10240x128xf32, #tpu.memory_space<vmem_shared>>) offsets(%dma_start3A_150 : memref<80xi32, #tpu.memory_space<vmem>>) semaphore(%run_scoped3A_144 : memref<!tpu.dma_semaphore, #tpu.memory_space<semaphore_mem>>)
      %dma_wait3A_154 = arith.constant 0 : i32
      %dma_wait3A_155 = arith.constant 0 : i32
      %dma_wait3A_156 = tpu.memref_slice %arg9[%run_scoped3A_6, %dma_wait3A_154, %dma_wait3A_155] : memref<2x80x128xf32, #tpu.memory_space<vmem>> -> memref<1x80x128xf32, #tpu.memory_space<vmem>>
      %dma_wait3A_157 = tpu.memref_squeeze %dma_wait3A_156 : memref<1x80x128xf32, #tpu.memory_space<vmem>> -> memref<80x128xf32, #tpu.memory_space<vmem>>
      %dma_wait3A_158 = arith.constant 0 : i32
      %dma_wait3A_159 = tpu.memref_slice %arg8[%run_scoped3A_7, %dma_wait3A_158] : memref<2x80xi32, #tpu.memory_space<vmem>> -> memref<1x80xi32, #tpu.memory_space<vmem>>
      %dma_wait3A_160 = tpu.memref_squeeze %dma_wait3A_159 : memref<1x80xi32, #tpu.memory_space<vmem>> -> memref<80xi32, #tpu.memory_space<vmem>>
      %dma_wait3A_161 = arith.constant 0 : i32
      %dma_wait3A_162 = arith.constant 0 : i32
      %dma_wait3A_163 = tpu.memref_slice %arg7[%dma_wait3A_161, %dma_wait3A_162] : memref<10240x128xf32, #tpu.memory_space<vmem_shared>> -> memref<10240x128xf32, #tpu.memory_space<vmem_shared>>
      tpu.wait_indirect_dma semaphore(%run_scoped3A_144 : memref<!tpu.dma_semaphore, #tpu.memory_space<semaphore_mem>>) src(%dma_wait3A_157 : memref<80x128xf32, #tpu.memory_space<vmem>>) dst(%dma_wait3A_163 : memref<10240x128xf32, #tpu.memory_space<vmem_shared>>)
      tpu.yield
    }) : () -> ()
    %add3A_8 = arith.constant 80 : i32
    %add3A_9 = arith.addi %mul3A_2, %add3A_8 : i32
    %run_scoped3A_10 = arith.constant 0 : i32
    "tpu.region"() ({
      %run_scoped3A_144 = tpu.sem_alloc : memref<!tpu.dma_semaphore, #tpu.memory_space<semaphore_mem>>
      %dma_start3A = arith.constant 0 : i32
      %dma_start3A_145 = tpu.memref_slice %arg8[%run_scoped3A_10, %dma_start3A] : memref<2x80xi32, #tpu.memory_space<vmem>> -> memref<1x80xi32, #tpu.memory_space<vmem>>
      %dma_start3A_146 = tpu.memref_squeeze %dma_start3A_145 : memref<1x80xi32, #tpu.memory_space<vmem>> -> memref<80xi32, #tpu.memory_space<vmem>>
      %dma_start3A_147 = tpu.memref_slice %arg5[%add3A_9] : memref<10240xi32, #tpu.memory_space<hbm>> -> memref<80xi32, #tpu.memory_space<hbm>>
      %dma_start3A_148 = arith.constant 0 : i32
      %dma_start3A_149 = tpu.memref_slice %arg8[%run_scoped3A_10, %dma_start3A_148] : memref<2x80xi32, #tpu.memory_space<vmem>> -> memref<1x80xi32, #tpu.memory_space<vmem>>
      %dma_start3A_150 = tpu.memref_squeeze %dma_start3A_149 : memref<1x80xi32, #tpu.memory_space<vmem>> -> memref<80xi32, #tpu.memory_space<vmem>>
      %dma_start3A_151 = tpu.memref_slice %arg5[%add3A_9] : memref<10240xi32, #tpu.memory_space<hbm>> -> memref<80xi32, #tpu.memory_space<hbm>>
      tpu.enqueue_dma source(%dma_start3A_151 : memref<80xi32, #tpu.memory_space<hbm>>) target(%dma_start3A_150 : memref<80xi32, #tpu.memory_space<vmem>>) target_semaphore(%run_scoped3A_144 : memref<!tpu.dma_semaphore, #tpu.memory_space<semaphore_mem>>)
      %dma_wait3A_152 = arith.constant 0 : i32
      %dma_wait3A_153 = tpu.memref_slice %arg8[%run_scoped3A_10, %dma_wait3A_152] : memref<2x80xi32, #tpu.memory_space<vmem>> -> memref<1x80xi32, #tpu.memory_space<vmem>>
      %dma_wait3A_154 = tpu.memref_squeeze %dma_wait3A_153 : memref<1x80xi32, #tpu.memory_space<vmem>> -> memref<80xi32, #tpu.memory_space<vmem>>
      %dma_wait3A_155 = tpu.memref_slice %arg5[%add3A_9] : memref<10240xi32, #tpu.memory_space<hbm>> -> memref<80xi32, #tpu.memory_space<hbm>>
      %dma_wait3A_156 = arith.constant 0 : i32
      %dma_wait3A_157 = tpu.memref_slice %arg8[%run_scoped3A_10, %dma_wait3A_156] : memref<2x80xi32, #tpu.memory_space<vmem>> -> memref<1x80xi32, #tpu.memory_space<vmem>>
      %dma_wait3A_158 = tpu.memref_squeeze %dma_wait3A_157 : memref<1x80xi32, #tpu.memory_space<vmem>> -> memref<80xi32, #tpu.memory_space<vmem>>
      %dma_wait3A_159 = tpu.memref_slice %arg5[%add3A_9] : memref<10240xi32, #tpu.memory_space<hbm>> -> memref<80xi32, #tpu.memory_space<hbm>>
      tpu.wait_dma2 semaphore(%run_scoped3A_144 : memref<!tpu.dma_semaphore, #tpu.memory_space<semaphore_mem>>) src(%dma_wait3A_159 : memref<80xi32, #tpu.memory_space<hbm>>) dst(%dma_wait3A_158 : memref<80xi32, #tpu.memory_space<vmem>>)
      tpu.yield
    }) : () -> ()
    %run_scoped3A_11 = arith.constant 0 : i32
    %run_scoped3A_12 = arith.constant 0 : i32
    "tpu.region"() ({
      %run_scoped3A_144 = tpu.sem_alloc : memref<!tpu.dma_semaphore, #tpu.memory_space<semaphore_mem>>
      %dma_start3A = arith.constant 0 : i32
      %dma_start3A_145 = arith.constant 0 : i32
      %dma_start3A_146 = tpu.memref_slice %arg9[%run_scoped3A_11, %dma_start3A, %dma_start3A_145] : memref<2x80x128xf32, #tpu.memory_space<vmem>> -> memref<1x80x128xf32, #tpu.memory_space<vmem>>
      %dma_start3A_147 = tpu.memref_squeeze %dma_start3A_146 : memref<1x80x128xf32, #tpu.memory_space<vmem>> -> memref<80x128xf32, #tpu.memory_space<vmem>>
      %dma_start3A_148 = arith.constant 0 : i32
      %dma_start3A_149 = tpu.memref_slice %arg8[%run_scoped3A_12, %dma_start3A_148] : memref<2x80xi32, #tpu.memory_space<vmem>> -> memref<1x80xi32, #tpu.memory_space<vmem>>
      %dma_start3A_150 = tpu.memref_squeeze %dma_start3A_149 : memref<1x80xi32, #tpu.memory_space<vmem>> -> memref<80xi32, #tpu.memory_space<vmem>>
      %dma_start3A_151 = arith.constant 0 : i32
      %dma_start3A_152 = arith.constant 0 : i32
      %dma_start3A_153 = tpu.memref_slice %arg7[%dma_start3A_151, %dma_start3A_152] : memref<10240x128xf32, #tpu.memory_space<vmem_shared>> -> memref<10240x128xf32, #tpu.memory_space<vmem_shared>>
      tpu.enqueue_indirect_dma source(%dma_start3A_147 : memref<80x128xf32, #tpu.memory_space<vmem>>) target(%dma_start3A_153 : memref<10240x128xf32, #tpu.memory_space<vmem_shared>>) offsets(%dma_start3A_150 : memref<80xi32, #tpu.memory_space<vmem>>) semaphore(%run_scoped3A_144 : memref<!tpu.dma_semaphore, #tpu.memory_space<semaphore_mem>>)
      %dma_wait3A_154 = arith.constant 0 : i32
      %dma_wait3A_155 = arith.constant 0 : i32
      %dma_wait3A_156 = tpu.memref_slice %arg9[%run_scoped3A_11, %dma_wait3A_154, %dma_wait3A_155] : memref<2x80x128xf32, #tpu.memory_space<vmem>> -> memref<1x80x128xf32, #tpu.memory_space<vmem>>
      %dma_wait3A_157 = tpu.memref_squeeze %dma_wait3A_156 : memref<1x80x128xf32, #tpu.memory_space<vmem>> -> memref<80x128xf32, #tpu.memory_space<vmem>>
      %dma_wait3A_158 = arith.constant 0 : i32
      %dma_wait3A_159 = tpu.memref_slice %arg8[%run_scoped3A_12, %dma_wait3A_158] : memref<2x80xi32, #tpu.memory_space<vmem>> -> memref<1x80xi32, #tpu.memory_space<vmem>>
      %dma_wait3A_160 = tpu.memref_squeeze %dma_wait3A_159 : memref<1x80xi32, #tpu.memory_space<vmem>> -> memref<80xi32, #tpu.memory_space<vmem>>
      %dma_wait3A_161 = arith.constant 0 : i32
      %dma_wait3A_162 = arith.constant 0 : i32
      %dma_wait3A_163 = tpu.memref_slice %arg7[%dma_wait3A_161, %dma_wait3A_162] : memref<10240x128xf32, #tpu.memory_space<vmem_shared>> -> memref<10240x128xf32, #tpu.memory_space<vmem_shared>>
      tpu.wait_indirect_dma semaphore(%run_scoped3A_144 : memref<!tpu.dma_semaphore, #tpu.memory_space<semaphore_mem>>) src(%dma_wait3A_157 : memref<80x128xf32, #tpu.memory_space<vmem>>) dst(%dma_wait3A_163 : memref<10240x128xf32, #tpu.memory_space<vmem_shared>>)
      tpu.yield
    }) : () -> ()
    %add3A_13 = arith.constant 160 : i32
    %add3A_14 = arith.addi %mul3A_2, %add3A_13 : i32
    %run_scoped3A_15 = arith.constant 0 : i32
    "tpu.region"() ({
      %run_scoped3A_144 = tpu.sem_alloc : memref<!tpu.dma_semaphore, #tpu.memory_space<semaphore_mem>>
      %dma_start3A = arith.constant 0 : i32
      %dma_start3A_145 = tpu.memref_slice %arg8[%run_scoped3A_15, %dma_start3A] : memref<2x80xi32, #tpu.memory_space<vmem>> -> memref<1x80xi32, #tpu.memory_space<vmem>>
      %dma_start3A_146 = tpu.memref_squeeze %dma_start3A_145 : memref<1x80xi32, #tpu.memory_space<vmem>> -> memref<80xi32, #tpu.memory_space<vmem>>
      %dma_start3A_147 = tpu.memref_slice %arg5[%add3A_14] : memref<10240xi32, #tpu.memory_space<hbm>> -> memref<80xi32, #tpu.memory_space<hbm>>
      %dma_start3A_148 = arith.constant 0 : i32
      %dma_start3A_149 = tpu.memref_slice %arg8[%run_scoped3A_15, %dma_start3A_148] : memref<2x80xi32, #tpu.memory_space<vmem>> -> memref<1x80xi32, #tpu.memory_space<vmem>>
      %dma_start3A_150 = tpu.memref_squeeze %dma_start3A_149 : memref<1x80xi32, #tpu.memory_space<vmem>> -> memref<80xi32, #tpu.memory_space<vmem>>
      %dma_start3A_151 = tpu.memref_slice %arg5[%add3A_14] : memref<10240xi32, #tpu.memory_space<hbm>> -> memref<80xi32, #tpu.memory_space<hbm>>
      tpu.enqueue_dma source(%dma_start3A_151 : memref<80xi32, #tpu.memory_space<hbm>>) target(%dma_start3A_150 : memref<80xi32, #tpu.memory_space<vmem>>) target_semaphore(%run_scoped3A_144 : memref<!tpu.dma_semaphore, #tpu.memory_space<semaphore_mem>>)
      %dma_wait3A_152 = arith.constant 0 : i32
      %dma_wait3A_153 = tpu.memref_slice %arg8[%run_scoped3A_15, %dma_wait3A_152] : memref<2x80xi32, #tpu.memory_space<vmem>> -> memref<1x80xi32, #tpu.memory_space<vmem>>
      %dma_wait3A_154 = tpu.memref_squeeze %dma_wait3A_153 : memref<1x80xi32, #tpu.memory_space<vmem>> -> memref<80xi32, #tpu.memory_space<vmem>>
      %dma_wait3A_155 = tpu.memref_slice %arg5[%add3A_14] : memref<10240xi32, #tpu.memory_space<hbm>> -> memref<80xi32, #tpu.memory_space<hbm>>
      %dma_wait3A_156 = arith.constant 0 : i32
      %dma_wait3A_157 = tpu.memref_slice %arg8[%run_scoped3A_15, %dma_wait3A_156] : memref<2x80xi32, #tpu.memory_space<vmem>> -> memref<1x80xi32, #tpu.memory_space<vmem>>
      %dma_wait3A_158 = tpu.memref_squeeze %dma_wait3A_157 : memref<1x80xi32, #tpu.memory_space<vmem>> -> memref<80xi32, #tpu.memory_space<vmem>>
      %dma_wait3A_159 = tpu.memref_slice %arg5[%add3A_14] : memref<10240xi32, #tpu.memory_space<hbm>> -> memref<80xi32, #tpu.memory_space<hbm>>
      tpu.wait_dma2 semaphore(%run_scoped3A_144 : memref<!tpu.dma_semaphore, #tpu.memory_space<semaphore_mem>>) src(%dma_wait3A_159 : memref<80xi32, #tpu.memory_space<hbm>>) dst(%dma_wait3A_158 : memref<80xi32, #tpu.memory_space<vmem>>)
      tpu.yield
    }) : () -> ()
    %run_scoped3A_16 = arith.constant 0 : i32
    %run_scoped3A_17 = arith.constant 0 : i32
    "tpu.region"() ({
      %run_scoped3A_144 = tpu.sem_alloc : memref<!tpu.dma_semaphore, #tpu.memory_space<semaphore_mem>>
      %dma_start3A = arith.constant 0 : i32
      %dma_start3A_145 = arith.constant 0 : i32
      %dma_start3A_146 = tpu.memref_slice %arg9[%run_scoped3A_16, %dma_start3A, %dma_start3A_145] : memref<2x80x128xf32, #tpu.memory_space<vmem>> -> memref<1x80x128xf32, #tpu.memory_space<vmem>>
      %dma_start3A_147 = tpu.memref_squeeze %dma_start3A_146 : memref<1x80x128xf32, #tpu.memory_space<vmem>> -> memref<80x128xf32, #tpu.memory_space<vmem>>
      %dma_start3A_148 = arith.constant 0 : i32
      %dma_start3A_149 = tpu.memref_slice %arg8[%run_scoped3A_17, %dma_start3A_148] : memref<2x80xi32, #tpu.memory_space<vmem>> -> memref<1x80xi32, #tpu.memory_space<vmem>>
      %dma_start3A_150 = tpu.memref_squeeze %dma_start3A_149 : memref<1x80xi32, #tpu.memory_space<vmem>> -> memref<80xi32, #tpu.memory_space<vmem>>
      %dma_start3A_151 = arith.constant 0 : i32
      %dma_start3A_152 = arith.constant 0 : i32
      %dma_start3A_153 = tpu.memref_slice %arg7[%dma_start3A_151, %dma_start3A_152] : memref<10240x128xf32, #tpu.memory_space<vmem_shared>> -> memref<10240x128xf32, #tpu.memory_space<vmem_shared>>
      tpu.enqueue_indirect_dma source(%dma_start3A_147 : memref<80x128xf32, #tpu.memory_space<vmem>>) target(%dma_start3A_153 : memref<10240x128xf32, #tpu.memory_space<vmem_shared>>) offsets(%dma_start3A_150 : memref<80xi32, #tpu.memory_space<vmem>>) semaphore(%run_scoped3A_144 : memref<!tpu.dma_semaphore, #tpu.memory_space<semaphore_mem>>)
      %dma_wait3A_154 = arith.constant 0 : i32
      %dma_wait3A_155 = arith.constant 0 : i32
      %dma_wait3A_156 = tpu.memref_slice %arg9[%run_scoped3A_16, %dma_wait3A_154, %dma_wait3A_155] : memref<2x80x128xf32, #tpu.memory_space<vmem>> -> memref<1x80x128xf32, #tpu.memory_space<vmem>>
      %dma_wait3A_157 = tpu.memref_squeeze %dma_wait3A_156 : memref<1x80x128xf32, #tpu.memory_space<vmem>> -> memref<80x128xf32, #tpu.memory_space<vmem>>
      %dma_wait3A_158 = arith.constant 0 : i32
      %dma_wait3A_159 = tpu.memref_slice %arg8[%run_scoped3A_17, %dma_wait3A_158] : memref<2x80xi32, #tpu.memory_space<vmem>> -> memref<1x80xi32, #tpu.memory_space<vmem>>
      %dma_wait3A_160 = tpu.memref_squeeze %dma_wait3A_159 : memref<1x80xi32, #tpu.memory_space<vmem>> -> memref<80xi32, #tpu.memory_space<vmem>>
      %dma_wait3A_161 = arith.constant 0 : i32
      %dma_wait3A_162 = arith.constant 0 : i32
      %dma_wait3A_163 = tpu.memref_slice %arg7[%dma_wait3A_161, %dma_wait3A_162] : memref<10240x128xf32, #tpu.memory_space<vmem_shared>> -> memref<10240x128xf32, #tpu.memory_space<vmem_shared>>
      tpu.wait_indirect_dma semaphore(%run_scoped3A_144 : memref<!tpu.dma_semaphore, #tpu.memory_space<semaphore_mem>>) src(%dma_wait3A_157 : memref<80x128xf32, #tpu.memory_space<vmem>>) dst(%dma_wait3A_163 : memref<10240x128xf32, #tpu.memory_space<vmem_shared>>)
      tpu.yield
    }) : () -> ()
    %add3A_18 = arith.constant 240 : i32
    %add3A_19 = arith.addi %mul3A_2, %add3A_18 : i32
    %run_scoped3A_20 = arith.constant 0 : i32
    "tpu.region"() ({
      %run_scoped3A_144 = tpu.sem_alloc : memref<!tpu.dma_semaphore, #tpu.memory_space<semaphore_mem>>
      %dma_start3A = arith.constant 0 : i32
      %dma_start3A_145 = tpu.memref_slice %arg8[%run_scoped3A_20, %dma_start3A] : memref<2x80xi32, #tpu.memory_space<vmem>> -> memref<1x80xi32, #tpu.memory_space<vmem>>
      %dma_start3A_146 = tpu.memref_squeeze %dma_start3A_145 : memref<1x80xi32, #tpu.memory_space<vmem>> -> memref<80xi32, #tpu.memory_space<vmem>>
      %dma_start3A_147 = tpu.memref_slice %arg5[%add3A_19] : memref<10240xi32, #tpu.memory_space<hbm>> -> memref<80xi32, #tpu.memory_space<hbm>>
      %dma_start3A_148 = arith.constant 0 : i32
      %dma_start3A_149 = tpu.memref_slice %arg8[%run_scoped3A_20, %dma_start3A_148] : memref<2x80xi32, #tpu.memory_space<vmem>> -> memref<1x80xi32, #tpu.memory_space<vmem>>
      %dma_start3A_150 = tpu.memref_squeeze %dma_start3A_149 : memref<1x80xi32, #tpu.memory_space<vmem>> -> memref<80xi32, #tpu.memory_space<vmem>>
      %dma_start3A_151 = tpu.memref_slice %arg5[%add3A_19] : memref<10240xi32, #tpu.memory_space<hbm>> -> memref<80xi32, #tpu.memory_space<hbm>>
      tpu.enqueue_dma source(%dma_start3A_151 : memref<80xi32, #tpu.memory_space<hbm>>) target(%dma_start3A_150 : memref<80xi32, #tpu.memory_space<vmem>>) target_semaphore(%run_scoped3A_144 : memref<!tpu.dma_semaphore, #tpu.memory_space<semaphore_mem>>)
      %dma_wait3A_152 = arith.constant 0 : i32
      %dma_wait3A_153 = tpu.memref_slice %arg8[%run_scoped3A_20, %dma_wait3A_152] : memref<2x80xi32, #tpu.memory_space<vmem>> -> memref<1x80xi32, #tpu.memory_space<vmem>>
      %dma_wait3A_154 = tpu.memref_squeeze %dma_wait3A_153 : memref<1x80xi32, #tpu.memory_space<vmem>> -> memref<80xi32, #tpu.memory_space<vmem>>
      %dma_wait3A_155 = tpu.memref_slice %arg5[%add3A_19] : memref<10240xi32, #tpu.memory_space<hbm>> -> memref<80xi32, #tpu.memory_space<hbm>>
      %dma_wait3A_156 = arith.constant 0 : i32
      %dma_wait3A_157 = tpu.memref_slice %arg8[%run_scoped3A_20, %dma_wait3A_156] : memref<2x80xi32, #tpu.memory_space<vmem>> -> memref<1x80xi32, #tpu.memory_space<vmem>>
      %dma_wait3A_158 = tpu.memref_squeeze %dma_wait3A_157 : memref<1x80xi32, #tpu.memory_space<vmem>> -> memref<80xi32, #tpu.memory_space<vmem>>
      %dma_wait3A_159 = tpu.memref_slice %arg5[%add3A_19] : memref<10240xi32, #tpu.memory_space<hbm>> -> memref<80xi32, #tpu.memory_space<hbm>>
      tpu.wait_dma2 semaphore(%run_scoped3A_144 : memref<!tpu.dma_semaphore, #tpu.memory_space<semaphore_mem>>) src(%dma_wait3A_159 : memref<80xi32, #tpu.memory_space<hbm>>) dst(%dma_wait3A_158 : memref<80xi32, #tpu.memory_space<vmem>>)
      tpu.yield
    }) : () -> ()
    %run_scoped3A_21 = arith.constant 0 : i32
    %run_scoped3A_22 = arith.constant 0 : i32
    "tpu.region"() ({
      %run_scoped3A_144 = tpu.sem_alloc : memref<!tpu.dma_semaphore, #tpu.memory_space<semaphore_mem>>
      %dma_start3A = arith.constant 0 : i32
      %dma_start3A_145 = arith.constant 0 : i32
      %dma_start3A_146 = tpu.memref_slice %arg9[%run_scoped3A_21, %dma_start3A, %dma_start3A_145] : memref<2x80x128xf32, #tpu.memory_space<vmem>> -> memref<1x80x128xf32, #tpu.memory_space<vmem>>
      %dma_start3A_147 = tpu.memref_squeeze %dma_start3A_146 : memref<1x80x128xf32, #tpu.memory_space<vmem>> -> memref<80x128xf32, #tpu.memory_space<vmem>>
      %dma_start3A_148 = arith.constant 0 : i32
      %dma_start3A_149 = tpu.memref_slice %arg8[%run_scoped3A_22, %dma_start3A_148] : memref<2x80xi32, #tpu.memory_space<vmem>> -> memref<1x80xi32, #tpu.memory_space<vmem>>
      %dma_start3A_150 = tpu.memref_squeeze %dma_start3A_149 : memref<1x80xi32, #tpu.memory_space<vmem>> -> memref<80xi32, #tpu.memory_space<vmem>>
      %dma_start3A_151 = arith.constant 0 : i32
      %dma_start3A_152 = arith.constant 0 : i32
      %dma_start3A_153 = tpu.memref_slice %arg7[%dma_start3A_151, %dma_start3A_152] : memref<10240x128xf32, #tpu.memory_space<vmem_shared>> -> memref<10240x128xf32, #tpu.memory_space<vmem_shared>>
      tpu.enqueue_indirect_dma source(%dma_start3A_147 : memref<80x128xf32, #tpu.memory_space<vmem>>) target(%dma_start3A_153 : memref<10240x128xf32, #tpu.memory_space<vmem_shared>>) offsets(%dma_start3A_150 : memref<80xi32, #tpu.memory_space<vmem>>) semaphore(%run_scoped3A_144 : memref<!tpu.dma_semaphore, #tpu.memory_space<semaphore_mem>>)
      %dma_wait3A_154 = arith.constant 0 : i32
      %dma_wait3A_155 = arith.constant 0 : i32
      %dma_wait3A_156 = tpu.memref_slice %arg9[%run_scoped3A_21, %dma_wait3A_154, %dma_wait3A_155] : memref<2x80x128xf32, #tpu.memory_space<vmem>> -> memref<1x80x128xf32, #tpu.memory_space<vmem>>
      %dma_wait3A_157 = tpu.memref_squeeze %dma_wait3A_156 : memref<1x80x128xf32, #tpu.memory_space<vmem>> -> memref<80x128xf32, #tpu.memory_space<vmem>>
      %dma_wait3A_158 = arith.constant 0 : i32
      %dma_wait3A_159 = tpu.memref_slice %arg8[%run_scoped3A_22, %dma_wait3A_158] : memref<2x80xi32, #tpu.memory_space<vmem>> -> memref<1x80xi32, #tpu.memory_space<vmem>>
      %dma_wait3A_160 = tpu.memref_squeeze %dma_wait3A_159 : memref<1x80xi32, #tpu.memory_space<vmem>> -> memref<80xi32, #tpu.memory_space<vmem>>
      %dma_wait3A_161 = arith.constant 0 : i32
      %dma_wait3A_162 = arith.constant 0 : i32
      %dma_wait3A_163 = tpu.memref_slice %arg7[%dma_wait3A_161, %dma_wait3A_162] : memref<10240x128xf32, #tpu.memory_space<vmem_shared>> -> memref<10240x128xf32, #tpu.memory_space<vmem_shared>>
      tpu.wait_indirect_dma semaphore(%run_scoped3A_144 : memref<!tpu.dma_semaphore, #tpu.memory_space<semaphore_mem>>) src(%dma_wait3A_157 : memref<80x128xf32, #tpu.memory_space<vmem>>) dst(%dma_wait3A_163 : memref<10240x128xf32, #tpu.memory_space<vmem_shared>>)
      tpu.yield
    }) : () -> ()
    %add3A_23 = arith.constant 320 : i32
    %add3A_24 = arith.addi %mul3A_2, %add3A_23 : i32
    %run_scoped3A_25 = arith.constant 0 : i32
    "tpu.region"() ({
      %run_scoped3A_144 = tpu.sem_alloc : memref<!tpu.dma_semaphore, #tpu.memory_space<semaphore_mem>>
      %dma_start3A = arith.constant 0 : i32
      %dma_start3A_145 = tpu.memref_slice %arg8[%run_scoped3A_25, %dma_start3A] : memref<2x80xi32, #tpu.memory_space<vmem>> -> memref<1x80xi32, #tpu.memory_space<vmem>>
      %dma_start3A_146 = tpu.memref_squeeze %dma_start3A_145 : memref<1x80xi32, #tpu.memory_space<vmem>> -> memref<80xi32, #tpu.memory_space<vmem>>
      %dma_start3A_147 = tpu.memref_slice %arg5[%add3A_24] : memref<10240xi32, #tpu.memory_space<hbm>> -> memref<80xi32, #tpu.memory_space<hbm>>
      %dma_start3A_148 = arith.constant 0 : i32
      %dma_start3A_149 = tpu.memref_slice %arg8[%run_scoped3A_25, %dma_start3A_148] : memref<2x80xi32, #tpu.memory_space<vmem>> -> memref<1x80xi32, #tpu.memory_space<vmem>>
      %dma_start3A_150 = tpu.memref_squeeze %dma_start3A_149 : memref<1x80xi32, #tpu.memory_space<vmem>> -> memref<80xi32, #tpu.memory_space<vmem>>
      %dma_start3A_151 = tpu.memref_slice %arg5[%add3A_24] : memref<10240xi32, #tpu.memory_space<hbm>> -> memref<80xi32, #tpu.memory_space<hbm>>
      tpu.enqueue_dma source(%dma_start3A_151 : memref<80xi32, #tpu.memory_space<hbm>>) target(%dma_start3A_150 : memref<80xi32, #tpu.memory_space<vmem>>) target_semaphore(%run_scoped3A_144 : memref<!tpu.dma_semaphore, #tpu.memory_space<semaphore_mem>>)
      %dma_wait3A_152 = arith.constant 0 : i32
      %dma_wait3A_153 = tpu.memref_slice %arg8[%run_scoped3A_25, %dma_wait3A_152] : memref<2x80xi32, #tpu.memory_space<vmem>> -> memref<1x80xi32, #tpu.memory_space<vmem>>
      %dma_wait3A_154 = tpu.memref_squeeze %dma_wait3A_153 : memref<1x80xi32, #tpu.memory_space<vmem>> -> memref<80xi32, #tpu.memory_space<vmem>>
      %dma_wait3A_155 = tpu.memref_slice %arg5[%add3A_24] : memref<10240xi32, #tpu.memory_space<hbm>> -> memref<80xi32, #tpu.memory_space<hbm>>
      %dma_wait3A_156 = arith.constant 0 : i32
      %dma_wait3A_157 = tpu.memref_slice %arg8[%run_scoped3A_25, %dma_wait3A_156] : memref<2x80xi32, #tpu.memory_space<vmem>> -> memref<1x80xi32, #tpu.memory_space<vmem>>
      %dma_wait3A_158 = tpu.memref_squeeze %dma_wait3A_157 : memref<1x80xi32, #tpu.memory_space<vmem>> -> memref<80xi32, #tpu.memory_space<vmem>>
      %dma_wait3A_159 = tpu.memref_slice %arg5[%add3A_24] : memref<10240xi32, #tpu.memory_space<hbm>> -> memref<80xi32, #tpu.memory_space<hbm>>
      tpu.wait_dma2 semaphore(%run_scoped3A_144 : memref<!tpu.dma_semaphore, #tpu.memory_space<semaphore_mem>>) src(%dma_wait3A_159 : memref<80xi32, #tpu.memory_space<hbm>>) dst(%dma_wait3A_158 : memref<80xi32, #tpu.memory_space<vmem>>)
      tpu.yield
    }) : () -> ()
    %run_scoped3A_26 = arith.constant 0 : i32
    %run_scoped3A_27 = arith.constant 0 : i32
    "tpu.region"() ({
      %run_scoped3A_144 = tpu.sem_alloc : memref<!tpu.dma_semaphore, #tpu.memory_space<semaphore_mem>>
      %dma_start3A = arith.constant 0 : i32
      %dma_start3A_145 = arith.constant 0 : i32
      %dma_start3A_146 = tpu.memref_slice %arg9[%run_scoped3A_26, %dma_start3A, %dma_start3A_145] : memref<2x80x128xf32, #tpu.memory_space<vmem>> -> memref<1x80x128xf32, #tpu.memory_space<vmem>>
      %dma_start3A_147 = tpu.memref_squeeze %dma_start3A_146 : memref<1x80x128xf32, #tpu.memory_space<vmem>> -> memref<80x128xf32, #tpu.memory_space<vmem>>
      %dma_start3A_148 = arith.constant 0 : i32
      %dma_start3A_149 = tpu.memref_slice %arg8[%run_scoped3A_27, %dma_start3A_148] : memref<2x80xi32, #tpu.memory_space<vmem>> -> memref<1x80xi32, #tpu.memory_space<vmem>>
      %dma_start3A_150 = tpu.memref_squeeze %dma_start3A_149 : memref<1x80xi32, #tpu.memory_space<vmem>> -> memref<80xi32, #tpu.memory_space<vmem>>
      %dma_start3A_151 = arith.constant 0 : i32
      %dma_start3A_152 = arith.constant 0 : i32
      %dma_start3A_153 = tpu.memref_slice %arg7[%dma_start3A_151, %dma_start3A_152] : memref<10240x128xf32, #tpu.memory_space<vmem_shared>> -> memref<10240x128xf32, #tpu.memory_space<vmem_shared>>
      tpu.enqueue_indirect_dma source(%dma_start3A_147 : memref<80x128xf32, #tpu.memory_space<vmem>>) target(%dma_start3A_153 : memref<10240x128xf32, #tpu.memory_space<vmem_shared>>) offsets(%dma_start3A_150 : memref<80xi32, #tpu.memory_space<vmem>>) semaphore(%run_scoped3A_144 : memref<!tpu.dma_semaphore, #tpu.memory_space<semaphore_mem>>)
      %dma_wait3A_154 = arith.constant 0 : i32
      %dma_wait3A_155 = arith.constant 0 : i32
      %dma_wait3A_156 = tpu.memref_slice %arg9[%run_scoped3A_26, %dma_wait3A_154, %dma_wait3A_155] : memref<2x80x128xf32, #tpu.memory_space<vmem>> -> memref<1x80x128xf32, #tpu.memory_space<vmem>>
      %dma_wait3A_157 = tpu.memref_squeeze %dma_wait3A_156 : memref<1x80x128xf32, #tpu.memory_space<vmem>> -> memref<80x128xf32, #tpu.memory_space<vmem>>
      %dma_wait3A_158 = arith.constant 0 : i32
      %dma_wait3A_159 = tpu.memref_slice %arg8[%run_scoped3A_27, %dma_wait3A_158] : memref<2x80xi32, #tpu.memory_space<vmem>> -> memref<1x80xi32, #tpu.memory_space<vmem>>
      %dma_wait3A_160 = tpu.memref_squeeze %dma_wait3A_159 : memref<1x80xi32, #tpu.memory_space<vmem>> -> memref<80xi32, #tpu.memory_space<vmem>>
      %dma_wait3A_161 = arith.constant 0 : i32
      %dma_wait3A_162 = arith.constant 0 : i32
      %dma_wait3A_163 = tpu.memref_slice %arg7[%dma_wait3A_161, %dma_wait3A_162] : memref<10240x128xf32, #tpu.memory_space<vmem_shared>> -> memref<10240x128xf32, #tpu.memory_space<vmem_shared>>
      tpu.wait_indirect_dma semaphore(%run_scoped3A_144 : memref<!tpu.dma_semaphore, #tpu.memory_space<semaphore_mem>>) src(%dma_wait3A_157 : memref<80x128xf32, #tpu.memory_space<vmem>>) dst(%dma_wait3A_163 : memref<10240x128xf32, #tpu.memory_space<vmem_shared>>)
      tpu.yield
    }) : () -> ()
    %add3A_28 = arith.constant 400 : i32
    %add3A_29 = arith.addi %mul3A_2, %add3A_28 : i32
    %run_scoped3A_30 = arith.constant 0 : i32
    "tpu.region"() ({
      %run_scoped3A_144 = tpu.sem_alloc : memref<!tpu.dma_semaphore, #tpu.memory_space<semaphore_mem>>
      %dma_start3A = arith.constant 0 : i32
      %dma_start3A_145 = tpu.memref_slice %arg8[%run_scoped3A_30, %dma_start3A] : memref<2x80xi32, #tpu.memory_space<vmem>> -> memref<1x80xi32, #tpu.memory_space<vmem>>
      %dma_start3A_146 = tpu.memref_squeeze %dma_start3A_145 : memref<1x80xi32, #tpu.memory_space<vmem>> -> memref<80xi32, #tpu.memory_space<vmem>>
      %dma_start3A_147 = tpu.memref_slice %arg5[%add3A_29] : memref<10240xi32, #tpu.memory_space<hbm>> -> memref<80xi32, #tpu.memory_space<hbm>>
      %dma_start3A_148 = arith.constant 0 : i32
      %dma_start3A_149 = tpu.memref_slice %arg8[%run_scoped3A_30, %dma_start3A_148] : memref<2x80xi32, #tpu.memory_space<vmem>> -> memref<1x80xi32, #tpu.memory_space<vmem>>
      %dma_start3A_150 = tpu.memref_squeeze %dma_start3A_149 : memref<1x80xi32, #tpu.memory_space<vmem>> -> memref<80xi32, #tpu.memory_space<vmem>>
      %dma_start3A_151 = tpu.memref_slice %arg5[%add3A_29] : memref<10240xi32, #tpu.memory_space<hbm>> -> memref<80xi32, #tpu.memory_space<hbm>>
      tpu.enqueue_dma source(%dma_start3A_151 : memref<80xi32, #tpu.memory_space<hbm>>) target(%dma_start3A_150 : memref<80xi32, #tpu.memory_space<vmem>>) target_semaphore(%run_scoped3A_144 : memref<!tpu.dma_semaphore, #tpu.memory_space<semaphore_mem>>)
      %dma_wait3A_152 = arith.constant 0 : i32
      %dma_wait3A_153 = tpu.memref_slice %arg8[%run_scoped3A_30, %dma_wait3A_152] : memref<2x80xi32, #tpu.memory_space<vmem>> -> memref<1x80xi32, #tpu.memory_space<vmem>>
      %dma_wait3A_154 = tpu.memref_squeeze %dma_wait3A_153 : memref<1x80xi32, #tpu.memory_space<vmem>> -> memref<80xi32, #tpu.memory_space<vmem>>
      %dma_wait3A_155 = tpu.memref_slice %arg5[%add3A_29] : memref<10240xi32, #tpu.memory_space<hbm>> -> memref<80xi32, #tpu.memory_space<hbm>>
      %dma_wait3A_156 = arith.constant 0 : i32
      %dma_wait3A_157 = tpu.memref_slice %arg8[%run_scoped3A_30, %dma_wait3A_156] : memref<2x80xi32, #tpu.memory_space<vmem>> -> memref<1x80xi32, #tpu.memory_space<vmem>>
      %dma_wait3A_158 = tpu.memref_squeeze %dma_wait3A_157 : memref<1x80xi32, #tpu.memory_space<vmem>> -> memref<80xi32, #tpu.memory_space<vmem>>
      %dma_wait3A_159 = tpu.memref_slice %arg5[%add3A_29] : memref<10240xi32, #tpu.memory_space<hbm>> -> memref<80xi32, #tpu.memory_space<hbm>>
      tpu.wait_dma2 semaphore(%run_scoped3A_144 : memref<!tpu.dma_semaphore, #tpu.memory_space<semaphore_mem>>) src(%dma_wait3A_159 : memref<80xi32, #tpu.memory_space<hbm>>) dst(%dma_wait3A_158 : memref<80xi32, #tpu.memory_space<vmem>>)
      tpu.yield
    }) : () -> ()
    %run_scoped3A_31 = arith.constant 0 : i32
    %run_scoped3A_32 = arith.constant 0 : i32
    "tpu.region"() ({
      %run_scoped3A_144 = tpu.sem_alloc : memref<!tpu.dma_semaphore, #tpu.memory_space<semaphore_mem>>
      %dma_start3A = arith.constant 0 : i32
      %dma_start3A_145 = arith.constant 0 : i32
      %dma_start3A_146 = tpu.memref_slice %arg9[%run_scoped3A_31, %dma_start3A, %dma_start3A_145] : memref<2x80x128xf32, #tpu.memory_space<vmem>> -> memref<1x80x128xf32, #tpu.memory_space<vmem>>
      %dma_start3A_147 = tpu.memref_squeeze %dma_start3A_146 : memref<1x80x128xf32, #tpu.memory_space<vmem>> -> memref<80x128xf32, #tpu.memory_space<vmem>>
      %dma_start3A_148 = arith.constant 0 : i32
      %dma_start3A_149 = tpu.memref_slice %arg8[%run_scoped3A_32, %dma_start3A_148] : memref<2x80xi32, #tpu.memory_space<vmem>> -> memref<1x80xi32, #tpu.memory_space<vmem>>
      %dma_start3A_150 = tpu.memref_squeeze %dma_start3A_149 : memref<1x80xi32, #tpu.memory_space<vmem>> -> memref<80xi32, #tpu.memory_space<vmem>>
      %dma_start3A_151 = arith.constant 0 : i32
      %dma_start3A_152 = arith.constant 0 : i32
      %dma_start3A_153 = tpu.memref_slice %arg7[%dma_start3A_151, %dma_start3A_152] : memref<10240x128xf32, #tpu.memory_space<vmem_shared>> -> memref<10240x128xf32, #tpu.memory_space<vmem_shared>>
      tpu.enqueue_indirect_dma source(%dma_start3A_147 : memref<80x128xf32, #tpu.memory_space<vmem>>) target(%dma_start3A_153 : memref<10240x128xf32, #tpu.memory_space<vmem_shared>>) offsets(%dma_start3A_150 : memref<80xi32, #tpu.memory_space<vmem>>) semaphore(%run_scoped3A_144 : memref<!tpu.dma_semaphore, #tpu.memory_space<semaphore_mem>>)
      %dma_wait3A_154 = arith.constant 0 : i32
      %dma_wait3A_155 = arith.constant 0 : i32
      %dma_wait3A_156 = tpu.memref_slice %arg9[%run_scoped3A_31, %dma_wait3A_154, %dma_wait3A_155] : memref<2x80x128xf32, #tpu.memory_space<vmem>> -> memref<1x80x128xf32, #tpu.memory_space<vmem>>
      %dma_wait3A_157 = tpu.memref_squeeze %dma_wait3A_156 : memref<1x80x128xf32, #tpu.memory_space<vmem>> -> memref<80x128xf32, #tpu.memory_space<vmem>>
      %dma_wait3A_158 = arith.constant 0 : i32
      %dma_wait3A_159 = tpu.memref_slice %arg8[%run_scoped3A_32, %dma_wait3A_158] : memref<2x80xi32, #tpu.memory_space<vmem>> -> memref<1x80xi32, #tpu.memory_space<vmem>>
      %dma_wait3A_160 = tpu.memref_squeeze %dma_wait3A_159 : memref<1x80xi32, #tpu.memory_space<vmem>> -> memref<80xi32, #tpu.memory_space<vmem>>
      %dma_wait3A_161 = arith.constant 0 : i32
      %dma_wait3A_162 = arith.constant 0 : i32
      %dma_wait3A_163 = tpu.memref_slice %arg7[%dma_wait3A_161, %dma_wait3A_162] : memref<10240x128xf32, #tpu.memory_space<vmem_shared>> -> memref<10240x128xf32, #tpu.memory_space<vmem_shared>>
      tpu.wait_indirect_dma semaphore(%run_scoped3A_144 : memref<!tpu.dma_semaphore, #tpu.memory_space<semaphore_mem>>) src(%dma_wait3A_157 : memref<80x128xf32, #tpu.memory_space<vmem>>) dst(%dma_wait3A_163 : memref<10240x128xf32, #tpu.memory_space<vmem_shared>>)
      tpu.yield
    }) : () -> ()
    %add3A_33 = arith.constant 480 : i32
    %add3A_34 = arith.addi %mul3A_2, %add3A_33 : i32
    %run_scoped3A_35 = arith.constant 0 : i32
    "tpu.region"() ({
      %run_scoped3A_144 = tpu.sem_alloc : memref<!tpu.dma_semaphore, #tpu.memory_space<semaphore_mem>>
      %dma_start3A = arith.constant 0 : i32
      %dma_start3A_145 = tpu.memref_slice %arg8[%run_scoped3A_35, %dma_start3A] : memref<2x80xi32, #tpu.memory_space<vmem>> -> memref<1x80xi32, #tpu.memory_space<vmem>>
      %dma_start3A_146 = tpu.memref_squeeze %dma_start3A_145 : memref<1x80xi32, #tpu.memory_space<vmem>> -> memref<80xi32, #tpu.memory_space<vmem>>
      %dma_start3A_147 = tpu.memref_slice %arg5[%add3A_34] : memref<10240xi32, #tpu.memory_space<hbm>> -> memref<80xi32, #tpu.memory_space<hbm>>
      %dma_start3A_148 = arith.constant 0 : i32
      %dma_start3A_149 = tpu.memref_slice %arg8[%run_scoped3A_35, %dma_start3A_148] : memref<2x80xi32, #tpu.memory_space<vmem>> -> memref<1x80xi32, #tpu.memory_space<vmem>>
      %dma_start3A_150 = tpu.memref_squeeze %dma_start3A_149 : memref<1x80xi32, #tpu.memory_space<vmem>> -> memref<80xi32, #tpu.memory_space<vmem>>
      %dma_start3A_151 = tpu.memref_slice %arg5[%add3A_34] : memref<10240xi32, #tpu.memory_space<hbm>> -> memref<80xi32, #tpu.memory_space<hbm>>
      tpu.enqueue_dma source(%dma_start3A_151 : memref<80xi32, #tpu.memory_space<hbm>>) target(%dma_start3A_150 : memref<80xi32, #tpu.memory_space<vmem>>) target_semaphore(%run_scoped3A_144 : memref<!tpu.dma_semaphore, #tpu.memory_space<semaphore_mem>>)
      %dma_wait3A_152 = arith.constant 0 : i32
      %dma_wait3A_153 = tpu.memref_slice %arg8[%run_scoped3A_35, %dma_wait3A_152] : memref<2x80xi32, #tpu.memory_space<vmem>> -> memref<1x80xi32, #tpu.memory_space<vmem>>
      %dma_wait3A_154 = tpu.memref_squeeze %dma_wait3A_153 : memref<1x80xi32, #tpu.memory_space<vmem>> -> memref<80xi32, #tpu.memory_space<vmem>>
      %dma_wait3A_155 = tpu.memref_slice %arg5[%add3A_34] : memref<10240xi32, #tpu.memory_space<hbm>> -> memref<80xi32, #tpu.memory_space<hbm>>
      %dma_wait3A_156 = arith.constant 0 : i32
      %dma_wait3A_157 = tpu.memref_slice %arg8[%run_scoped3A_35, %dma_wait3A_156] : memref<2x80xi32, #tpu.memory_space<vmem>> -> memref<1x80xi32, #tpu.memory_space<vmem>>
      %dma_wait3A_158 = tpu.memref_squeeze %dma_wait3A_157 : memref<1x80xi32, #tpu.memory_space<vmem>> -> memref<80xi32, #tpu.memory_space<vmem>>
      %dma_wait3A_159 = tpu.memref_slice %arg5[%add3A_34] : memref<10240xi32, #tpu.memory_space<hbm>> -> memref<80xi32, #tpu.memory_space<hbm>>
      tpu.wait_dma2 semaphore(%run_scoped3A_144 : memref<!tpu.dma_semaphore, #tpu.memory_space<semaphore_mem>>) src(%dma_wait3A_159 : memref<80xi32, #tpu.memory_space<hbm>>) dst(%dma_wait3A_158 : memref<80xi32, #tpu.memory_space<vmem>>)
      tpu.yield
    }) : () -> ()
    %run_scoped3A_36 = arith.constant 0 : i32
    %run_scoped3A_37 = arith.constant 0 : i32
    "tpu.region"() ({
      %run_scoped3A_144 = tpu.sem_alloc : memref<!tpu.dma_semaphore, #tpu.memory_space<semaphore_mem>>
      %dma_start3A = arith.constant 0 : i32
      %dma_start3A_145 = arith.constant 0 : i32
      %dma_start3A_146 = tpu.memref_slice %arg9[%run_scoped3A_36, %dma_start3A, %dma_start3A_145] : memref<2x80x128xf32, #tpu.memory_space<vmem>> -> memref<1x80x128xf32, #tpu.memory_space<vmem>>
      %dma_start3A_147 = tpu.memref_squeeze %dma_start3A_146 : memref<1x80x128xf32, #tpu.memory_space<vmem>> -> memref<80x128xf32, #tpu.memory_space<vmem>>
      %dma_start3A_148 = arith.constant 0 : i32
      %dma_start3A_149 = tpu.memref_slice %arg8[%run_scoped3A_37, %dma_start3A_148] : memref<2x80xi32, #tpu.memory_space<vmem>> -> memref<1x80xi32, #tpu.memory_space<vmem>>
      %dma_start3A_150 = tpu.memref_squeeze %dma_start3A_149 : memref<1x80xi32, #tpu.memory_space<vmem>> -> memref<80xi32, #tpu.memory_space<vmem>>
      %dma_start3A_151 = arith.constant 0 : i32
      %dma_start3A_152 = arith.constant 0 : i32
      %dma_start3A_153 = tpu.memref_slice %arg7[%dma_start3A_151, %dma_start3A_152] : memref<10240x128xf32, #tpu.memory_space<vmem_shared>> -> memref<10240x128xf32, #tpu.memory_space<vmem_shared>>
      tpu.enqueue_indirect_dma source(%dma_start3A_147 : memref<80x128xf32, #tpu.memory_space<vmem>>) target(%dma_start3A_153 : memref<10240x128xf32, #tpu.memory_space<vmem_shared>>) offsets(%dma_start3A_150 : memref<80xi32, #tpu.memory_space<vmem>>) semaphore(%run_scoped3A_144 : memref<!tpu.dma_semaphore, #tpu.memory_space<semaphore_mem>>)
      %dma_wait3A_154 = arith.constant 0 : i32
      %dma_wait3A_155 = arith.constant 0 : i32
      %dma_wait3A_156 = tpu.memref_slice %arg9[%run_scoped3A_36, %dma_wait3A_154, %dma_wait3A_155] : memref<2x80x128xf32, #tpu.memory_space<vmem>> -> memref<1x80x128xf32, #tpu.memory_space<vmem>>
      %dma_wait3A_157 = tpu.memref_squeeze %dma_wait3A_156 : memref<1x80x128xf32, #tpu.memory_space<vmem>> -> memref<80x128xf32, #tpu.memory_space<vmem>>
      %dma_wait3A_158 = arith.constant 0 : i32
      %dma_wait3A_159 = tpu.memref_slice %arg8[%run_scoped3A_37, %dma_wait3A_158] : memref<2x80xi32, #tpu.memory_space<vmem>> -> memref<1x80xi32, #tpu.memory_space<vmem>>
      %dma_wait3A_160 = tpu.memref_squeeze %dma_wait3A_159 : memref<1x80xi32, #tpu.memory_space<vmem>> -> memref<80xi32, #tpu.memory_space<vmem>>
      %dma_wait3A_161 = arith.constant 0 : i32
      %dma_wait3A_162 = arith.constant 0 : i32
      %dma_wait3A_163 = tpu.memref_slice %arg7[%dma_wait3A_161, %dma_wait3A_162] : memref<10240x128xf32, #tpu.memory_space<vmem_shared>> -> memref<10240x128xf32, #tpu.memory_space<vmem_shared>>
      tpu.wait_indirect_dma semaphore(%run_scoped3A_144 : memref<!tpu.dma_semaphore, #tpu.memory_space<semaphore_mem>>) src(%dma_wait3A_157 : memref<80x128xf32, #tpu.memory_space<vmem>>) dst(%dma_wait3A_163 : memref<10240x128xf32, #tpu.memory_space<vmem_shared>>)
      tpu.yield
    }) : () -> ()
    %add3A_38 = arith.constant 560 : i32
    %add3A_39 = arith.addi %mul3A_2, %add3A_38 : i32
    %run_scoped3A_40 = arith.constant 0 : i32
    "tpu.region"() ({
      %run_scoped3A_144 = tpu.sem_alloc : memref<!tpu.dma_semaphore, #tpu.memory_space<semaphore_mem>>
      %dma_start3A = arith.constant 0 : i32
      %dma_start3A_145 = tpu.memref_slice %arg8[%run_scoped3A_40, %dma_start3A] : memref<2x80xi32, #tpu.memory_space<vmem>> -> memref<1x80xi32, #tpu.memory_space<vmem>>
      %dma_start3A_146 = tpu.memref_squeeze %dma_start3A_145 : memref<1x80xi32, #tpu.memory_space<vmem>> -> memref<80xi32, #tpu.memory_space<vmem>>
      %dma_start3A_147 = tpu.memref_slice %arg5[%add3A_39] : memref<10240xi32, #tpu.memory_space<hbm>> -> memref<80xi32, #tpu.memory_space<hbm>>
      %dma_start3A_148 = arith.constant 0 : i32
      %dma_start3A_149 = tpu.memref_slice %arg8[%run_scoped3A_40, %dma_start3A_148] : memref<2x80xi32, #tpu.memory_space<vmem>> -> memref<1x80xi32, #tpu.memory_space<vmem>>
      %dma_start3A_150 = tpu.memref_squeeze %dma_start3A_149 : memref<1x80xi32, #tpu.memory_space<vmem>> -> memref<80xi32, #tpu.memory_space<vmem>>
      %dma_start3A_151 = tpu.memref_slice %arg5[%add3A_39] : memref<10240xi32, #tpu.memory_space<hbm>> -> memref<80xi32, #tpu.memory_space<hbm>>
      tpu.enqueue_dma source(%dma_start3A_151 : memref<80xi32, #tpu.memory_space<hbm>>) target(%dma_start3A_150 : memref<80xi32, #tpu.memory_space<vmem>>) target_semaphore(%run_scoped3A_144 : memref<!tpu.dma_semaphore, #tpu.memory_space<semaphore_mem>>)
      %dma_wait3A_152 = arith.constant 0 : i32
      %dma_wait3A_153 = tpu.memref_slice %arg8[%run_scoped3A_40, %dma_wait3A_152] : memref<2x80xi32, #tpu.memory_space<vmem>> -> memref<1x80xi32, #tpu.memory_space<vmem>>
      %dma_wait3A_154 = tpu.memref_squeeze %dma_wait3A_153 : memref<1x80xi32, #tpu.memory_space<vmem>> -> memref<80xi32, #tpu.memory_space<vmem>>
      %dma_wait3A_155 = tpu.memref_slice %arg5[%add3A_39] : memref<10240xi32, #tpu.memory_space<hbm>> -> memref<80xi32, #tpu.memory_space<hbm>>
      %dma_wait3A_156 = arith.constant 0 : i32
      %dma_wait3A_157 = tpu.memref_slice %arg8[%run_scoped3A_40, %dma_wait3A_156] : memref<2x80xi32, #tpu.memory_space<vmem>> -> memref<1x80xi32, #tpu.memory_space<vmem>>
      %dma_wait3A_158 = tpu.memref_squeeze %dma_wait3A_157 : memref<1x80xi32, #tpu.memory_space<vmem>> -> memref<80xi32, #tpu.memory_space<vmem>>
      %dma_wait3A_159 = tpu.memref_slice %arg5[%add3A_39] : memref<10240xi32, #tpu.memory_space<hbm>> -> memref<80xi32, #tpu.memory_space<hbm>>
      tpu.wait_dma2 semaphore(%run_scoped3A_144 : memref<!tpu.dma_semaphore, #tpu.memory_space<semaphore_mem>>) src(%dma_wait3A_159 : memref<80xi32, #tpu.memory_space<hbm>>) dst(%dma_wait3A_158 : memref<80xi32, #tpu.memory_space<vmem>>)
      tpu.yield
    }) : () -> ()
    %run_scoped3A_41 = arith.constant 0 : i32
    %run_scoped3A_42 = arith.constant 0 : i32
    "tpu.region"() ({
      %run_scoped3A_144 = tpu.sem_alloc : memref<!tpu.dma_semaphore, #tpu.memory_space<semaphore_mem>>
      %dma_start3A = arith.constant 0 : i32
      %dma_start3A_145 = arith.constant 0 : i32
      %dma_start3A_146 = tpu.memref_slice %arg9[%run_scoped3A_41, %dma_start3A, %dma_start3A_145] : memref<2x80x128xf32, #tpu.memory_space<vmem>> -> memref<1x80x128xf32, #tpu.memory_space<vmem>>
      %dma_start3A_147 = tpu.memref_squeeze %dma_start3A_146 : memref<1x80x128xf32, #tpu.memory_space<vmem>> -> memref<80x128xf32, #tpu.memory_space<vmem>>
      %dma_start3A_148 = arith.constant 0 : i32
      %dma_start3A_149 = tpu.memref_slice %arg8[%run_scoped3A_42, %dma_start3A_148] : memref<2x80xi32, #tpu.memory_space<vmem>> -> memref<1x80xi32, #tpu.memory_space<vmem>>
      %dma_start3A_150 = tpu.memref_squeeze %dma_start3A_149 : memref<1x80xi32, #tpu.memory_space<vmem>> -> memref<80xi32, #tpu.memory_space<vmem>>
      %dma_start3A_151 = arith.constant 0 : i32
      %dma_start3A_152 = arith.constant 0 : i32
      %dma_start3A_153 = tpu.memref_slice %arg7[%dma_start3A_151, %dma_start3A_152] : memref<10240x128xf32, #tpu.memory_space<vmem_shared>> -> memref<10240x128xf32, #tpu.memory_space<vmem_shared>>
      tpu.enqueue_indirect_dma source(%dma_start3A_147 : memref<80x128xf32, #tpu.memory_space<vmem>>) target(%dma_start3A_153 : memref<10240x128xf32, #tpu.memory_space<vmem_shared>>) offsets(%dma_start3A_150 : memref<80xi32, #tpu.memory_space<vmem>>) semaphore(%run_scoped3A_144 : memref<!tpu.dma_semaphore, #tpu.memory_space<semaphore_mem>>)
      %dma_wait3A_154 = arith.constant 0 : i32
      %dma_wait3A_155 = arith.constant 0 : i32
      %dma_wait3A_156 = tpu.memref_slice %arg9[%run_scoped3A_41, %dma_wait3A_154, %dma_wait3A_155] : memref<2x80x128xf32, #tpu.memory_space<vmem>> -> memref<1x80x128xf32, #tpu.memory_space<vmem>>
      %dma_wait3A_157 = tpu.memref_squeeze %dma_wait3A_156 : memref<1x80x128xf32, #tpu.memory_space<vmem>> -> memref<80x128xf32, #tpu.memory_space<vmem>>
      %dma_wait3A_158 = arith.constant 0 : i32
      %dma_wait3A_159 = tpu.memref_slice %arg8[%run_scoped3A_42, %dma_wait3A_158] : memref<2x80xi32, #tpu.memory_space<vmem>> -> memref<1x80xi32, #tpu.memory_space<vmem>>
      %dma_wait3A_160 = tpu.memref_squeeze %dma_wait3A_159 : memref<1x80xi32, #tpu.memory_space<vmem>> -> memref<80xi32, #tpu.memory_space<vmem>>
      %dma_wait3A_161 = arith.constant 0 : i32
      %dma_wait3A_162 = arith.constant 0 : i32
      %dma_wait3A_163 = tpu.memref_slice %arg7[%dma_wait3A_161, %dma_wait3A_162] : memref<10240x128xf32, #tpu.memory_space<vmem_shared>> -> memref<10240x128xf32, #tpu.memory_space<vmem_shared>>
      tpu.wait_indirect_dma semaphore(%run_scoped3A_144 : memref<!tpu.dma_semaphore, #tpu.memory_space<semaphore_mem>>) src(%dma_wait3A_157 : memref<80x128xf32, #tpu.memory_space<vmem>>) dst(%dma_wait3A_163 : memref<10240x128xf32, #tpu.memory_space<vmem_shared>>)
      tpu.yield
    }) : () -> ()
    %barrier3A = arith.constant 0 : index
    tpu.barrier barrier_id(%barrier3A)
    %mul3A_43 = arith.constant 10000 : i32
    %mul3A_44 = arith.muli %add3A, %mul3A_43 : i32
    %scan3A = arith.constant 0 : i32
    %scan3A_45 = arith.constant 0 : i32
    %scan3A_46 = arith.constant 125 : i32
    %scan3A_47 = arith.addi %scan3A_45, %scan3A_46 : i32
    %scan3A_48 = arith.constant 1 : i32
    scf.for %scan3A_144 = %scan3A_45 to %scan3A_47 step %scan3A_48  : i32 {
      %rem3A = arith.constant 2 : i32
      %rem3A_145 = arith.remsi %scan3A_144, %rem3A : i32
      %ge3A = arith.constant 2 : i32
      %ge3A_146 = arith.cmpi sge, %scan3A_144, %ge3A : i32
      %convert_element_type3A = arith.extui %ge3A_146 : i1 to i32
      %cond3A = arith.constant 0 : i32
      %cond3A_147 = arith.cmpi ne, %convert_element_type3A, %cond3A : i32
      scf.if %cond3A_147 {
        %dma_wait3A_210 = arith.constant 0 : i32
        %dma_wait3A_211 = arith.constant 0 : i32
        %dma_wait3A_212 = tpu.memref_slice %arg9[%rem3A_145, %dma_wait3A_210, %dma_wait3A_211] : memref<2x80x128xf32, #tpu.memory_space<vmem>> -> memref<1x80x128xf32, #tpu.memory_space<vmem>>
        %dma_wait3A_213 = tpu.memref_squeeze %dma_wait3A_212 : memref<1x80x128xf32, #tpu.memory_space<vmem>> -> memref<80x128xf32, #tpu.memory_space<vmem>>
        %dma_wait3A_214 = arith.constant 0 : i32
        %dma_wait3A_215 = tpu.memref_slice %arg8[%rem3A_145, %dma_wait3A_214] : memref<2x80xi32, #tpu.memory_space<vmem>> -> memref<1x80xi32, #tpu.memory_space<vmem>>
        %dma_wait3A_216 = tpu.memref_squeeze %dma_wait3A_215 : memref<1x80xi32, #tpu.memory_space<vmem>> -> memref<80xi32, #tpu.memory_space<vmem>>
        %dma_wait3A_217 = arith.constant 0 : i32
        %dma_wait3A_218 = arith.constant 0 : i32
        %dma_wait3A_219 = tpu.memref_slice %arg7[%dma_wait3A_217, %dma_wait3A_218] : memref<10240x128xf32, #tpu.memory_space<vmem_shared>> -> memref<10240x128xf32, #tpu.memory_space<vmem_shared>>
        %dma_wait3A_220 = tpu.memref_slice %arg10[%rem3A_145] : memref<2x!tpu.dma_semaphore, #tpu.memory_space<semaphore_mem>> -> memref<1x!tpu.dma_semaphore, #tpu.memory_space<semaphore_mem>>
        %dma_wait3A_221 = tpu.memref_squeeze %dma_wait3A_220 : memref<1x!tpu.dma_semaphore, #tpu.memory_space<semaphore_mem>> -> memref<!tpu.dma_semaphore, #tpu.memory_space<semaphore_mem>>
        tpu.wait_indirect_dma semaphore(%dma_wait3A_221 : memref<!tpu.dma_semaphore, #tpu.memory_space<semaphore_mem>>) src(%dma_wait3A_213 : memref<80x128xf32, #tpu.memory_space<vmem>>) dst(%dma_wait3A_219 : memref<10240x128xf32, #tpu.memory_space<vmem_shared>>)
      } else {
      }
      %mul3A_148 = arith.constant 80 : i32
      %mul3A_149 = arith.muli %scan3A_144, %mul3A_148 : i32
      %add3A_150 = arith.addi %mul3A_44, %mul3A_149 : i32
      %dma_start3A = arith.constant 0 : i32
      %dma_start3A_151 = tpu.memref_slice %arg8[%rem3A_145, %dma_start3A] : memref<2x80xi32, #tpu.memory_space<vmem>> -> memref<1x80xi32, #tpu.memory_space<vmem>>
      %dma_start3A_152 = tpu.memref_squeeze %dma_start3A_151 : memref<1x80xi32, #tpu.memory_space<vmem>> -> memref<80xi32, #tpu.memory_space<vmem>>
      %dma_start3A_153 = tpu.memref_slice %arg3[%add3A_150] : memref<320000xi32, #tpu.memory_space<hbm>> -> memref<80xi32, #tpu.memory_space<hbm>>
      %dma_start3A_154 = tpu.memref_slice %arg11[%rem3A_145] : memref<2x!tpu.dma_semaphore, #tpu.memory_space<semaphore_mem>> -> memref<1x!tpu.dma_semaphore, #tpu.memory_space<semaphore_mem>>
      %dma_start3A_155 = tpu.memref_squeeze %dma_start3A_154 : memref<1x!tpu.dma_semaphore, #tpu.memory_space<semaphore_mem>> -> memref<!tpu.dma_semaphore, #tpu.memory_space<semaphore_mem>>
      %dma_start3A_156 = arith.constant 0 : i32
      %dma_start3A_157 = tpu.memref_slice %arg8[%rem3A_145, %dma_start3A_156] : memref<2x80xi32, #tpu.memory_space<vmem>> -> memref<1x80xi32, #tpu.memory_space<vmem>>
      %dma_start3A_158 = tpu.memref_squeeze %dma_start3A_157 : memref<1x80xi32, #tpu.memory_space<vmem>> -> memref<80xi32, #tpu.memory_space<vmem>>
      %dma_start3A_159 = tpu.memref_slice %arg3[%add3A_150] : memref<320000xi32, #tpu.memory_space<hbm>> -> memref<80xi32, #tpu.memory_space<hbm>>
      tpu.enqueue_dma source(%dma_start3A_159 : memref<80xi32, #tpu.memory_space<hbm>>) target(%dma_start3A_158 : memref<80xi32, #tpu.memory_space<vmem>>) target_semaphore(%dma_start3A_155 : memref<!tpu.dma_semaphore, #tpu.memory_space<semaphore_mem>>)
      %dma_start3A_160 = arith.constant 0 : i32
      %dma_start3A_161 = arith.constant 0 : i32
      %dma_start3A_162 = tpu.memref_slice %arg9[%rem3A_145, %dma_start3A_160, %dma_start3A_161] : memref<2x80x128xf32, #tpu.memory_space<vmem>> -> memref<1x80x128xf32, #tpu.memory_space<vmem>>
      %dma_start3A_163 = tpu.memref_squeeze %dma_start3A_162 : memref<1x80x128xf32, #tpu.memory_space<vmem>> -> memref<80x128xf32, #tpu.memory_space<vmem>>
      %dma_start3A_164 = arith.constant 0 : i32
      %dma_start3A_165 = tpu.memref_slice %arg2[%add3A_150, %dma_start3A_164] : memref<320000x128xf32, #tpu.memory_space<hbm>> -> memref<80x128xf32, #tpu.memory_space<hbm>>
      %dma_start3A_166 = tpu.memref_slice %arg12[%rem3A_145] : memref<2x!tpu.dma_semaphore, #tpu.memory_space<semaphore_mem>> -> memref<1x!tpu.dma_semaphore, #tpu.memory_space<semaphore_mem>>
      %dma_start3A_167 = tpu.memref_squeeze %dma_start3A_166 : memref<1x!tpu.dma_semaphore, #tpu.memory_space<semaphore_mem>> -> memref<!tpu.dma_semaphore, #tpu.memory_space<semaphore_mem>>
      %dma_start3A_168 = arith.constant 0 : i32
      %dma_start3A_169 = arith.constant 0 : i32
      %dma_start3A_170 = tpu.memref_slice %arg9[%rem3A_145, %dma_start3A_168, %dma_start3A_169] : memref<2x80x128xf32, #tpu.memory_space<vmem>> -> memref<1x80x128xf32, #tpu.memory_space<vmem>>
      %dma_start3A_171 = tpu.memref_squeeze %dma_start3A_170 : memref<1x80x128xf32, #tpu.memory_space<vmem>> -> memref<80x128xf32, #tpu.memory_space<vmem>>
      %dma_start3A_172 = arith.constant 0 : i32
      %dma_start3A_173 = tpu.memref_slice %arg2[%add3A_150, %dma_start3A_172] : memref<320000x128xf32, #tpu.memory_space<hbm>> -> memref<80x128xf32, #tpu.memory_space<hbm>>
      tpu.enqueue_dma source(%dma_start3A_173 : memref<80x128xf32, #tpu.memory_space<hbm>>) target(%dma_start3A_171 : memref<80x128xf32, #tpu.memory_space<vmem>>) target_semaphore(%dma_start3A_167 : memref<!tpu.dma_semaphore, #tpu.memory_space<semaphore_mem>>)
      %dma_wait3A_174 = arith.constant 0 : i32
      %dma_wait3A_175 = tpu.memref_slice %arg8[%rem3A_145, %dma_wait3A_174] : memref<2x80xi32, #tpu.memory_space<vmem>> -> memref<1x80xi32, #tpu.memory_space<vmem>>
      %dma_wait3A_176 = tpu.memref_squeeze %dma_wait3A_175 : memref<1x80xi32, #tpu.memory_space<vmem>> -> memref<80xi32, #tpu.memory_space<vmem>>
      %dma_wait3A_177 = tpu.memref_slice %arg3[%add3A_150] : memref<320000xi32, #tpu.memory_space<hbm>> -> memref<80xi32, #tpu.memory_space<hbm>>
      %dma_wait3A_178 = tpu.memref_slice %arg11[%rem3A_145] : memref<2x!tpu.dma_semaphore, #tpu.memory_space<semaphore_mem>> -> memref<1x!tpu.dma_semaphore, #tpu.memory_space<semaphore_mem>>
      %dma_wait3A_179 = tpu.memref_squeeze %dma_wait3A_178 : memref<1x!tpu.dma_semaphore, #tpu.memory_space<semaphore_mem>> -> memref<!tpu.dma_semaphore, #tpu.memory_space<semaphore_mem>>
      %dma_wait3A_180 = arith.constant 0 : i32
      %dma_wait3A_181 = tpu.memref_slice %arg8[%rem3A_145, %dma_wait3A_180] : memref<2x80xi32, #tpu.memory_space<vmem>> -> memref<1x80xi32, #tpu.memory_space<vmem>>
      %dma_wait3A_182 = tpu.memref_squeeze %dma_wait3A_181 : memref<1x80xi32, #tpu.memory_space<vmem>> -> memref<80xi32, #tpu.memory_space<vmem>>
      %dma_wait3A_183 = tpu.memref_slice %arg3[%add3A_150] : memref<320000xi32, #tpu.memory_space<hbm>> -> memref<80xi32, #tpu.memory_space<hbm>>
      tpu.wait_dma2 semaphore(%dma_wait3A_179 : memref<!tpu.dma_semaphore, #tpu.memory_space<semaphore_mem>>) src(%dma_wait3A_183 : memref<80xi32, #tpu.memory_space<hbm>>) dst(%dma_wait3A_182 : memref<80xi32, #tpu.memory_space<vmem>>)
      %dma_wait3A_184 = arith.constant 0 : i32
      %dma_wait3A_185 = arith.constant 0 : i32
      %dma_wait3A_186 = tpu.memref_slice %arg9[%rem3A_145, %dma_wait3A_184, %dma_wait3A_185] : memref<2x80x128xf32, #tpu.memory_space<vmem>> -> memref<1x80x128xf32, #tpu.memory_space<vmem>>
      %dma_wait3A_187 = tpu.memref_squeeze %dma_wait3A_186 : memref<1x80x128xf32, #tpu.memory_space<vmem>> -> memref<80x128xf32, #tpu.memory_space<vmem>>
      %dma_wait3A_188 = arith.constant 0 : i32
      %dma_wait3A_189 = tpu.memref_slice %arg2[%add3A_150, %dma_wait3A_188] : memref<320000x128xf32, #tpu.memory_space<hbm>> -> memref<80x128xf32, #tpu.memory_space<hbm>>
      %dma_wait3A_190 = tpu.memref_slice %arg12[%rem3A_145] : memref<2x!tpu.dma_semaphore, #tpu.memory_space<semaphore_mem>> -> memref<1x!tpu.dma_semaphore, #tpu.memory_space<semaphore_mem>>
      %dma_wait3A_191 = tpu.memref_squeeze %dma_wait3A_190 : memref<1x!tpu.dma_semaphore, #tpu.memory_space<semaphore_mem>> -> memref<!tpu.dma_semaphore, #tpu.memory_space<semaphore_mem>>
      %dma_wait3A_192 = arith.constant 0 : i32
      %dma_wait3A_193 = arith.constant 0 : i32
      %dma_wait3A_194 = tpu.memref_slice %arg9[%rem3A_145, %dma_wait3A_192, %dma_wait3A_193] : memref<2x80x128xf32, #tpu.memory_space<vmem>> -> memref<1x80x128xf32, #tpu.memory_space<vmem>>
      %dma_wait3A_195 = tpu.memref_squeeze %dma_wait3A_194 : memref<1x80x128xf32, #tpu.memory_space<vmem>> -> memref<80x128xf32, #tpu.memory_space<vmem>>
      %dma_wait3A_196 = arith.constant 0 : i32
      %dma_wait3A_197 = tpu.memref_slice %arg2[%add3A_150, %dma_wait3A_196] : memref<320000x128xf32, #tpu.memory_space<hbm>> -> memref<80x128xf32, #tpu.memory_space<hbm>>
      tpu.wait_dma2 semaphore(%dma_wait3A_191 : memref<!tpu.dma_semaphore, #tpu.memory_space<semaphore_mem>>) src(%dma_wait3A_197 : memref<80x128xf32, #tpu.memory_space<hbm>>) dst(%dma_wait3A_195 : memref<80x128xf32, #tpu.memory_space<vmem>>)
      %dma_start3A_198 = arith.constant 0 : i32
      %dma_start3A_199 = arith.constant 0 : i32
      %dma_start3A_200 = tpu.memref_slice %arg9[%rem3A_145, %dma_start3A_198, %dma_start3A_199] : memref<2x80x128xf32, #tpu.memory_space<vmem>> -> memref<1x80x128xf32, #tpu.memory_space<vmem>>
      %dma_start3A_201 = tpu.memref_squeeze %dma_start3A_200 : memref<1x80x128xf32, #tpu.memory_space<vmem>> -> memref<80x128xf32, #tpu.memory_space<vmem>>
      %dma_start3A_202 = arith.constant 0 : i32
      %dma_start3A_203 = tpu.memref_slice %arg8[%rem3A_145, %dma_start3A_202] : memref<2x80xi32, #tpu.memory_space<vmem>> -> memref<1x80xi32, #tpu.memory_space<vmem>>
      %dma_start3A_204 = tpu.memref_squeeze %dma_start3A_203 : memref<1x80xi32, #tpu.memory_space<vmem>> -> memref<80xi32, #tpu.memory_space<vmem>>
      %dma_start3A_205 = arith.constant 0 : i32
      %dma_start3A_206 = arith.constant 0 : i32
      %dma_start3A_207 = tpu.memref_slice %arg7[%dma_start3A_205, %dma_start3A_206] : memref<10240x128xf32, #tpu.memory_space<vmem_shared>> -> memref<10240x128xf32, #tpu.memory_space<vmem_shared>>
      %dma_start3A_208 = tpu.memref_slice %arg10[%rem3A_145] : memref<2x!tpu.dma_semaphore, #tpu.memory_space<semaphore_mem>> -> memref<1x!tpu.dma_semaphore, #tpu.memory_space<semaphore_mem>>
      %dma_start3A_209 = tpu.memref_squeeze %dma_start3A_208 : memref<1x!tpu.dma_semaphore, #tpu.memory_space<semaphore_mem>> -> memref<!tpu.dma_semaphore, #tpu.memory_space<semaphore_mem>>
      tpu.enqueue_indirect_dma source(%dma_start3A_201 : memref<80x128xf32, #tpu.memory_space<vmem>>) target(%dma_start3A_207 : memref<10240x128xf32, #tpu.memory_space<vmem_shared>>) offsets(%dma_start3A_204 : memref<80xi32, #tpu.memory_space<vmem>>) semaphore(%dma_start3A_209 : memref<!tpu.dma_semaphore, #tpu.memory_space<semaphore_mem>>) {add = true}
    }
    %scan3A_49 = arith.constant 125 : i32
    %dma_wait3A = arith.constant 0 : i32
    %dma_wait3A_50 = arith.constant 0 : i32
    %dma_wait3A_51 = arith.constant 0 : i32
    %dma_wait3A_52 = arith.constant 0 : i32
    %dma_wait3A_53 = arith.constant 0 : i32
    %dma_wait3A_54 = tpu.memref_slice %arg9[%dma_wait3A, %dma_wait3A_52, %dma_wait3A_53] : memref<2x80x128xf32, #tpu.memory_space<vmem>> -> memref<1x80x128xf32, #tpu.memory_space<vmem>>
    %dma_wait3A_55 = tpu.memref_squeeze %dma_wait3A_54 : memref<1x80x128xf32, #tpu.memory_space<vmem>> -> memref<80x128xf32, #tpu.memory_space<vmem>>
    %dma_wait3A_56 = arith.constant 0 : i32
    %dma_wait3A_57 = tpu.memref_slice %arg8[%dma_wait3A_50, %dma_wait3A_56] : memref<2x80xi32, #tpu.memory_space<vmem>> -> memref<1x80xi32, #tpu.memory_space<vmem>>
    %dma_wait3A_58 = tpu.memref_squeeze %dma_wait3A_57 : memref<1x80xi32, #tpu.memory_space<vmem>> -> memref<80xi32, #tpu.memory_space<vmem>>
    %dma_wait3A_59 = arith.constant 0 : i32
    %dma_wait3A_60 = arith.constant 0 : i32
    %dma_wait3A_61 = tpu.memref_slice %arg7[%dma_wait3A_59, %dma_wait3A_60] : memref<10240x128xf32, #tpu.memory_space<vmem_shared>> -> memref<10240x128xf32, #tpu.memory_space<vmem_shared>>
    %dma_wait3A_62 = tpu.memref_slice %arg10[%dma_wait3A_51] : memref<2x!tpu.dma_semaphore, #tpu.memory_space<semaphore_mem>> -> memref<1x!tpu.dma_semaphore, #tpu.memory_space<semaphore_mem>>
    %dma_wait3A_63 = tpu.memref_squeeze %dma_wait3A_62 : memref<1x!tpu.dma_semaphore, #tpu.memory_space<semaphore_mem>> -> memref<!tpu.dma_semaphore, #tpu.memory_space<semaphore_mem>>
    tpu.wait_indirect_dma semaphore(%dma_wait3A_63 : memref<!tpu.dma_semaphore, #tpu.memory_space<semaphore_mem>>) src(%dma_wait3A_55 : memref<80x128xf32, #tpu.memory_space<vmem>>) dst(%dma_wait3A_61 : memref<10240x128xf32, #tpu.memory_space<vmem_shared>>)
    %dma_wait3A_64 = arith.constant 1 : i32
    %dma_wait3A_65 = arith.constant 1 : i32
    %dma_wait3A_66 = arith.constant 1 : i32
    %dma_wait3A_67 = arith.constant 0 : i32
    %dma_wait3A_68 = arith.constant 0 : i32
    %dma_wait3A_69 = tpu.memref_slice %arg9[%dma_wait3A_64, %dma_wait3A_67, %dma_wait3A_68] : memref<2x80x128xf32, #tpu.memory_space<vmem>> -> memref<1x80x128xf32, #tpu.memory_space<vmem>>
    %dma_wait3A_70 = tpu.memref_squeeze %dma_wait3A_69 : memref<1x80x128xf32, #tpu.memory_space<vmem>> -> memref<80x128xf32, #tpu.memory_space<vmem>>
    %dma_wait3A_71 = arith.constant 0 : i32
    %dma_wait3A_72 = tpu.memref_slice %arg8[%dma_wait3A_65, %dma_wait3A_71] : memref<2x80xi32, #tpu.memory_space<vmem>> -> memref<1x80xi32, #tpu.memory_space<vmem>>
    %dma_wait3A_73 = tpu.memref_squeeze %dma_wait3A_72 : memref<1x80xi32, #tpu.memory_space<vmem>> -> memref<80xi32, #tpu.memory_space<vmem>>
    %dma_wait3A_74 = arith.constant 0 : i32
    %dma_wait3A_75 = arith.constant 0 : i32
    %dma_wait3A_76 = tpu.memref_slice %arg7[%dma_wait3A_74, %dma_wait3A_75] : memref<10240x128xf32, #tpu.memory_space<vmem_shared>> -> memref<10240x128xf32, #tpu.memory_space<vmem_shared>>
    %dma_wait3A_77 = tpu.memref_slice %arg10[%dma_wait3A_66] : memref<2x!tpu.dma_semaphore, #tpu.memory_space<semaphore_mem>> -> memref<1x!tpu.dma_semaphore, #tpu.memory_space<semaphore_mem>>
    %dma_wait3A_78 = tpu.memref_squeeze %dma_wait3A_77 : memref<1x!tpu.dma_semaphore, #tpu.memory_space<semaphore_mem>> -> memref<!tpu.dma_semaphore, #tpu.memory_space<semaphore_mem>>
    tpu.wait_indirect_dma semaphore(%dma_wait3A_78 : memref<!tpu.dma_semaphore, #tpu.memory_space<semaphore_mem>>) src(%dma_wait3A_70 : memref<80x128xf32, #tpu.memory_space<vmem>>) dst(%dma_wait3A_76 : memref<10240x128xf32, #tpu.memory_space<vmem_shared>>)
    %barrier3A_79 = arith.constant 0 : index
    tpu.barrier barrier_id(%barrier3A_79)
    %add3A_80 = arith.constant 0 : i32
    %add3A_81 = arith.addi %mul3A_2, %add3A_80 : i32
    %run_scoped3A_82 = arith.constant 0 : i32
    "tpu.region"() ({
      %run_scoped3A_144 = tpu.sem_alloc : memref<!tpu.dma_semaphore, #tpu.memory_space<semaphore_mem>>
      %dma_start3A = arith.constant 0 : i32
      %dma_start3A_145 = tpu.memref_slice %arg8[%run_scoped3A_82, %dma_start3A] : memref<2x80xi32, #tpu.memory_space<vmem>> -> memref<1x80xi32, #tpu.memory_space<vmem>>
      %dma_start3A_146 = tpu.memref_squeeze %dma_start3A_145 : memref<1x80xi32, #tpu.memory_space<vmem>> -> memref<80xi32, #tpu.memory_space<vmem>>
      %dma_start3A_147 = tpu.memref_slice %arg5[%add3A_81] : memref<10240xi32, #tpu.memory_space<hbm>> -> memref<80xi32, #tpu.memory_space<hbm>>
      %dma_start3A_148 = arith.constant 0 : i32
      %dma_start3A_149 = tpu.memref_slice %arg8[%run_scoped3A_82, %dma_start3A_148] : memref<2x80xi32, #tpu.memory_space<vmem>> -> memref<1x80xi32, #tpu.memory_space<vmem>>
      %dma_start3A_150 = tpu.memref_squeeze %dma_start3A_149 : memref<1x80xi32, #tpu.memory_space<vmem>> -> memref<80xi32, #tpu.memory_space<vmem>>
      %dma_start3A_151 = tpu.memref_slice %arg5[%add3A_81] : memref<10240xi32, #tpu.memory_space<hbm>> -> memref<80xi32, #tpu.memory_space<hbm>>
      tpu.enqueue_dma source(%dma_start3A_151 : memref<80xi32, #tpu.memory_space<hbm>>) target(%dma_start3A_150 : memref<80xi32, #tpu.memory_space<vmem>>) target_semaphore(%run_scoped3A_144 : memref<!tpu.dma_semaphore, #tpu.memory_space<semaphore_mem>>)
      %dma_wait3A_152 = arith.constant 0 : i32
      %dma_wait3A_153 = tpu.memref_slice %arg8[%run_scoped3A_82, %dma_wait3A_152] : memref<2x80xi32, #tpu.memory_space<vmem>> -> memref<1x80xi32, #tpu.memory_space<vmem>>
      %dma_wait3A_154 = tpu.memref_squeeze %dma_wait3A_153 : memref<1x80xi32, #tpu.memory_space<vmem>> -> memref<80xi32, #tpu.memory_space<vmem>>
      %dma_wait3A_155 = tpu.memref_slice %arg5[%add3A_81] : memref<10240xi32, #tpu.memory_space<hbm>> -> memref<80xi32, #tpu.memory_space<hbm>>
      %dma_wait3A_156 = arith.constant 0 : i32
      %dma_wait3A_157 = tpu.memref_slice %arg8[%run_scoped3A_82, %dma_wait3A_156] : memref<2x80xi32, #tpu.memory_space<vmem>> -> memref<1x80xi32, #tpu.memory_space<vmem>>
      %dma_wait3A_158 = tpu.memref_squeeze %dma_wait3A_157 : memref<1x80xi32, #tpu.memory_space<vmem>> -> memref<80xi32, #tpu.memory_space<vmem>>
      %dma_wait3A_159 = tpu.memref_slice %arg5[%add3A_81] : memref<10240xi32, #tpu.memory_space<hbm>> -> memref<80xi32, #tpu.memory_space<hbm>>
      tpu.wait_dma2 semaphore(%run_scoped3A_144 : memref<!tpu.dma_semaphore, #tpu.memory_space<semaphore_mem>>) src(%dma_wait3A_159 : memref<80xi32, #tpu.memory_space<hbm>>) dst(%dma_wait3A_158 : memref<80xi32, #tpu.memory_space<vmem>>)
      tpu.yield
    }) : () -> ()
    %run_scoped3A_83 = arith.constant 0 : i32
    %run_scoped3A_84 = arith.constant 0 : i32
    "tpu.region"() ({
      %run_scoped3A_144 = tpu.sem_alloc : memref<!tpu.dma_semaphore, #tpu.memory_space<semaphore_mem>>
      %dma_start3A = arith.constant 0 : i32
      %dma_start3A_145 = arith.constant 0 : i32
      %dma_start3A_146 = tpu.memref_slice %arg9[%run_scoped3A_84, %dma_start3A, %dma_start3A_145] : memref<2x80x128xf32, #tpu.memory_space<vmem>> -> memref<1x80x128xf32, #tpu.memory_space<vmem>>
      %dma_start3A_147 = tpu.memref_squeeze %dma_start3A_146 : memref<1x80x128xf32, #tpu.memory_space<vmem>> -> memref<80x128xf32, #tpu.memory_space<vmem>>
      %dma_start3A_148 = arith.constant 0 : i32
      %dma_start3A_149 = tpu.memref_slice %arg8[%run_scoped3A_83, %dma_start3A_148] : memref<2x80xi32, #tpu.memory_space<vmem>> -> memref<1x80xi32, #tpu.memory_space<vmem>>
      %dma_start3A_150 = tpu.memref_squeeze %dma_start3A_149 : memref<1x80xi32, #tpu.memory_space<vmem>> -> memref<80xi32, #tpu.memory_space<vmem>>
      %dma_start3A_151 = arith.constant 0 : i32
      %dma_start3A_152 = arith.constant 0 : i32
      %dma_start3A_153 = tpu.memref_slice %arg7[%dma_start3A_151, %dma_start3A_152] : memref<10240x128xf32, #tpu.memory_space<vmem_shared>> -> memref<10240x128xf32, #tpu.memory_space<vmem_shared>>
      tpu.enqueue_indirect_dma source(%dma_start3A_153 : memref<10240x128xf32, #tpu.memory_space<vmem_shared>>) target(%dma_start3A_147 : memref<80x128xf32, #tpu.memory_space<vmem>>) offsets(%dma_start3A_150 : memref<80xi32, #tpu.memory_space<vmem>>) semaphore(%run_scoped3A_144 : memref<!tpu.dma_semaphore, #tpu.memory_space<semaphore_mem>>)
      %dma_wait3A_154 = arith.constant 0 : i32
      %dma_wait3A_155 = arith.constant 0 : i32
      %dma_wait3A_156 = tpu.memref_slice %arg9[%run_scoped3A_84, %dma_wait3A_154, %dma_wait3A_155] : memref<2x80x128xf32, #tpu.memory_space<vmem>> -> memref<1x80x128xf32, #tpu.memory_space<vmem>>
      %dma_wait3A_157 = tpu.memref_squeeze %dma_wait3A_156 : memref<1x80x128xf32, #tpu.memory_space<vmem>> -> memref<80x128xf32, #tpu.memory_space<vmem>>
      %dma_wait3A_158 = arith.constant 0 : i32
      %dma_wait3A_159 = tpu.memref_slice %arg8[%run_scoped3A_83, %dma_wait3A_158] : memref<2x80xi32, #tpu.memory_space<vmem>> -> memref<1x80xi32, #tpu.memory_space<vmem>>
      %dma_wait3A_160 = tpu.memref_squeeze %dma_wait3A_159 : memref<1x80xi32, #tpu.memory_space<vmem>> -> memref<80xi32, #tpu.memory_space<vmem>>
      %dma_wait3A_161 = arith.constant 0 : i32
      %dma_wait3A_162 = arith.constant 0 : i32
      %dma_wait3A_163 = tpu.memref_slice %arg7[%dma_wait3A_161, %dma_wait3A_162] : memref<10240x128xf32, #tpu.memory_space<vmem_shared>> -> memref<10240x128xf32, #tpu.memory_space<vmem_shared>>
      tpu.wait_indirect_dma semaphore(%run_scoped3A_144 : memref<!tpu.dma_semaphore, #tpu.memory_space<semaphore_mem>>) src(%dma_wait3A_163 : memref<10240x128xf32, #tpu.memory_space<vmem_shared>>) dst(%dma_wait3A_157 : memref<80x128xf32, #tpu.memory_space<vmem>>)
      tpu.yield
    }) : () -> ()
    %add3A_85 = arith.constant 0 : i32
    %add3A_86 = arith.addi %mul3A_2, %add3A_85 : i32
    %run_scoped3A_87 = arith.constant 0 : i32
    "tpu.region"() ({
      %run_scoped3A_144 = tpu.sem_alloc : memref<!tpu.dma_semaphore, #tpu.memory_space<semaphore_mem>>
      %dma_start3A = arith.constant 0 : i32
      %dma_start3A_145 = arith.constant 0 : i32
      %dma_start3A_146 = tpu.memref_slice %arg9[%run_scoped3A_87, %dma_start3A, %dma_start3A_145] : memref<2x80x128xf32, #tpu.memory_space<vmem>> -> memref<1x80x128xf32, #tpu.memory_space<vmem>>
      %dma_start3A_147 = tpu.memref_squeeze %dma_start3A_146 : memref<1x80x128xf32, #tpu.memory_space<vmem>> -> memref<80x128xf32, #tpu.memory_space<vmem>>
      %dma_start3A_148 = arith.constant 0 : i32
      %dma_start3A_149 = tpu.memref_slice %arg6[%arg0, %add3A_86, %dma_start3A_148] : memref<2x10240x128xf32, #tpu.memory_space<hbm>> -> memref<1x80x128xf32, #tpu.memory_space<hbm>>
      %dma_start3A_150 = tpu.memref_squeeze %dma_start3A_149 : memref<1x80x128xf32, #tpu.memory_space<hbm>> -> memref<80x128xf32, #tpu.memory_space<hbm>>
      %dma_start3A_151 = arith.constant 0 : i32
      %dma_start3A_152 = tpu.memref_slice %arg6[%arg0, %add3A_86, %dma_start3A_151] : memref<2x10240x128xf32, #tpu.memory_space<hbm>> -> memref<1x80x128xf32, #tpu.memory_space<hbm>>
      %dma_start3A_153 = tpu.memref_squeeze %dma_start3A_152 : memref<1x80x128xf32, #tpu.memory_space<hbm>> -> memref<80x128xf32, #tpu.memory_space<hbm>>
      %dma_start3A_154 = arith.constant 0 : i32
      %dma_start3A_155 = arith.constant 0 : i32
      %dma_start3A_156 = tpu.memref_slice %arg9[%run_scoped3A_87, %dma_start3A_154, %dma_start3A_155] : memref<2x80x128xf32, #tpu.memory_space<vmem>> -> memref<1x80x128xf32, #tpu.memory_space<vmem>>
      %dma_start3A_157 = tpu.memref_squeeze %dma_start3A_156 : memref<1x80x128xf32, #tpu.memory_space<vmem>> -> memref<80x128xf32, #tpu.memory_space<vmem>>
      tpu.enqueue_dma source(%dma_start3A_157 : memref<80x128xf32, #tpu.memory_space<vmem>>) target(%dma_start3A_153 : memref<80x128xf32, #tpu.memory_space<hbm>>) target_semaphore(%run_scoped3A_144 : memref<!tpu.dma_semaphore, #tpu.memory_space<semaphore_mem>>)
      %dma_wait3A_158 = arith.constant 0 : i32
      %dma_wait3A_159 = arith.constant 0 : i32
      %dma_wait3A_160 = tpu.memref_slice %arg9[%run_scoped3A_87, %dma_wait3A_158, %dma_wait3A_159] : memref<2x80x128xf32, #tpu.memory_space<vmem>> -> memref<1x80x128xf32, #tpu.memory_space<vmem>>
      %dma_wait3A_161 = tpu.memref_squeeze %dma_wait3A_160 : memref<1x80x128xf32, #tpu.memory_space<vmem>> -> memref<80x128xf32, #tpu.memory_space<vmem>>
      %dma_wait3A_162 = arith.constant 0 : i32
      %dma_wait3A_163 = tpu.memref_slice %arg6[%arg0, %add3A_86, %dma_wait3A_162] : memref<2x10240x128xf32, #tpu.memory_space<hbm>> -> memref<1x80x128xf32, #tpu.memory_space<hbm>>
      %dma_wait3A_164 = tpu.memref_squeeze %dma_wait3A_163 : memref<1x80x128xf32, #tpu.memory_space<hbm>> -> memref<80x128xf32, #tpu.memory_space<hbm>>
      %dma_wait3A_165 = arith.constant 0 : i32
      %dma_wait3A_166 = tpu.memref_slice %arg6[%arg0, %add3A_86, %dma_wait3A_165] : memref<2x10240x128xf32, #tpu.memory_space<hbm>> -> memref<1x80x128xf32, #tpu.memory_space<hbm>>
      %dma_wait3A_167 = tpu.memref_squeeze %dma_wait3A_166 : memref<1x80x128xf32, #tpu.memory_space<hbm>> -> memref<80x128xf32, #tpu.memory_space<hbm>>
      %dma_wait3A_168 = arith.constant 0 : i32
      %dma_wait3A_169 = arith.constant 0 : i32
      %dma_wait3A_170 = tpu.memref_slice %arg9[%run_scoped3A_87, %dma_wait3A_168, %dma_wait3A_169] : memref<2x80x128xf32, #tpu.memory_space<vmem>> -> memref<1x80x128xf32, #tpu.memory_space<vmem>>
      %dma_wait3A_171 = tpu.memref_squeeze %dma_wait3A_170 : memref<1x80x128xf32, #tpu.memory_space<vmem>> -> memref<80x128xf32, #tpu.memory_space<vmem>>
      tpu.wait_dma2 semaphore(%run_scoped3A_144 : memref<!tpu.dma_semaphore, #tpu.memory_space<semaphore_mem>>) src(%dma_wait3A_171 : memref<80x128xf32, #tpu.memory_space<vmem>>) dst(%dma_wait3A_167 : memref<80x128xf32, #tpu.memory_space<hbm>>)
      tpu.yield
    }) : () -> ()
    %add3A_88 = arith.constant 80 : i32
    %add3A_89 = arith.addi %mul3A_2, %add3A_88 : i32
    %run_scoped3A_90 = arith.constant 0 : i32
    "tpu.region"() ({
      %run_scoped3A_144 = tpu.sem_alloc : memref<!tpu.dma_semaphore, #tpu.memory_space<semaphore_mem>>
      %dma_start3A = arith.constant 0 : i32
      %dma_start3A_145 = tpu.memref_slice %arg8[%run_scoped3A_90, %dma_start3A] : memref<2x80xi32, #tpu.memory_space<vmem>> -> memref<1x80xi32, #tpu.memory_space<vmem>>
      %dma_start3A_146 = tpu.memref_squeeze %dma_start3A_145 : memref<1x80xi32, #tpu.memory_space<vmem>> -> memref<80xi32, #tpu.memory_space<vmem>>
      %dma_start3A_147 = tpu.memref_slice %arg5[%add3A_89] : memref<10240xi32, #tpu.memory_space<hbm>> -> memref<80xi32, #tpu.memory_space<hbm>>
      %dma_start3A_148 = arith.constant 0 : i32
      %dma_start3A_149 = tpu.memref_slice %arg8[%run_scoped3A_90, %dma_start3A_148] : memref<2x80xi32, #tpu.memory_space<vmem>> -> memref<1x80xi32, #tpu.memory_space<vmem>>
      %dma_start3A_150 = tpu.memref_squeeze %dma_start3A_149 : memref<1x80xi32, #tpu.memory_space<vmem>> -> memref<80xi32, #tpu.memory_space<vmem>>
      %dma_start3A_151 = tpu.memref_slice %arg5[%add3A_89] : memref<10240xi32, #tpu.memory_space<hbm>> -> memref<80xi32, #tpu.memory_space<hbm>>
      tpu.enqueue_dma source(%dma_start3A_151 : memref<80xi32, #tpu.memory_space<hbm>>) target(%dma_start3A_150 : memref<80xi32, #tpu.memory_space<vmem>>) target_semaphore(%run_scoped3A_144 : memref<!tpu.dma_semaphore, #tpu.memory_space<semaphore_mem>>)
      %dma_wait3A_152 = arith.constant 0 : i32
      %dma_wait3A_153 = tpu.memref_slice %arg8[%run_scoped3A_90, %dma_wait3A_152] : memref<2x80xi32, #tpu.memory_space<vmem>> -> memref<1x80xi32, #tpu.memory_space<vmem>>
      %dma_wait3A_154 = tpu.memref_squeeze %dma_wait3A_153 : memref<1x80xi32, #tpu.memory_space<vmem>> -> memref<80xi32, #tpu.memory_space<vmem>>
      %dma_wait3A_155 = tpu.memref_slice %arg5[%add3A_89] : memref<10240xi32, #tpu.memory_space<hbm>> -> memref<80xi32, #tpu.memory_space<hbm>>
      %dma_wait3A_156 = arith.constant 0 : i32
      %dma_wait3A_157 = tpu.memref_slice %arg8[%run_scoped3A_90, %dma_wait3A_156] : memref<2x80xi32, #tpu.memory_space<vmem>> -> memref<1x80xi32, #tpu.memory_space<vmem>>
      %dma_wait3A_158 = tpu.memref_squeeze %dma_wait3A_157 : memref<1x80xi32, #tpu.memory_space<vmem>> -> memref<80xi32, #tpu.memory_space<vmem>>
      %dma_wait3A_159 = tpu.memref_slice %arg5[%add3A_89] : memref<10240xi32, #tpu.memory_space<hbm>> -> memref<80xi32, #tpu.memory_space<hbm>>
      tpu.wait_dma2 semaphore(%run_scoped3A_144 : memref<!tpu.dma_semaphore, #tpu.memory_space<semaphore_mem>>) src(%dma_wait3A_159 : memref<80xi32, #tpu.memory_space<hbm>>) dst(%dma_wait3A_158 : memref<80xi32, #tpu.memory_space<vmem>>)
      tpu.yield
    }) : () -> ()
    %run_scoped3A_91 = arith.constant 0 : i32
    %run_scoped3A_92 = arith.constant 0 : i32
    "tpu.region"() ({
      %run_scoped3A_144 = tpu.sem_alloc : memref<!tpu.dma_semaphore, #tpu.memory_space<semaphore_mem>>
      %dma_start3A = arith.constant 0 : i32
      %dma_start3A_145 = arith.constant 0 : i32
      %dma_start3A_146 = tpu.memref_slice %arg9[%run_scoped3A_92, %dma_start3A, %dma_start3A_145] : memref<2x80x128xf32, #tpu.memory_space<vmem>> -> memref<1x80x128xf32, #tpu.memory_space<vmem>>
      %dma_start3A_147 = tpu.memref_squeeze %dma_start3A_146 : memref<1x80x128xf32, #tpu.memory_space<vmem>> -> memref<80x128xf32, #tpu.memory_space<vmem>>
      %dma_start3A_148 = arith.constant 0 : i32
      %dma_start3A_149 = tpu.memref_slice %arg8[%run_scoped3A_91, %dma_start3A_148] : memref<2x80xi32, #tpu.memory_space<vmem>> -> memref<1x80xi32, #tpu.memory_space<vmem>>
      %dma_start3A_150 = tpu.memref_squeeze %dma_start3A_149 : memref<1x80xi32, #tpu.memory_space<vmem>> -> memref<80xi32, #tpu.memory_space<vmem>>
      %dma_start3A_151 = arith.constant 0 : i32
      %dma_start3A_152 = arith.constant 0 : i32
      %dma_start3A_153 = tpu.memref_slice %arg7[%dma_start3A_151, %dma_start3A_152] : memref<10240x128xf32, #tpu.memory_space<vmem_shared>> -> memref<10240x128xf32, #tpu.memory_space<vmem_shared>>
      tpu.enqueue_indirect_dma source(%dma_start3A_153 : memref<10240x128xf32, #tpu.memory_space<vmem_shared>>) target(%dma_start3A_147 : memref<80x128xf32, #tpu.memory_space<vmem>>) offsets(%dma_start3A_150 : memref<80xi32, #tpu.memory_space<vmem>>) semaphore(%run_scoped3A_144 : memref<!tpu.dma_semaphore, #tpu.memory_space<semaphore_mem>>)
      %dma_wait3A_154 = arith.constant 0 : i32
      %dma_wait3A_155 = arith.constant 0 : i32
      %dma_wait3A_156 = tpu.memref_slice %arg9[%run_scoped3A_92, %dma_wait3A_154, %dma_wait3A_155] : memref<2x80x128xf32, #tpu.memory_space<vmem>> -> memref<1x80x128xf32, #tpu.memory_space<vmem>>
      %dma_wait3A_157 = tpu.memref_squeeze %dma_wait3A_156 : memref<1x80x128xf32, #tpu.memory_space<vmem>> -> memref<80x128xf32, #tpu.memory_space<vmem>>
      %dma_wait3A_158 = arith.constant 0 : i32
      %dma_wait3A_159 = tpu.memref_slice %arg8[%run_scoped3A_91, %dma_wait3A_158] : memref<2x80xi32, #tpu.memory_space<vmem>> -> memref<1x80xi32, #tpu.memory_space<vmem>>
      %dma_wait3A_160 = tpu.memref_squeeze %dma_wait3A_159 : memref<1x80xi32, #tpu.memory_space<vmem>> -> memref<80xi32, #tpu.memory_space<vmem>>
      %dma_wait3A_161 = arith.constant 0 : i32
      %dma_wait3A_162 = arith.constant 0 : i32
      %dma_wait3A_163 = tpu.memref_slice %arg7[%dma_wait3A_161, %dma_wait3A_162] : memref<10240x128xf32, #tpu.memory_space<vmem_shared>> -> memref<10240x128xf32, #tpu.memory_space<vmem_shared>>
      tpu.wait_indirect_dma semaphore(%run_scoped3A_144 : memref<!tpu.dma_semaphore, #tpu.memory_space<semaphore_mem>>) src(%dma_wait3A_163 : memref<10240x128xf32, #tpu.memory_space<vmem_shared>>) dst(%dma_wait3A_157 : memref<80x128xf32, #tpu.memory_space<vmem>>)
      tpu.yield
    }) : () -> ()
    %add3A_93 = arith.constant 80 : i32
    %add3A_94 = arith.addi %mul3A_2, %add3A_93 : i32
    %run_scoped3A_95 = arith.constant 0 : i32
    "tpu.region"() ({
      %run_scoped3A_144 = tpu.sem_alloc : memref<!tpu.dma_semaphore, #tpu.memory_space<semaphore_mem>>
      %dma_start3A = arith.constant 0 : i32
      %dma_start3A_145 = arith.constant 0 : i32
      %dma_start3A_146 = tpu.memref_slice %arg9[%run_scoped3A_95, %dma_start3A, %dma_start3A_145] : memref<2x80x128xf32, #tpu.memory_space<vmem>> -> memref<1x80x128xf32, #tpu.memory_space<vmem>>
      %dma_start3A_147 = tpu.memref_squeeze %dma_start3A_146 : memref<1x80x128xf32, #tpu.memory_space<vmem>> -> memref<80x128xf32, #tpu.memory_space<vmem>>
      %dma_start3A_148 = arith.constant 0 : i32
      %dma_start3A_149 = tpu.memref_slice %arg6[%arg0, %add3A_94, %dma_start3A_148] : memref<2x10240x128xf32, #tpu.memory_space<hbm>> -> memref<1x80x128xf32, #tpu.memory_space<hbm>>
      %dma_start3A_150 = tpu.memref_squeeze %dma_start3A_149 : memref<1x80x128xf32, #tpu.memory_space<hbm>> -> memref<80x128xf32, #tpu.memory_space<hbm>>
      %dma_start3A_151 = arith.constant 0 : i32
      %dma_start3A_152 = tpu.memref_slice %arg6[%arg0, %add3A_94, %dma_start3A_151] : memref<2x10240x128xf32, #tpu.memory_space<hbm>> -> memref<1x80x128xf32, #tpu.memory_space<hbm>>
      %dma_start3A_153 = tpu.memref_squeeze %dma_start3A_152 : memref<1x80x128xf32, #tpu.memory_space<hbm>> -> memref<80x128xf32, #tpu.memory_space<hbm>>
      %dma_start3A_154 = arith.constant 0 : i32
      %dma_start3A_155 = arith.constant 0 : i32
      %dma_start3A_156 = tpu.memref_slice %arg9[%run_scoped3A_95, %dma_start3A_154, %dma_start3A_155] : memref<2x80x128xf32, #tpu.memory_space<vmem>> -> memref<1x80x128xf32, #tpu.memory_space<vmem>>
      %dma_start3A_157 = tpu.memref_squeeze %dma_start3A_156 : memref<1x80x128xf32, #tpu.memory_space<vmem>> -> memref<80x128xf32, #tpu.memory_space<vmem>>
      tpu.enqueue_dma source(%dma_start3A_157 : memref<80x128xf32, #tpu.memory_space<vmem>>) target(%dma_start3A_153 : memref<80x128xf32, #tpu.memory_space<hbm>>) target_semaphore(%run_scoped3A_144 : memref<!tpu.dma_semaphore, #tpu.memory_space<semaphore_mem>>)
      %dma_wait3A_158 = arith.constant 0 : i32
      %dma_wait3A_159 = arith.constant 0 : i32
      %dma_wait3A_160 = tpu.memref_slice %arg9[%run_scoped3A_95, %dma_wait3A_158, %dma_wait3A_159] : memref<2x80x128xf32, #tpu.memory_space<vmem>> -> memref<1x80x128xf32, #tpu.memory_space<vmem>>
      %dma_wait3A_161 = tpu.memref_squeeze %dma_wait3A_160 : memref<1x80x128xf32, #tpu.memory_space<vmem>> -> memref<80x128xf32, #tpu.memory_space<vmem>>
      %dma_wait3A_162 = arith.constant 0 : i32
      %dma_wait3A_163 = tpu.memref_slice %arg6[%arg0, %add3A_94, %dma_wait3A_162] : memref<2x10240x128xf32, #tpu.memory_space<hbm>> -> memref<1x80x128xf32, #tpu.memory_space<hbm>>
      %dma_wait3A_164 = tpu.memref_squeeze %dma_wait3A_163 : memref<1x80x128xf32, #tpu.memory_space<hbm>> -> memref<80x128xf32, #tpu.memory_space<hbm>>
      %dma_wait3A_165 = arith.constant 0 : i32
      %dma_wait3A_166 = tpu.memref_slice %arg6[%arg0, %add3A_94, %dma_wait3A_165] : memref<2x10240x128xf32, #tpu.memory_space<hbm>> -> memref<1x80x128xf32, #tpu.memory_space<hbm>>
      %dma_wait3A_167 = tpu.memref_squeeze %dma_wait3A_166 : memref<1x80x128xf32, #tpu.memory_space<hbm>> -> memref<80x128xf32, #tpu.memory_space<hbm>>
      %dma_wait3A_168 = arith.constant 0 : i32
      %dma_wait3A_169 = arith.constant 0 : i32
      %dma_wait3A_170 = tpu.memref_slice %arg9[%run_scoped3A_95, %dma_wait3A_168, %dma_wait3A_169] : memref<2x80x128xf32, #tpu.memory_space<vmem>> -> memref<1x80x128xf32, #tpu.memory_space<vmem>>
      %dma_wait3A_171 = tpu.memref_squeeze %dma_wait3A_170 : memref<1x80x128xf32, #tpu.memory_space<vmem>> -> memref<80x128xf32, #tpu.memory_space<vmem>>
      tpu.wait_dma2 semaphore(%run_scoped3A_144 : memref<!tpu.dma_semaphore, #tpu.memory_space<semaphore_mem>>) src(%dma_wait3A_171 : memref<80x128xf32, #tpu.memory_space<vmem>>) dst(%dma_wait3A_167 : memref<80x128xf32, #tpu.memory_space<hbm>>)
      tpu.yield
    }) : () -> ()
    %add3A_96 = arith.constant 160 : i32
    %add3A_97 = arith.addi %mul3A_2, %add3A_96 : i32
    %run_scoped3A_98 = arith.constant 0 : i32
    "tpu.region"() ({
      %run_scoped3A_144 = tpu.sem_alloc : memref<!tpu.dma_semaphore, #tpu.memory_space<semaphore_mem>>
      %dma_start3A = arith.constant 0 : i32
      %dma_start3A_145 = tpu.memref_slice %arg8[%run_scoped3A_98, %dma_start3A] : memref<2x80xi32, #tpu.memory_space<vmem>> -> memref<1x80xi32, #tpu.memory_space<vmem>>
      %dma_start3A_146 = tpu.memref_squeeze %dma_start3A_145 : memref<1x80xi32, #tpu.memory_space<vmem>> -> memref<80xi32, #tpu.memory_space<vmem>>
      %dma_start3A_147 = tpu.memref_slice %arg5[%add3A_97] : memref<10240xi32, #tpu.memory_space<hbm>> -> memref<80xi32, #tpu.memory_space<hbm>>
      %dma_start3A_148 = arith.constant 0 : i32
      %dma_start3A_149 = tpu.memref_slice %arg8[%run_scoped3A_98, %dma_start3A_148] : memref<2x80xi32, #tpu.memory_space<vmem>> -> memref<1x80xi32, #tpu.memory_space<vmem>>
      %dma_start3A_150 = tpu.memref_squeeze %dma_start3A_149 : memref<1x80xi32, #tpu.memory_space<vmem>> -> memref<80xi32, #tpu.memory_space<vmem>>
      %dma_start3A_151 = tpu.memref_slice %arg5[%add3A_97] : memref<10240xi32, #tpu.memory_space<hbm>> -> memref<80xi32, #tpu.memory_space<hbm>>
      tpu.enqueue_dma source(%dma_start3A_151 : memref<80xi32, #tpu.memory_space<hbm>>) target(%dma_start3A_150 : memref<80xi32, #tpu.memory_space<vmem>>) target_semaphore(%run_scoped3A_144 : memref<!tpu.dma_semaphore, #tpu.memory_space<semaphore_mem>>)
      %dma_wait3A_152 = arith.constant 0 : i32
      %dma_wait3A_153 = tpu.memref_slice %arg8[%run_scoped3A_98, %dma_wait3A_152] : memref<2x80xi32, #tpu.memory_space<vmem>> -> memref<1x80xi32, #tpu.memory_space<vmem>>
      %dma_wait3A_154 = tpu.memref_squeeze %dma_wait3A_153 : memref<1x80xi32, #tpu.memory_space<vmem>> -> memref<80xi32, #tpu.memory_space<vmem>>
      %dma_wait3A_155 = tpu.memref_slice %arg5[%add3A_97] : memref<10240xi32, #tpu.memory_space<hbm>> -> memref<80xi32, #tpu.memory_space<hbm>>
      %dma_wait3A_156 = arith.constant 0 : i32
      %dma_wait3A_157 = tpu.memref_slice %arg8[%run_scoped3A_98, %dma_wait3A_156] : memref<2x80xi32, #tpu.memory_space<vmem>> -> memref<1x80xi32, #tpu.memory_space<vmem>>
      %dma_wait3A_158 = tpu.memref_squeeze %dma_wait3A_157 : memref<1x80xi32, #tpu.memory_space<vmem>> -> memref<80xi32, #tpu.memory_space<vmem>>
      %dma_wait3A_159 = tpu.memref_slice %arg5[%add3A_97] : memref<10240xi32, #tpu.memory_space<hbm>> -> memref<80xi32, #tpu.memory_space<hbm>>
      tpu.wait_dma2 semaphore(%run_scoped3A_144 : memref<!tpu.dma_semaphore, #tpu.memory_space<semaphore_mem>>) src(%dma_wait3A_159 : memref<80xi32, #tpu.memory_space<hbm>>) dst(%dma_wait3A_158 : memref<80xi32, #tpu.memory_space<vmem>>)
      tpu.yield
    }) : () -> ()
    %run_scoped3A_99 = arith.constant 0 : i32
    %run_scoped3A_100 = arith.constant 0 : i32
    "tpu.region"() ({
      %run_scoped3A_144 = tpu.sem_alloc : memref<!tpu.dma_semaphore, #tpu.memory_space<semaphore_mem>>
      %dma_start3A = arith.constant 0 : i32
      %dma_start3A_145 = arith.constant 0 : i32
      %dma_start3A_146 = tpu.memref_slice %arg9[%run_scoped3A_100, %dma_start3A, %dma_start3A_145] : memref<2x80x128xf32, #tpu.memory_space<vmem>> -> memref<1x80x128xf32, #tpu.memory_space<vmem>>
      %dma_start3A_147 = tpu.memref_squeeze %dma_start3A_146 : memref<1x80x128xf32, #tpu.memory_space<vmem>> -> memref<80x128xf32, #tpu.memory_space<vmem>>
      %dma_start3A_148 = arith.constant 0 : i32
      %dma_start3A_149 = tpu.memref_slice %arg8[%run_scoped3A_99, %dma_start3A_148] : memref<2x80xi32, #tpu.memory_space<vmem>> -> memref<1x80xi32, #tpu.memory_space<vmem>>
      %dma_start3A_150 = tpu.memref_squeeze %dma_start3A_149 : memref<1x80xi32, #tpu.memory_space<vmem>> -> memref<80xi32, #tpu.memory_space<vmem>>
      %dma_start3A_151 = arith.constant 0 : i32
      %dma_start3A_152 = arith.constant 0 : i32
      %dma_start3A_153 = tpu.memref_slice %arg7[%dma_start3A_151, %dma_start3A_152] : memref<10240x128xf32, #tpu.memory_space<vmem_shared>> -> memref<10240x128xf32, #tpu.memory_space<vmem_shared>>
      tpu.enqueue_indirect_dma source(%dma_start3A_153 : memref<10240x128xf32, #tpu.memory_space<vmem_shared>>) target(%dma_start3A_147 : memref<80x128xf32, #tpu.memory_space<vmem>>) offsets(%dma_start3A_150 : memref<80xi32, #tpu.memory_space<vmem>>) semaphore(%run_scoped3A_144 : memref<!tpu.dma_semaphore, #tpu.memory_space<semaphore_mem>>)
      %dma_wait3A_154 = arith.constant 0 : i32
      %dma_wait3A_155 = arith.constant 0 : i32
      %dma_wait3A_156 = tpu.memref_slice %arg9[%run_scoped3A_100, %dma_wait3A_154, %dma_wait3A_155] : memref<2x80x128xf32, #tpu.memory_space<vmem>> -> memref<1x80x128xf32, #tpu.memory_space<vmem>>
      %dma_wait3A_157 = tpu.memref_squeeze %dma_wait3A_156 : memref<1x80x128xf32, #tpu.memory_space<vmem>> -> memref<80x128xf32, #tpu.memory_space<vmem>>
      %dma_wait3A_158 = arith.constant 0 : i32
      %dma_wait3A_159 = tpu.memref_slice %arg8[%run_scoped3A_99, %dma_wait3A_158] : memref<2x80xi32, #tpu.memory_space<vmem>> -> memref<1x80xi32, #tpu.memory_space<vmem>>
      %dma_wait3A_160 = tpu.memref_squeeze %dma_wait3A_159 : memref<1x80xi32, #tpu.memory_space<vmem>> -> memref<80xi32, #tpu.memory_space<vmem>>
      %dma_wait3A_161 = arith.constant 0 : i32
      %dma_wait3A_162 = arith.constant 0 : i32
      %dma_wait3A_163 = tpu.memref_slice %arg7[%dma_wait3A_161, %dma_wait3A_162] : memref<10240x128xf32, #tpu.memory_space<vmem_shared>> -> memref<10240x128xf32, #tpu.memory_space<vmem_shared>>
      tpu.wait_indirect_dma semaphore(%run_scoped3A_144 : memref<!tpu.dma_semaphore, #tpu.memory_space<semaphore_mem>>) src(%dma_wait3A_163 : memref<10240x128xf32, #tpu.memory_space<vmem_shared>>) dst(%dma_wait3A_157 : memref<80x128xf32, #tpu.memory_space<vmem>>)
      tpu.yield
    }) : () -> ()
    %add3A_101 = arith.constant 160 : i32
    %add3A_102 = arith.addi %mul3A_2, %add3A_101 : i32
    %run_scoped3A_103 = arith.constant 0 : i32
    "tpu.region"() ({
      %run_scoped3A_144 = tpu.sem_alloc : memref<!tpu.dma_semaphore, #tpu.memory_space<semaphore_mem>>
      %dma_start3A = arith.constant 0 : i32
      %dma_start3A_145 = arith.constant 0 : i32
      %dma_start3A_146 = tpu.memref_slice %arg9[%run_scoped3A_103, %dma_start3A, %dma_start3A_145] : memref<2x80x128xf32, #tpu.memory_space<vmem>> -> memref<1x80x128xf32, #tpu.memory_space<vmem>>
      %dma_start3A_147 = tpu.memref_squeeze %dma_start3A_146 : memref<1x80x128xf32, #tpu.memory_space<vmem>> -> memref<80x128xf32, #tpu.memory_space<vmem>>
      %dma_start3A_148 = arith.constant 0 : i32
      %dma_start3A_149 = tpu.memref_slice %arg6[%arg0, %add3A_102, %dma_start3A_148] : memref<2x10240x128xf32, #tpu.memory_space<hbm>> -> memref<1x80x128xf32, #tpu.memory_space<hbm>>
      %dma_start3A_150 = tpu.memref_squeeze %dma_start3A_149 : memref<1x80x128xf32, #tpu.memory_space<hbm>> -> memref<80x128xf32, #tpu.memory_space<hbm>>
      %dma_start3A_151 = arith.constant 0 : i32
      %dma_start3A_152 = tpu.memref_slice %arg6[%arg0, %add3A_102, %dma_start3A_151] : memref<2x10240x128xf32, #tpu.memory_space<hbm>> -> memref<1x80x128xf32, #tpu.memory_space<hbm>>
      %dma_start3A_153 = tpu.memref_squeeze %dma_start3A_152 : memref<1x80x128xf32, #tpu.memory_space<hbm>> -> memref<80x128xf32, #tpu.memory_space<hbm>>
      %dma_start3A_154 = arith.constant 0 : i32
      %dma_start3A_155 = arith.constant 0 : i32
      %dma_start3A_156 = tpu.memref_slice %arg9[%run_scoped3A_103, %dma_start3A_154, %dma_start3A_155] : memref<2x80x128xf32, #tpu.memory_space<vmem>> -> memref<1x80x128xf32, #tpu.memory_space<vmem>>
      %dma_start3A_157 = tpu.memref_squeeze %dma_start3A_156 : memref<1x80x128xf32, #tpu.memory_space<vmem>> -> memref<80x128xf32, #tpu.memory_space<vmem>>
      tpu.enqueue_dma source(%dma_start3A_157 : memref<80x128xf32, #tpu.memory_space<vmem>>) target(%dma_start3A_153 : memref<80x128xf32, #tpu.memory_space<hbm>>) target_semaphore(%run_scoped3A_144 : memref<!tpu.dma_semaphore, #tpu.memory_space<semaphore_mem>>)
      %dma_wait3A_158 = arith.constant 0 : i32
      %dma_wait3A_159 = arith.constant 0 : i32
      %dma_wait3A_160 = tpu.memref_slice %arg9[%run_scoped3A_103, %dma_wait3A_158, %dma_wait3A_159] : memref<2x80x128xf32, #tpu.memory_space<vmem>> -> memref<1x80x128xf32, #tpu.memory_space<vmem>>
      %dma_wait3A_161 = tpu.memref_squeeze %dma_wait3A_160 : memref<1x80x128xf32, #tpu.memory_space<vmem>> -> memref<80x128xf32, #tpu.memory_space<vmem>>
      %dma_wait3A_162 = arith.constant 0 : i32
      %dma_wait3A_163 = tpu.memref_slice %arg6[%arg0, %add3A_102, %dma_wait3A_162] : memref<2x10240x128xf32, #tpu.memory_space<hbm>> -> memref<1x80x128xf32, #tpu.memory_space<hbm>>
      %dma_wait3A_164 = tpu.memref_squeeze %dma_wait3A_163 : memref<1x80x128xf32, #tpu.memory_space<hbm>> -> memref<80x128xf32, #tpu.memory_space<hbm>>
      %dma_wait3A_165 = arith.constant 0 : i32
      %dma_wait3A_166 = tpu.memref_slice %arg6[%arg0, %add3A_102, %dma_wait3A_165] : memref<2x10240x128xf32, #tpu.memory_space<hbm>> -> memref<1x80x128xf32, #tpu.memory_space<hbm>>
      %dma_wait3A_167 = tpu.memref_squeeze %dma_wait3A_166 : memref<1x80x128xf32, #tpu.memory_space<hbm>> -> memref<80x128xf32, #tpu.memory_space<hbm>>
      %dma_wait3A_168 = arith.constant 0 : i32
      %dma_wait3A_169 = arith.constant 0 : i32
      %dma_wait3A_170 = tpu.memref_slice %arg9[%run_scoped3A_103, %dma_wait3A_168, %dma_wait3A_169] : memref<2x80x128xf32, #tpu.memory_space<vmem>> -> memref<1x80x128xf32, #tpu.memory_space<vmem>>
      %dma_wait3A_171 = tpu.memref_squeeze %dma_wait3A_170 : memref<1x80x128xf32, #tpu.memory_space<vmem>> -> memref<80x128xf32, #tpu.memory_space<vmem>>
      tpu.wait_dma2 semaphore(%run_scoped3A_144 : memref<!tpu.dma_semaphore, #tpu.memory_space<semaphore_mem>>) src(%dma_wait3A_171 : memref<80x128xf32, #tpu.memory_space<vmem>>) dst(%dma_wait3A_167 : memref<80x128xf32, #tpu.memory_space<hbm>>)
      tpu.yield
    }) : () -> ()
    %add3A_104 = arith.constant 240 : i32
    %add3A_105 = arith.addi %mul3A_2, %add3A_104 : i32
    %run_scoped3A_106 = arith.constant 0 : i32
    "tpu.region"() ({
      %run_scoped3A_144 = tpu.sem_alloc : memref<!tpu.dma_semaphore, #tpu.memory_space<semaphore_mem>>
      %dma_start3A = arith.constant 0 : i32
      %dma_start3A_145 = tpu.memref_slice %arg8[%run_scoped3A_106, %dma_start3A] : memref<2x80xi32, #tpu.memory_space<vmem>> -> memref<1x80xi32, #tpu.memory_space<vmem>>
      %dma_start3A_146 = tpu.memref_squeeze %dma_start3A_145 : memref<1x80xi32, #tpu.memory_space<vmem>> -> memref<80xi32, #tpu.memory_space<vmem>>
      %dma_start3A_147 = tpu.memref_slice %arg5[%add3A_105] : memref<10240xi32, #tpu.memory_space<hbm>> -> memref<80xi32, #tpu.memory_space<hbm>>
      %dma_start3A_148 = arith.constant 0 : i32
      %dma_start3A_149 = tpu.memref_slice %arg8[%run_scoped3A_106, %dma_start3A_148] : memref<2x80xi32, #tpu.memory_space<vmem>> -> memref<1x80xi32, #tpu.memory_space<vmem>>
      %dma_start3A_150 = tpu.memref_squeeze %dma_start3A_149 : memref<1x80xi32, #tpu.memory_space<vmem>> -> memref<80xi32, #tpu.memory_space<vmem>>
      %dma_start3A_151 = tpu.memref_slice %arg5[%add3A_105] : memref<10240xi32, #tpu.memory_space<hbm>> -> memref<80xi32, #tpu.memory_space<hbm>>
      tpu.enqueue_dma source(%dma_start3A_151 : memref<80xi32, #tpu.memory_space<hbm>>) target(%dma_start3A_150 : memref<80xi32, #tpu.memory_space<vmem>>) target_semaphore(%run_scoped3A_144 : memref<!tpu.dma_semaphore, #tpu.memory_space<semaphore_mem>>)
      %dma_wait3A_152 = arith.constant 0 : i32
      %dma_wait3A_153 = tpu.memref_slice %arg8[%run_scoped3A_106, %dma_wait3A_152] : memref<2x80xi32, #tpu.memory_space<vmem>> -> memref<1x80xi32, #tpu.memory_space<vmem>>
      %dma_wait3A_154 = tpu.memref_squeeze %dma_wait3A_153 : memref<1x80xi32, #tpu.memory_space<vmem>> -> memref<80xi32, #tpu.memory_space<vmem>>
      %dma_wait3A_155 = tpu.memref_slice %arg5[%add3A_105] : memref<10240xi32, #tpu.memory_space<hbm>> -> memref<80xi32, #tpu.memory_space<hbm>>
      %dma_wait3A_156 = arith.constant 0 : i32
      %dma_wait3A_157 = tpu.memref_slice %arg8[%run_scoped3A_106, %dma_wait3A_156] : memref<2x80xi32, #tpu.memory_space<vmem>> -> memref<1x80xi32, #tpu.memory_space<vmem>>
      %dma_wait3A_158 = tpu.memref_squeeze %dma_wait3A_157 : memref<1x80xi32, #tpu.memory_space<vmem>> -> memref<80xi32, #tpu.memory_space<vmem>>
      %dma_wait3A_159 = tpu.memref_slice %arg5[%add3A_105] : memref<10240xi32, #tpu.memory_space<hbm>> -> memref<80xi32, #tpu.memory_space<hbm>>
      tpu.wait_dma2 semaphore(%run_scoped3A_144 : memref<!tpu.dma_semaphore, #tpu.memory_space<semaphore_mem>>) src(%dma_wait3A_159 : memref<80xi32, #tpu.memory_space<hbm>>) dst(%dma_wait3A_158 : memref<80xi32, #tpu.memory_space<vmem>>)
      tpu.yield
    }) : () -> ()
    %run_scoped3A_107 = arith.constant 0 : i32
    %run_scoped3A_108 = arith.constant 0 : i32
    "tpu.region"() ({
      %run_scoped3A_144 = tpu.sem_alloc : memref<!tpu.dma_semaphore, #tpu.memory_space<semaphore_mem>>
      %dma_start3A = arith.constant 0 : i32
      %dma_start3A_145 = arith.constant 0 : i32
      %dma_start3A_146 = tpu.memref_slice %arg9[%run_scoped3A_108, %dma_start3A, %dma_start3A_145] : memref<2x80x128xf32, #tpu.memory_space<vmem>> -> memref<1x80x128xf32, #tpu.memory_space<vmem>>
      %dma_start3A_147 = tpu.memref_squeeze %dma_start3A_146 : memref<1x80x128xf32, #tpu.memory_space<vmem>> -> memref<80x128xf32, #tpu.memory_space<vmem>>
      %dma_start3A_148 = arith.constant 0 : i32
      %dma_start3A_149 = tpu.memref_slice %arg8[%run_scoped3A_107, %dma_start3A_148] : memref<2x80xi32, #tpu.memory_space<vmem>> -> memref<1x80xi32, #tpu.memory_space<vmem>>
      %dma_start3A_150 = tpu.memref_squeeze %dma_start3A_149 : memref<1x80xi32, #tpu.memory_space<vmem>> -> memref<80xi32, #tpu.memory_space<vmem>>
      %dma_start3A_151 = arith.constant 0 : i32
      %dma_start3A_152 = arith.constant 0 : i32
      %dma_start3A_153 = tpu.memref_slice %arg7[%dma_start3A_151, %dma_start3A_152] : memref<10240x128xf32, #tpu.memory_space<vmem_shared>> -> memref<10240x128xf32, #tpu.memory_space<vmem_shared>>
      tpu.enqueue_indirect_dma source(%dma_start3A_153 : memref<10240x128xf32, #tpu.memory_space<vmem_shared>>) target(%dma_start3A_147 : memref<80x128xf32, #tpu.memory_space<vmem>>) offsets(%dma_start3A_150 : memref<80xi32, #tpu.memory_space<vmem>>) semaphore(%run_scoped3A_144 : memref<!tpu.dma_semaphore, #tpu.memory_space<semaphore_mem>>)
      %dma_wait3A_154 = arith.constant 0 : i32
      %dma_wait3A_155 = arith.constant 0 : i32
      %dma_wait3A_156 = tpu.memref_slice %arg9[%run_scoped3A_108, %dma_wait3A_154, %dma_wait3A_155] : memref<2x80x128xf32, #tpu.memory_space<vmem>> -> memref<1x80x128xf32, #tpu.memory_space<vmem>>
      %dma_wait3A_157 = tpu.memref_squeeze %dma_wait3A_156 : memref<1x80x128xf32, #tpu.memory_space<vmem>> -> memref<80x128xf32, #tpu.memory_space<vmem>>
      %dma_wait3A_158 = arith.constant 0 : i32
      %dma_wait3A_159 = tpu.memref_slice %arg8[%run_scoped3A_107, %dma_wait3A_158] : memref<2x80xi32, #tpu.memory_space<vmem>> -> memref<1x80xi32, #tpu.memory_space<vmem>>
      %dma_wait3A_160 = tpu.memref_squeeze %dma_wait3A_159 : memref<1x80xi32, #tpu.memory_space<vmem>> -> memref<80xi32, #tpu.memory_space<vmem>>
      %dma_wait3A_161 = arith.constant 0 : i32
      %dma_wait3A_162 = arith.constant 0 : i32
      %dma_wait3A_163 = tpu.memref_slice %arg7[%dma_wait3A_161, %dma_wait3A_162] : memref<10240x128xf32, #tpu.memory_space<vmem_shared>> -> memref<10240x128xf32, #tpu.memory_space<vmem_shared>>
      tpu.wait_indirect_dma semaphore(%run_scoped3A_144 : memref<!tpu.dma_semaphore, #tpu.memory_space<semaphore_mem>>) src(%dma_wait3A_163 : memref<10240x128xf32, #tpu.memory_space<vmem_shared>>) dst(%dma_wait3A_157 : memref<80x128xf32, #tpu.memory_space<vmem>>)
      tpu.yield
    }) : () -> ()
    %add3A_109 = arith.constant 240 : i32
    %add3A_110 = arith.addi %mul3A_2, %add3A_109 : i32
    %run_scoped3A_111 = arith.constant 0 : i32
    "tpu.region"() ({
      %run_scoped3A_144 = tpu.sem_alloc : memref<!tpu.dma_semaphore, #tpu.memory_space<semaphore_mem>>
      %dma_start3A = arith.constant 0 : i32
      %dma_start3A_145 = arith.constant 0 : i32
      %dma_start3A_146 = tpu.memref_slice %arg9[%run_scoped3A_111, %dma_start3A, %dma_start3A_145] : memref<2x80x128xf32, #tpu.memory_space<vmem>> -> memref<1x80x128xf32, #tpu.memory_space<vmem>>
      %dma_start3A_147 = tpu.memref_squeeze %dma_start3A_146 : memref<1x80x128xf32, #tpu.memory_space<vmem>> -> memref<80x128xf32, #tpu.memory_space<vmem>>
      %dma_start3A_148 = arith.constant 0 : i32
      %dma_start3A_149 = tpu.memref_slice %arg6[%arg0, %add3A_110, %dma_start3A_148] : memref<2x10240x128xf32, #tpu.memory_space<hbm>> -> memref<1x80x128xf32, #tpu.memory_space<hbm>>
      %dma_start3A_150 = tpu.memref_squeeze %dma_start3A_149 : memref<1x80x128xf32, #tpu.memory_space<hbm>> -> memref<80x128xf32, #tpu.memory_space<hbm>>
      %dma_start3A_151 = arith.constant 0 : i32
      %dma_start3A_152 = tpu.memref_slice %arg6[%arg0, %add3A_110, %dma_start3A_151] : memref<2x10240x128xf32, #tpu.memory_space<hbm>> -> memref<1x80x128xf32, #tpu.memory_space<hbm>>
      %dma_start3A_153 = tpu.memref_squeeze %dma_start3A_152 : memref<1x80x128xf32, #tpu.memory_space<hbm>> -> memref<80x128xf32, #tpu.memory_space<hbm>>
      %dma_start3A_154 = arith.constant 0 : i32
      %dma_start3A_155 = arith.constant 0 : i32
      %dma_start3A_156 = tpu.memref_slice %arg9[%run_scoped3A_111, %dma_start3A_154, %dma_start3A_155] : memref<2x80x128xf32, #tpu.memory_space<vmem>> -> memref<1x80x128xf32, #tpu.memory_space<vmem>>
      %dma_start3A_157 = tpu.memref_squeeze %dma_start3A_156 : memref<1x80x128xf32, #tpu.memory_space<vmem>> -> memref<80x128xf32, #tpu.memory_space<vmem>>
      tpu.enqueue_dma source(%dma_start3A_157 : memref<80x128xf32, #tpu.memory_space<vmem>>) target(%dma_start3A_153 : memref<80x128xf32, #tpu.memory_space<hbm>>) target_semaphore(%run_scoped3A_144 : memref<!tpu.dma_semaphore, #tpu.memory_space<semaphore_mem>>)
      %dma_wait3A_158 = arith.constant 0 : i32
      %dma_wait3A_159 = arith.constant 0 : i32
      %dma_wait3A_160 = tpu.memref_slice %arg9[%run_scoped3A_111, %dma_wait3A_158, %dma_wait3A_159] : memref<2x80x128xf32, #tpu.memory_space<vmem>> -> memref<1x80x128xf32, #tpu.memory_space<vmem>>
      %dma_wait3A_161 = tpu.memref_squeeze %dma_wait3A_160 : memref<1x80x128xf32, #tpu.memory_space<vmem>> -> memref<80x128xf32, #tpu.memory_space<vmem>>
      %dma_wait3A_162 = arith.constant 0 : i32
      %dma_wait3A_163 = tpu.memref_slice %arg6[%arg0, %add3A_110, %dma_wait3A_162] : memref<2x10240x128xf32, #tpu.memory_space<hbm>> -> memref<1x80x128xf32, #tpu.memory_space<hbm>>
      %dma_wait3A_164 = tpu.memref_squeeze %dma_wait3A_163 : memref<1x80x128xf32, #tpu.memory_space<hbm>> -> memref<80x128xf32, #tpu.memory_space<hbm>>
      %dma_wait3A_165 = arith.constant 0 : i32
      %dma_wait3A_166 = tpu.memref_slice %arg6[%arg0, %add3A_110, %dma_wait3A_165] : memref<2x10240x128xf32, #tpu.memory_space<hbm>> -> memref<1x80x128xf32, #tpu.memory_space<hbm>>
      %dma_wait3A_167 = tpu.memref_squeeze %dma_wait3A_166 : memref<1x80x128xf32, #tpu.memory_space<hbm>> -> memref<80x128xf32, #tpu.memory_space<hbm>>
      %dma_wait3A_168 = arith.constant 0 : i32
      %dma_wait3A_169 = arith.constant 0 : i32
      %dma_wait3A_170 = tpu.memref_slice %arg9[%run_scoped3A_111, %dma_wait3A_168, %dma_wait3A_169] : memref<2x80x128xf32, #tpu.memory_space<vmem>> -> memref<1x80x128xf32, #tpu.memory_space<vmem>>
      %dma_wait3A_171 = tpu.memref_squeeze %dma_wait3A_170 : memref<1x80x128xf32, #tpu.memory_space<vmem>> -> memref<80x128xf32, #tpu.memory_space<vmem>>
      tpu.wait_dma2 semaphore(%run_scoped3A_144 : memref<!tpu.dma_semaphore, #tpu.memory_space<semaphore_mem>>) src(%dma_wait3A_171 : memref<80x128xf32, #tpu.memory_space<vmem>>) dst(%dma_wait3A_167 : memref<80x128xf32, #tpu.memory_space<hbm>>)
      tpu.yield
    }) : () -> ()
    %add3A_112 = arith.constant 320 : i32
    %add3A_113 = arith.addi %mul3A_2, %add3A_112 : i32
    %run_scoped3A_114 = arith.constant 0 : i32
    "tpu.region"() ({
      %run_scoped3A_144 = tpu.sem_alloc : memref<!tpu.dma_semaphore, #tpu.memory_space<semaphore_mem>>
      %dma_start3A = arith.constant 0 : i32
      %dma_start3A_145 = tpu.memref_slice %arg8[%run_scoped3A_114, %dma_start3A] : memref<2x80xi32, #tpu.memory_space<vmem>> -> memref<1x80xi32, #tpu.memory_space<vmem>>
      %dma_start3A_146 = tpu.memref_squeeze %dma_start3A_145 : memref<1x80xi32, #tpu.memory_space<vmem>> -> memref<80xi32, #tpu.memory_space<vmem>>
      %dma_start3A_147 = tpu.memref_slice %arg5[%add3A_113] : memref<10240xi32, #tpu.memory_space<hbm>> -> memref<80xi32, #tpu.memory_space<hbm>>
      %dma_start3A_148 = arith.constant 0 : i32
      %dma_start3A_149 = tpu.memref_slice %arg8[%run_scoped3A_114, %dma_start3A_148] : memref<2x80xi32, #tpu.memory_space<vmem>> -> memref<1x80xi32, #tpu.memory_space<vmem>>
      %dma_start3A_150 = tpu.memref_squeeze %dma_start3A_149 : memref<1x80xi32, #tpu.memory_space<vmem>> -> memref<80xi32, #tpu.memory_space<vmem>>
      %dma_start3A_151 = tpu.memref_slice %arg5[%add3A_113] : memref<10240xi32, #tpu.memory_space<hbm>> -> memref<80xi32, #tpu.memory_space<hbm>>
      tpu.enqueue_dma source(%dma_start3A_151 : memref<80xi32, #tpu.memory_space<hbm>>) target(%dma_start3A_150 : memref<80xi32, #tpu.memory_space<vmem>>) target_semaphore(%run_scoped3A_144 : memref<!tpu.dma_semaphore, #tpu.memory_space<semaphore_mem>>)
      %dma_wait3A_152 = arith.constant 0 : i32
      %dma_wait3A_153 = tpu.memref_slice %arg8[%run_scoped3A_114, %dma_wait3A_152] : memref<2x80xi32, #tpu.memory_space<vmem>> -> memref<1x80xi32, #tpu.memory_space<vmem>>
      %dma_wait3A_154 = tpu.memref_squeeze %dma_wait3A_153 : memref<1x80xi32, #tpu.memory_space<vmem>> -> memref<80xi32, #tpu.memory_space<vmem>>
      %dma_wait3A_155 = tpu.memref_slice %arg5[%add3A_113] : memref<10240xi32, #tpu.memory_space<hbm>> -> memref<80xi32, #tpu.memory_space<hbm>>
      %dma_wait3A_156 = arith.constant 0 : i32
      %dma_wait3A_157 = tpu.memref_slice %arg8[%run_scoped3A_114, %dma_wait3A_156] : memref<2x80xi32, #tpu.memory_space<vmem>> -> memref<1x80xi32, #tpu.memory_space<vmem>>
      %dma_wait3A_158 = tpu.memref_squeeze %dma_wait3A_157 : memref<1x80xi32, #tpu.memory_space<vmem>> -> memref<80xi32, #tpu.memory_space<vmem>>
      %dma_wait3A_159 = tpu.memref_slice %arg5[%add3A_113] : memref<10240xi32, #tpu.memory_space<hbm>> -> memref<80xi32, #tpu.memory_space<hbm>>
      tpu.wait_dma2 semaphore(%run_scoped3A_144 : memref<!tpu.dma_semaphore, #tpu.memory_space<semaphore_mem>>) src(%dma_wait3A_159 : memref<80xi32, #tpu.memory_space<hbm>>) dst(%dma_wait3A_158 : memref<80xi32, #tpu.memory_space<vmem>>)
      tpu.yield
    }) : () -> ()
    %run_scoped3A_115 = arith.constant 0 : i32
    %run_scoped3A_116 = arith.constant 0 : i32
    "tpu.region"() ({
      %run_scoped3A_144 = tpu.sem_alloc : memref<!tpu.dma_semaphore, #tpu.memory_space<semaphore_mem>>
      %dma_start3A = arith.constant 0 : i32
      %dma_start3A_145 = arith.constant 0 : i32
      %dma_start3A_146 = tpu.memref_slice %arg9[%run_scoped3A_116, %dma_start3A, %dma_start3A_145] : memref<2x80x128xf32, #tpu.memory_space<vmem>> -> memref<1x80x128xf32, #tpu.memory_space<vmem>>
      %dma_start3A_147 = tpu.memref_squeeze %dma_start3A_146 : memref<1x80x128xf32, #tpu.memory_space<vmem>> -> memref<80x128xf32, #tpu.memory_space<vmem>>
      %dma_start3A_148 = arith.constant 0 : i32
      %dma_start3A_149 = tpu.memref_slice %arg8[%run_scoped3A_115, %dma_start3A_148] : memref<2x80xi32, #tpu.memory_space<vmem>> -> memref<1x80xi32, #tpu.memory_space<vmem>>
      %dma_start3A_150 = tpu.memref_squeeze %dma_start3A_149 : memref<1x80xi32, #tpu.memory_space<vmem>> -> memref<80xi32, #tpu.memory_space<vmem>>
      %dma_start3A_151 = arith.constant 0 : i32
      %dma_start3A_152 = arith.constant 0 : i32
      %dma_start3A_153 = tpu.memref_slice %arg7[%dma_start3A_151, %dma_start3A_152] : memref<10240x128xf32, #tpu.memory_space<vmem_shared>> -> memref<10240x128xf32, #tpu.memory_space<vmem_shared>>
      tpu.enqueue_indirect_dma source(%dma_start3A_153 : memref<10240x128xf32, #tpu.memory_space<vmem_shared>>) target(%dma_start3A_147 : memref<80x128xf32, #tpu.memory_space<vmem>>) offsets(%dma_start3A_150 : memref<80xi32, #tpu.memory_space<vmem>>) semaphore(%run_scoped3A_144 : memref<!tpu.dma_semaphore, #tpu.memory_space<semaphore_mem>>)
      %dma_wait3A_154 = arith.constant 0 : i32
      %dma_wait3A_155 = arith.constant 0 : i32
      %dma_wait3A_156 = tpu.memref_slice %arg9[%run_scoped3A_116, %dma_wait3A_154, %dma_wait3A_155] : memref<2x80x128xf32, #tpu.memory_space<vmem>> -> memref<1x80x128xf32, #tpu.memory_space<vmem>>
      %dma_wait3A_157 = tpu.memref_squeeze %dma_wait3A_156 : memref<1x80x128xf32, #tpu.memory_space<vmem>> -> memref<80x128xf32, #tpu.memory_space<vmem>>
      %dma_wait3A_158 = arith.constant 0 : i32
      %dma_wait3A_159 = tpu.memref_slice %arg8[%run_scoped3A_115, %dma_wait3A_158] : memref<2x80xi32, #tpu.memory_space<vmem>> -> memref<1x80xi32, #tpu.memory_space<vmem>>
      %dma_wait3A_160 = tpu.memref_squeeze %dma_wait3A_159 : memref<1x80xi32, #tpu.memory_space<vmem>> -> memref<80xi32, #tpu.memory_space<vmem>>
      %dma_wait3A_161 = arith.constant 0 : i32
      %dma_wait3A_162 = arith.constant 0 : i32
      %dma_wait3A_163 = tpu.memref_slice %arg7[%dma_wait3A_161, %dma_wait3A_162] : memref<10240x128xf32, #tpu.memory_space<vmem_shared>> -> memref<10240x128xf32, #tpu.memory_space<vmem_shared>>
      tpu.wait_indirect_dma semaphore(%run_scoped3A_144 : memref<!tpu.dma_semaphore, #tpu.memory_space<semaphore_mem>>) src(%dma_wait3A_163 : memref<10240x128xf32, #tpu.memory_space<vmem_shared>>) dst(%dma_wait3A_157 : memref<80x128xf32, #tpu.memory_space<vmem>>)
      tpu.yield
    }) : () -> ()
    %add3A_117 = arith.constant 320 : i32
    %add3A_118 = arith.addi %mul3A_2, %add3A_117 : i32
    %run_scoped3A_119 = arith.constant 0 : i32
    "tpu.region"() ({
      %run_scoped3A_144 = tpu.sem_alloc : memref<!tpu.dma_semaphore, #tpu.memory_space<semaphore_mem>>
      %dma_start3A = arith.constant 0 : i32
      %dma_start3A_145 = arith.constant 0 : i32
      %dma_start3A_146 = tpu.memref_slice %arg9[%run_scoped3A_119, %dma_start3A, %dma_start3A_145] : memref<2x80x128xf32, #tpu.memory_space<vmem>> -> memref<1x80x128xf32, #tpu.memory_space<vmem>>
      %dma_start3A_147 = tpu.memref_squeeze %dma_start3A_146 : memref<1x80x128xf32, #tpu.memory_space<vmem>> -> memref<80x128xf32, #tpu.memory_space<vmem>>
      %dma_start3A_148 = arith.constant 0 : i32
      %dma_start3A_149 = tpu.memref_slice %arg6[%arg0, %add3A_118, %dma_start3A_148] : memref<2x10240x128xf32, #tpu.memory_space<hbm>> -> memref<1x80x128xf32, #tpu.memory_space<hbm>>
      %dma_start3A_150 = tpu.memref_squeeze %dma_start3A_149 : memref<1x80x128xf32, #tpu.memory_space<hbm>> -> memref<80x128xf32, #tpu.memory_space<hbm>>
      %dma_start3A_151 = arith.constant 0 : i32
      %dma_start3A_152 = tpu.memref_slice %arg6[%arg0, %add3A_118, %dma_start3A_151] : memref<2x10240x128xf32, #tpu.memory_space<hbm>> -> memref<1x80x128xf32, #tpu.memory_space<hbm>>
      %dma_start3A_153 = tpu.memref_squeeze %dma_start3A_152 : memref<1x80x128xf32, #tpu.memory_space<hbm>> -> memref<80x128xf32, #tpu.memory_space<hbm>>
      %dma_start3A_154 = arith.constant 0 : i32
      %dma_start3A_155 = arith.constant 0 : i32
      %dma_start3A_156 = tpu.memref_slice %arg9[%run_scoped3A_119, %dma_start3A_154, %dma_start3A_155] : memref<2x80x128xf32, #tpu.memory_space<vmem>> -> memref<1x80x128xf32, #tpu.memory_space<vmem>>
      %dma_start3A_157 = tpu.memref_squeeze %dma_start3A_156 : memref<1x80x128xf32, #tpu.memory_space<vmem>> -> memref<80x128xf32, #tpu.memory_space<vmem>>
      tpu.enqueue_dma source(%dma_start3A_157 : memref<80x128xf32, #tpu.memory_space<vmem>>) target(%dma_start3A_153 : memref<80x128xf32, #tpu.memory_space<hbm>>) target_semaphore(%run_scoped3A_144 : memref<!tpu.dma_semaphore, #tpu.memory_space<semaphore_mem>>)
      %dma_wait3A_158 = arith.constant 0 : i32
      %dma_wait3A_159 = arith.constant 0 : i32
      %dma_wait3A_160 = tpu.memref_slice %arg9[%run_scoped3A_119, %dma_wait3A_158, %dma_wait3A_159] : memref<2x80x128xf32, #tpu.memory_space<vmem>> -> memref<1x80x128xf32, #tpu.memory_space<vmem>>
      %dma_wait3A_161 = tpu.memref_squeeze %dma_wait3A_160 : memref<1x80x128xf32, #tpu.memory_space<vmem>> -> memref<80x128xf32, #tpu.memory_space<vmem>>
      %dma_wait3A_162 = arith.constant 0 : i32
      %dma_wait3A_163 = tpu.memref_slice %arg6[%arg0, %add3A_118, %dma_wait3A_162] : memref<2x10240x128xf32, #tpu.memory_space<hbm>> -> memref<1x80x128xf32, #tpu.memory_space<hbm>>
      %dma_wait3A_164 = tpu.memref_squeeze %dma_wait3A_163 : memref<1x80x128xf32, #tpu.memory_space<hbm>> -> memref<80x128xf32, #tpu.memory_space<hbm>>
      %dma_wait3A_165 = arith.constant 0 : i32
      %dma_wait3A_166 = tpu.memref_slice %arg6[%arg0, %add3A_118, %dma_wait3A_165] : memref<2x10240x128xf32, #tpu.memory_space<hbm>> -> memref<1x80x128xf32, #tpu.memory_space<hbm>>
      %dma_wait3A_167 = tpu.memref_squeeze %dma_wait3A_166 : memref<1x80x128xf32, #tpu.memory_space<hbm>> -> memref<80x128xf32, #tpu.memory_space<hbm>>
      %dma_wait3A_168 = arith.constant 0 : i32
      %dma_wait3A_169 = arith.constant 0 : i32
      %dma_wait3A_170 = tpu.memref_slice %arg9[%run_scoped3A_119, %dma_wait3A_168, %dma_wait3A_169] : memref<2x80x128xf32, #tpu.memory_space<vmem>> -> memref<1x80x128xf32, #tpu.memory_space<vmem>>
      %dma_wait3A_171 = tpu.memref_squeeze %dma_wait3A_170 : memref<1x80x128xf32, #tpu.memory_space<vmem>> -> memref<80x128xf32, #tpu.memory_space<vmem>>
      tpu.wait_dma2 semaphore(%run_scoped3A_144 : memref<!tpu.dma_semaphore, #tpu.memory_space<semaphore_mem>>) src(%dma_wait3A_171 : memref<80x128xf32, #tpu.memory_space<vmem>>) dst(%dma_wait3A_167 : memref<80x128xf32, #tpu.memory_space<hbm>>)
      tpu.yield
    }) : () -> ()
    %add3A_120 = arith.constant 400 : i32
    %add3A_121 = arith.addi %mul3A_2, %add3A_120 : i32
    %run_scoped3A_122 = arith.constant 0 : i32
    "tpu.region"() ({
      %run_scoped3A_144 = tpu.sem_alloc : memref<!tpu.dma_semaphore, #tpu.memory_space<semaphore_mem>>
      %dma_start3A = arith.constant 0 : i32
      %dma_start3A_145 = tpu.memref_slice %arg8[%run_scoped3A_122, %dma_start3A] : memref<2x80xi32, #tpu.memory_space<vmem>> -> memref<1x80xi32, #tpu.memory_space<vmem>>
      %dma_start3A_146 = tpu.memref_squeeze %dma_start3A_145 : memref<1x80xi32, #tpu.memory_space<vmem>> -> memref<80xi32, #tpu.memory_space<vmem>>
      %dma_start3A_147 = tpu.memref_slice %arg5[%add3A_121] : memref<10240xi32, #tpu.memory_space<hbm>> -> memref<80xi32, #tpu.memory_space<hbm>>
      %dma_start3A_148 = arith.constant 0 : i32
      %dma_start3A_149 = tpu.memref_slice %arg8[%run_scoped3A_122, %dma_start3A_148] : memref<2x80xi32, #tpu.memory_space<vmem>> -> memref<1x80xi32, #tpu.memory_space<vmem>>
      %dma_start3A_150 = tpu.memref_squeeze %dma_start3A_149 : memref<1x80xi32, #tpu.memory_space<vmem>> -> memref<80xi32, #tpu.memory_space<vmem>>
      %dma_start3A_151 = tpu.memref_slice %arg5[%add3A_121] : memref<10240xi32, #tpu.memory_space<hbm>> -> memref<80xi32, #tpu.memory_space<hbm>>
      tpu.enqueue_dma source(%dma_start3A_151 : memref<80xi32, #tpu.memory_space<hbm>>) target(%dma_start3A_150 : memref<80xi32, #tpu.memory_space<vmem>>) target_semaphore(%run_scoped3A_144 : memref<!tpu.dma_semaphore, #tpu.memory_space<semaphore_mem>>)
      %dma_wait3A_152 = arith.constant 0 : i32
      %dma_wait3A_153 = tpu.memref_slice %arg8[%run_scoped3A_122, %dma_wait3A_152] : memref<2x80xi32, #tpu.memory_space<vmem>> -> memref<1x80xi32, #tpu.memory_space<vmem>>
      %dma_wait3A_154 = tpu.memref_squeeze %dma_wait3A_153 : memref<1x80xi32, #tpu.memory_space<vmem>> -> memref<80xi32, #tpu.memory_space<vmem>>
      %dma_wait3A_155 = tpu.memref_slice %arg5[%add3A_121] : memref<10240xi32, #tpu.memory_space<hbm>> -> memref<80xi32, #tpu.memory_space<hbm>>
      %dma_wait3A_156 = arith.constant 0 : i32
      %dma_wait3A_157 = tpu.memref_slice %arg8[%run_scoped3A_122, %dma_wait3A_156] : memref<2x80xi32, #tpu.memory_space<vmem>> -> memref<1x80xi32, #tpu.memory_space<vmem>>
      %dma_wait3A_158 = tpu.memref_squeeze %dma_wait3A_157 : memref<1x80xi32, #tpu.memory_space<vmem>> -> memref<80xi32, #tpu.memory_space<vmem>>
      %dma_wait3A_159 = tpu.memref_slice %arg5[%add3A_121] : memref<10240xi32, #tpu.memory_space<hbm>> -> memref<80xi32, #tpu.memory_space<hbm>>
      tpu.wait_dma2 semaphore(%run_scoped3A_144 : memref<!tpu.dma_semaphore, #tpu.memory_space<semaphore_mem>>) src(%dma_wait3A_159 : memref<80xi32, #tpu.memory_space<hbm>>) dst(%dma_wait3A_158 : memref<80xi32, #tpu.memory_space<vmem>>)
      tpu.yield
    }) : () -> ()
    %run_scoped3A_123 = arith.constant 0 : i32
    %run_scoped3A_124 = arith.constant 0 : i32
    "tpu.region"() ({
      %run_scoped3A_144 = tpu.sem_alloc : memref<!tpu.dma_semaphore, #tpu.memory_space<semaphore_mem>>
      %dma_start3A = arith.constant 0 : i32
      %dma_start3A_145 = arith.constant 0 : i32
      %dma_start3A_146 = tpu.memref_slice %arg9[%run_scoped3A_124, %dma_start3A, %dma_start3A_145] : memref<2x80x128xf32, #tpu.memory_space<vmem>> -> memref<1x80x128xf32, #tpu.memory_space<vmem>>
      %dma_start3A_147 = tpu.memref_squeeze %dma_start3A_146 : memref<1x80x128xf32, #tpu.memory_space<vmem>> -> memref<80x128xf32, #tpu.memory_space<vmem>>
      %dma_start3A_148 = arith.constant 0 : i32
      %dma_start3A_149 = tpu.memref_slice %arg8[%run_scoped3A_123, %dma_start3A_148] : memref<2x80xi32, #tpu.memory_space<vmem>> -> memref<1x80xi32, #tpu.memory_space<vmem>>
      %dma_start3A_150 = tpu.memref_squeeze %dma_start3A_149 : memref<1x80xi32, #tpu.memory_space<vmem>> -> memref<80xi32, #tpu.memory_space<vmem>>
      %dma_start3A_151 = arith.constant 0 : i32
      %dma_start3A_152 = arith.constant 0 : i32
      %dma_start3A_153 = tpu.memref_slice %arg7[%dma_start3A_151, %dma_start3A_152] : memref<10240x128xf32, #tpu.memory_space<vmem_shared>> -> memref<10240x128xf32, #tpu.memory_space<vmem_shared>>
      tpu.enqueue_indirect_dma source(%dma_start3A_153 : memref<10240x128xf32, #tpu.memory_space<vmem_shared>>) target(%dma_start3A_147 : memref<80x128xf32, #tpu.memory_space<vmem>>) offsets(%dma_start3A_150 : memref<80xi32, #tpu.memory_space<vmem>>) semaphore(%run_scoped3A_144 : memref<!tpu.dma_semaphore, #tpu.memory_space<semaphore_mem>>)
      %dma_wait3A_154 = arith.constant 0 : i32
      %dma_wait3A_155 = arith.constant 0 : i32
      %dma_wait3A_156 = tpu.memref_slice %arg9[%run_scoped3A_124, %dma_wait3A_154, %dma_wait3A_155] : memref<2x80x128xf32, #tpu.memory_space<vmem>> -> memref<1x80x128xf32, #tpu.memory_space<vmem>>
      %dma_wait3A_157 = tpu.memref_squeeze %dma_wait3A_156 : memref<1x80x128xf32, #tpu.memory_space<vmem>> -> memref<80x128xf32, #tpu.memory_space<vmem>>
      %dma_wait3A_158 = arith.constant 0 : i32
      %dma_wait3A_159 = tpu.memref_slice %arg8[%run_scoped3A_123, %dma_wait3A_158] : memref<2x80xi32, #tpu.memory_space<vmem>> -> memref<1x80xi32, #tpu.memory_space<vmem>>
      %dma_wait3A_160 = tpu.memref_squeeze %dma_wait3A_159 : memref<1x80xi32, #tpu.memory_space<vmem>> -> memref<80xi32, #tpu.memory_space<vmem>>
      %dma_wait3A_161 = arith.constant 0 : i32
      %dma_wait3A_162 = arith.constant 0 : i32
      %dma_wait3A_163 = tpu.memref_slice %arg7[%dma_wait3A_161, %dma_wait3A_162] : memref<10240x128xf32, #tpu.memory_space<vmem_shared>> -> memref<10240x128xf32, #tpu.memory_space<vmem_shared>>
      tpu.wait_indirect_dma semaphore(%run_scoped3A_144 : memref<!tpu.dma_semaphore, #tpu.memory_space<semaphore_mem>>) src(%dma_wait3A_163 : memref<10240x128xf32, #tpu.memory_space<vmem_shared>>) dst(%dma_wait3A_157 : memref<80x128xf32, #tpu.memory_space<vmem>>)
      tpu.yield
    }) : () -> ()
    %add3A_125 = arith.constant 400 : i32
    %add3A_126 = arith.addi %mul3A_2, %add3A_125 : i32
    %run_scoped3A_127 = arith.constant 0 : i32
    "tpu.region"() ({
      %run_scoped3A_144 = tpu.sem_alloc : memref<!tpu.dma_semaphore, #tpu.memory_space<semaphore_mem>>
      %dma_start3A = arith.constant 0 : i32
      %dma_start3A_145 = arith.constant 0 : i32
      %dma_start3A_146 = tpu.memref_slice %arg9[%run_scoped3A_127, %dma_start3A, %dma_start3A_145] : memref<2x80x128xf32, #tpu.memory_space<vmem>> -> memref<1x80x128xf32, #tpu.memory_space<vmem>>
      %dma_start3A_147 = tpu.memref_squeeze %dma_start3A_146 : memref<1x80x128xf32, #tpu.memory_space<vmem>> -> memref<80x128xf32, #tpu.memory_space<vmem>>
      %dma_start3A_148 = arith.constant 0 : i32
      %dma_start3A_149 = tpu.memref_slice %arg6[%arg0, %add3A_126, %dma_start3A_148] : memref<2x10240x128xf32, #tpu.memory_space<hbm>> -> memref<1x80x128xf32, #tpu.memory_space<hbm>>
      %dma_start3A_150 = tpu.memref_squeeze %dma_start3A_149 : memref<1x80x128xf32, #tpu.memory_space<hbm>> -> memref<80x128xf32, #tpu.memory_space<hbm>>
      %dma_start3A_151 = arith.constant 0 : i32
      %dma_start3A_152 = tpu.memref_slice %arg6[%arg0, %add3A_126, %dma_start3A_151] : memref<2x10240x128xf32, #tpu.memory_space<hbm>> -> memref<1x80x128xf32, #tpu.memory_space<hbm>>
      %dma_start3A_153 = tpu.memref_squeeze %dma_start3A_152 : memref<1x80x128xf32, #tpu.memory_space<hbm>> -> memref<80x128xf32, #tpu.memory_space<hbm>>
      %dma_start3A_154 = arith.constant 0 : i32
      %dma_start3A_155 = arith.constant 0 : i32
      %dma_start3A_156 = tpu.memref_slice %arg9[%run_scoped3A_127, %dma_start3A_154, %dma_start3A_155] : memref<2x80x128xf32, #tpu.memory_space<vmem>> -> memref<1x80x128xf32, #tpu.memory_space<vmem>>
      %dma_start3A_157 = tpu.memref_squeeze %dma_start3A_156 : memref<1x80x128xf32, #tpu.memory_space<vmem>> -> memref<80x128xf32, #tpu.memory_space<vmem>>
      tpu.enqueue_dma source(%dma_start3A_157 : memref<80x128xf32, #tpu.memory_space<vmem>>) target(%dma_start3A_153 : memref<80x128xf32, #tpu.memory_space<hbm>>) target_semaphore(%run_scoped3A_144 : memref<!tpu.dma_semaphore, #tpu.memory_space<semaphore_mem>>)
      %dma_wait3A_158 = arith.constant 0 : i32
      %dma_wait3A_159 = arith.constant 0 : i32
      %dma_wait3A_160 = tpu.memref_slice %arg9[%run_scoped3A_127, %dma_wait3A_158, %dma_wait3A_159] : memref<2x80x128xf32, #tpu.memory_space<vmem>> -> memref<1x80x128xf32, #tpu.memory_space<vmem>>
      %dma_wait3A_161 = tpu.memref_squeeze %dma_wait3A_160 : memref<1x80x128xf32, #tpu.memory_space<vmem>> -> memref<80x128xf32, #tpu.memory_space<vmem>>
      %dma_wait3A_162 = arith.constant 0 : i32
      %dma_wait3A_163 = tpu.memref_slice %arg6[%arg0, %add3A_126, %dma_wait3A_162] : memref<2x10240x128xf32, #tpu.memory_space<hbm>> -> memref<1x80x128xf32, #tpu.memory_space<hbm>>
      %dma_wait3A_164 = tpu.memref_squeeze %dma_wait3A_163 : memref<1x80x128xf32, #tpu.memory_space<hbm>> -> memref<80x128xf32, #tpu.memory_space<hbm>>
      %dma_wait3A_165 = arith.constant 0 : i32
      %dma_wait3A_166 = tpu.memref_slice %arg6[%arg0, %add3A_126, %dma_wait3A_165] : memref<2x10240x128xf32, #tpu.memory_space<hbm>> -> memref<1x80x128xf32, #tpu.memory_space<hbm>>
      %dma_wait3A_167 = tpu.memref_squeeze %dma_wait3A_166 : memref<1x80x128xf32, #tpu.memory_space<hbm>> -> memref<80x128xf32, #tpu.memory_space<hbm>>
      %dma_wait3A_168 = arith.constant 0 : i32
      %dma_wait3A_169 = arith.constant 0 : i32
      %dma_wait3A_170 = tpu.memref_slice %arg9[%run_scoped3A_127, %dma_wait3A_168, %dma_wait3A_169] : memref<2x80x128xf32, #tpu.memory_space<vmem>> -> memref<1x80x128xf32, #tpu.memory_space<vmem>>
      %dma_wait3A_171 = tpu.memref_squeeze %dma_wait3A_170 : memref<1x80x128xf32, #tpu.memory_space<vmem>> -> memref<80x128xf32, #tpu.memory_space<vmem>>
      tpu.wait_dma2 semaphore(%run_scoped3A_144 : memref<!tpu.dma_semaphore, #tpu.memory_space<semaphore_mem>>) src(%dma_wait3A_171 : memref<80x128xf32, #tpu.memory_space<vmem>>) dst(%dma_wait3A_167 : memref<80x128xf32, #tpu.memory_space<hbm>>)
      tpu.yield
    }) : () -> ()
    %add3A_128 = arith.constant 480 : i32
    %add3A_129 = arith.addi %mul3A_2, %add3A_128 : i32
    %run_scoped3A_130 = arith.constant 0 : i32
    "tpu.region"() ({
      %run_scoped3A_144 = tpu.sem_alloc : memref<!tpu.dma_semaphore, #tpu.memory_space<semaphore_mem>>
      %dma_start3A = arith.constant 0 : i32
      %dma_start3A_145 = tpu.memref_slice %arg8[%run_scoped3A_130, %dma_start3A] : memref<2x80xi32, #tpu.memory_space<vmem>> -> memref<1x80xi32, #tpu.memory_space<vmem>>
      %dma_start3A_146 = tpu.memref_squeeze %dma_start3A_145 : memref<1x80xi32, #tpu.memory_space<vmem>> -> memref<80xi32, #tpu.memory_space<vmem>>
      %dma_start3A_147 = tpu.memref_slice %arg5[%add3A_129] : memref<10240xi32, #tpu.memory_space<hbm>> -> memref<80xi32, #tpu.memory_space<hbm>>
      %dma_start3A_148 = arith.constant 0 : i32
      %dma_start3A_149 = tpu.memref_slice %arg8[%run_scoped3A_130, %dma_start3A_148] : memref<2x80xi32, #tpu.memory_space<vmem>> -> memref<1x80xi32, #tpu.memory_space<vmem>>
      %dma_start3A_150 = tpu.memref_squeeze %dma_start3A_149 : memref<1x80xi32, #tpu.memory_space<vmem>> -> memref<80xi32, #tpu.memory_space<vmem>>
      %dma_start3A_151 = tpu.memref_slice %arg5[%add3A_129] : memref<10240xi32, #tpu.memory_space<hbm>> -> memref<80xi32, #tpu.memory_space<hbm>>
      tpu.enqueue_dma source(%dma_start3A_151 : memref<80xi32, #tpu.memory_space<hbm>>) target(%dma_start3A_150 : memref<80xi32, #tpu.memory_space<vmem>>) target_semaphore(%run_scoped3A_144 : memref<!tpu.dma_semaphore, #tpu.memory_space<semaphore_mem>>)
      %dma_wait3A_152 = arith.constant 0 : i32
      %dma_wait3A_153 = tpu.memref_slice %arg8[%run_scoped3A_130, %dma_wait3A_152] : memref<2x80xi32, #tpu.memory_space<vmem>> -> memref<1x80xi32, #tpu.memory_space<vmem>>
      %dma_wait3A_154 = tpu.memref_squeeze %dma_wait3A_153 : memref<1x80xi32, #tpu.memory_space<vmem>> -> memref<80xi32, #tpu.memory_space<vmem>>
      %dma_wait3A_155 = tpu.memref_slice %arg5[%add3A_129] : memref<10240xi32, #tpu.memory_space<hbm>> -> memref<80xi32, #tpu.memory_space<hbm>>
      %dma_wait3A_156 = arith.constant 0 : i32
      %dma_wait3A_157 = tpu.memref_slice %arg8[%run_scoped3A_130, %dma_wait3A_156] : memref<2x80xi32, #tpu.memory_space<vmem>> -> memref<1x80xi32, #tpu.memory_space<vmem>>
      %dma_wait3A_158 = tpu.memref_squeeze %dma_wait3A_157 : memref<1x80xi32, #tpu.memory_space<vmem>> -> memref<80xi32, #tpu.memory_space<vmem>>
      %dma_wait3A_159 = tpu.memref_slice %arg5[%add3A_129] : memref<10240xi32, #tpu.memory_space<hbm>> -> memref<80xi32, #tpu.memory_space<hbm>>
      tpu.wait_dma2 semaphore(%run_scoped3A_144 : memref<!tpu.dma_semaphore, #tpu.memory_space<semaphore_mem>>) src(%dma_wait3A_159 : memref<80xi32, #tpu.memory_space<hbm>>) dst(%dma_wait3A_158 : memref<80xi32, #tpu.memory_space<vmem>>)
      tpu.yield
    }) : () -> ()
    %run_scoped3A_131 = arith.constant 0 : i32
    %run_scoped3A_132 = arith.constant 0 : i32
    "tpu.region"() ({
      %run_scoped3A_144 = tpu.sem_alloc : memref<!tpu.dma_semaphore, #tpu.memory_space<semaphore_mem>>
      %dma_start3A = arith.constant 0 : i32
      %dma_start3A_145 = arith.constant 0 : i32
      %dma_start3A_146 = tpu.memref_slice %arg9[%run_scoped3A_132, %dma_start3A, %dma_start3A_145] : memref<2x80x128xf32, #tpu.memory_space<vmem>> -> memref<1x80x128xf32, #tpu.memory_space<vmem>>
      %dma_start3A_147 = tpu.memref_squeeze %dma_start3A_146 : memref<1x80x128xf32, #tpu.memory_space<vmem>> -> memref<80x128xf32, #tpu.memory_space<vmem>>
      %dma_start3A_148 = arith.constant 0 : i32
      %dma_start3A_149 = tpu.memref_slice %arg8[%run_scoped3A_131, %dma_start3A_148] : memref<2x80xi32, #tpu.memory_space<vmem>> -> memref<1x80xi32, #tpu.memory_space<vmem>>
      %dma_start3A_150 = tpu.memref_squeeze %dma_start3A_149 : memref<1x80xi32, #tpu.memory_space<vmem>> -> memref<80xi32, #tpu.memory_space<vmem>>
      %dma_start3A_151 = arith.constant 0 : i32
      %dma_start3A_152 = arith.constant 0 : i32
      %dma_start3A_153 = tpu.memref_slice %arg7[%dma_start3A_151, %dma_start3A_152] : memref<10240x128xf32, #tpu.memory_space<vmem_shared>> -> memref<10240x128xf32, #tpu.memory_space<vmem_shared>>
      tpu.enqueue_indirect_dma source(%dma_start3A_153 : memref<10240x128xf32, #tpu.memory_space<vmem_shared>>) target(%dma_start3A_147 : memref<80x128xf32, #tpu.memory_space<vmem>>) offsets(%dma_start3A_150 : memref<80xi32, #tpu.memory_space<vmem>>) semaphore(%run_scoped3A_144 : memref<!tpu.dma_semaphore, #tpu.memory_space<semaphore_mem>>)
      %dma_wait3A_154 = arith.constant 0 : i32
      %dma_wait3A_155 = arith.constant 0 : i32
      %dma_wait3A_156 = tpu.memref_slice %arg9[%run_scoped3A_132, %dma_wait3A_154, %dma_wait3A_155] : memref<2x80x128xf32, #tpu.memory_space<vmem>> -> memref<1x80x128xf32, #tpu.memory_space<vmem>>
      %dma_wait3A_157 = tpu.memref_squeeze %dma_wait3A_156 : memref<1x80x128xf32, #tpu.memory_space<vmem>> -> memref<80x128xf32, #tpu.memory_space<vmem>>
      %dma_wait3A_158 = arith.constant 0 : i32
      %dma_wait3A_159 = tpu.memref_slice %arg8[%run_scoped3A_131, %dma_wait3A_158] : memref<2x80xi32, #tpu.memory_space<vmem>> -> memref<1x80xi32, #tpu.memory_space<vmem>>
      %dma_wait3A_160 = tpu.memref_squeeze %dma_wait3A_159 : memref<1x80xi32, #tpu.memory_space<vmem>> -> memref<80xi32, #tpu.memory_space<vmem>>
      %dma_wait3A_161 = arith.constant 0 : i32
      %dma_wait3A_162 = arith.constant 0 : i32
      %dma_wait3A_163 = tpu.memref_slice %arg7[%dma_wait3A_161, %dma_wait3A_162] : memref<10240x128xf32, #tpu.memory_space<vmem_shared>> -> memref<10240x128xf32, #tpu.memory_space<vmem_shared>>
      tpu.wait_indirect_dma semaphore(%run_scoped3A_144 : memref<!tpu.dma_semaphore, #tpu.memory_space<semaphore_mem>>) src(%dma_wait3A_163 : memref<10240x128xf32, #tpu.memory_space<vmem_shared>>) dst(%dma_wait3A_157 : memref<80x128xf32, #tpu.memory_space<vmem>>)
      tpu.yield
    }) : () -> ()
    %add3A_133 = arith.constant 480 : i32
    %add3A_134 = arith.addi %mul3A_2, %add3A_133 : i32
    %run_scoped3A_135 = arith.constant 0 : i32
    "tpu.region"() ({
      %run_scoped3A_144 = tpu.sem_alloc : memref<!tpu.dma_semaphore, #tpu.memory_space<semaphore_mem>>
      %dma_start3A = arith.constant 0 : i32
      %dma_start3A_145 = arith.constant 0 : i32
      %dma_start3A_146 = tpu.memref_slice %arg9[%run_scoped3A_135, %dma_start3A, %dma_start3A_145] : memref<2x80x128xf32, #tpu.memory_space<vmem>> -> memref<1x80x128xf32, #tpu.memory_space<vmem>>
      %dma_start3A_147 = tpu.memref_squeeze %dma_start3A_146 : memref<1x80x128xf32, #tpu.memory_space<vmem>> -> memref<80x128xf32, #tpu.memory_space<vmem>>
      %dma_start3A_148 = arith.constant 0 : i32
      %dma_start3A_149 = tpu.memref_slice %arg6[%arg0, %add3A_134, %dma_start3A_148] : memref<2x10240x128xf32, #tpu.memory_space<hbm>> -> memref<1x80x128xf32, #tpu.memory_space<hbm>>
      %dma_start3A_150 = tpu.memref_squeeze %dma_start3A_149 : memref<1x80x128xf32, #tpu.memory_space<hbm>> -> memref<80x128xf32, #tpu.memory_space<hbm>>
      %dma_start3A_151 = arith.constant 0 : i32
      %dma_start3A_152 = tpu.memref_slice %arg6[%arg0, %add3A_134, %dma_start3A_151] : memref<2x10240x128xf32, #tpu.memory_space<hbm>> -> memref<1x80x128xf32, #tpu.memory_space<hbm>>
      %dma_start3A_153 = tpu.memref_squeeze %dma_start3A_152 : memref<1x80x128xf32, #tpu.memory_space<hbm>> -> memref<80x128xf32, #tpu.memory_space<hbm>>
      %dma_start3A_154 = arith.constant 0 : i32
      %dma_start3A_155 = arith.constant 0 : i32
      %dma_start3A_156 = tpu.memref_slice %arg9[%run_scoped3A_135, %dma_start3A_154, %dma_start3A_155] : memref<2x80x128xf32, #tpu.memory_space<vmem>> -> memref<1x80x128xf32, #tpu.memory_space<vmem>>
      %dma_start3A_157 = tpu.memref_squeeze %dma_start3A_156 : memref<1x80x128xf32, #tpu.memory_space<vmem>> -> memref<80x128xf32, #tpu.memory_space<vmem>>
      tpu.enqueue_dma source(%dma_start3A_157 : memref<80x128xf32, #tpu.memory_space<vmem>>) target(%dma_start3A_153 : memref<80x128xf32, #tpu.memory_space<hbm>>) target_semaphore(%run_scoped3A_144 : memref<!tpu.dma_semaphore, #tpu.memory_space<semaphore_mem>>)
      %dma_wait3A_158 = arith.constant 0 : i32
      %dma_wait3A_159 = arith.constant 0 : i32
      %dma_wait3A_160 = tpu.memref_slice %arg9[%run_scoped3A_135, %dma_wait3A_158, %dma_wait3A_159] : memref<2x80x128xf32, #tpu.memory_space<vmem>> -> memref<1x80x128xf32, #tpu.memory_space<vmem>>
      %dma_wait3A_161 = tpu.memref_squeeze %dma_wait3A_160 : memref<1x80x128xf32, #tpu.memory_space<vmem>> -> memref<80x128xf32, #tpu.memory_space<vmem>>
      %dma_wait3A_162 = arith.constant 0 : i32
      %dma_wait3A_163 = tpu.memref_slice %arg6[%arg0, %add3A_134, %dma_wait3A_162] : memref<2x10240x128xf32, #tpu.memory_space<hbm>> -> memref<1x80x128xf32, #tpu.memory_space<hbm>>
      %dma_wait3A_164 = tpu.memref_squeeze %dma_wait3A_163 : memref<1x80x128xf32, #tpu.memory_space<hbm>> -> memref<80x128xf32, #tpu.memory_space<hbm>>
      %dma_wait3A_165 = arith.constant 0 : i32
      %dma_wait3A_166 = tpu.memref_slice %arg6[%arg0, %add3A_134, %dma_wait3A_165] : memref<2x10240x128xf32, #tpu.memory_space<hbm>> -> memref<1x80x128xf32, #tpu.memory_space<hbm>>
      %dma_wait3A_167 = tpu.memref_squeeze %dma_wait3A_166 : memref<1x80x128xf32, #tpu.memory_space<hbm>> -> memref<80x128xf32, #tpu.memory_space<hbm>>
      %dma_wait3A_168 = arith.constant 0 : i32
      %dma_wait3A_169 = arith.constant 0 : i32
      %dma_wait3A_170 = tpu.memref_slice %arg9[%run_scoped3A_135, %dma_wait3A_168, %dma_wait3A_169] : memref<2x80x128xf32, #tpu.memory_space<vmem>> -> memref<1x80x128xf32, #tpu.memory_space<vmem>>
      %dma_wait3A_171 = tpu.memref_squeeze %dma_wait3A_170 : memref<1x80x128xf32, #tpu.memory_space<vmem>> -> memref<80x128xf32, #tpu.memory_space<vmem>>
      tpu.wait_dma2 semaphore(%run_scoped3A_144 : memref<!tpu.dma_semaphore, #tpu.memory_space<semaphore_mem>>) src(%dma_wait3A_171 : memref<80x128xf32, #tpu.memory_space<vmem>>) dst(%dma_wait3A_167 : memref<80x128xf32, #tpu.memory_space<hbm>>)
      tpu.yield
    }) : () -> ()
    %add3A_136 = arith.constant 560 : i32
    %add3A_137 = arith.addi %mul3A_2, %add3A_136 : i32
    %run_scoped3A_138 = arith.constant 0 : i32
    "tpu.region"() ({
      %run_scoped3A_144 = tpu.sem_alloc : memref<!tpu.dma_semaphore, #tpu.memory_space<semaphore_mem>>
      %dma_start3A = arith.constant 0 : i32
      %dma_start3A_145 = tpu.memref_slice %arg8[%run_scoped3A_138, %dma_start3A] : memref<2x80xi32, #tpu.memory_space<vmem>> -> memref<1x80xi32, #tpu.memory_space<vmem>>
      %dma_start3A_146 = tpu.memref_squeeze %dma_start3A_145 : memref<1x80xi32, #tpu.memory_space<vmem>> -> memref<80xi32, #tpu.memory_space<vmem>>
      %dma_start3A_147 = tpu.memref_slice %arg5[%add3A_137] : memref<10240xi32, #tpu.memory_space<hbm>> -> memref<80xi32, #tpu.memory_space<hbm>>
      %dma_start3A_148 = arith.constant 0 : i32
      %dma_start3A_149 = tpu.memref_slice %arg8[%run_scoped3A_138, %dma_start3A_148] : memref<2x80xi32, #tpu.memory_space<vmem>> -> memref<1x80xi32, #tpu.memory_space<vmem>>
      %dma_start3A_150 = tpu.memref_squeeze %dma_start3A_149 : memref<1x80xi32, #tpu.memory_space<vmem>> -> memref<80xi32, #tpu.memory_space<vmem>>
      %dma_start3A_151 = tpu.memref_slice %arg5[%add3A_137] : memref<10240xi32, #tpu.memory_space<hbm>> -> memref<80xi32, #tpu.memory_space<hbm>>
      tpu.enqueue_dma source(%dma_start3A_151 : memref<80xi32, #tpu.memory_space<hbm>>) target(%dma_start3A_150 : memref<80xi32, #tpu.memory_space<vmem>>) target_semaphore(%run_scoped3A_144 : memref<!tpu.dma_semaphore, #tpu.memory_space<semaphore_mem>>)
      %dma_wait3A_152 = arith.constant 0 : i32
      %dma_wait3A_153 = tpu.memref_slice %arg8[%run_scoped3A_138, %dma_wait3A_152] : memref<2x80xi32, #tpu.memory_space<vmem>> -> memref<1x80xi32, #tpu.memory_space<vmem>>
      %dma_wait3A_154 = tpu.memref_squeeze %dma_wait3A_153 : memref<1x80xi32, #tpu.memory_space<vmem>> -> memref<80xi32, #tpu.memory_space<vmem>>
      %dma_wait3A_155 = tpu.memref_slice %arg5[%add3A_137] : memref<10240xi32, #tpu.memory_space<hbm>> -> memref<80xi32, #tpu.memory_space<hbm>>
      %dma_wait3A_156 = arith.constant 0 : i32
      %dma_wait3A_157 = tpu.memref_slice %arg8[%run_scoped3A_138, %dma_wait3A_156] : memref<2x80xi32, #tpu.memory_space<vmem>> -> memref<1x80xi32, #tpu.memory_space<vmem>>
      %dma_wait3A_158 = tpu.memref_squeeze %dma_wait3A_157 : memref<1x80xi32, #tpu.memory_space<vmem>> -> memref<80xi32, #tpu.memory_space<vmem>>
      %dma_wait3A_159 = tpu.memref_slice %arg5[%add3A_137] : memref<10240xi32, #tpu.memory_space<hbm>> -> memref<80xi32, #tpu.memory_space<hbm>>
      tpu.wait_dma2 semaphore(%run_scoped3A_144 : memref<!tpu.dma_semaphore, #tpu.memory_space<semaphore_mem>>) src(%dma_wait3A_159 : memref<80xi32, #tpu.memory_space<hbm>>) dst(%dma_wait3A_158 : memref<80xi32, #tpu.memory_space<vmem>>)
      tpu.yield
    }) : () -> ()
    %run_scoped3A_139 = arith.constant 0 : i32
    %run_scoped3A_140 = arith.constant 0 : i32
    "tpu.region"() ({
      %run_scoped3A_144 = tpu.sem_alloc : memref<!tpu.dma_semaphore, #tpu.memory_space<semaphore_mem>>
      %dma_start3A = arith.constant 0 : i32
      %dma_start3A_145 = arith.constant 0 : i32
      %dma_start3A_146 = tpu.memref_slice %arg9[%run_scoped3A_140, %dma_start3A, %dma_start3A_145] : memref<2x80x128xf32, #tpu.memory_space<vmem>> -> memref<1x80x128xf32, #tpu.memory_space<vmem>>
      %dma_start3A_147 = tpu.memref_squeeze %dma_start3A_146 : memref<1x80x128xf32, #tpu.memory_space<vmem>> -> memref<80x128xf32, #tpu.memory_space<vmem>>
      %dma_start3A_148 = arith.constant 0 : i32
      %dma_start3A_149 = tpu.memref_slice %arg8[%run_scoped3A_139, %dma_start3A_148] : memref<2x80xi32, #tpu.memory_space<vmem>> -> memref<1x80xi32, #tpu.memory_space<vmem>>
      %dma_start3A_150 = tpu.memref_squeeze %dma_start3A_149 : memref<1x80xi32, #tpu.memory_space<vmem>> -> memref<80xi32, #tpu.memory_space<vmem>>
      %dma_start3A_151 = arith.constant 0 : i32
      %dma_start3A_152 = arith.constant 0 : i32
      %dma_start3A_153 = tpu.memref_slice %arg7[%dma_start3A_151, %dma_start3A_152] : memref<10240x128xf32, #tpu.memory_space<vmem_shared>> -> memref<10240x128xf32, #tpu.memory_space<vmem_shared>>
      tpu.enqueue_indirect_dma source(%dma_start3A_153 : memref<10240x128xf32, #tpu.memory_space<vmem_shared>>) target(%dma_start3A_147 : memref<80x128xf32, #tpu.memory_space<vmem>>) offsets(%dma_start3A_150 : memref<80xi32, #tpu.memory_space<vmem>>) semaphore(%run_scoped3A_144 : memref<!tpu.dma_semaphore, #tpu.memory_space<semaphore_mem>>)
      %dma_wait3A_154 = arith.constant 0 : i32
      %dma_wait3A_155 = arith.constant 0 : i32
      %dma_wait3A_156 = tpu.memref_slice %arg9[%run_scoped3A_140, %dma_wait3A_154, %dma_wait3A_155] : memref<2x80x128xf32, #tpu.memory_space<vmem>> -> memref<1x80x128xf32, #tpu.memory_space<vmem>>
      %dma_wait3A_157 = tpu.memref_squeeze %dma_wait3A_156 : memref<1x80x128xf32, #tpu.memory_space<vmem>> -> memref<80x128xf32, #tpu.memory_space<vmem>>
      %dma_wait3A_158 = arith.constant 0 : i32
      %dma_wait3A_159 = tpu.memref_slice %arg8[%run_scoped3A_139, %dma_wait3A_158] : memref<2x80xi32, #tpu.memory_space<vmem>> -> memref<1x80xi32, #tpu.memory_space<vmem>>
      %dma_wait3A_160 = tpu.memref_squeeze %dma_wait3A_159 : memref<1x80xi32, #tpu.memory_space<vmem>> -> memref<80xi32, #tpu.memory_space<vmem>>
      %dma_wait3A_161 = arith.constant 0 : i32
      %dma_wait3A_162 = arith.constant 0 : i32
      %dma_wait3A_163 = tpu.memref_slice %arg7[%dma_wait3A_161, %dma_wait3A_162] : memref<10240x128xf32, #tpu.memory_space<vmem_shared>> -> memref<10240x128xf32, #tpu.memory_space<vmem_shared>>
      tpu.wait_indirect_dma semaphore(%run_scoped3A_144 : memref<!tpu.dma_semaphore, #tpu.memory_space<semaphore_mem>>) src(%dma_wait3A_163 : memref<10240x128xf32, #tpu.memory_space<vmem_shared>>) dst(%dma_wait3A_157 : memref<80x128xf32, #tpu.memory_space<vmem>>)
      tpu.yield
    }) : () -> ()
    %add3A_141 = arith.constant 560 : i32
    %add3A_142 = arith.addi %mul3A_2, %add3A_141 : i32
    %run_scoped3A_143 = arith.constant 0 : i32
    "tpu.region"() ({
      %run_scoped3A_144 = tpu.sem_alloc : memref<!tpu.dma_semaphore, #tpu.memory_space<semaphore_mem>>
      %dma_start3A = arith.constant 0 : i32
      %dma_start3A_145 = arith.constant 0 : i32
      %dma_start3A_146 = tpu.memref_slice %arg9[%run_scoped3A_143, %dma_start3A, %dma_start3A_145] : memref<2x80x128xf32, #tpu.memory_space<vmem>> -> memref<1x80x128xf32, #tpu.memory_space<vmem>>
      %dma_start3A_147 = tpu.memref_squeeze %dma_start3A_146 : memref<1x80x128xf32, #tpu.memory_space<vmem>> -> memref<80x128xf32, #tpu.memory_space<vmem>>
      %dma_start3A_148 = arith.constant 0 : i32
      %dma_start3A_149 = tpu.memref_slice %arg6[%arg0, %add3A_142, %dma_start3A_148] : memref<2x10240x128xf32, #tpu.memory_space<hbm>> -> memref<1x80x128xf32, #tpu.memory_space<hbm>>
      %dma_start3A_150 = tpu.memref_squeeze %dma_start3A_149 : memref<1x80x128xf32, #tpu.memory_space<hbm>> -> memref<80x128xf32, #tpu.memory_space<hbm>>
      %dma_start3A_151 = arith.constant 0 : i32
      %dma_start3A_152 = tpu.memref_slice %arg6[%arg0, %add3A_142, %dma_start3A_151] : memref<2x10240x128xf32, #tpu.memory_space<hbm>> -> memref<1x80x128xf32, #tpu.memory_space<hbm>>
      %dma_start3A_153 = tpu.memref_squeeze %dma_start3A_152 : memref<1x80x128xf32, #tpu.memory_space<hbm>> -> memref<80x128xf32, #tpu.memory_space<hbm>>
      %dma_start3A_154 = arith.constant 0 : i32
      %dma_start3A_155 = arith.constant 0 : i32
      %dma_start3A_156 = tpu.memref_slice %arg9[%run_scoped3A_143, %dma_start3A_154, %dma_start3A_155] : memref<2x80x128xf32, #tpu.memory_space<vmem>> -> memref<1x80x128xf32, #tpu.memory_space<vmem>>
      %dma_start3A_157 = tpu.memref_squeeze %dma_start3A_156 : memref<1x80x128xf32, #tpu.memory_space<vmem>> -> memref<80x128xf32, #tpu.memory_space<vmem>>
      tpu.enqueue_dma source(%dma_start3A_157 : memref<80x128xf32, #tpu.memory_space<vmem>>) target(%dma_start3A_153 : memref<80x128xf32, #tpu.memory_space<hbm>>) target_semaphore(%run_scoped3A_144 : memref<!tpu.dma_semaphore, #tpu.memory_space<semaphore_mem>>)
      %dma_wait3A_158 = arith.constant 0 : i32
      %dma_wait3A_159 = arith.constant 0 : i32
      %dma_wait3A_160 = tpu.memref_slice %arg9[%run_scoped3A_143, %dma_wait3A_158, %dma_wait3A_159] : memref<2x80x128xf32, #tpu.memory_space<vmem>> -> memref<1x80x128xf32, #tpu.memory_space<vmem>>
      %dma_wait3A_161 = tpu.memref_squeeze %dma_wait3A_160 : memref<1x80x128xf32, #tpu.memory_space<vmem>> -> memref<80x128xf32, #tpu.memory_space<vmem>>
      %dma_wait3A_162 = arith.constant 0 : i32
      %dma_wait3A_163 = tpu.memref_slice %arg6[%arg0, %add3A_142, %dma_wait3A_162] : memref<2x10240x128xf32, #tpu.memory_space<hbm>> -> memref<1x80x128xf32, #tpu.memory_space<hbm>>
      %dma_wait3A_164 = tpu.memref_squeeze %dma_wait3A_163 : memref<1x80x128xf32, #tpu.memory_space<hbm>> -> memref<80x128xf32, #tpu.memory_space<hbm>>
      %dma_wait3A_165 = arith.constant 0 : i32
      %dma_wait3A_166 = tpu.memref_slice %arg6[%arg0, %add3A_142, %dma_wait3A_165] : memref<2x10240x128xf32, #tpu.memory_space<hbm>> -> memref<1x80x128xf32, #tpu.memory_space<hbm>>
      %dma_wait3A_167 = tpu.memref_squeeze %dma_wait3A_166 : memref<1x80x128xf32, #tpu.memory_space<hbm>> -> memref<80x128xf32, #tpu.memory_space<hbm>>
      %dma_wait3A_168 = arith.constant 0 : i32
      %dma_wait3A_169 = arith.constant 0 : i32
      %dma_wait3A_170 = tpu.memref_slice %arg9[%run_scoped3A_143, %dma_wait3A_168, %dma_wait3A_169] : memref<2x80x128xf32, #tpu.memory_space<vmem>> -> memref<1x80x128xf32, #tpu.memory_space<vmem>>
      %dma_wait3A_171 = tpu.memref_squeeze %dma_wait3A_170 : memref<1x80x128xf32, #tpu.memory_space<vmem>> -> memref<80x128xf32, #tpu.memory_space<vmem>>
      tpu.wait_dma2 semaphore(%run_scoped3A_144 : memref<!tpu.dma_semaphore, #tpu.memory_space<semaphore_mem>>) src(%dma_wait3A_171 : memref<80x128xf32, #tpu.memory_space<vmem>>) dst(%dma_wait3A_167 : memref<80x128xf32, #tpu.memory_space<hbm>>)
      tpu.yield
    }) : () -> ()
    return
  }
}

#map = affine_map<(d0, d1) -> (0, 0)>
#map1 = affine_map<(d0, d1) -> (0)>
module attributes {stable_mosaic.version = 14 : i64} {
  func.func @_gather_body(%arg0: i32, %arg1: i32, %arg2: memref<10000x128xf32, #tpu.memory_space<hbm>>, %arg3: memref<320000xi32, #tpu.memory_space<hbm>>, %arg4: memref<320000xi32, #tpu.memory_space<hbm>>, %arg5: memref<320000x128xf32, #tpu.memory_space<hbm>>, %arg6: memref<320000x128xf32, #tpu.memory_space<hbm>>, %arg7: memref<2x80xi32, #tpu.memory_space<vmem>>, %arg8: memref<2x80xi32, #tpu.memory_space<vmem>>, %arg9: memref<2x80x128xf32, #tpu.memory_space<vmem>>, %arg10: memref<2x80x128xf32, #tpu.memory_space<vmem>>, %arg11: memref<2x!tpu.dma_semaphore, #tpu.memory_space<semaphore_mem>>, %arg12: memref<2x!tpu.dma_semaphore, #tpu.memory_space<semaphore_mem>>, %arg13: memref<2x!tpu.dma_semaphore, #tpu.memory_space<semaphore_mem>>, %arg14: memref<2x!tpu.dma_semaphore, #tpu.memory_space<semaphore_mem>>) attributes {dimension_semantics = [#tpu.dimension_semantics<core_parallel>, #tpu.dimension_semantics<subcore_parallel>], iteration_bounds = array<i64: 2, 16>, scalar_prefetch = 0 : i64, scratch_operands = 8 : i64, tpu.core_type = #tpu.core_type<sc_vector_subcore>, window_params = [{transform_indices = #map}, {transform_indices = #map1}, {transform_indices = #map1}, {transform_indices = #map}, {transform_indices = #map}]} {
    %mul3A = arith.constant 2 : i32
    %mul3A_0 = arith.muli %arg1, %mul3A : i32
    %add3A = arith.addi %mul3A_0, %arg0 : i32
    %mul3A_1 = arith.constant 10000 : i32
    %mul3A_2 = arith.muli %add3A, %mul3A_1 : i32
    %add3A_3 = arith.constant 0 : i32
    %add3A_4 = arith.addi %mul3A_2, %add3A_3 : i32
    %dma_start3A = arith.constant 0 : i32
    %dma_start3A_5 = arith.constant 0 : i32
    %dma_start3A_6 = arith.constant 0 : i32
    %dma_start3A_7 = tpu.memref_slice %arg7[%dma_start3A, %dma_start3A_6] : memref<2x80xi32, #tpu.memory_space<vmem>> -> memref<1x80xi32, #tpu.memory_space<vmem>>
    %dma_start3A_8 = tpu.memref_squeeze %dma_start3A_7 : memref<1x80xi32, #tpu.memory_space<vmem>> -> memref<80xi32, #tpu.memory_space<vmem>>
    %dma_start3A_9 = tpu.memref_slice %arg3[%add3A_4] : memref<320000xi32, #tpu.memory_space<hbm>> -> memref<80xi32, #tpu.memory_space<hbm>>
    %dma_start3A_10 = tpu.memref_slice %arg13[%dma_start3A_5] : memref<2x!tpu.dma_semaphore, #tpu.memory_space<semaphore_mem>> -> memref<1x!tpu.dma_semaphore, #tpu.memory_space<semaphore_mem>>
    %dma_start3A_11 = tpu.memref_squeeze %dma_start3A_10 : memref<1x!tpu.dma_semaphore, #tpu.memory_space<semaphore_mem>> -> memref<!tpu.dma_semaphore, #tpu.memory_space<semaphore_mem>>
    %dma_start3A_12 = arith.constant 0 : i32
    %dma_start3A_13 = tpu.memref_slice %arg7[%dma_start3A, %dma_start3A_12] : memref<2x80xi32, #tpu.memory_space<vmem>> -> memref<1x80xi32, #tpu.memory_space<vmem>>
    %dma_start3A_14 = tpu.memref_squeeze %dma_start3A_13 : memref<1x80xi32, #tpu.memory_space<vmem>> -> memref<80xi32, #tpu.memory_space<vmem>>
    %dma_start3A_15 = tpu.memref_slice %arg3[%add3A_4] : memref<320000xi32, #tpu.memory_space<hbm>> -> memref<80xi32, #tpu.memory_space<hbm>>
    tpu.enqueue_dma source(%dma_start3A_15 : memref<80xi32, #tpu.memory_space<hbm>>) target(%dma_start3A_14 : memref<80xi32, #tpu.memory_space<vmem>>) target_semaphore(%dma_start3A_11 : memref<!tpu.dma_semaphore, #tpu.memory_space<semaphore_mem>>)
    %dma_start3A_16 = arith.constant 0 : i32
    %dma_start3A_17 = arith.constant 0 : i32
    %dma_start3A_18 = arith.constant 0 : i32
    %dma_start3A_19 = tpu.memref_slice %arg8[%dma_start3A_16, %dma_start3A_18] : memref<2x80xi32, #tpu.memory_space<vmem>> -> memref<1x80xi32, #tpu.memory_space<vmem>>
    %dma_start3A_20 = tpu.memref_squeeze %dma_start3A_19 : memref<1x80xi32, #tpu.memory_space<vmem>> -> memref<80xi32, #tpu.memory_space<vmem>>
    %dma_start3A_21 = tpu.memref_slice %arg4[%add3A_4] : memref<320000xi32, #tpu.memory_space<hbm>> -> memref<80xi32, #tpu.memory_space<hbm>>
    %dma_start3A_22 = tpu.memref_slice %arg14[%dma_start3A_17] : memref<2x!tpu.dma_semaphore, #tpu.memory_space<semaphore_mem>> -> memref<1x!tpu.dma_semaphore, #tpu.memory_space<semaphore_mem>>
    %dma_start3A_23 = tpu.memref_squeeze %dma_start3A_22 : memref<1x!tpu.dma_semaphore, #tpu.memory_space<semaphore_mem>> -> memref<!tpu.dma_semaphore, #tpu.memory_space<semaphore_mem>>
    %dma_start3A_24 = arith.constant 0 : i32
    %dma_start3A_25 = tpu.memref_slice %arg8[%dma_start3A_16, %dma_start3A_24] : memref<2x80xi32, #tpu.memory_space<vmem>> -> memref<1x80xi32, #tpu.memory_space<vmem>>
    %dma_start3A_26 = tpu.memref_squeeze %dma_start3A_25 : memref<1x80xi32, #tpu.memory_space<vmem>> -> memref<80xi32, #tpu.memory_space<vmem>>
    %dma_start3A_27 = tpu.memref_slice %arg4[%add3A_4] : memref<320000xi32, #tpu.memory_space<hbm>> -> memref<80xi32, #tpu.memory_space<hbm>>
    tpu.enqueue_dma source(%dma_start3A_27 : memref<80xi32, #tpu.memory_space<hbm>>) target(%dma_start3A_26 : memref<80xi32, #tpu.memory_space<vmem>>) target_semaphore(%dma_start3A_23 : memref<!tpu.dma_semaphore, #tpu.memory_space<semaphore_mem>>)
    %dma_wait3A = arith.constant 0 : i32
    %dma_wait3A_28 = arith.constant 0 : i32
    %dma_wait3A_29 = arith.constant 0 : i32
    %dma_wait3A_30 = tpu.memref_slice %arg7[%dma_wait3A, %dma_wait3A_29] : memref<2x80xi32, #tpu.memory_space<vmem>> -> memref<1x80xi32, #tpu.memory_space<vmem>>
    %dma_wait3A_31 = tpu.memref_squeeze %dma_wait3A_30 : memref<1x80xi32, #tpu.memory_space<vmem>> -> memref<80xi32, #tpu.memory_space<vmem>>
    %dma_wait3A_32 = tpu.memref_slice %arg3[%add3A_4] : memref<320000xi32, #tpu.memory_space<hbm>> -> memref<80xi32, #tpu.memory_space<hbm>>
    %dma_wait3A_33 = tpu.memref_slice %arg13[%dma_wait3A_28] : memref<2x!tpu.dma_semaphore, #tpu.memory_space<semaphore_mem>> -> memref<1x!tpu.dma_semaphore, #tpu.memory_space<semaphore_mem>>
    %dma_wait3A_34 = tpu.memref_squeeze %dma_wait3A_33 : memref<1x!tpu.dma_semaphore, #tpu.memory_space<semaphore_mem>> -> memref<!tpu.dma_semaphore, #tpu.memory_space<semaphore_mem>>
    %dma_wait3A_35 = arith.constant 0 : i32
    %dma_wait3A_36 = tpu.memref_slice %arg7[%dma_wait3A, %dma_wait3A_35] : memref<2x80xi32, #tpu.memory_space<vmem>> -> memref<1x80xi32, #tpu.memory_space<vmem>>
    %dma_wait3A_37 = tpu.memref_squeeze %dma_wait3A_36 : memref<1x80xi32, #tpu.memory_space<vmem>> -> memref<80xi32, #tpu.memory_space<vmem>>
    %dma_wait3A_38 = tpu.memref_slice %arg3[%add3A_4] : memref<320000xi32, #tpu.memory_space<hbm>> -> memref<80xi32, #tpu.memory_space<hbm>>
    tpu.wait_dma2 semaphore(%dma_wait3A_34 : memref<!tpu.dma_semaphore, #tpu.memory_space<semaphore_mem>>) src(%dma_wait3A_38 : memref<80xi32, #tpu.memory_space<hbm>>) dst(%dma_wait3A_37 : memref<80xi32, #tpu.memory_space<vmem>>)
    %dma_wait3A_39 = arith.constant 0 : i32
    %dma_wait3A_40 = arith.constant 0 : i32
    %dma_wait3A_41 = arith.constant 0 : i32
    %dma_wait3A_42 = tpu.memref_slice %arg8[%dma_wait3A_39, %dma_wait3A_41] : memref<2x80xi32, #tpu.memory_space<vmem>> -> memref<1x80xi32, #tpu.memory_space<vmem>>
    %dma_wait3A_43 = tpu.memref_squeeze %dma_wait3A_42 : memref<1x80xi32, #tpu.memory_space<vmem>> -> memref<80xi32, #tpu.memory_space<vmem>>
    %dma_wait3A_44 = tpu.memref_slice %arg4[%add3A_4] : memref<320000xi32, #tpu.memory_space<hbm>> -> memref<80xi32, #tpu.memory_space<hbm>>
    %dma_wait3A_45 = tpu.memref_slice %arg14[%dma_wait3A_40] : memref<2x!tpu.dma_semaphore, #tpu.memory_space<semaphore_mem>> -> memref<1x!tpu.dma_semaphore, #tpu.memory_space<semaphore_mem>>
    %dma_wait3A_46 = tpu.memref_squeeze %dma_wait3A_45 : memref<1x!tpu.dma_semaphore, #tpu.memory_space<semaphore_mem>> -> memref<!tpu.dma_semaphore, #tpu.memory_space<semaphore_mem>>
    %dma_wait3A_47 = arith.constant 0 : i32
    %dma_wait3A_48 = tpu.memref_slice %arg8[%dma_wait3A_39, %dma_wait3A_47] : memref<2x80xi32, #tpu.memory_space<vmem>> -> memref<1x80xi32, #tpu.memory_space<vmem>>
    %dma_wait3A_49 = tpu.memref_squeeze %dma_wait3A_48 : memref<1x80xi32, #tpu.memory_space<vmem>> -> memref<80xi32, #tpu.memory_space<vmem>>
    %dma_wait3A_50 = tpu.memref_slice %arg4[%add3A_4] : memref<320000xi32, #tpu.memory_space<hbm>> -> memref<80xi32, #tpu.memory_space<hbm>>
    tpu.wait_dma2 semaphore(%dma_wait3A_46 : memref<!tpu.dma_semaphore, #tpu.memory_space<semaphore_mem>>) src(%dma_wait3A_50 : memref<80xi32, #tpu.memory_space<hbm>>) dst(%dma_wait3A_49 : memref<80xi32, #tpu.memory_space<vmem>>)
    %dma_start3A_51 = arith.constant 0 : i32
    %dma_start3A_52 = arith.constant 0 : i32
    %dma_start3A_53 = arith.constant 0 : i32
    %dma_start3A_54 = arith.constant 0 : i32
    %dma_start3A_55 = arith.constant 0 : i32
    %dma_start3A_56 = tpu.memref_slice %arg9[%dma_start3A_52, %dma_start3A_54, %dma_start3A_55] : memref<2x80x128xf32, #tpu.memory_space<vmem>> -> memref<1x80x128xf32, #tpu.memory_space<vmem>>
    %dma_start3A_57 = tpu.memref_squeeze %dma_start3A_56 : memref<1x80x128xf32, #tpu.memory_space<vmem>> -> memref<80x128xf32, #tpu.memory_space<vmem>>
    %dma_start3A_58 = arith.constant 0 : i32
    %dma_start3A_59 = tpu.memref_slice %arg7[%dma_start3A_51, %dma_start3A_58] : memref<2x80xi32, #tpu.memory_space<vmem>> -> memref<1x80xi32, #tpu.memory_space<vmem>>
    %dma_start3A_60 = tpu.memref_squeeze %dma_start3A_59 : memref<1x80xi32, #tpu.memory_space<vmem>> -> memref<80xi32, #tpu.memory_space<vmem>>
    %dma_start3A_61 = arith.constant 0 : i32
    %dma_start3A_62 = arith.constant 0 : i32
    %dma_start3A_63 = tpu.memref_slice %arg2[%dma_start3A_61, %dma_start3A_62] : memref<10000x128xf32, #tpu.memory_space<hbm>> -> memref<10000x128xf32, #tpu.memory_space<hbm>>
    %dma_start3A_64 = tpu.memref_slice %arg11[%dma_start3A_53] : memref<2x!tpu.dma_semaphore, #tpu.memory_space<semaphore_mem>> -> memref<1x!tpu.dma_semaphore, #tpu.memory_space<semaphore_mem>>
    %dma_start3A_65 = tpu.memref_squeeze %dma_start3A_64 : memref<1x!tpu.dma_semaphore, #tpu.memory_space<semaphore_mem>> -> memref<!tpu.dma_semaphore, #tpu.memory_space<semaphore_mem>>
    tpu.enqueue_indirect_dma source(%dma_start3A_63 : memref<10000x128xf32, #tpu.memory_space<hbm>>) target(%dma_start3A_57 : memref<80x128xf32, #tpu.memory_space<vmem>>) offsets(%dma_start3A_60 : memref<80xi32, #tpu.memory_space<vmem>>) semaphore(%dma_start3A_65 : memref<!tpu.dma_semaphore, #tpu.memory_space<semaphore_mem>>)
    %dma_start3A_66 = arith.constant 0 : i32
    %dma_start3A_67 = arith.constant 0 : i32
    %dma_start3A_68 = arith.constant 0 : i32
    %dma_start3A_69 = arith.constant 0 : i32
    %dma_start3A_70 = arith.constant 0 : i32
    %dma_start3A_71 = tpu.memref_slice %arg10[%dma_start3A_67, %dma_start3A_69, %dma_start3A_70] : memref<2x80x128xf32, #tpu.memory_space<vmem>> -> memref<1x80x128xf32, #tpu.memory_space<vmem>>
    %dma_start3A_72 = tpu.memref_squeeze %dma_start3A_71 : memref<1x80x128xf32, #tpu.memory_space<vmem>> -> memref<80x128xf32, #tpu.memory_space<vmem>>
    %dma_start3A_73 = arith.constant 0 : i32
    %dma_start3A_74 = tpu.memref_slice %arg8[%dma_start3A_66, %dma_start3A_73] : memref<2x80xi32, #tpu.memory_space<vmem>> -> memref<1x80xi32, #tpu.memory_space<vmem>>
    %dma_start3A_75 = tpu.memref_squeeze %dma_start3A_74 : memref<1x80xi32, #tpu.memory_space<vmem>> -> memref<80xi32, #tpu.memory_space<vmem>>
    %dma_start3A_76 = arith.constant 0 : i32
    %dma_start3A_77 = arith.constant 0 : i32
    %dma_start3A_78 = tpu.memref_slice %arg2[%dma_start3A_76, %dma_start3A_77] : memref<10000x128xf32, #tpu.memory_space<hbm>> -> memref<10000x128xf32, #tpu.memory_space<hbm>>
    %dma_start3A_79 = tpu.memref_slice %arg12[%dma_start3A_68] : memref<2x!tpu.dma_semaphore, #tpu.memory_space<semaphore_mem>> -> memref<1x!tpu.dma_semaphore, #tpu.memory_space<semaphore_mem>>
    %dma_start3A_80 = tpu.memref_squeeze %dma_start3A_79 : memref<1x!tpu.dma_semaphore, #tpu.memory_space<semaphore_mem>> -> memref<!tpu.dma_semaphore, #tpu.memory_space<semaphore_mem>>
    tpu.enqueue_indirect_dma source(%dma_start3A_78 : memref<10000x128xf32, #tpu.memory_space<hbm>>) target(%dma_start3A_72 : memref<80x128xf32, #tpu.memory_space<vmem>>) offsets(%dma_start3A_75 : memref<80xi32, #tpu.memory_space<vmem>>) semaphore(%dma_start3A_80 : memref<!tpu.dma_semaphore, #tpu.memory_space<semaphore_mem>>)
    %scan3A = arith.constant 0 : i32
    %scan3A_81 = arith.constant 0 : i32
    %scan3A_82 = arith.constant 125 : i32
    %scan3A_83 = arith.addi %scan3A_81, %scan3A_82 : i32
    %scan3A_84 = arith.constant 1 : i32
    scf.for %scan3A_86 = %scan3A_81 to %scan3A_83 step %scan3A_84  : i32 {
      %rem3A = arith.constant 2 : i32
      %rem3A_87 = arith.remsi %scan3A_86, %rem3A : i32
      %add3A_88 = arith.constant 1 : i32
      %add3A_89 = arith.addi %scan3A_86, %add3A_88 : i32
      %lt3A = arith.constant 125 : i32
      %lt3A_90 = arith.cmpi slt, %add3A_89, %lt3A : i32
      %convert_element_type3A = arith.extui %lt3A_90 : i1 to i32
      %cond3A = arith.constant 0 : i32
      %cond3A_91 = arith.cmpi ne, %convert_element_type3A, %cond3A : i32
      scf.if %cond3A_91 {
        %add3A_119 = arith.constant 1 : i32
        %add3A_120 = arith.addi %scan3A_86, %add3A_119 : i32
        %sub3A = arith.constant 1 : i32
        %sub3A_121 = arith.subi %sub3A, %rem3A_87 : i32
        %mul3A_122 = arith.constant 80 : i32
        %mul3A_123 = arith.muli %add3A_120, %mul3A_122 : i32
        %add3A_124 = arith.addi %mul3A_2, %mul3A_123 : i32
        %dma_start3A_125 = arith.constant 0 : i32
        %dma_start3A_126 = tpu.memref_slice %arg7[%sub3A_121, %dma_start3A_125] : memref<2x80xi32, #tpu.memory_space<vmem>> -> memref<1x80xi32, #tpu.memory_space<vmem>>
        %dma_start3A_127 = tpu.memref_squeeze %dma_start3A_126 : memref<1x80xi32, #tpu.memory_space<vmem>> -> memref<80xi32, #tpu.memory_space<vmem>>
        %dma_start3A_128 = tpu.memref_slice %arg3[%add3A_124] : memref<320000xi32, #tpu.memory_space<hbm>> -> memref<80xi32, #tpu.memory_space<hbm>>
        %dma_start3A_129 = tpu.memref_slice %arg13[%sub3A_121] : memref<2x!tpu.dma_semaphore, #tpu.memory_space<semaphore_mem>> -> memref<1x!tpu.dma_semaphore, #tpu.memory_space<semaphore_mem>>
        %dma_start3A_130 = tpu.memref_squeeze %dma_start3A_129 : memref<1x!tpu.dma_semaphore, #tpu.memory_space<semaphore_mem>> -> memref<!tpu.dma_semaphore, #tpu.memory_space<semaphore_mem>>
        %dma_start3A_131 = arith.constant 0 : i32
        %dma_start3A_132 = tpu.memref_slice %arg7[%sub3A_121, %dma_start3A_131] : memref<2x80xi32, #tpu.memory_space<vmem>> -> memref<1x80xi32, #tpu.memory_space<vmem>>
        %dma_start3A_133 = tpu.memref_squeeze %dma_start3A_132 : memref<1x80xi32, #tpu.memory_space<vmem>> -> memref<80xi32, #tpu.memory_space<vmem>>
        %dma_start3A_134 = tpu.memref_slice %arg3[%add3A_124] : memref<320000xi32, #tpu.memory_space<hbm>> -> memref<80xi32, #tpu.memory_space<hbm>>
        tpu.enqueue_dma source(%dma_start3A_134 : memref<80xi32, #tpu.memory_space<hbm>>) target(%dma_start3A_133 : memref<80xi32, #tpu.memory_space<vmem>>) target_semaphore(%dma_start3A_130 : memref<!tpu.dma_semaphore, #tpu.memory_space<semaphore_mem>>)
        %dma_start3A_135 = arith.constant 0 : i32
        %dma_start3A_136 = tpu.memref_slice %arg8[%sub3A_121, %dma_start3A_135] : memref<2x80xi32, #tpu.memory_space<vmem>> -> memref<1x80xi32, #tpu.memory_space<vmem>>
        %dma_start3A_137 = tpu.memref_squeeze %dma_start3A_136 : memref<1x80xi32, #tpu.memory_space<vmem>> -> memref<80xi32, #tpu.memory_space<vmem>>
        %dma_start3A_138 = tpu.memref_slice %arg4[%add3A_124] : memref<320000xi32, #tpu.memory_space<hbm>> -> memref<80xi32, #tpu.memory_space<hbm>>
        %dma_start3A_139 = tpu.memref_slice %arg14[%sub3A_121] : memref<2x!tpu.dma_semaphore, #tpu.memory_space<semaphore_mem>> -> memref<1x!tpu.dma_semaphore, #tpu.memory_space<semaphore_mem>>
        %dma_start3A_140 = tpu.memref_squeeze %dma_start3A_139 : memref<1x!tpu.dma_semaphore, #tpu.memory_space<semaphore_mem>> -> memref<!tpu.dma_semaphore, #tpu.memory_space<semaphore_mem>>
        %dma_start3A_141 = arith.constant 0 : i32
        %dma_start3A_142 = tpu.memref_slice %arg8[%sub3A_121, %dma_start3A_141] : memref<2x80xi32, #tpu.memory_space<vmem>> -> memref<1x80xi32, #tpu.memory_space<vmem>>
        %dma_start3A_143 = tpu.memref_squeeze %dma_start3A_142 : memref<1x80xi32, #tpu.memory_space<vmem>> -> memref<80xi32, #tpu.memory_space<vmem>>
        %dma_start3A_144 = tpu.memref_slice %arg4[%add3A_124] : memref<320000xi32, #tpu.memory_space<hbm>> -> memref<80xi32, #tpu.memory_space<hbm>>
        tpu.enqueue_dma source(%dma_start3A_144 : memref<80xi32, #tpu.memory_space<hbm>>) target(%dma_start3A_143 : memref<80xi32, #tpu.memory_space<vmem>>) target_semaphore(%dma_start3A_140 : memref<!tpu.dma_semaphore, #tpu.memory_space<semaphore_mem>>)
        %dma_wait3A_145 = arith.constant 0 : i32
        %dma_wait3A_146 = tpu.memref_slice %arg7[%sub3A_121, %dma_wait3A_145] : memref<2x80xi32, #tpu.memory_space<vmem>> -> memref<1x80xi32, #tpu.memory_space<vmem>>
        %dma_wait3A_147 = tpu.memref_squeeze %dma_wait3A_146 : memref<1x80xi32, #tpu.memory_space<vmem>> -> memref<80xi32, #tpu.memory_space<vmem>>
        %dma_wait3A_148 = tpu.memref_slice %arg3[%add3A_124] : memref<320000xi32, #tpu.memory_space<hbm>> -> memref<80xi32, #tpu.memory_space<hbm>>
        %dma_wait3A_149 = tpu.memref_slice %arg13[%sub3A_121] : memref<2x!tpu.dma_semaphore, #tpu.memory_space<semaphore_mem>> -> memref<1x!tpu.dma_semaphore, #tpu.memory_space<semaphore_mem>>
        %dma_wait3A_150 = tpu.memref_squeeze %dma_wait3A_149 : memref<1x!tpu.dma_semaphore, #tpu.memory_space<semaphore_mem>> -> memref<!tpu.dma_semaphore, #tpu.memory_space<semaphore_mem>>
        %dma_wait3A_151 = arith.constant 0 : i32
        %dma_wait3A_152 = tpu.memref_slice %arg7[%sub3A_121, %dma_wait3A_151] : memref<2x80xi32, #tpu.memory_space<vmem>> -> memref<1x80xi32, #tpu.memory_space<vmem>>
        %dma_wait3A_153 = tpu.memref_squeeze %dma_wait3A_152 : memref<1x80xi32, #tpu.memory_space<vmem>> -> memref<80xi32, #tpu.memory_space<vmem>>
        %dma_wait3A_154 = tpu.memref_slice %arg3[%add3A_124] : memref<320000xi32, #tpu.memory_space<hbm>> -> memref<80xi32, #tpu.memory_space<hbm>>
        tpu.wait_dma2 semaphore(%dma_wait3A_150 : memref<!tpu.dma_semaphore, #tpu.memory_space<semaphore_mem>>) src(%dma_wait3A_154 : memref<80xi32, #tpu.memory_space<hbm>>) dst(%dma_wait3A_153 : memref<80xi32, #tpu.memory_space<vmem>>)
        %dma_wait3A_155 = arith.constant 0 : i32
        %dma_wait3A_156 = tpu.memref_slice %arg8[%sub3A_121, %dma_wait3A_155] : memref<2x80xi32, #tpu.memory_space<vmem>> -> memref<1x80xi32, #tpu.memory_space<vmem>>
        %dma_wait3A_157 = tpu.memref_squeeze %dma_wait3A_156 : memref<1x80xi32, #tpu.memory_space<vmem>> -> memref<80xi32, #tpu.memory_space<vmem>>
        %dma_wait3A_158 = tpu.memref_slice %arg4[%add3A_124] : memref<320000xi32, #tpu.memory_space<hbm>> -> memref<80xi32, #tpu.memory_space<hbm>>
        %dma_wait3A_159 = tpu.memref_slice %arg14[%sub3A_121] : memref<2x!tpu.dma_semaphore, #tpu.memory_space<semaphore_mem>> -> memref<1x!tpu.dma_semaphore, #tpu.memory_space<semaphore_mem>>
        %dma_wait3A_160 = tpu.memref_squeeze %dma_wait3A_159 : memref<1x!tpu.dma_semaphore, #tpu.memory_space<semaphore_mem>> -> memref<!tpu.dma_semaphore, #tpu.memory_space<semaphore_mem>>
        %dma_wait3A_161 = arith.constant 0 : i32
        %dma_wait3A_162 = tpu.memref_slice %arg8[%sub3A_121, %dma_wait3A_161] : memref<2x80xi32, #tpu.memory_space<vmem>> -> memref<1x80xi32, #tpu.memory_space<vmem>>
        %dma_wait3A_163 = tpu.memref_squeeze %dma_wait3A_162 : memref<1x80xi32, #tpu.memory_space<vmem>> -> memref<80xi32, #tpu.memory_space<vmem>>
        %dma_wait3A_164 = tpu.memref_slice %arg4[%add3A_124] : memref<320000xi32, #tpu.memory_space<hbm>> -> memref<80xi32, #tpu.memory_space<hbm>>
        tpu.wait_dma2 semaphore(%dma_wait3A_160 : memref<!tpu.dma_semaphore, #tpu.memory_space<semaphore_mem>>) src(%dma_wait3A_164 : memref<80xi32, #tpu.memory_space<hbm>>) dst(%dma_wait3A_163 : memref<80xi32, #tpu.memory_space<vmem>>)
        %dma_start3A_165 = arith.constant 0 : i32
        %dma_start3A_166 = arith.constant 0 : i32
        %dma_start3A_167 = tpu.memref_slice %arg9[%sub3A_121, %dma_start3A_165, %dma_start3A_166] : memref<2x80x128xf32, #tpu.memory_space<vmem>> -> memref<1x80x128xf32, #tpu.memory_space<vmem>>
        %dma_start3A_168 = tpu.memref_squeeze %dma_start3A_167 : memref<1x80x128xf32, #tpu.memory_space<vmem>> -> memref<80x128xf32, #tpu.memory_space<vmem>>
        %dma_start3A_169 = arith.constant 0 : i32
        %dma_start3A_170 = tpu.memref_slice %arg7[%sub3A_121, %dma_start3A_169] : memref<2x80xi32, #tpu.memory_space<vmem>> -> memref<1x80xi32, #tpu.memory_space<vmem>>
        %dma_start3A_171 = tpu.memref_squeeze %dma_start3A_170 : memref<1x80xi32, #tpu.memory_space<vmem>> -> memref<80xi32, #tpu.memory_space<vmem>>
        %dma_start3A_172 = arith.constant 0 : i32
        %dma_start3A_173 = arith.constant 0 : i32
        %dma_start3A_174 = tpu.memref_slice %arg2[%dma_start3A_172, %dma_start3A_173] : memref<10000x128xf32, #tpu.memory_space<hbm>> -> memref<10000x128xf32, #tpu.memory_space<hbm>>
        %dma_start3A_175 = tpu.memref_slice %arg11[%sub3A_121] : memref<2x!tpu.dma_semaphore, #tpu.memory_space<semaphore_mem>> -> memref<1x!tpu.dma_semaphore, #tpu.memory_space<semaphore_mem>>
        %dma_start3A_176 = tpu.memref_squeeze %dma_start3A_175 : memref<1x!tpu.dma_semaphore, #tpu.memory_space<semaphore_mem>> -> memref<!tpu.dma_semaphore, #tpu.memory_space<semaphore_mem>>
        tpu.enqueue_indirect_dma source(%dma_start3A_174 : memref<10000x128xf32, #tpu.memory_space<hbm>>) target(%dma_start3A_168 : memref<80x128xf32, #tpu.memory_space<vmem>>) offsets(%dma_start3A_171 : memref<80xi32, #tpu.memory_space<vmem>>) semaphore(%dma_start3A_176 : memref<!tpu.dma_semaphore, #tpu.memory_space<semaphore_mem>>)
        %dma_start3A_177 = arith.constant 0 : i32
        %dma_start3A_178 = arith.constant 0 : i32
        %dma_start3A_179 = tpu.memref_slice %arg10[%sub3A_121, %dma_start3A_177, %dma_start3A_178] : memref<2x80x128xf32, #tpu.memory_space<vmem>> -> memref<1x80x128xf32, #tpu.memory_space<vmem>>
        %dma_start3A_180 = tpu.memref_squeeze %dma_start3A_179 : memref<1x80x128xf32, #tpu.memory_space<vmem>> -> memref<80x128xf32, #tpu.memory_space<vmem>>
        %dma_start3A_181 = arith.constant 0 : i32
        %dma_start3A_182 = tpu.memref_slice %arg8[%sub3A_121, %dma_start3A_181] : memref<2x80xi32, #tpu.memory_space<vmem>> -> memref<1x80xi32, #tpu.memory_space<vmem>>
        %dma_start3A_183 = tpu.memref_squeeze %dma_start3A_182 : memref<1x80xi32, #tpu.memory_space<vmem>> -> memref<80xi32, #tpu.memory_space<vmem>>
        %dma_start3A_184 = arith.constant 0 : i32
        %dma_start3A_185 = arith.constant 0 : i32
        %dma_start3A_186 = tpu.memref_slice %arg2[%dma_start3A_184, %dma_start3A_185] : memref<10000x128xf32, #tpu.memory_space<hbm>> -> memref<10000x128xf32, #tpu.memory_space<hbm>>
        %dma_start3A_187 = tpu.memref_slice %arg12[%sub3A_121] : memref<2x!tpu.dma_semaphore, #tpu.memory_space<semaphore_mem>> -> memref<1x!tpu.dma_semaphore, #tpu.memory_space<semaphore_mem>>
        %dma_start3A_188 = tpu.memref_squeeze %dma_start3A_187 : memref<1x!tpu.dma_semaphore, #tpu.memory_space<semaphore_mem>> -> memref<!tpu.dma_semaphore, #tpu.memory_space<semaphore_mem>>
        tpu.enqueue_indirect_dma source(%dma_start3A_186 : memref<10000x128xf32, #tpu.memory_space<hbm>>) target(%dma_start3A_180 : memref<80x128xf32, #tpu.memory_space<vmem>>) offsets(%dma_start3A_183 : memref<80xi32, #tpu.memory_space<vmem>>) semaphore(%dma_start3A_188 : memref<!tpu.dma_semaphore, #tpu.memory_space<semaphore_mem>>)
      } else {
      }
      %dma_wait3A_92 = arith.constant 0 : i32
      %dma_wait3A_93 = arith.constant 0 : i32
      %dma_wait3A_94 = tpu.memref_slice %arg9[%rem3A_87, %dma_wait3A_92, %dma_wait3A_93] : memref<2x80x128xf32, #tpu.memory_space<vmem>> -> memref<1x80x128xf32, #tpu.memory_space<vmem>>
      %dma_wait3A_95 = tpu.memref_squeeze %dma_wait3A_94 : memref<1x80x128xf32, #tpu.memory_space<vmem>> -> memref<80x128xf32, #tpu.memory_space<vmem>>
      %dma_wait3A_96 = arith.constant 0 : i32
      %dma_wait3A_97 = tpu.memref_slice %arg7[%rem3A_87, %dma_wait3A_96] : memref<2x80xi32, #tpu.memory_space<vmem>> -> memref<1x80xi32, #tpu.memory_space<vmem>>
      %dma_wait3A_98 = tpu.memref_squeeze %dma_wait3A_97 : memref<1x80xi32, #tpu.memory_space<vmem>> -> memref<80xi32, #tpu.memory_space<vmem>>
      %dma_wait3A_99 = arith.constant 0 : i32
      %dma_wait3A_100 = arith.constant 0 : i32
      %dma_wait3A_101 = tpu.memref_slice %arg2[%dma_wait3A_99, %dma_wait3A_100] : memref<10000x128xf32, #tpu.memory_space<hbm>> -> memref<10000x128xf32, #tpu.memory_space<hbm>>
      %dma_wait3A_102 = tpu.memref_slice %arg11[%rem3A_87] : memref<2x!tpu.dma_semaphore, #tpu.memory_space<semaphore_mem>> -> memref<1x!tpu.dma_semaphore, #tpu.memory_space<semaphore_mem>>
      %dma_wait3A_103 = tpu.memref_squeeze %dma_wait3A_102 : memref<1x!tpu.dma_semaphore, #tpu.memory_space<semaphore_mem>> -> memref<!tpu.dma_semaphore, #tpu.memory_space<semaphore_mem>>
      tpu.wait_indirect_dma semaphore(%dma_wait3A_103 : memref<!tpu.dma_semaphore, #tpu.memory_space<semaphore_mem>>) src(%dma_wait3A_101 : memref<10000x128xf32, #tpu.memory_space<hbm>>) dst(%dma_wait3A_95 : memref<80x128xf32, #tpu.memory_space<vmem>>)
      %dma_wait3A_104 = arith.constant 0 : i32
      %dma_wait3A_105 = arith.constant 0 : i32
      %dma_wait3A_106 = tpu.memref_slice %arg10[%rem3A_87, %dma_wait3A_104, %dma_wait3A_105] : memref<2x80x128xf32, #tpu.memory_space<vmem>> -> memref<1x80x128xf32, #tpu.memory_space<vmem>>
      %dma_wait3A_107 = tpu.memref_squeeze %dma_wait3A_106 : memref<1x80x128xf32, #tpu.memory_space<vmem>> -> memref<80x128xf32, #tpu.memory_space<vmem>>
      %dma_wait3A_108 = arith.constant 0 : i32
      %dma_wait3A_109 = tpu.memref_slice %arg8[%rem3A_87, %dma_wait3A_108] : memref<2x80xi32, #tpu.memory_space<vmem>> -> memref<1x80xi32, #tpu.memory_space<vmem>>
      %dma_wait3A_110 = tpu.memref_squeeze %dma_wait3A_109 : memref<1x80xi32, #tpu.memory_space<vmem>> -> memref<80xi32, #tpu.memory_space<vmem>>
      %dma_wait3A_111 = arith.constant 0 : i32
      %dma_wait3A_112 = arith.constant 0 : i32
      %dma_wait3A_113 = tpu.memref_slice %arg2[%dma_wait3A_111, %dma_wait3A_112] : memref<10000x128xf32, #tpu.memory_space<hbm>> -> memref<10000x128xf32, #tpu.memory_space<hbm>>
      %dma_wait3A_114 = tpu.memref_slice %arg12[%rem3A_87] : memref<2x!tpu.dma_semaphore, #tpu.memory_space<semaphore_mem>> -> memref<1x!tpu.dma_semaphore, #tpu.memory_space<semaphore_mem>>
      %dma_wait3A_115 = tpu.memref_squeeze %dma_wait3A_114 : memref<1x!tpu.dma_semaphore, #tpu.memory_space<semaphore_mem>> -> memref<!tpu.dma_semaphore, #tpu.memory_space<semaphore_mem>>
      tpu.wait_indirect_dma semaphore(%dma_wait3A_115 : memref<!tpu.dma_semaphore, #tpu.memory_space<semaphore_mem>>) src(%dma_wait3A_113 : memref<10000x128xf32, #tpu.memory_space<hbm>>) dst(%dma_wait3A_107 : memref<80x128xf32, #tpu.memory_space<vmem>>)
      %mul3A_116 = arith.constant 80 : i32
      %mul3A_117 = arith.muli %scan3A_86, %mul3A_116 : i32
      %add3A_118 = arith.addi %mul3A_2, %mul3A_117 : i32
      "tpu.region"() ({
        %run_scoped3A = tpu.sem_alloc : memref<!tpu.dma_semaphore, #tpu.memory_space<semaphore_mem>>
        %dma_start3A_119 = arith.constant 0 : i32
        %dma_start3A_120 = arith.constant 0 : i32
        %dma_start3A_121 = tpu.memref_slice %arg9[%rem3A_87, %dma_start3A_119, %dma_start3A_120] : memref<2x80x128xf32, #tpu.memory_space<vmem>> -> memref<1x80x128xf32, #tpu.memory_space<vmem>>
        %dma_start3A_122 = tpu.memref_squeeze %dma_start3A_121 : memref<1x80x128xf32, #tpu.memory_space<vmem>> -> memref<80x128xf32, #tpu.memory_space<vmem>>
        %dma_start3A_123 = arith.constant 0 : i32
        %dma_start3A_124 = tpu.memref_slice %arg5[%add3A_118, %dma_start3A_123] : memref<320000x128xf32, #tpu.memory_space<hbm>> -> memref<80x128xf32, #tpu.memory_space<hbm>>
        %dma_start3A_125 = arith.constant 0 : i32
        %dma_start3A_126 = tpu.memref_slice %arg5[%add3A_118, %dma_start3A_125] : memref<320000x128xf32, #tpu.memory_space<hbm>> -> memref<80x128xf32, #tpu.memory_space<hbm>>
        %dma_start3A_127 = arith.constant 0 : i32
        %dma_start3A_128 = arith.constant 0 : i32
        %dma_start3A_129 = tpu.memref_slice %arg9[%rem3A_87, %dma_start3A_127, %dma_start3A_128] : memref<2x80x128xf32, #tpu.memory_space<vmem>> -> memref<1x80x128xf32, #tpu.memory_space<vmem>>
        %dma_start3A_130 = tpu.memref_squeeze %dma_start3A_129 : memref<1x80x128xf32, #tpu.memory_space<vmem>> -> memref<80x128xf32, #tpu.memory_space<vmem>>
        tpu.enqueue_dma source(%dma_start3A_130 : memref<80x128xf32, #tpu.memory_space<vmem>>) target(%dma_start3A_126 : memref<80x128xf32, #tpu.memory_space<hbm>>) target_semaphore(%run_scoped3A : memref<!tpu.dma_semaphore, #tpu.memory_space<semaphore_mem>>)
        %dma_wait3A_131 = arith.constant 0 : i32
        %dma_wait3A_132 = arith.constant 0 : i32
        %dma_wait3A_133 = tpu.memref_slice %arg9[%rem3A_87, %dma_wait3A_131, %dma_wait3A_132] : memref<2x80x128xf32, #tpu.memory_space<vmem>> -> memref<1x80x128xf32, #tpu.memory_space<vmem>>
        %dma_wait3A_134 = tpu.memref_squeeze %dma_wait3A_133 : memref<1x80x128xf32, #tpu.memory_space<vmem>> -> memref<80x128xf32, #tpu.memory_space<vmem>>
        %dma_wait3A_135 = arith.constant 0 : i32
        %dma_wait3A_136 = tpu.memref_slice %arg5[%add3A_118, %dma_wait3A_135] : memref<320000x128xf32, #tpu.memory_space<hbm>> -> memref<80x128xf32, #tpu.memory_space<hbm>>
        %dma_wait3A_137 = arith.constant 0 : i32
        %dma_wait3A_138 = tpu.memref_slice %arg5[%add3A_118, %dma_wait3A_137] : memref<320000x128xf32, #tpu.memory_space<hbm>> -> memref<80x128xf32, #tpu.memory_space<hbm>>
        %dma_wait3A_139 = arith.constant 0 : i32
        %dma_wait3A_140 = arith.constant 0 : i32
        %dma_wait3A_141 = tpu.memref_slice %arg9[%rem3A_87, %dma_wait3A_139, %dma_wait3A_140] : memref<2x80x128xf32, #tpu.memory_space<vmem>> -> memref<1x80x128xf32, #tpu.memory_space<vmem>>
        %dma_wait3A_142 = tpu.memref_squeeze %dma_wait3A_141 : memref<1x80x128xf32, #tpu.memory_space<vmem>> -> memref<80x128xf32, #tpu.memory_space<vmem>>
        tpu.wait_dma2 semaphore(%run_scoped3A : memref<!tpu.dma_semaphore, #tpu.memory_space<semaphore_mem>>) src(%dma_wait3A_142 : memref<80x128xf32, #tpu.memory_space<vmem>>) dst(%dma_wait3A_138 : memref<80x128xf32, #tpu.memory_space<hbm>>)
        tpu.yield
      }) : () -> ()
      "tpu.region"() ({
        %run_scoped3A = tpu.sem_alloc : memref<!tpu.dma_semaphore, #tpu.memory_space<semaphore_mem>>
        %dma_start3A_119 = arith.constant 0 : i32
        %dma_start3A_120 = arith.constant 0 : i32
        %dma_start3A_121 = tpu.memref_slice %arg10[%rem3A_87, %dma_start3A_119, %dma_start3A_120] : memref<2x80x128xf32, #tpu.memory_space<vmem>> -> memref<1x80x128xf32, #tpu.memory_space<vmem>>
        %dma_start3A_122 = tpu.memref_squeeze %dma_start3A_121 : memref<1x80x128xf32, #tpu.memory_space<vmem>> -> memref<80x128xf32, #tpu.memory_space<vmem>>
        %dma_start3A_123 = arith.constant 0 : i32
        %dma_start3A_124 = tpu.memref_slice %arg6[%add3A_118, %dma_start3A_123] : memref<320000x128xf32, #tpu.memory_space<hbm>> -> memref<80x128xf32, #tpu.memory_space<hbm>>
        %dma_start3A_125 = arith.constant 0 : i32
        %dma_start3A_126 = tpu.memref_slice %arg6[%add3A_118, %dma_start3A_125] : memref<320000x128xf32, #tpu.memory_space<hbm>> -> memref<80x128xf32, #tpu.memory_space<hbm>>
        %dma_start3A_127 = arith.constant 0 : i32
        %dma_start3A_128 = arith.constant 0 : i32
        %dma_start3A_129 = tpu.memref_slice %arg10[%rem3A_87, %dma_start3A_127, %dma_start3A_128] : memref<2x80x128xf32, #tpu.memory_space<vmem>> -> memref<1x80x128xf32, #tpu.memory_space<vmem>>
        %dma_start3A_130 = tpu.memref_squeeze %dma_start3A_129 : memref<1x80x128xf32, #tpu.memory_space<vmem>> -> memref<80x128xf32, #tpu.memory_space<vmem>>
        tpu.enqueue_dma source(%dma_start3A_130 : memref<80x128xf32, #tpu.memory_space<vmem>>) target(%dma_start3A_126 : memref<80x128xf32, #tpu.memory_space<hbm>>) target_semaphore(%run_scoped3A : memref<!tpu.dma_semaphore, #tpu.memory_space<semaphore_mem>>)
        %dma_wait3A_131 = arith.constant 0 : i32
        %dma_wait3A_132 = arith.constant 0 : i32
        %dma_wait3A_133 = tpu.memref_slice %arg10[%rem3A_87, %dma_wait3A_131, %dma_wait3A_132] : memref<2x80x128xf32, #tpu.memory_space<vmem>> -> memref<1x80x128xf32, #tpu.memory_space<vmem>>
        %dma_wait3A_134 = tpu.memref_squeeze %dma_wait3A_133 : memref<1x80x128xf32, #tpu.memory_space<vmem>> -> memref<80x128xf32, #tpu.memory_space<vmem>>
        %dma_wait3A_135 = arith.constant 0 : i32
        %dma_wait3A_136 = tpu.memref_slice %arg6[%add3A_118, %dma_wait3A_135] : memref<320000x128xf32, #tpu.memory_space<hbm>> -> memref<80x128xf32, #tpu.memory_space<hbm>>
        %dma_wait3A_137 = arith.constant 0 : i32
        %dma_wait3A_138 = tpu.memref_slice %arg6[%add3A_118, %dma_wait3A_137] : memref<320000x128xf32, #tpu.memory_space<hbm>> -> memref<80x128xf32, #tpu.memory_space<hbm>>
        %dma_wait3A_139 = arith.constant 0 : i32
        %dma_wait3A_140 = arith.constant 0 : i32
        %dma_wait3A_141 = tpu.memref_slice %arg10[%rem3A_87, %dma_wait3A_139, %dma_wait3A_140] : memref<2x80x128xf32, #tpu.memory_space<vmem>> -> memref<1x80x128xf32, #tpu.memory_space<vmem>>
        %dma_wait3A_142 = tpu.memref_squeeze %dma_wait3A_141 : memref<1x80x128xf32, #tpu.memory_space<vmem>> -> memref<80x128xf32, #tpu.memory_space<vmem>>
        tpu.wait_dma2 semaphore(%run_scoped3A : memref<!tpu.dma_semaphore, #tpu.memory_space<semaphore_mem>>) src(%dma_wait3A_142 : memref<80x128xf32, #tpu.memory_space<vmem>>) dst(%dma_wait3A_138 : memref<80x128xf32, #tpu.memory_space<hbm>>)
        tpu.yield
      }) : () -> ()
    }
    %scan3A_85 = arith.constant 125 : i32
    return
  }
}

module attributes {stable_mosaic.version = 14 : i64} {
  func.func @_values_body(%arg0: i32, %arg1: memref<4000x128xf32, #tpu.memory_space<vmem>>, %arg2: memref<4000x128xf32, #tpu.memory_space<vmem>>, %arg3: memref<4000x16xf32, #tpu.memory_space<vmem>>, %arg4: memref<8x128xf32, #tpu.memory_space<vmem>>, %arg5: memref<128x128xf32, #tpu.memory_space<vmem>>, %arg6: memref<128x128xf32, #tpu.memory_space<vmem>>, %arg7: memref<1x128xf32, #tpu.memory_space<vmem>>, %arg8: memref<128x128xf32, #tpu.memory_space<vmem>>, %arg9: memref<1x128xf32, #tpu.memory_space<vmem>>, %arg10: memref<128x128xf32, #tpu.memory_space<vmem>>, %arg11: memref<1x128xf32, #tpu.memory_space<vmem>>, %arg12: memref<16x128xf32, #tpu.memory_space<vmem>>, %arg13: memref<4000x128xf32, #tpu.memory_space<vmem>>, %arg14: memref<4000x128xf32, #tpu.memory_space<vmem>>) attributes {dimension_semantics = [#tpu.dimension_semantics<arbitrary>], iteration_bounds = array<i64: 80>, scalar_prefetch = 0 : i64, scratch_operands = 0 : i64, tpu.core_type = #tpu.core_type<tc>, window_params = [{transform_indices = @transform_0, window_bounds = array<i64: 4000, 128>}, {transform_indices = @transform_1, window_bounds = array<i64: 4000, 128>}, {transform_indices = @transform_2, window_bounds = array<i64: 4000, 16>}, {pipeline_mode = #tpu.pipeline_mode<synchronous>, transform_indices = @transform_3, window_bounds = array<i64: 8, 128>}, {pipeline_mode = #tpu.pipeline_mode<synchronous>, transform_indices = @transform_4, window_bounds = array<i64: 128, 128>}, {pipeline_mode = #tpu.pipeline_mode<synchronous>, transform_indices = @transform_5, window_bounds = array<i64: 128, 128>}, {pipeline_mode = #tpu.pipeline_mode<synchronous>, transform_indices = @transform_6, window_bounds = array<i64: 1, 128>}, {pipeline_mode = #tpu.pipeline_mode<synchronous>, transform_indices = @transform_7, window_bounds = array<i64: 128, 128>}, {pipeline_mode = #tpu.pipeline_mode<synchronous>, transform_indices = @transform_8, window_bounds = array<i64: 1, 128>}, {pipeline_mode = #tpu.pipeline_mode<synchronous>, transform_indices = @transform_9, window_bounds = array<i64: 128, 128>}, {pipeline_mode = #tpu.pipeline_mode<synchronous>, transform_indices = @transform_10, window_bounds = array<i64: 1, 128>}, {pipeline_mode = #tpu.pipeline_mode<synchronous>, transform_indices = @transform_11, window_bounds = array<i64: 16, 128>}, {transform_indices = @transform_12, window_bounds = array<i64: 4000, 128>}, {transform_indices = @transform_13, window_bounds = array<i64: 4000, 128>}]} {
    %get3A = arith.constant 0 : index
    %get3A_0 = arith.constant 0 : index
    %get3A_1 = vector.load %arg1[%get3A, %get3A_0] : memref<4000x128xf32, #tpu.memory_space<vmem>>, vector<4000x128xf32>
    %get3A_2 = arith.constant 0 : index
    %get3A_3 = arith.constant 0 : index
    %get3A_4 = vector.load %arg5[%get3A_2, %get3A_3] : memref<128x128xf32, #tpu.memory_space<vmem>>, vector<128x128xf32>
    %dot_general3A = arith.constant dense<0.000000e+00> : vector<4000x128xf32>
    %dot_general3A_5 = tpu.matmul %get3A_1, %get3A_4, %dot_general3A {dimension_numbers = #tpu.dot_dimension_numbers<[1], [0], [0], [1], [0, 0, 1, 1], [], []>, transpose_lhs_hint = false} : vector<4000x128xf32>, vector<128x128xf32>, vector<4000x128xf32> -> vector<4000x128xf32>
    %get3A_6 = arith.constant 0 : index
    %get3A_7 = arith.constant 0 : index
    %get3A_8 = vector.load %arg2[%get3A_6, %get3A_7] : memref<4000x128xf32, #tpu.memory_space<vmem>>, vector<4000x128xf32>
    %get3A_9 = arith.constant 0 : index
    %get3A_10 = arith.constant 0 : index
    %get3A_11 = vector.load %arg6[%get3A_9, %get3A_10] : memref<128x128xf32, #tpu.memory_space<vmem>>, vector<128x128xf32>
    %dot_general3A_12 = arith.constant dense<0.000000e+00> : vector<4000x128xf32>
    %dot_general3A_13 = tpu.matmul %get3A_8, %get3A_11, %dot_general3A_12 {dimension_numbers = #tpu.dot_dimension_numbers<[1], [0], [0], [1], [0, 0, 1, 1], [], []>, transpose_lhs_hint = false} : vector<4000x128xf32>, vector<128x128xf32>, vector<4000x128xf32> -> vector<4000x128xf32>
    %add3A = arith.addf %dot_general3A_5, %dot_general3A_13 : vector<4000x128xf32>
    %get3A_14 = arith.constant 0 : index
    %get3A_15 = arith.constant 0 : index
    %get3A_16 = vector.load %arg7[%get3A_14, %get3A_15] : memref<1x128xf32, #tpu.memory_space<vmem>>, vector<1x128xf32>
    %add3A_17 = vector.broadcast %get3A_16 : vector<1x128xf32> to vector<4000x128xf32>
    %add3A_18 = arith.addf %add3A, %add3A_17 : vector<4000x128xf32>
    %mul3A = arith.constant 5.000000e-01 : f32
    %mul3A_19 = vector.broadcast %mul3A : f32 to vector<4000x128xf32>
    %mul3A_20 = arith.mulf %add3A_18, %mul3A_19 : vector<4000x128xf32>
    %mul3A_21 = arith.constant 0.707106769 : f32
    %mul3A_22 = vector.broadcast %mul3A_21 : f32 to vector<4000x128xf32>
    %mul3A_23 = arith.mulf %add3A_18, %mul3A_22 : vector<4000x128xf32>
    %erf3A = math.erf %mul3A_23 : vector<4000x128xf32>
    %add3A_24 = arith.constant 1.000000e+00 : f32
    %add3A_25 = vector.broadcast %add3A_24 : f32 to vector<4000x128xf32>
    %add3A_26 = arith.addf %add3A_25, %erf3A : vector<4000x128xf32>
    %mul3A_27 = arith.mulf %mul3A_20, %add3A_26 : vector<4000x128xf32>
    %get3A_28 = arith.constant 0 : index
    %get3A_29 = arith.constant 0 : index
    %get3A_30 = vector.load %arg8[%get3A_28, %get3A_29] : memref<128x128xf32, #tpu.memory_space<vmem>>, vector<128x128xf32>
    %dot_general3A_31 = arith.constant dense<0.000000e+00> : vector<4000x128xf32>
    %dot_general3A_32 = tpu.matmul %mul3A_27, %get3A_30, %dot_general3A_31 {dimension_numbers = #tpu.dot_dimension_numbers<[1], [0], [0], [1], [0, 0, 1, 1], [], []>, transpose_lhs_hint = false} : vector<4000x128xf32>, vector<128x128xf32>, vector<4000x128xf32> -> vector<4000x128xf32>
    %get3A_33 = arith.constant 0 : index
    %get3A_34 = arith.constant 0 : index
    %get3A_35 = vector.load %arg9[%get3A_33, %get3A_34] : memref<1x128xf32, #tpu.memory_space<vmem>>, vector<1x128xf32>
    %add3A_36 = vector.broadcast %get3A_35 : vector<1x128xf32> to vector<4000x128xf32>
    %add3A_37 = arith.addf %dot_general3A_32, %add3A_36 : vector<4000x128xf32>
    %mul3A_38 = arith.constant 5.000000e-01 : f32
    %mul3A_39 = vector.broadcast %mul3A_38 : f32 to vector<4000x128xf32>
    %mul3A_40 = arith.mulf %add3A_37, %mul3A_39 : vector<4000x128xf32>
    %mul3A_41 = arith.constant 0.707106769 : f32
    %mul3A_42 = vector.broadcast %mul3A_41 : f32 to vector<4000x128xf32>
    %mul3A_43 = arith.mulf %add3A_37, %mul3A_42 : vector<4000x128xf32>
    %erf3A_44 = math.erf %mul3A_43 : vector<4000x128xf32>
    %add3A_45 = arith.constant 1.000000e+00 : f32
    %add3A_46 = vector.broadcast %add3A_45 : f32 to vector<4000x128xf32>
    %add3A_47 = arith.addf %add3A_46, %erf3A_44 : vector<4000x128xf32>
    %mul3A_48 = arith.mulf %mul3A_40, %add3A_47 : vector<4000x128xf32>
    %get3A_49 = arith.constant 0 : index
    %get3A_50 = arith.constant 0 : index
    %get3A_51 = vector.load %arg10[%get3A_49, %get3A_50] : memref<128x128xf32, #tpu.memory_space<vmem>>, vector<128x128xf32>
    %dot_general3A_52 = arith.constant dense<0.000000e+00> : vector<4000x128xf32>
    %dot_general3A_53 = tpu.matmul %mul3A_48, %get3A_51, %dot_general3A_52 {dimension_numbers = #tpu.dot_dimension_numbers<[1], [0], [0], [1], [0, 0, 1, 1], [], []>, transpose_lhs_hint = false} : vector<4000x128xf32>, vector<128x128xf32>, vector<4000x128xf32> -> vector<4000x128xf32>
    %get3A_54 = arith.constant 0 : index
    %get3A_55 = arith.constant 0 : index
    %get3A_56 = vector.load %arg11[%get3A_54, %get3A_55] : memref<1x128xf32, #tpu.memory_space<vmem>>, vector<1x128xf32>
    %add3A_57 = vector.broadcast %get3A_56 : vector<1x128xf32> to vector<4000x128xf32>
    %add3A_58 = arith.addf %dot_general3A_53, %add3A_57 : vector<4000x128xf32>
    %get3A_59 = arith.constant 0 : index
    %get3A_60 = arith.constant 0 : index
    %get3A_61 = vector.load %arg3[%get3A_59, %get3A_60] : memref<4000x16xf32, #tpu.memory_space<vmem>>, vector<4000x16xf32>
    %get3A_62 = arith.constant 0 : index
    %get3A_63 = arith.constant 0 : index
    %get3A_64 = vector.load %arg4[%get3A_62, %get3A_63] : memref<8x128xf32, #tpu.memory_space<vmem>>, vector<1x16xf32>
    %sub3A = vector.broadcast %get3A_64 : vector<1x16xf32> to vector<4000x16xf32>
    %sub3A_65 = arith.subf %get3A_61, %sub3A : vector<4000x16xf32>
    %exp3A = math.exp %sub3A_65 : vector<4000x16xf32>
    %get3A_66 = arith.constant 0 : index
    %get3A_67 = arith.constant 0 : index
    %get3A_68 = vector.load %arg12[%get3A_66, %get3A_67] : memref<16x128xf32, #tpu.memory_space<vmem>>, vector<16x128xf32>
    %dot_general3A_69 = arith.constant dense<0.000000e+00> : vector<4000x128xf32>
    %dot_general3A_70 = tpu.matmul %exp3A, %get3A_68, %dot_general3A_69 {dimension_numbers = #tpu.dot_dimension_numbers<[1], [0], [0], [1], [0, 0, 1, 1], [], []>, precision = #tpu.contract_precision<fp32>, transpose_lhs_hint = false} : vector<4000x16xf32>, vector<16x128xf32>, vector<4000x128xf32> -> vector<4000x128xf32>
    %swap3A = arith.constant 0 : index
    %swap3A_71 = arith.constant 0 : index
    %swap3A_72 = vector.load %arg14[%swap3A, %swap3A_71] : memref<4000x128xf32, #tpu.memory_space<vmem>>, vector<4000x128xf32>
    tpu.vector_store %arg14[%swap3A, %swap3A_71], %dot_general3A_70 {strides = array<i32>} : memref<4000x128xf32, #tpu.memory_space<vmem>>, vector<4000x128xf32>,
    %mul3A_73 = arith.mulf %add3A_58, %dot_general3A_70 : vector<4000x128xf32>
    %swap3A_74 = arith.constant 0 : index
    %swap3A_75 = arith.constant 0 : index
    %swap3A_76 = vector.load %arg13[%swap3A_74, %swap3A_75] : memref<4000x128xf32, #tpu.memory_space<vmem>>, vector<4000x128xf32>
    tpu.vector_store %arg13[%swap3A_74, %swap3A_75], %mul3A_73 {strides = array<i32>} : memref<4000x128xf32, #tpu.memory_space<vmem>>, vector<4000x128xf32>,
    return
  }
  func.func @transform_0(%arg0: i32) -> (i32, i32) {
    %c0_i32 = arith.constant 0 : i32
    %c0_i32_0 = arith.constant 0 : i32
    return %arg0, %c0_i32 : i32, i32
  }
  func.func @transform_1(%arg0: i32) -> (i32, i32) {
    %c0_i32 = arith.constant 0 : i32
    %c0_i32_0 = arith.constant 0 : i32
    return %arg0, %c0_i32 : i32, i32
  }
  func.func @transform_2(%arg0: i32) -> (i32, i32) {
    %c0_i32 = arith.constant 0 : i32
    %c0_i32_0 = arith.constant 0 : i32
    return %arg0, %c0_i32 : i32, i32
  }
  func.func @transform_3(%arg0: i32) -> (i32, i32) {
    %c0_i32 = arith.constant 0 : i32
    %c0_i32_0 = arith.constant 0 : i32
    %c0_i32_1 = arith.constant 0 : i32
    return %c0_i32, %c0_i32_0 : i32, i32
  }
  func.func @transform_4(%arg0: i32) -> (i32, i32) {
    %c0_i32 = arith.constant 0 : i32
    %c0_i32_0 = arith.constant 0 : i32
    %c0_i32_1 = arith.constant 0 : i32
    return %c0_i32, %c0_i32_0 : i32, i32
  }
  func.func @transform_5(%arg0: i32) -> (i32, i32) {
    %c0_i32 = arith.constant 0 : i32
    %c0_i32_0 = arith.constant 0 : i32
    %c0_i32_1 = arith.constant 0 : i32
    return %c0_i32, %c0_i32_0 : i32, i32
  }
  func.func @transform_6(%arg0: i32) -> (i32, i32) {
    %c0_i32 = arith.constant 0 : i32
    %c0_i32_0 = arith.constant 0 : i32
    %c0_i32_1 = arith.constant 0 : i32
    return %c0_i32, %c0_i32_0 : i32, i32
  }
  func.func @transform_7(%arg0: i32) -> (i32, i32) {
    %c0_i32 = arith.constant 0 : i32
    %c0_i32_0 = arith.constant 0 : i32
    %c0_i32_1 = arith.constant 0 : i32
    return %c0_i32, %c0_i32_0 : i32, i32
  }
  func.func @transform_8(%arg0: i32) -> (i32, i32) {
    %c0_i32 = arith.constant 0 : i32
    %c0_i32_0 = arith.constant 0 : i32
    %c0_i32_1 = arith.constant 0 : i32
    return %c0_i32, %c0_i32_0 : i32, i32
  }
  func.func @transform_9(%arg0: i32) -> (i32, i32) {
    %c0_i32 = arith.constant 0 : i32
    %c0_i32_0 = arith.constant 0 : i32
    %c0_i32_1 = arith.constant 0 : i32
    return %c0_i32, %c0_i32_0 : i32, i32
  }
  func.func @transform_10(%arg0: i32) -> (i32, i32) {
    %c0_i32 = arith.constant 0 : i32
    %c0_i32_0 = arith.constant 0 : i32
    %c0_i32_1 = arith.constant 0 : i32
    return %c0_i32, %c0_i32_0 : i32, i32
  }
  func.func @transform_11(%arg0: i32) -> (i32, i32) {
    %c0_i32 = arith.constant 0 : i32
    %c0_i32_0 = arith.constant 0 : i32
    %c0_i32_1 = arith.constant 0 : i32
    return %c0_i32, %c0_i32_0 : i32, i32
  }
  func.func @transform_12(%arg0: i32) -> (i32, i32) {
    %c0_i32 = arith.constant 0 : i32
    %c0_i32_0 = arith.constant 0 : i32
    return %arg0, %c0_i32 : i32, i32
  }
  func.func @transform_13(%arg0: i32) -> (i32, i32) {
    %c0_i32 = arith.constant 0 : i32
    %c0_i32_0 = arith.constant 0 : i32
    return %arg0, %c0_i32 : i32, i32
  }
}

module attributes {stable_mosaic.version = 14 : i64} {
  func.func @_logits_body(%arg0: i32, %arg1: memref<4000x128xf32, #tpu.memory_space<vmem>>, %arg2: memref<4000x128xf32, #tpu.memory_space<vmem>>, %arg3: memref<4000x128xf32, #tpu.memory_space<vmem>>, %arg4: memref<128x128xf32, #tpu.memory_space<vmem>>, %arg5: memref<128x128xf32, #tpu.memory_space<vmem>>, %arg6: memref<128x128xf32, #tpu.memory_space<vmem>>, %arg7: memref<1x128xf32, #tpu.memory_space<vmem>>, %arg8: memref<128x128xf32, #tpu.memory_space<vmem>>, %arg9: memref<1x128xf32, #tpu.memory_space<vmem>>, %arg10: memref<128x16xf32, #tpu.memory_space<vmem>>, %arg11: memref<1x16xf32, #tpu.memory_space<vmem>>, %arg12: memref<4000x16xf32, #tpu.memory_space<vmem>>, %arg13: memref<8x128xf32, #tpu.memory_space<vmem>>) attributes {dimension_semantics = [#tpu.dimension_semantics<arbitrary>], iteration_bounds = array<i64: 80>, scalar_prefetch = 0 : i64, scratch_operands = 0 : i64, tpu.core_type = #tpu.core_type<tc>, window_params = [{transform_indices = @transform_0, window_bounds = array<i64: 4000, 128>}, {transform_indices = @transform_1, window_bounds = array<i64: 4000, 128>}, {transform_indices = @transform_2, window_bounds = array<i64: 4000, 128>}, {pipeline_mode = #tpu.pipeline_mode<synchronous>, transform_indices = @transform_3, window_bounds = array<i64: 128, 128>}, {pipeline_mode = #tpu.pipeline_mode<synchronous>, transform_indices = @transform_4, window_bounds = array<i64: 128, 128>}, {pipeline_mode = #tpu.pipeline_mode<synchronous>, transform_indices = @transform_5, window_bounds = array<i64: 128, 128>}, {pipeline_mode = #tpu.pipeline_mode<synchronous>, transform_indices = @transform_6, window_bounds = array<i64: 1, 128>}, {pipeline_mode = #tpu.pipeline_mode<synchronous>, transform_indices = @transform_7, window_bounds = array<i64: 128, 128>}, {pipeline_mode = #tpu.pipeline_mode<synchronous>, transform_indices = @transform_8, window_bounds = array<i64: 1, 128>}, {pipeline_mode = #tpu.pipeline_mode<synchronous>, transform_indices = @transform_9, window_bounds = array<i64: 128, 16>}, {pipeline_mode = #tpu.pipeline_mode<synchronous>, transform_indices = @transform_10, window_bounds = array<i64: 1, 16>}, {transform_indices = @transform_11, window_bounds = array<i64: 4000, 16>}, {pipeline_mode = #tpu.pipeline_mode<synchronous>, transform_indices = @transform_12, window_bounds = array<i64: 8, 128>}]} {
    %get3A = arith.constant 0 : index
    %get3A_0 = arith.constant 0 : index
    %get3A_1 = vector.load %arg2[%get3A, %get3A_0] : memref<4000x128xf32, #tpu.memory_space<vmem>>, vector<4000x128xf32>
    %get3A_2 = arith.constant 0 : index
    %get3A_3 = arith.constant 0 : index
    %get3A_4 = vector.load %arg4[%get3A_2, %get3A_3] : memref<128x128xf32, #tpu.memory_space<vmem>>, vector<128x128xf32>
    %dot_general3A = arith.constant dense<0.000000e+00> : vector<4000x128xf32>
    %dot_general3A_5 = tpu.matmul %get3A_1, %get3A_4, %dot_general3A {dimension_numbers = #tpu.dot_dimension_numbers<[1], [0], [0], [1], [0, 0, 1, 1], [], []>, transpose_lhs_hint = false} : vector<4000x128xf32>, vector<128x128xf32>, vector<4000x128xf32> -> vector<4000x128xf32>
    %get3A_6 = arith.constant 0 : index
    %get3A_7 = arith.constant 0 : index
    %get3A_8 = vector.load %arg1[%get3A_6, %get3A_7] : memref<4000x128xf32, #tpu.memory_space<vmem>>, vector<4000x128xf32>
    %get3A_9 = arith.constant 0 : index
    %get3A_10 = arith.constant 0 : index
    %get3A_11 = vector.load %arg5[%get3A_9, %get3A_10] : memref<128x128xf32, #tpu.memory_space<vmem>>, vector<128x128xf32>
    %dot_general3A_12 = arith.constant dense<0.000000e+00> : vector<4000x128xf32>
    %dot_general3A_13 = tpu.matmul %get3A_8, %get3A_11, %dot_general3A_12 {dimension_numbers = #tpu.dot_dimension_numbers<[1], [0], [0], [1], [0, 0, 1, 1], [], []>, transpose_lhs_hint = false} : vector<4000x128xf32>, vector<128x128xf32>, vector<4000x128xf32> -> vector<4000x128xf32>
    %add3A = arith.addf %dot_general3A_5, %dot_general3A_13 : vector<4000x128xf32>
    %get3A_14 = arith.constant 0 : index
    %get3A_15 = arith.constant 0 : index
    %get3A_16 = vector.load %arg3[%get3A_14, %get3A_15] : memref<4000x128xf32, #tpu.memory_space<vmem>>, vector<4000x128xf32>
    %get3A_17 = arith.constant 0 : index
    %get3A_18 = arith.constant 0 : index
    %get3A_19 = vector.load %arg6[%get3A_17, %get3A_18] : memref<128x128xf32, #tpu.memory_space<vmem>>, vector<128x128xf32>
    %dot_general3A_20 = arith.constant dense<0.000000e+00> : vector<4000x128xf32>
    %dot_general3A_21 = tpu.matmul %get3A_16, %get3A_19, %dot_general3A_20 {dimension_numbers = #tpu.dot_dimension_numbers<[1], [0], [0], [1], [0, 0, 1, 1], [], []>, transpose_lhs_hint = false} : vector<4000x128xf32>, vector<128x128xf32>, vector<4000x128xf32> -> vector<4000x128xf32>
    %add3A_22 = arith.addf %add3A, %dot_general3A_21 : vector<4000x128xf32>
    %get3A_23 = arith.constant 0 : index
    %get3A_24 = arith.constant 0 : index
    %get3A_25 = vector.load %arg7[%get3A_23, %get3A_24] : memref<1x128xf32, #tpu.memory_space<vmem>>, vector<1x128xf32>
    %add3A_26 = vector.broadcast %get3A_25 : vector<1x128xf32> to vector<4000x128xf32>
    %add3A_27 = arith.addf %add3A_22, %add3A_26 : vector<4000x128xf32>
    %max3A = arith.constant 0.000000e+00 : f32
    %max3A_28 = vector.broadcast %max3A : f32 to vector<4000x128xf32>
    %max3A_29 = arith.maximumf %add3A_27, %max3A_28 : vector<4000x128xf32>
    %get3A_30 = arith.constant 0 : index
    %get3A_31 = arith.constant 0 : index
    %get3A_32 = vector.load %arg8[%get3A_30, %get3A_31] : memref<128x128xf32, #tpu.memory_space<vmem>>, vector<128x128xf32>
    %dot_general3A_33 = arith.constant dense<0.000000e+00> : vector<4000x128xf32>
    %dot_general3A_34 = tpu.matmul %max3A_29, %get3A_32, %dot_general3A_33 {dimension_numbers = #tpu.dot_dimension_numbers<[1], [0], [0], [1], [0, 0, 1, 1], [], []>, transpose_lhs_hint = false} : vector<4000x128xf32>, vector<128x128xf32>, vector<4000x128xf32> -> vector<4000x128xf32>
    %get3A_35 = arith.constant 0 : index
    %get3A_36 = arith.constant 0 : index
    %get3A_37 = vector.load %arg9[%get3A_35, %get3A_36] : memref<1x128xf32, #tpu.memory_space<vmem>>, vector<1x128xf32>
    %add3A_38 = vector.broadcast %get3A_37 : vector<1x128xf32> to vector<4000x128xf32>
    %add3A_39 = arith.addf %dot_general3A_34, %add3A_38 : vector<4000x128xf32>
    %max3A_40 = arith.constant 0.000000e+00 : f32
    %max3A_41 = vector.broadcast %max3A_40 : f32 to vector<4000x128xf32>
    %max3A_42 = arith.maximumf %add3A_39, %max3A_41 : vector<4000x128xf32>
    %get3A_43 = arith.constant 0 : index
    %get3A_44 = arith.constant 0 : index
    %get3A_45 = vector.load %arg10[%get3A_43, %get3A_44] : memref<128x16xf32, #tpu.memory_space<vmem>>, vector<128x16xf32>
    %dot_general3A_46 = arith.constant dense<0.000000e+00> : vector<4000x16xf32>
    %dot_general3A_47 = tpu.matmul %max3A_42, %get3A_45, %dot_general3A_46 {dimension_numbers = #tpu.dot_dimension_numbers<[1], [0], [0], [1], [0, 0, 1, 1], [], []>, transpose_lhs_hint = false} : vector<4000x128xf32>, vector<128x16xf32>, vector<4000x16xf32> -> vector<4000x16xf32>
    %get3A_48 = arith.constant 0 : index
    %get3A_49 = arith.constant 0 : index
    %get3A_50 = vector.load %arg11[%get3A_48, %get3A_49] : memref<1x16xf32, #tpu.memory_space<vmem>>, vector<1x16xf32>
    %add3A_51 = vector.broadcast %get3A_50 : vector<1x16xf32> to vector<4000x16xf32>
    %add3A_52 = arith.addf %dot_general3A_47, %add3A_51 : vector<4000x16xf32>
    %swap3A = arith.constant 0 : index
    %swap3A_53 = arith.constant 0 : index
    %swap3A_54 = vector.load %arg12[%swap3A, %swap3A_53] : memref<4000x16xf32, #tpu.memory_space<vmem>>, vector<4000x16xf32>
    tpu.vector_store %arg12[%swap3A, %swap3A_53], %add3A_52 {strides = array<i32>} : memref<4000x16xf32, #tpu.memory_space<vmem>>, vector<4000x16xf32>,
    %reduce_max3A = vector.shape_cast %add3A_52 : vector<4000x16xf32> to vector<1x4000x16xf32>
    %reduce_max3A_55 = arith.constant dense<0xFF800000> : vector<1xf32>
    %reduce_max3A_56 = vector.multi_reduction <maximumf>, %reduce_max3A, %reduce_max3A_55 [1, 2] : vector<1x4000x16xf32> to vector<1xf32>
    %reduce_max3A_57 = vector.shape_cast %reduce_max3A_56 : vector<1xf32> to vector<1x1x1xf32>
    %reduce_max3A_58 = vector.extract %reduce_max3A_57[0, 0, 0] : f32 from vector<1x1x1xf32>
    %eq3A = arith.constant 0 : i32
    %eq3A_59 = arith.cmpi eq, %arg0, %eq3A : i32
    %convert_element_type3A = arith.extui %eq3A_59 : i1 to i32
    %cond3A = arith.constant 0 : i32
    %cond3A_60 = arith.cmpi ne, %convert_element_type3A, %cond3A : i32
    scf.if %cond3A_60 {
      %broadcast_in_dim3A = vector.broadcast %reduce_max3A_58 : f32 to vector<8x128xf32>
      %swap3A_65 = arith.constant 0 : index
      %swap3A_66 = arith.constant 0 : index
      %swap3A_67 = vector.load %arg13[%swap3A_65, %swap3A_66] : memref<8x128xf32, #tpu.memory_space<vmem>>, vector<8x128xf32>
      tpu.vector_store %arg13[%swap3A_65, %swap3A_66], %broadcast_in_dim3A {strides = array<i32>} : memref<8x128xf32, #tpu.memory_space<vmem>>, vector<8x128xf32>,
    } else {
    }
    %gt3A = arith.constant 0 : i32
    %gt3A_61 = arith.cmpi sgt, %arg0, %gt3A : i32
    %convert_element_type3A_62 = arith.extui %gt3A_61 : i1 to i32
    %cond3A_63 = arith.constant 0 : i32
    %cond3A_64 = arith.cmpi ne, %convert_element_type3A_62, %cond3A_63 : i32
    scf.if %cond3A_64 {
      %get3A_65 = arith.constant 0 : index
      %get3A_66 = arith.constant 0 : index
      %get3A_67 = vector.load %arg13[%get3A_65, %get3A_66] : memref<8x128xf32, #tpu.memory_space<vmem>>, vector<8x128xf32>
      %max3A_68 = vector.broadcast %reduce_max3A_58 : f32 to vector<8x128xf32>
      %max3A_69 = arith.maximumf %get3A_67, %max3A_68 : vector<8x128xf32>
      %swap3A_70 = arith.constant 0 : index
      %swap3A_71 = arith.constant 0 : index
      %swap3A_72 = vector.load %arg13[%swap3A_70, %swap3A_71] : memref<8x128xf32, #tpu.memory_space<vmem>>, vector<8x128xf32>
      tpu.vector_store %arg13[%swap3A_70, %swap3A_71], %max3A_69 {strides = array<i32>} : memref<8x128xf32, #tpu.memory_space<vmem>>, vector<8x128xf32>,
    } else {
    }
    return
  }
  func.func @transform_0(%arg0: i32) -> (i32, i32) {
    %c0_i32 = arith.constant 0 : i32
    %c0_i32_0 = arith.constant 0 : i32
    return %arg0, %c0_i32 : i32, i32
  }
  func.func @transform_1(%arg0: i32) -> (i32, i32) {
    %c0_i32 = arith.constant 0 : i32
    %c0_i32_0 = arith.constant 0 : i32
    return %arg0, %c0_i32 : i32, i32
  }
  func.func @transform_2(%arg0: i32) -> (i32, i32) {
    %c0_i32 = arith.constant 0 : i32
    %c0_i32_0 = arith.constant 0 : i32
    return %arg0, %c0_i32 : i32, i32
  }
  func.func @transform_3(%arg0: i32) -> (i32, i32) {
    %c0_i32 = arith.constant 0 : i32
    %c0_i32_0 = arith.constant 0 : i32
    %c0_i32_1 = arith.constant 0 : i32
    return %c0_i32, %c0_i32_0 : i32, i32
  }
  func.func @transform_4(%arg0: i32) -> (i32, i32) {
    %c0_i32 = arith.constant 0 : i32
    %c0_i32_0 = arith.constant 0 : i32
    %c0_i32_1 = arith.constant 0 : i32
    return %c0_i32, %c0_i32_0 : i32, i32
  }
  func.func @transform_5(%arg0: i32) -> (i32, i32) {
    %c0_i32 = arith.constant 0 : i32
    %c0_i32_0 = arith.constant 0 : i32
    %c0_i32_1 = arith.constant 0 : i32
    return %c0_i32, %c0_i32_0 : i32, i32
  }
  func.func @transform_6(%arg0: i32) -> (i32, i32) {
    %c0_i32 = arith.constant 0 : i32
    %c0_i32_0 = arith.constant 0 : i32
    %c0_i32_1 = arith.constant 0 : i32
    return %c0_i32, %c0_i32_0 : i32, i32
  }
  func.func @transform_7(%arg0: i32) -> (i32, i32) {
    %c0_i32 = arith.constant 0 : i32
    %c0_i32_0 = arith.constant 0 : i32
    %c0_i32_1 = arith.constant 0 : i32
    return %c0_i32, %c0_i32_0 : i32, i32
  }
  func.func @transform_8(%arg0: i32) -> (i32, i32) {
    %c0_i32 = arith.constant 0 : i32
    %c0_i32_0 = arith.constant 0 : i32
    %c0_i32_1 = arith.constant 0 : i32
    return %c0_i32, %c0_i32_0 : i32, i32
  }
  func.func @transform_9(%arg0: i32) -> (i32, i32) {
    %c0_i32 = arith.constant 0 : i32
    %c0_i32_0 = arith.constant 0 : i32
    %c0_i32_1 = arith.constant 0 : i32
    return %c0_i32, %c0_i32_0 : i32, i32
  }
  func.func @transform_10(%arg0: i32) -> (i32, i32) {
    %c0_i32 = arith.constant 0 : i32
    %c0_i32_0 = arith.constant 0 : i32
    %c0_i32_1 = arith.constant 0 : i32
    return %c0_i32, %c0_i32_0 : i32, i32
  }
  func.func @transform_11(%arg0: i32) -> (i32, i32) {
    %c0_i32 = arith.constant 0 : i32
    %c0_i32_0 = arith.constant 0 : i32
    return %arg0, %c0_i32 : i32, i32
  }
  func.func @transform_12(%arg0: i32) -> (i32, i32) {
    %c0_i32 = arith.constant 0 : i32
    %c0_i32_0 = arith.constant 0 : i32
    %c0_i32_1 = arith.constant 0 : i32
    return %c0_i32, %c0_i32_0 : i32, i32
  }
}

module attributes {stable_mosaic.version = 14 : i64} {
  func.func @_final_body(%arg0: i32, %arg1: memref<2x1280x128xf32, #tpu.memory_space<vmem>>, %arg2: memref<2x1280x128xf32, #tpu.memory_space<vmem>>, %arg3: memref<128x128xf32, #tpu.memory_space<vmem>>, %arg4: memref<1280x128xf32, #tpu.memory_space<vmem>>) attributes {dimension_semantics = [#tpu.dimension_semantics<arbitrary>], iteration_bounds = array<i64: 8>, scalar_prefetch = 0 : i64, scratch_operands = 0 : i64, tpu.core_type = #tpu.core_type<tc>, window_params = [{transform_indices = @transform_0, window_bounds = array<i64: 2, 1280, 128>}, {transform_indices = @transform_1, window_bounds = array<i64: 2, 1280, 128>}, {pipeline_mode = #tpu.pipeline_mode<synchronous>, transform_indices = @transform_2, window_bounds = array<i64: 128, 128>}, {transform_indices = @transform_3, window_bounds = array<i64: 1280, 128>}]} {
    %get3A = arith.constant 0 : index
    %get3A_0 = arith.constant 0 : index
    %get3A_1 = arith.constant 0 : index
    %get3A_2 = vector.load %arg1[%get3A, %get3A_0, %get3A_1] : memref<2x1280x128xf32, #tpu.memory_space<vmem>>, vector<1x1280x128xf32>
    %get3A_3 = vector.shape_cast %get3A_2 : vector<1x1280x128xf32> to vector<1280x128xf32>
    %get3A_4 = arith.constant 1 : index
    %get3A_5 = arith.constant 0 : index
    %get3A_6 = arith.constant 0 : index
    %get3A_7 = vector.load %arg1[%get3A_4, %get3A_5, %get3A_6] : memref<2x1280x128xf32, #tpu.memory_space<vmem>>, vector<1x1280x128xf32>
    %get3A_8 = vector.shape_cast %get3A_7 : vector<1x1280x128xf32> to vector<1280x128xf32>
    %add3A = arith.addf %get3A_3, %get3A_8 : vector<1280x128xf32>
    %get3A_9 = arith.constant 0 : index
    %get3A_10 = arith.constant 0 : index
    %get3A_11 = arith.constant 0 : index
    %get3A_12 = vector.load %arg2[%get3A_9, %get3A_10, %get3A_11] : memref<2x1280x128xf32, #tpu.memory_space<vmem>>, vector<1x1280x128xf32>
    %get3A_13 = vector.shape_cast %get3A_12 : vector<1x1280x128xf32> to vector<1280x128xf32>
    %get3A_14 = arith.constant 1 : index
    %get3A_15 = arith.constant 0 : index
    %get3A_16 = arith.constant 0 : index
    %get3A_17 = vector.load %arg2[%get3A_14, %get3A_15, %get3A_16] : memref<2x1280x128xf32, #tpu.memory_space<vmem>>, vector<1x1280x128xf32>
    %get3A_18 = vector.shape_cast %get3A_17 : vector<1x1280x128xf32> to vector<1280x128xf32>
    %add3A_19 = arith.addf %get3A_13, %get3A_18 : vector<1280x128xf32>
    %gt3A = arith.constant 0.000000e+00 : f32
    %gt3A_20 = vector.broadcast %gt3A : f32 to vector<1280x128xf32>
    %gt3A_21 = arith.cmpf ogt, %add3A_19, %gt3A_20 : vector<1280x128xf32>
    %jit3A = arith.constant 1.000000e+00 : f32
    %broadcast_in_dim3A = vector.broadcast %jit3A : f32 to vector<1280x128xf32>
    %select_n3A = arith.select %gt3A_21, %add3A_19, %broadcast_in_dim3A : vector<1280x128xi1>, vector<1280x128xf32>
    %div3A = arith.divf %add3A, %select_n3A : vector<1280x128xf32>
    %get3A_22 = arith.constant 0 : index
    %get3A_23 = arith.constant 0 : index
    %get3A_24 = vector.load %arg3[%get3A_22, %get3A_23] : memref<128x128xf32, #tpu.memory_space<vmem>>, vector<128x128xf32>
    %dot_general3A = arith.constant dense<0.000000e+00> : vector<1280x128xf32>
    %dot_general3A_25 = tpu.matmul %div3A, %get3A_24, %dot_general3A {dimension_numbers = #tpu.dot_dimension_numbers<[1], [0], [0], [1], [0, 0, 1, 1], [], []>, transpose_lhs_hint = false} : vector<1280x128xf32>, vector<128x128xf32>, vector<1280x128xf32> -> vector<1280x128xf32>
    %swap3A = arith.constant 0 : index
    %swap3A_26 = arith.constant 0 : index
    %swap3A_27 = vector.load %arg4[%swap3A, %swap3A_26] : memref<1280x128xf32, #tpu.memory_space<vmem>>, vector<1280x128xf32>
    tpu.vector_store %arg4[%swap3A, %swap3A_26], %dot_general3A_25 {strides = array<i32>} : memref<1280x128xf32, #tpu.memory_space<vmem>>, vector<1280x128xf32>,
    return
  }
  func.func @transform_0(%arg0: i32) -> (i32, i32, i32) {
    %c0_i32 = arith.constant 0 : i32
    %c0_i32_0 = arith.constant 0 : i32
    %c0_i32_1 = arith.constant 0 : i32
    return %c0_i32, %arg0, %c0_i32_0 : i32, i32, i32
  }
  func.func @transform_1(%arg0: i32) -> (i32, i32, i32) {
    %c0_i32 = arith.constant 0 : i32
    %c0_i32_0 = arith.constant 0 : i32
    %c0_i32_1 = arith.constant 0 : i32
    return %c0_i32, %arg0, %c0_i32_0 : i32, i32, i32
  }
  func.func @transform_2(%arg0: i32) -> (i32, i32) {
    %c0_i32 = arith.constant 0 : i32
    %c0_i32_0 = arith.constant 0 : i32
    %c0_i32_1 = arith.constant 0 : i32
    return %c0_i32, %c0_i32_0 : i32, i32
  }
  func.func @transform_3(%arg0: i32) -> (i32, i32) {
    %c0_i32 = arith.constant 0 : i32
    %c0_i32_0 = arith.constant 0 : i32
    return %arg0, %c0_i32 : i32, i32
  }
}

</mosaic_0001>

<sc_bundles>
// kernel: kernel.11.cloned.1.call-start
scs
__scs_entry_jumppad:
0x0: {  	(pc) =	sbr.rel $0x88, $3  }
0x1: {  	(tag) =	ssettag $0x0;
	lr =	simm.s32 $0x1  }
0x2: {  	[smem:$0x3F91] =	sst lr;
	_ =	strace $0xD0000000  }
0x3: {  	_ = 	snop  }
0x4: {  	_ = 	snop  }
0x5: {  	_ = 	snop  }
0x6: {  	_ = 	snop  }
0x7: {  	_ = 	snop  }
__scs_overlays_trampoline_lowered:
0x8: {  	[smem:$0x3FA0] =	sst s0  }
0x9: {  	[smem:$0x3FA1] =	sst s1  }
0xa: {  	[smem:$0x3FA2] =	sst s2  }
0xb: {  	[smem:$0x3FA3] =	sst s3  }
0xc: {  	[smem:$0x3FA4] =	sst s4  }
0xd: {  	[smem:$0x3FA5] =	sst s5  }
0xe: {  	[smem:$0x3FA6] =	sst s6  }
0xf: {  	[smem:$0x3FA7] =	sst s7  }
0x10: {  	[smem:$0x3FA8] =	sst s8  }
0x11: {  	[smem:$0x3FA9] =	sst s9;
	s0 =	simm.s32 @!p0 $0x0  }
0x12: {  	s1 =	sld [smem:$0x3F8F];
	s0 =	simm.s32 @p0 $0x1  }
0x13: {  	[smem:$0x3FAA] =	sst s0;
	s0 =	simm.s32 @!p1 $0x0  }
0x14: {  	s2 =	sld [smem:$0x3F8E];
	s0 =	simm.s32 @p1 $0x1  }
0x15: {  	[smem:$0x3FAB] =	sst s0;
	s0 =	simm.s32 @!p2 $0x0  }
0x16: {  	s3 =	sld [smem:$0x3FDB];
	s0 =	simm.s32 @p2 $0x1  }
0x17: {  	s4 =	simm.s32 $0x1BF5;
	[smem:$0x3FAD] =	sst s0  }
0x18: {  	s0 =	sld [smem:$0x3F90];
	_ =	swait.ge [sflag:s4], $0x0  }
0x19: {  	s7 =	sld [smem:$0x3F91]  }
0x1a: {  	s8 =	sadd.s32 $0xFFFFE003, lr  }
0x1b: {  	s9 =	sadd.s32 $0xFFFFFEF7, lr;
	s5 =	simm.s32 $0xFFFFFFFF;
	p2 =	slt.u32 s8, $0xFFFFF086  }
0x1c: {  	p1 =	slt.u32 s9, $0xF7A;
	s5 =	simm.s32 @!p2 $0x0  }
0x1d: {  	s5 =	simm.s32 @p1 $0x1;
	p0 =	seq.s32 s7, s2  }
0x1e: {  	s7 =	smul.u32 @!p0 $0xF7A, s2;
	p2 =	seq.s32 @!p0 s5, $0x0  }
0x1f: {  	s9 =	smul.u32 $0xF7A, s1;
	s8 =	simm.s32 @!p0 $0x1BF5;
	p2 =	por !p2, p0  }
0x20: {  	[sflag:s8] =	ssyncset.s32 @!p0 $0xFFFFF086;
	s6 =	sadd.s32 @!p0 s3, s7;
	s7 =	simm.s32 @!p0 $0x108  }
0x21: {  	s3 =	sadd.s32 s3, s9;
	s6 =	sadd.s32 @!p0 $0x88, s6;
	s7 =	simm.s32 @p2 $0x1082  }
0x22: {  	[simem:s7], [sflag:s8] =	dma.local @!p0 [hbm:s6], $0xF7A  }
0x23: {  	s9 =	sor.u32 $0xD0000000, s2;
	s6 =	simm.s32 $0x108;
	_ =	swait.ge @!p0 [sflag:s8], $0x0  }
0x24: {  	s3 =	sadd.s32 $0x88, s3;
	s6 =	simm.s32 @!p1 $0x1082;
	[sflag:s4] =	ssyncset.s32 $0xFFFFF086  }
0x25: {  	[simem:s6], [sflag:s4] =	dma.local [hbm:s3], $0xF7A  }
0x26: {  	[smem:$0x3F91] =	sst s1;
	(tag) =	ssettag s2;
	_ =	strace s9  }
0x27: {  	s1 =	sld [smem:$0x3FA1]  }
0x28: {  	s2 =	sld [smem:$0x3FA2]  }
0x29: {  	s4 =	sld [smem:$0x3FA4]  }
0x2a: {  	p0 =	seq.s32 s5, $0x0;
	s5 =	sld [smem:$0x3FA5]  }
0x2b: {  	s6 =	sld [smem:$0x3FA6]  }
0x2c: {  	s7 =	sld [smem:$0x3FA7]  }
0x2d: {  	s3 =	simm.s32 $0x108;
	s8 =	sld [smem:$0x3FA8]  }
0x2e: {  	s3 =	simm.s32 @!p0 $0x1082;
	s9 =	sld [smem:$0x3FA9]  }
0x2f: {  	lr =	sadd.s32 s0, s3;
	s0 =	sld [smem:$0x3FA0]  }
0x30: {  	s3 =	sld [smem:$0x3FA3]  }
0x31: {  	[smem:$0x3FAC] =	sst s10  }
0x32: {  	s10 =	sld [smem:$0x3FAA];
	_ =	sdelay $0x3  }
0x33: {  	p0 =	seq.s32 s10, $0x1;
	s10 =	sld [smem:$0x3FAC];
	_ =	sdelay $0x3  }
0x34: {  	[smem:$0x3FAC] =	sst s10  }
0x35: {  	s10 =	sld [smem:$0x3FAB];
	_ =	sdelay $0x3  }
0x36: {  	p1 =	seq.s32 s10, $0x1;
	s10 =	sld [smem:$0x3FAC];
	_ =	sdelay $0x3  }
0x37: {  	[smem:$0x3FAC] =	sst s10  }
0x38: {  	s10 =	sld [smem:$0x3FAD]  }
0x39: {  	_ = 	snop;
	(pc) =	sbr.ind lr, $3  }
0x3a: {  	_ = 	snop  }
0x3b: {  	_ = 	snop  }
0x3c: {  	p2 =	seq.s32 s10, $0x1;
	s10 =	sld [smem:$0x3FAC]  }
0x3d: {  	_ =	shalt  }
0x3e: {  	_ =	shalt  }
0x3f: {  	_ =	shalt  }
0x40: {  	_ =	shalt  }
0x41: {  	_ =	shalt  }
0x42: {  	_ =	shalt  }
0x43: {  	_ =	shalt  }
0x44: {  	_ =	shalt  }
0x45: {  	_ =	shalt  }
0x46: {  	_ =	shalt  }
0x47: {  	_ =	shalt  }
0x48: {  	_ =	shalt  }
0x49: {  	_ =	shalt  }
0x4a: {  	_ =	shalt  }
0x4b: {  	_ =	shalt  }
0x4c: {  	_ =	shalt  }
0x4d: {  	_ =	shalt  }
0x4e: {  	_ =	shalt  }
0x4f: {  	_ =	shalt  }
0x50: {  	_ =	shalt  }
0x51: {  	_ =	shalt  }
0x52: {  	_ =	shalt  }
0x53: {  	_ =	shalt  }
0x54: {  	_ =	shalt  }
0x55: {  	_ =	shalt  }
0x56: {  	_ =	shalt  }
0x57: {  	_ =	shalt  }
0x58: {  	_ =	shalt  }
0x59: {  	_ =	shalt  }
0x5a: {  	_ =	shalt  }
0x5b: {  	_ =	shalt  }
0x5c: {  	_ =	shalt  }
0x5d: {  	_ =	shalt  }
0x5e: {  	_ =	shalt  }
0x5f: {  	_ =	shalt  }
0x60: {  	_ =	shalt  }
0x61: {  	_ =	shalt  }
0x62: {  	_ =	shalt  }
0x63: {  	_ =	shalt  }
0x64: {  	_ =	shalt  }
0x65: {  	_ =	shalt  }
0x66: {  	_ =	shalt  }
0x67: {  	_ =	shalt  }
0x68: {  	_ =	shalt  }
0x69: {  	_ =	shalt  }
0x6a: {  	_ =	shalt  }
0x6b: {  	_ =	shalt  }
0x6c: {  	_ =	shalt  }
0x6d: {  	_ =	shalt  }
0x6e: {  	_ =	shalt  }
0x6f: {  	_ =	shalt  }
0x70: {  	_ =	shalt  }
0x71: {  	_ =	shalt  }
0x72: {  	_ =	shalt  }
0x73: {  	_ =	shalt  }
0x74: {  	_ =	shalt  }
0x75: {  	_ =	shalt  }
0x76: {  	_ =	shalt  }
0x77: {  	_ =	shalt  }
0x78: {  	_ =	shalt  }
0x79: {  	_ =	shalt  }
0x7a: {  	_ =	shalt  }
0x7b: {  	_ =	shalt  }
0x7c: {  	_ =	shalt  }
0x7d: {  	_ =	shalt  }
0x7e: {  	_ =	shalt  }
0x7f: {  	_ =	shalt  }
0x80: {  	_ =	shalt  }
0x81: {  	_ =	shalt  }
0x82: {  	_ =	shalt  }
0x83: {  	_ =	shalt  }
0x84: {  	_ =	shalt  }
0x85: {  	_ =	shalt  }
0x86: {  	_ =	shalt  }
0x87: {  	_ =	shalt  }
.Lfunc_end0:
.L_simem_size_0:
called_computation.1_lowered:
.L_overlay_start_0:
0x88: {  	s2 =	sld [smem:$0x3FD9]  }
0x89: {  	s3 =	sld [smem:$0x3FFE];
	_ =	sdelay $0x1  }
0x8a: {  	s1 =	srdreg.scid  }
0x8b: {  	s0 =	sand.u32 $0x1, s1  }
0x8c: {  	s17 =	sshll.u32 s0, $0xA;
	s2 =	sadd.s32 s3, s2  }
0x8d: {  	s2 =	sadd.s32 s2, s17  }
0x8e: {  	[smem:$0x3FB8] =	sst s2  }
0x8f: {  	_ = 	snop  }
0x90: {  	s18 =	sld [smem:$0x3FD0];
	(tm) =	ssettm $0x1  }
0x91: {  	s19 =	sld [smem:$0x3FFB];
	_ =	sdelay $0x3  }
0x92: {  	_ =	strace s19  }
0x93: {  	s2 =	sld [smem:$0x3FFC];
	_ =	sdelay $0x3  }
0x94: {  	_ =	strace s2  }
0x95: {  	s2 =	sld [smem:$0x3FFD];
	_ =	sdelay $0x3  }
0x96: {  	_ =	strace s2  }
0x97: {  	_ =	strace $0x8FFFFFFF  }
0x98: {  	s20 =	sld [smem:$0x3FDB];
	_ =	sdelay $0x1  }
0x99: {  	s4 =	simm.s32 $_scs_section_size  }
0x9a: {  	s5 =	simm.s32 $_size__tile_overlayer_lowered;
	s6 =	simm.s32 $_tile_overlayer_lowered  }
0x9b: {  	s7 =	simm.s32 $0x1BFF;
	s21 =	sshll.u32 s6, $0x1;
	s4 =	sadd.s32 s4, s20  }
0x9c: {  	s22 =	simm.s32 $0x0;
	s5 =	sshll.u32 s5, $0x1;
	s6 =	sadd.s32 s21, s4  }
0x9d: {  	[timem:s22], [sflag:s7] =	dma.local [hbm:s6], s5  }
0x9e: {  	_ =	swait.ge [sflag:s7], s5  }
0x9f: {  	s5 =	ssub.s32 $0x0, s5;
	[sflag:s7] =	ssyncset.done $0x0  }
0xa0: {  	[sflag:s7] =	ssyncadd.s32 s5;
	_ =	sdelay $0x1  }
0xa1: {  	s23 =	simm.s32 $0x1B8B  }
0xa2: {  	_ =	swait.ge [sflag:s23], $0x1  }
0xa3: {  	[sflag:s23] =	ssyncset.done $0x0  }
0xa4: {  	[sflag:s23] =	ssyncadd.s32 $0xFFFFFFFF  }
0xa5: {  	s5 =	sld [smem:$0x0]  }
0xa6: {  	s6 =	sand.u32 $0xFFFFFFFE, s1  }
0xa7: {  	p0 =	sne.s32 s1, s6  }
0xa8: {  	s6 =	sshll.u32 @p0 s6, $0xE  }
0xa9: {  	s6 =	sadd.s32 @p0 $0x11B8D, s6;
	s7 =	sshll.u32 @p0 s5, $0x11  }
0xaa: {  	s6 =	sor.u32 @p0 s7, s6  }
0xab: {  	[sflag:s6] =	ssyncadd.remote.s32 @p0 $0x1;
	_ =	sdelay $0x1  }
0xac: {  	s6 =	simm.s32 @p0 $0x1B8D  }
0xad: {  	_ =	swait.eq @p0 [sflag:s6], $0x1  }
0xae: {  	[sflag:s6] =	ssyncadd.s32 @p0 $0xFFFFFFFF  }
0xaf: {  	s7 =	sshll.u32 @!p0 s1, $0xE  }
0xb0: {  	s7 =	sor.u32 @!p0 $0x4000, s7;
	s6 =	simm.s32 @!p0 $0x1B8D  }
0xb1: {  	s5 =	sshll.u32 @!p0 s5, $0x11;
	s7 =	sadd.s32 @!p0 $0x11B8D, s7;
	_ =	swait.eq @!p0 [sflag:s6], $0x1  }
0xb2: {  	s5 =	sor.u32 @!p0 s5, s7;
	[sflag:s6] =	ssyncadd.s32 @!p0 $0xFFFFFFFF  }
0xb3: {  	s25 =	simm.s32 $0x1B8E;
	s24 =	sld [smem:$0x3FFE];
	[sflag:s5] =	ssyncadd.remote.s32 @!p0 $0x1  }
0xb4: {  	s26 =	simm.s32 $execute0_lowered;
	[smem:$0x3FD2] =	sst s25  }
0xb5: {  	s6 =	sshll.u32 s26, $0x1;
	_ =	strace $0x8000004C;
	[dreg:$0x1] =	wrdreg $0xFFFFFFFF  }
0xb6: {  	s28 =	simm.s32 $_size_execute0_lowered;
	s4 =	sadd.s32 s4, s6;
	[dreg:$0x0] =	wrdreg $0x0  }
0xb7: {  	s6 =	sshll.u32 s28, $0x1;
	[dreg:$0x2] =	wrdreg s4  }
0xb8: {  	[dreg:$0x3] =	wrdreg s6  }
0xb9: {  	[dreg:$0x4] =	wrdreg $0xC0  }
0xba: {  	_ =	task [dreg:s22], $0x5FFFF  }
0xbb: {  	[dreg:$0x1] =	wrdreg $0xFFFFFFFF  }
0xbc: {  	[dreg:$0x0] =	wrdreg $0x60  }
0xbd: {  	[dreg:$0x2] =	wrdreg s24  }
0xbe: {  	[dreg:$0x3] =	wrdreg s18  }
0xbf: {  	[dreg:$0x4] =	wrdreg $0x0  }
0xc0: {  	[dreg:$0x5] =	wrdreg $0x9  }
0xc1: {  	_ =	task.clear_ibuf [dreg:s22], $0x6FFFF;
	_ =	strace $0x9000004C  }
0xc2: {  	s29 =	simm.s32 $0x9;
	_ =	strace $0x8000004E  }
0xc3: {  	_ =	swait.ge [sflag:s29], $0x1  }
0xc4: {  	[sflag:s29] =	ssyncadd.s32 $0xFFFFFFFF  }
0xc5: {  	_ =	strace $0x9000004E  }
0xc6: {  	_ =	sfence  }
0xc7: {  	s30 =	sld [smem:$0x0];
	_ =	sdelay $0x2  }
0xc8: {  	s31 =	sshll.u32 s1, $0xD;
	s1 =	sshrl.u32 s1, $0x2  }
0xc9: {  	s4 =	sand.u32 $0x4000, s31;
	s1 =	sadd.s32 s1, s30  }
0xca: {  	s0 =	sor.u32 s4, s0;
	s1 =	sshll.u32 s1, $0x11  }
0xcb: {  	s0 =	sor.u32 s1, s0  }
0xcc: {  	s0 =	sadd.s32 $0x8F2B, s0  }
0xcd: {  	[sflag:s0] =	ssyncadd.remote.s32 $0x1  }
0xce: {  	_ =	sfence.sel $0xFFFF  }
0xcf: {  	[dreg:$0x0] =	wrdreg $0xFFFFFFFF;
	(pc) =	sbr.abs _section_cstart, $3  }
0xd0: {  	[dreg:$0x1] =	wrdreg $0xFFFFFFFF  }
0xd1: {  	_ =	task.clear_ibuf [dreg:s22], $0x2FFFF;
	_ =	strace $0x9FFFFFFF  }
0xd2: {  	(tm) =	ssettm $0x7FFFFFFF  }
0xd3: {  	_ =	shalt  }
tec
execute0_lowered:
.L_overlay_start_1:
0x0: {  	(tag) =	ssettag $0x1  }
0x1: {  	s1 =	srdreg.scid;
	s0 =	rddreg [dreg:$0x0]  }
0x2: {  	s8 =	rddreg [dreg:$0x1];
	s24 =	stileid.u32  }
0x3: {  	s29 =	simm.s32 $0x14100;
	s30 =	simm.s32 $0x7;
	s31 =	simm.s32 $0x14000  }
0x4: {  	s10 =	sand.u32 $0x1, s1;
	s11 =	sadd.s32 $0xEB2A00, s0;
	s7 =	smul.u32 $0x280, s24  }
0x5: {  	s12 =	sadd.s32 $0x566A00, s0;
	s22 =	sshll.u32 s24, $0x1;
	s1 =	ssub.s32 $0x2, s10  }
0x6: {  	s13 =	sor.u32 s10, s22;
	s21 =	smul.u32 $0x140000, s10;
	s2 =	sshrl.u32 s1, $0x1  }
0x7: {  	s14 =	sor.u32 $0x50, s7;
	s15 =	sadd.s32 $0xA0, s7;
	s23 =	sshrl.u32 s7, $0x3  }
0x8: {  	s16 =	sadd.s32 $0xF0, s7;
	s17 =	sadd.s32 $0x140, s7;
	s18 =	sadd.s32 $0x190, s7  }
0x9: {  	s19 =	sadd.s32 $0x1E0, s7;
	s20 =	sadd.s32 $0x230, s7;
	s9 =	ssub.s32 s1, s2  }
0xa: {  	s25 =	sshrl.u32 s14, $0x3;
	s3 =	sshrl.u32 s15, $0x3;
	s1 =	sadd.s32 s8, s23  }
0xb: {  	s4 =	sshrl.u32 s16, $0x3;
	s5 =	sshrl.u32 s17, $0x3;
	s6 =	sshrl.u32 s18, $0x3  }
0xc: {  	s26 =	sshrl.u32 s19, $0x3;
	s22 =	sshrl.u32 s20, $0x3;
	s23 =	smul.u32 $0x14000, s24  }
0xd: {  	s14 =	sshll.u32 s14, $0x7;
	s15 =	sshll.u32 s15, $0x7;
	s16 =	sshll.u32 s16, $0x7  }
0xe: {  	s17 =	sshll.u32 s17, $0x7;
	s19 =	sshll.u32 s19, $0x7;
	s2 =	sadd.s32 s8, s25  }
0xf: {  	s3 =	sadd.s32 s8, s3;
	s4 =	sadd.s32 s8, s4;
	s5 =	sadd.s32 s8, s5  }
0x10: {  	s6 =	sadd.s32 s8, s6;
	s7 =	sadd.s32 s8, s26;
	s8 =	sadd.s32 s8, s22  }
0x11: {  	s22 =	smul.u32 $0x2710, s13;
	s14 =	sadd.s32 s21, s14;
	s15 =	sadd.s32 s21, s15  }
0x12: {  	s25 =	sadd.s32 s21, s17;
	s26 =	sshll.u32 s18, $0x7;
	s13 =	smul.u32 $0x27100, s13  }
0x13: {  	s23 =	sadd.s32 s23, s21;
	s14 =	sshrl.u32 s14, $0x3;
	s18 =	sadd.s32 s21, s26  }
0x14: {  	s23 =	sshrl.u32 s23, $0x3;
	s14 =	sadd.s32 s12, s14;
	s13 =	sadd.s32 s11, s13  }
0x15: {  	s23 =	sadd.s32 s12, s23;
	[dreg:$0x5] =	wrdreg s14;
	s14 =	sshrl.u32 s15, $0x3  }
0x16: {  	s15 =	sshrl.u32 s25, $0x3;
	s25 =	sadd.s32 s21, s19;
	[dreg:$0xc] =	wrdreg s13  }
0x17: {  	[dreg:$0x4] =	wrdreg s23;
	s14 =	sadd.s32 s12, s14;
	s23 =	sadd.s32 s21, s16  }
0x18: {  	s17 =	sadd.s32 s12, s15;
	s16 =	smul.u32 $0x4E200, s24;
	[dreg:$0x6] =	wrdreg s14  }
0x19: {  	s14 =	sshrl.u32 s23, $0x3;
	[dreg:$0x8] =	wrdreg s17;
	s23 =	sshll.u32 s20, $0x7  }
0x1a: {  	s17 =	sadd.s32 $0x50, s22;
	s20 =	smul.u32 $0x4E20, s24;
	s24 =	sadd.s32 $0x2C00, s0  }
0x1b: {  	s0 =	sadd.s32 $0x4EEA00, s0;
	s14 =	sadd.s32 s12, s14;
	s26 =	sadd.s32 s21, s23  }
0x1c: {  	s19 =	sshll.u32 s17, $0x4;
	s23 =	sshrl.u32 s22, $0x3;
	s22 =	rddreg [dreg:$0x2]  }
0x1d: {  	[dreg:$0x7] =	wrdreg s14;
	s14 =	sshrl.u32 s18, $0x3;
	s18 =	smul.u32 $0x27100, s10  }
0x1e: {  	s15 =	sshrl.u32 s26, $0x3;
	s10 =	smul.u32 $0x2710, s10;
	s14 =	sadd.s32 s12, s14  }
0x1f: {  	s26 =	smax.u32 s9, $0x1;
	[dreg:$0x9] =	wrdreg s14;
	s14 =	sshrl.u32 s25, $0x3  }
0x20: {  	s10 =	sadd.s32 s10, s20;
	s25 =	sshrl.u32 s17, $0x3;
	s14 =	sadd.s32 s12, s14  }
0x21: {  	s20 =	simm.s32 $0x50;
	s12 =	sadd.s32 s12, s15;
	[dreg:$0xa] =	wrdreg s14  }
0x22: {  	[dreg:$0xb] =	wrdreg s12;
	s12 =	sadd.s32 s16, s11;
	s11 =	sadd.s32 s11, s19  }
0x23: {  	s10 =	sadd.s32 $0xA0, s10;
	s19 =	simm.s32 $0x0;
	[dreg:$0xd] =	wrdreg s11  }
0x24: {  	s21 =	sadd.s32 s18, s12;
	[smem:$0x7FF] =	sst s19;
	s12 =	sadd.s32 s24, s23  }
0x25: {  	s15 =	simm.s32 $0x2;
	[dreg:$0xe] =	wrdreg s12;
	s12 =	sadd.s32 s24, s25  }
0x26: {  	s10 =	sshrl.u32 s10, $0x3;
	s14 =	simm.s32 $0x1;
	[dreg:$0xf] =	wrdreg s12  }
0x27: {  	s16 =	simm.s32 $0x0;
	_ =	strace $0x8000004D;
	[dreg:$0x10] =	wrdreg s0  }
0x28: {  	s24 =	sadd.s32 s10, s24;
	s28 =	sadd.s32 $0xA00, s21;
	[dreg:$0x11] =	wrdreg s26  }
.LBB2_1:
0x29: {  	s0 =	rddreg [dreg:$0x10]  }
0x2a: {  	[tilespmem:s29], [sflag:$0x7] =	stream.linear.gather [hbm4b:s0+s19], $0x2800, $0x38;
	[tilespmem:$0x19100] =	vst v63  }
0x2b: {  	_ =	swait.ge [sflag:s30], $0x2800  }
0x2c: {  	[sflag:s30] =	ssyncset.done $0x0  }
0x2d: {  	[sflag:s30] =	ssyncadd.s32 $0xFFFFD800  }
0x2e: {  	[tilespmem:s31], [sflag:$0x7] =	stream.linear.gather [hbm4b:s1+s19], $0x50, $0x38;
	[tilespmem:$0x19100] =	vst v63  }
0x2f: {  	_ =	swait.ge [sflag:s30], $0x50  }
0x30: {  	[sflag:s30] =	ssyncset.done $0x0  }
0x31: {  	[sflag:s30] =	ssyncadd.s32 $0xFFFFFFB0  }
0x32: {  	[spmem:s22] =	stream.indirect.scatter [tilespmem:s29], [sflag:$0x7], $0x80, s31, s20, $0xb8;
	[tilespmem:$0x19100] =	vst v63  }
0x33: {  	_ =	swait.ge [sflag:s30], $0x2800  }
0x34: {  	[sflag:s30] =	ssyncset.done $0x0  }
0x35: {  	[sflag:s30] =	ssyncadd.s32 $0xFFFFD800  }
0x36: {  	[tilespmem:s31], [sflag:$0x7] =	stream.linear.gather [hbm4b:s2+s19], $0x50, $0x38;
	[tilespmem:$0x19100] =	vst v63  }
0x37: {  	_ =	swait.ge [sflag:s30], $0x50  }
0x38: {  	[sflag:s30] =	ssyncset.done $0x0  }
0x39: {  	[sflag:s30] =	ssyncadd.s32 $0xFFFFFFB0  }
0x3a: {  	[spmem:s22] =	stream.indirect.scatter [tilespmem:s29], [sflag:$0x7], $0x80, s31, s20, $0xb8;
	[tilespmem:$0x19100] =	vst v63  }
0x3b: {  	_ =	swait.ge [sflag:s30], $0x2800  }
0x3c: {  	[sflag:s30] =	ssyncset.done $0x0  }
0x3d: {  	[sflag:s30] =	ssyncadd.s32 $0xFFFFD800  }
0x3e: {  	[tilespmem:s31], [sflag:$0x7] =	stream.linear.gather [hbm4b:s3+s19], $0x50, $0x38;
	[tilespmem:$0x19100] =	vst v63  }
0x3f: {  	_ =	swait.ge [sflag:s30], $0x50  }
0x40: {  	[sflag:s30] =	ssyncset.done $0x0  }
0x41: {  	[sflag:s30] =	ssyncadd.s32 $0xFFFFFFB0  }
0x42: {  	[spmem:s22] =	stream.indirect.scatter [tilespmem:s29], [sflag:$0x7], $0x80, s31, s20, $0xb8;
	[tilespmem:$0x19100] =	vst v63  }
0x43: {  	_ =	swait.ge [sflag:s30], $0x2800  }
0x44: {  	[sflag:s30] =	ssyncset.done $0x0  }
0x45: {  	[sflag:s30] =	ssyncadd.s32 $0xFFFFD800  }
0x46: {  	[tilespmem:s31], [sflag:$0x7] =	stream.linear.gather [hbm4b:s4+s19], $0x50, $0x38;
	[tilespmem:$0x19100] =	vst v63  }
0x47: {  	_ =	swait.ge [sflag:s30], $0x50  }
0x48: {  	[sflag:s30] =	ssyncset.done $0x0  }
0x49: {  	[sflag:s30] =	ssyncadd.s32 $0xFFFFFFB0  }
0x4a: {  	[spmem:s22] =	stream.indirect.scatter [tilespmem:s29], [sflag:$0x7], $0x80, s31, s20, $0xb8;
	[tilespmem:$0x19100] =	vst v63  }
0x4b: {  	_ =	swait.ge [sflag:s30], $0x2800  }
0x4c: {  	[sflag:s30] =	ssyncset.done $0x0  }
0x4d: {  	[sflag:s30] =	ssyncadd.s32 $0xFFFFD800  }
0x4e: {  	[tilespmem:s31], [sflag:$0x7] =	stream.linear.gather [hbm4b:s5+s19], $0x50, $0x38;
	[tilespmem:$0x19100] =	vst v63  }
0x4f: {  	_ =	swait.ge [sflag:s30], $0x50  }
0x50: {  	[sflag:s30] =	ssyncset.done $0x0  }
0x51: {  	[sflag:s30] =	ssyncadd.s32 $0xFFFFFFB0  }
0x52: {  	[spmem:s22] =	stream.indirect.scatter [tilespmem:s29], [sflag:$0x7], $0x80, s31, s20, $0xb8;
	[tilespmem:$0x19100] =	vst v63  }
0x53: {  	_ =	swait.ge [sflag:s30], $0x2800  }
0x54: {  	[sflag:s30] =	ssyncset.done $0x0  }
0x55: {  	[sflag:s30] =	ssyncadd.s32 $0xFFFFD800  }
0x56: {  	[tilespmem:s31], [sflag:$0x7] =	stream.linear.gather [hbm4b:s6+s19], $0x50, $0x38;
	[tilespmem:$0x19100] =	vst v63  }
0x57: {  	_ =	swait.ge [sflag:s30], $0x50  }
0x58: {  	[sflag:s30] =	ssyncset.done $0x0  }
0x59: {  	[sflag:s30] =	ssyncadd.s32 $0xFFFFFFB0  }
0x5a: {  	[spmem:s22] =	stream.indirect.scatter [tilespmem:s29], [sflag:$0x7], $0x80, s31, s20, $0xb8;
	[tilespmem:$0x19100] =	vst v63  }
0x5b: {  	_ =	swait.ge [sflag:s30], $0x2800  }
0x5c: {  	[sflag:s30] =	ssyncset.done $0x0  }
0x5d: {  	[sflag:s30] =	ssyncadd.s32 $0xFFFFD800  }
0x5e: {  	[tilespmem:s31], [sflag:$0x7] =	stream.linear.gather [hbm4b:s7+s19], $0x50, $0x38;
	[tilespmem:$0x19100] =	vst v63  }
0x5f: {  	_ =	swait.ge [sflag:s30], $0x50  }
0x60: {  	[sflag:s30] =	ssyncset.done $0x0  }
0x61: {  	[sflag:s30] =	ssyncadd.s32 $0xFFFFFFB0  }
0x62: {  	[spmem:s22] =	stream.indirect.scatter [tilespmem:s29], [sflag:$0x7], $0x80, s31, s20, $0xb8;
	[tilespmem:$0x19100] =	vst v63  }
0x63: {  	_ =	swait.ge [sflag:s30], $0x2800  }
0x64: {  	[sflag:s30] =	ssyncset.done $0x0  }
0x65: {  	[sflag:s30] =	ssyncadd.s32 $0xFFFFD800  }
0x66: {  	[tilespmem:s31], [sflag:$0x7] =	stream.linear.gather [hbm4b:s8+s19], $0x50, $0x38;
	[tilespmem:$0x19100] =	vst v63  }
0x67: {  	_ =	swait.ge [sflag:s30], $0x50  }
0x68: {  	[sflag:s30] =	ssyncset.done $0x0  }
0x69: {  	[sflag:s30] =	ssyncadd.s32 $0xFFFFFFB0  }
0x6a: {  	[spmem:s22] =	stream.indirect.scatter [tilespmem:s29], [sflag:$0x7], $0x80, s31, s20, $0xb8;
	[tilespmem:$0x19100] =	vst v63  }
0x6b: {  	_ =	swait.ge [sflag:s30], $0x2800  }
0x6c: {  	[sflag:s30] =	ssyncset.done $0x0  }
0x6d: {  	[sflag:s30] =	ssyncadd.s32 $0xFFFFD800  }
0x6e: {  	[bflag:$0x0] =	sbarrier.arrive $0xFFFF  }
0x6f: {  	s17 =	rddreg [dreg:$0xe]  }
0x70: {  	[tilespmem:s31], [sflag:$0x3] =	stream.linear.gather [hbm4b:s17+s19], $0x50, $0x38;
	[tilespmem:$0x19100] =	vst v63  }
0x71: {  	s21 =	simm.s32 $0x3;
	s18 =	rddreg [dreg:$0xc]  }
0x72: {  	[tilespmem:s29], [sflag:$0x5] =	stream.linear.gather [hbm4b:s18+s19], $0x2800, $0x38;
	[tilespmem:$0x19100] =	vst v63  }
0x73: {  	_ =	swait.ge [sflag:s21], $0x50  }
0x74: {  	[sflag:s21] =	ssyncset.done $0x0  }
0x75: {  	s23 =	simm.s32 $0x5;
	[sflag:s21] =	ssyncadd.s32 $0xFFFFFFB0  }
0x76: {  	_ =	swait.ge [sflag:s23], $0x2800  }
0x77: {  	[sflag:s23] =	ssyncset.done $0x0  }
0x78: {  	[sflag:s23] =	ssyncadd.s32 $0xFFFFD800  }
0x79: {  	[spmem:s22] =	stream.indirect.scatter.add.f32 [tilespmem:s29], [sflag:$0x1], $0x80, s31, s20, $0xb8;
	[tilespmem:$0x19100] =	vst v63  }
0x7a: {  	s9 =	simm.s32 $0x14080;
	s25 =	rddreg [dreg:$0xf]  }
0x7b: {  	[tilespmem:s9], [sflag:$0x4] =	stream.linear.gather [hbm4b:s25+s19], $0x50, $0x38;
	[tilespmem:$0x19100] =	vst v63  }
0x7c: {  	s10 =	simm.s32 $0x16900;
	s11 =	simm.s32 $0x4;
	s26 =	rddreg [dreg:$0xd]  }
0x7d: {  	[tilespmem:s10], [sflag:$0x6] =	stream.linear.gather [hbm4b:s26+s19], $0x2800, $0x38;
	[tilespmem:$0x19100] =	vst v63  }
0x7e: {  	_ =	swait.ge [sflag:s11], $0x50  }
0x7f: {  	[sflag:s11] =	ssyncset.done $0x0  }
0x80: {  	s12 =	simm.s32 $0x6;
	[sflag:s11] =	ssyncadd.s32 $0xFFFFFFB0  }
0x81: {  	_ =	swait.ge [sflag:s12], $0x2800  }
0x82: {  	s13 =	sand.u32 $0x1, s15;
	[sflag:s12] =	ssyncset.done $0x0  }
0x83: {  	s21 =	sadd.s32 $0x1, s13;
	[sflag:s12] =	ssyncadd.s32 $0xFFFFD800  }
0x84: {  	[spmem:s22] =	stream.indirect.scatter.add.f32 [tilespmem:s10], [sflag:$0x2], $0x80, s9, s20, $0xb8;
	[tilespmem:$0x19100] =	vst v63  }
0x85: {  	s11 =	smul.u32 $0xA000, s13;
	_ =	swait.ge [sflag:s21], $0x2800  }
0x86: {  	s17 =	sshll.u32 s13, $0x7;
	s18 =	sadd.s32 $0x3, s13;
	[sflag:s21] =	ssyncset.done $0x0  }
0x87: {  	s23 =	sor.u32 $0x14000, s17;
	s11 =	sshrl.u32 s11, $0x2;
	[sflag:s21] =	ssyncadd.s32 $0xFFFFD800  }
0x88: {  	[tilespmem:s23], [sflag:s18] =	stream.linear.gather [hbm4b:s24+s19], $0x50, $0x38;
	[tilespmem:$0x19100] =	vst v63  }
0x89: {  	s26 =	sor.u32 $0x14100, s11;
	s10 =	sadd.s32 $0x5, s13  }
0x8a: {  	[tilespmem:s26], [sflag:s10] =	stream.linear.gather [hbm4b:s28+s19], $0x2800, $0x38;
	[tilespmem:$0x19100] =	vst v63  }
0x8b: {  	_ =	swait.ge [sflag:s18], $0x50  }
0x8c: {  	[sflag:s18] =	ssyncset.done $0x0  }
0x8d: {  	s25 =	simm.s32 $0x3;
	[sflag:s18] =	ssyncadd.s32 $0xFFFFFFB0  }
0x8e: {  	s17 =	sadd.s32 $0x500, s28;
	s25 =	sand.u32 $0x1, s25;
	_ =	swait.ge [sflag:s10], $0x2800  }
0x8f: {  	s11 =	simm.s32 $0x4;
	s18 =	sadd.s32 $0xA, s24;
	[sflag:s10] =	ssyncset.done $0x0  }
.LBB2_2:
0x90: {  	s0 =	sadd.s32 $0x1, s25  }
0x91: {  	s9 =	smul.u32 $0xA000, s25;
	[sflag:s10] =	ssyncadd.s32 $0xFFFFD800;
	s12 =	smov.u32 s11  }
0x92: {  	[spmem:s22] =	stream.indirect.scatter.add.f32 [tilespmem:s26], [sflag:s21], $0x80, s23, s20, $0xb8;
	[tilespmem:$0x19100] =	vst v63  }
0x93: {  	s13 =	sadd.s32 $0x1, s11;
	_ =	swait.ge [sflag:s0], $0x2800;
	s9 =	sshrl.u32 s9, $0x2  }
0x94: {  	p0 =	sne.s32 s11, $0x7C;
	s10 =	sshll.u32 s25, $0x7;
	[sflag:s0] =	ssyncset.done $0x0  }
0x95: {  	s11 =	sadd.s32 $0x3, s25;
	s23 =	sor.u32 $0x14000, s10;
	[sflag:s0] =	ssyncadd.s32 $0xFFFFD800  }
0x96: {  	[tilespmem:s23], [sflag:s11] =	stream.linear.gather [hbm4b:s18+s19], $0x50, $0x38;
	[tilespmem:$0x19100] =	vst v63  }
0x97: {  	s10 =	sadd.s32 $0x5, s25;
	s21 =	smov.u32 s0;
	s26 =	sor.u32 $0x14100, s9  }
0x98: {  	[tilespmem:s26], [sflag:s10] =	stream.linear.gather [hbm4b:s17+s19], $0x2800, $0x38;
	[tilespmem:$0x19100] =	vst v63  }
.Ltmp0:
0x99: {  	_ =	swait.ge [sflag:s11], $0x50;
	(pc) =	sbr.rel @p0 .LBB2_2-.Ltmp0, $4  }
0x9a: {  	[sflag:s11] =	ssyncset.done $0x0  }
0x9b: {  	[sflag:s11] =	ssyncadd.s32 $0xFFFFFFB0  }
0x9c: {  	s25 =	sand.u32 $0x1, s12;
	s18 =	sadd.s32 $0xA, s18;
	_ =	swait.ge [sflag:s10], $0x2800  }
0x9d: {  	s17 =	sadd.s32 $0x500, s17;
	s11 =	smov.u32 s13;
	[sflag:s10] =	ssyncset.done $0x0  }
0x9e: {  	[sflag:s10] =	ssyncadd.s32 $0xFFFFD800;
	s0 =	sadd.s32 $0x1, s25  }
0x9f: {  	[spmem:s22] =	stream.indirect.scatter.add.f32 [tilespmem:s26], [sflag:s21], $0x80, s23, s20, $0xb8;
	[tilespmem:$0x19100] =	vst v63  }
0xa0: {  	s9 =	smul.u32 $0xA000, s25;
	_ =	swait.ge [sflag:s0], $0x2800  }
0xa1: {  	s11 =	sadd.s32 $0x3, s25;
	s26 =	sshll.u32 s25, $0x7;
	[sflag:s0] =	ssyncset.done $0x0  }
0xa2: {  	s10 =	sor.u32 $0x14000, s26;
	s9 =	sshrl.u32 s9, $0x2;
	[sflag:s0] =	ssyncadd.s32 $0xFFFFD800  }
0xa3: {  	[tilespmem:s10], [sflag:s11] =	stream.linear.gather [hbm4b:s18+s19], $0x50, $0x38;
	[tilespmem:$0x19100] =	vst v63  }
0xa4: {  	s12 =	sadd.s32 $0x5, s25;
	s9 =	sor.u32 $0x14100, s9  }
0xa5: {  	[tilespmem:s9], [sflag:s12] =	stream.linear.gather [hbm4b:s17+s19], $0x2800, $0x38;
	[tilespmem:$0x19100] =	vst v63  }
0xa6: {  	_ =	swait.ge [sflag:s11], $0x50  }
0xa7: {  	[sflag:s11] =	ssyncset.done $0x0  }
0xa8: {  	[sflag:s11] =	ssyncadd.s32 $0xFFFFFFB0  }
0xa9: {  	_ =	swait.ge [sflag:s12], $0x2800  }
0xaa: {  	[sflag:s12] =	ssyncset.done $0x0  }
0xab: {  	[sflag:s12] =	ssyncadd.s32 $0xFFFFD800  }
0xac: {  	[spmem:s22] =	stream.indirect.scatter.add.f32 [tilespmem:s9], [sflag:s0], $0x80, s10, s20, $0xb8;
	[tilespmem:$0x19100] =	vst v63  }
0xad: {  	_ =	swait.ge [sflag:s14], $0x2800  }
0xae: {  	[sflag:s14] =	ssyncset.done $0x0  }
0xaf: {  	[sflag:s14] =	ssyncadd.s32 $0xFFFFD800  }
0xb0: {  	_ =	swait.ge [sflag:s15], $0x2800  }
0xb1: {  	[sflag:s15] =	ssyncset.done $0x0  }
0xb2: {  	[sflag:s15] =	ssyncadd.s32 $0xFFFFD800  }
0xb3: {  	[bflag:$0x0] =	sbarrier.arrive $0xFFFF  }
0xb4: {  	[tilespmem:s31], [sflag:$0x7] =	stream.linear.gather [hbm4b:s1+s19], $0x50, $0x38;
	[tilespmem:$0x19100] =	vst v63  }
0xb5: {  	_ =	swait.ge [sflag:s30], $0x50  }
0xb6: {  	[sflag:s30] =	ssyncset.done $0x0  }
0xb7: {  	[sflag:s30] =	ssyncadd.s32 $0xFFFFFFB0  }
0xb8: {  	[tilespmem:s29], [sflag:$0x7] =	stream.indirect.gather [spmem:s22], $0x80, s31, s20, $0xb8;
	[tilespmem:$0x19100] =	vst v63  }
0xb9: {  	_ =	swait.ge [sflag:s30], $0x2800  }
0xba: {  	[sflag:s30] =	ssyncset.done $0x0  }
0xbb: {  	s11 =	rddreg [dreg:$0x4];
	[sflag:s30] =	ssyncadd.s32 $0xFFFFD800  }
0xbc: {  	[hbm4b:s11+s19] =	stream.linear.scatter [tilespmem:s29], [sflag:$0x7], $0x2800, $0x38;
	[tilespmem:$0x19100] =	vst v63  }
0xbd: {  	_ =	swait.ge [sflag:s30], $0x2800  }
0xbe: {  	[sflag:s30] =	ssyncset.done $0x0  }
0xbf: {  	[sflag:s30] =	ssyncadd.s32 $0xFFFFD800  }
0xc0: {  	[tilespmem:s31], [sflag:$0x7] =	stream.linear.gather [hbm4b:s2+s19], $0x50, $0x38;
	[tilespmem:$0x19100] =	vst v63  }
0xc1: {  	_ =	swait.ge [sflag:s30], $0x50  }
0xc2: {  	[sflag:s30] =	ssyncset.done $0x0  }
0xc3: {  	[sflag:s30] =	ssyncadd.s32 $0xFFFFFFB0  }
0xc4: {  	[tilespmem:s29], [sflag:$0x7] =	stream.indirect.gather [spmem:s22], $0x80, s31, s20, $0xb8;
	[tilespmem:$0x19100] =	vst v63  }
0xc5: {  	_ =	swait.ge [sflag:s30], $0x2800  }
0xc6: {  	[sflag:s30] =	ssyncset.done $0x0  }
0xc7: {  	s12 =	rddreg [dreg:$0x5];
	[sflag:s30] =	ssyncadd.s32 $0xFFFFD800  }
0xc8: {  	[hbm4b:s12+s19] =	stream.linear.scatter [tilespmem:s29], [sflag:$0x7], $0x2800, $0x38;
	[tilespmem:$0x19100] =	vst v63  }
0xc9: {  	_ =	swait.ge [sflag:s30], $0x2800  }
0xca: {  	[sflag:s30] =	ssyncset.done $0x0  }
0xcb: {  	[sflag:s30] =	ssyncadd.s32 $0xFFFFD800  }
0xcc: {  	[tilespmem:s31], [sflag:$0x7] =	stream.linear.gather [hbm4b:s3+s19], $0x50, $0x38;
	[tilespmem:$0x19100] =	vst v63  }
0xcd: {  	_ =	swait.ge [sflag:s30], $0x50  }
0xce: {  	[sflag:s30] =	ssyncset.done $0x0  }
0xcf: {  	[sflag:s30] =	ssyncadd.s32 $0xFFFFFFB0  }
0xd0: {  	[tilespmem:s29], [sflag:$0x7] =	stream.indirect.gather [spmem:s22], $0x80, s31, s20, $0xb8;
	[tilespmem:$0x19100] =	vst v63  }
0xd1: {  	_ =	swait.ge [sflag:s30], $0x2800  }
0xd2: {  	[sflag:s30] =	ssyncset.done $0x0  }
0xd3: {  	s13 =	rddreg [dreg:$0x6];
	[sflag:s30] =	ssyncadd.s32 $0xFFFFD800  }
0xd4: {  	[hbm4b:s13+s19] =	stream.linear.scatter [tilespmem:s29], [sflag:$0x7], $0x2800, $0x38;
	[tilespmem:$0x19100] =	vst v63  }
0xd5: {  	_ =	swait.ge [sflag:s30], $0x2800  }
0xd6: {  	[sflag:s30] =	ssyncset.done $0x0  }
0xd7: {  	[sflag:s30] =	ssyncadd.s32 $0xFFFFD800  }
0xd8: {  	[tilespmem:s31], [sflag:$0x7] =	stream.linear.gather [hbm4b:s4+s19], $0x50, $0x38;
	[tilespmem:$0x19100] =	vst v63  }
0xd9: {  	_ =	swait.ge [sflag:s30], $0x50  }
0xda: {  	[sflag:s30] =	ssyncset.done $0x0  }
0xdb: {  	[sflag:s30] =	ssyncadd.s32 $0xFFFFFFB0  }
0xdc: {  	[tilespmem:s29], [sflag:$0x7] =	stream.indirect.gather [spmem:s22], $0x80, s31, s20, $0xb8;
	[tilespmem:$0x19100] =	vst v63  }
0xdd: {  	_ =	swait.ge [sflag:s30], $0x2800  }
0xde: {  	[sflag:s30] =	ssyncset.done $0x0  }
0xdf: {  	s17 =	rddreg [dreg:$0x7];
	[sflag:s30] =	ssyncadd.s32 $0xFFFFD800  }
0xe0: {  	[hbm4b:s17+s19] =	stream.linear.scatter [tilespmem:s29], [sflag:$0x7], $0x2800, $0x38;
	[tilespmem:$0x19100] =	vst v63  }
0xe1: {  	_ =	swait.ge [sflag:s30], $0x2800  }
0xe2: {  	[sflag:s30] =	ssyncset.done $0x0  }
0xe3: {  	[sflag:s30] =	ssyncadd.s32 $0xFFFFD800  }
0xe4: {  	[tilespmem:s31], [sflag:$0x7] =	stream.linear.gather [hbm4b:s5+s19], $0x50, $0x38;
	[tilespmem:$0x19100] =	vst v63  }
0xe5: {  	_ =	swait.ge [sflag:s30], $0x50  }
0xe6: {  	[sflag:s30] =	ssyncset.done $0x0  }
0xe7: {  	[sflag:s30] =	ssyncadd.s32 $0xFFFFFFB0  }
0xe8: {  	[tilespmem:s29], [sflag:$0x7] =	stream.indirect.gather [spmem:s22], $0x80, s31, s20, $0xb8;
	[tilespmem:$0x19100] =	vst v63  }
0xe9: {  	_ =	swait.ge [sflag:s30], $0x2800  }
0xea: {  	[sflag:s30] =	ssyncset.done $0x0  }
0xeb: {  	s18 =	rddreg [dreg:$0x8];
	[sflag:s30] =	ssyncadd.s32 $0xFFFFD800  }
0xec: {  	[hbm4b:s18+s19] =	stream.linear.scatter [tilespmem:s29], [sflag:$0x7], $0x2800, $0x38;
	[tilespmem:$0x19100] =	vst v63  }
0xed: {  	_ =	swait.ge [sflag:s30], $0x2800  }
0xee: {  	[sflag:s30] =	ssyncset.done $0x0  }
0xef: {  	[sflag:s30] =	ssyncadd.s32 $0xFFFFD800  }
0xf0: {  	[tilespmem:s31], [sflag:$0x7] =	stream.linear.gather [hbm4b:s6+s19], $0x50, $0x38;
	[tilespmem:$0x19100] =	vst v63  }
0xf1: {  	_ =	swait.ge [sflag:s30], $0x50  }
0xf2: {  	[sflag:s30] =	ssyncset.done $0x0  }
0xf3: {  	[sflag:s30] =	ssyncadd.s32 $0xFFFFFFB0  }
0xf4: {  	[tilespmem:s29], [sflag:$0x7] =	stream.indirect.gather [spmem:s22], $0x80, s31, s20, $0xb8;
	[tilespmem:$0x19100] =	vst v63  }
0xf5: {  	_ =	swait.ge [sflag:s30], $0x2800  }
0xf6: {  	[sflag:s30] =	ssyncset.done $0x0  }
0xf7: {  	s21 =	rddreg [dreg:$0x9];
	[sflag:s30] =	ssyncadd.s32 $0xFFFFD800  }
0xf8: {  	[hbm4b:s21+s19] =	stream.linear.scatter [tilespmem:s29], [sflag:$0x7], $0x2800, $0x38;
	[tilespmem:$0x19100] =	vst v63  }
0xf9: {  	_ =	swait.ge [sflag:s30], $0x2800  }
0xfa: {  	[sflag:s30] =	ssyncset.done $0x0  }
0xfb: {  	[sflag:s30] =	ssyncadd.s32 $0xFFFFD800  }
0xfc: {  	[tilespmem:s31], [sflag:$0x7] =	stream.linear.gather [hbm4b:s7+s19], $0x50, $0x38;
	[tilespmem:$0x19100] =	vst v63  }
0xfd: {  	_ =	swait.ge [sflag:s30], $0x50  }
0xfe: {  	[sflag:s30] =	ssyncset.done $0x0  }
0xff: {  	[sflag:s30] =	ssyncadd.s32 $0xFFFFFFB0  }
0x100: {  	[tilespmem:s29], [sflag:$0x7] =	stream.indirect.gather [spmem:s22], $0x80, s31, s20, $0xb8;
	[tilespmem:$0x19100] =	vst v63  }
0x101: {  	_ =	swait.ge [sflag:s30], $0x2800  }
0x102: {  	[sflag:s30] =	ssyncset.done $0x0  }
0x103: {  	s23 =	rddreg [dreg:$0xa];
	[sflag:s30] =	ssyncadd.s32 $0xFFFFD800  }
0x104: {  	[hbm4b:s23+s19] =	stream.linear.scatter [tilespmem:s29], [sflag:$0x7], $0x2800, $0x38;
	[tilespmem:$0x19100] =	vst v63  }
0x105: {  	_ =	swait.ge [sflag:s30], $0x2800  }
0x106: {  	[sflag:s30] =	ssyncset.done $0x0  }
0x107: {  	[sflag:s30] =	ssyncadd.s32 $0xFFFFD800  }
0x108: {  	[tilespmem:s31], [sflag:$0x7] =	stream.linear.gather [hbm4b:s8+s19], $0x50, $0x38;
	[tilespmem:$0x19100] =	vst v63  }
0x109: {  	_ =	swait.ge [sflag:s30], $0x50  }
0x10a: {  	[sflag:s30] =	ssyncset.done $0x0  }
0x10b: {  	[sflag:s30] =	ssyncadd.s32 $0xFFFFFFB0  }
0x10c: {  	[tilespmem:s29], [sflag:$0x7] =	stream.indirect.gather [spmem:s22], $0x80, s31, s20, $0xb8;
	[tilespmem:$0x19100] =	vst v63  }
0x10d: {  	_ =	swait.ge [sflag:s30], $0x2800  }
0x10e: {  	[sflag:s30] =	ssyncset.done $0x0  }
0x10f: {  	s25 =	rddreg [dreg:$0xb];
	[sflag:s30] =	ssyncadd.s32 $0xFFFFD800  }
0x110: {  	[hbm4b:s25+s19] =	stream.linear.scatter [tilespmem:s29], [sflag:$0x7], $0x2800, $0x38;
	[tilespmem:$0x19100] =	vst v63  }
0x111: {  	_ =	swait.ge [sflag:s30], $0x2800  }
0x112: {  	s16 =	sadd.s32 $0x1, s16;
	s26 =	rddreg [dreg:$0x11]  }
0x113: {  	p0 =	sne.s32 s16, s26  }
.Ltmp1:
0x114: {  	_ = 	snop;
	(pc) =	sbr.rel @p0 .LBB2_1-.Ltmp1, $3  }
0x115: {  	_ =	sdelay $0x1  }
0x116: {  	[sflag:s30] =	ssyncset.done $0x0  }
0x117: {  	[sflag:s30] =	ssyncadd.s32 $0xFFFFD800  }
0x118: {  	_ =	sfence.sel $0x180000  }
0x119: {  	[bflag:$0x0] =	sbarrier.arrive $0xFFFF  }
0x11a: {  	_ =	strace $0x9000004D  }
0x11b: {  	s0 =	stileid.u32;
	[bflag:$0x2] =	sbarrier.arrive $0xFFFF  }
0x11c: {  	p0 =	sne.s32 s0, $0x0;
	s0 =	rddreg [dreg:$0x3]  }
0x11d: {  	s0 =	sadd.s32 @!p0 $0x100000, s0  }
0x11e: {  	[sflag:s0] =	ssyncadd.tile.s32 @!p0 $0x1;
	_ =	shalt  }
.Lfunc_end2:
_tile_overlayer_lowered:
.L_overlay_start_2:
0x11f: {  	(tag) =	ssettag $0x2  }
0x120: {  	s0 =	rddreg [dreg:$0x0];
	s2 =	stileid.u32  }
0x121: {  	s1 =	rddreg [dreg:$0x1];
	p0 =	sne.s32 s2, $0x0  }
0x122: {  	s3 =	rddreg [dreg:$0x2];
	[bflag:$0x3] =	sbarrier.arrive $0xFFFF;
	s2 =	simm.s32 @!p0 $0x1C07  }
0x123: {  	[timem:s3], [sflag:s2] =	dma.local @!p0 [hbm:s0], s1  }
0x124: {  	s0 =	simm.s32 @!p0 $0x7  }
0x125: {  	_ =	swait.ge @!p0 [sflag:s0], s1  }
0x126: {  	s1 =	ssub.s32 @!p0 $0x0, s1;
	[sflag:s0] =	ssyncset.done @!p0 $0x0  }
0x127: {  	[sflag:s0] =	ssyncadd.s32 @!p0 s1  }
0x128: {  	[bflag:$0x3] =	sbarrier.arrive $0xFFFF  }
0x129: {  	_ =	shalt  }

// kernel: kernel.14.cloned.1.call-start
scs
__scs_entry_jumppad:
0x0: {  	(pc) =	sbr.rel $0x88, $3  }
0x1: {  	(tag) =	ssettag $0x0;
	lr =	simm.s32 $0x1  }
0x2: {  	[smem:$0x3F91] =	sst lr;
	_ =	strace $0xD0000000  }
0x3: {  	_ = 	snop  }
0x4: {  	_ = 	snop  }
0x5: {  	_ = 	snop  }
0x6: {  	_ = 	snop  }
0x7: {  	_ = 	snop  }
__scs_overlays_trampoline_lowered:
0x8: {  	[smem:$0x3FA0] =	sst s0  }
0x9: {  	[smem:$0x3FA1] =	sst s1  }
0xa: {  	[smem:$0x3FA2] =	sst s2  }
0xb: {  	[smem:$0x3FA3] =	sst s3  }
0xc: {  	[smem:$0x3FA4] =	sst s4  }
0xd: {  	[smem:$0x3FA5] =	sst s5  }
0xe: {  	[smem:$0x3FA6] =	sst s6  }
0xf: {  	[smem:$0x3FA7] =	sst s7  }
0x10: {  	[smem:$0x3FA8] =	sst s8  }
0x11: {  	[smem:$0x3FA9] =	sst s9;
	s0 =	simm.s32 @!p0 $0x0  }
0x12: {  	s1 =	sld [smem:$0x3F8F];
	s0 =	simm.s32 @p0 $0x1  }
0x13: {  	[smem:$0x3FAA] =	sst s0;
	s0 =	simm.s32 @!p1 $0x0  }
0x14: {  	s2 =	sld [smem:$0x3F8E];
	s0 =	simm.s32 @p1 $0x1  }
0x15: {  	[smem:$0x3FAB] =	sst s0;
	s0 =	simm.s32 @!p2 $0x0  }
0x16: {  	s3 =	sld [smem:$0x3FDB];
	s0 =	simm.s32 @p2 $0x1  }
0x17: {  	s4 =	simm.s32 $0x1BF5;
	[smem:$0x3FAD] =	sst s0  }
0x18: {  	s0 =	sld [smem:$0x3F90];
	_ =	swait.ge [sflag:s4], $0x0  }
0x19: {  	s7 =	sld [smem:$0x3F91]  }
0x1a: {  	s8 =	sadd.s32 $0xFFFFE003, lr  }
0x1b: {  	s9 =	sadd.s32 $0xFFFFFEF7, lr;
	s5 =	simm.s32 $0xFFFFFFFF;
	p2 =	slt.u32 s8, $0xFFFFF086  }
0x1c: {  	p1 =	slt.u32 s9, $0xF7A;
	s5 =	simm.s32 @!p2 $0x0  }
0x1d: {  	s5 =	simm.s32 @p1 $0x1;
	p0 =	seq.s32 s7, s2  }
0x1e: {  	s7 =	smul.u32 @!p0 $0xF7A, s2;
	p2 =	seq.s32 @!p0 s5, $0x0  }
0x1f: {  	s9 =	smul.u32 $0xF7A, s1;
	s8 =	simm.s32 @!p0 $0x1BF5;
	p2 =	por !p2, p0  }
0x20: {  	[sflag:s8] =	ssyncset.s32 @!p0 $0xFFFFF086;
	s6 =	sadd.s32 @!p0 s3, s7;
	s7 =	simm.s32 @!p0 $0x108  }
0x21: {  	s3 =	sadd.s32 s3, s9;
	s6 =	sadd.s32 @!p0 $0x88, s6;
	s7 =	simm.s32 @p2 $0x1082  }
0x22: {  	[simem:s7], [sflag:s8] =	dma.local @!p0 [hbm:s6], $0xF7A  }
0x23: {  	s9 =	sor.u32 $0xD0000000, s2;
	s6 =	simm.s32 $0x108;
	_ =	swait.ge @!p0 [sflag:s8], $0x0  }
0x24: {  	s3 =	sadd.s32 $0x88, s3;
	s6 =	simm.s32 @!p1 $0x1082;
	[sflag:s4] =	ssyncset.s32 $0xFFFFF086  }
0x25: {  	[simem:s6], [sflag:s4] =	dma.local [hbm:s3], $0xF7A  }
0x26: {  	[smem:$0x3F91] =	sst s1;
	(tag) =	ssettag s2;
	_ =	strace s9  }
0x27: {  	s1 =	sld [smem:$0x3FA1]  }
0x28: {  	s2 =	sld [smem:$0x3FA2]  }
0x29: {  	s4 =	sld [smem:$0x3FA4]  }
0x2a: {  	p0 =	seq.s32 s5, $0x0;
	s5 =	sld [smem:$0x3FA5]  }
0x2b: {  	s6 =	sld [smem:$0x3FA6]  }
0x2c: {  	s7 =	sld [smem:$0x3FA7]  }
0x2d: {  	s3 =	simm.s32 $0x108;
	s8 =	sld [smem:$0x3FA8]  }
0x2e: {  	s3 =	simm.s32 @!p0 $0x1082;
	s9 =	sld [smem:$0x3FA9]  }
0x2f: {  	lr =	sadd.s32 s0, s3;
	s0 =	sld [smem:$0x3FA0]  }
0x30: {  	s3 =	sld [smem:$0x3FA3]  }
0x31: {  	[smem:$0x3FAC] =	sst s10  }
0x32: {  	s10 =	sld [smem:$0x3FAA];
	_ =	sdelay $0x3  }
0x33: {  	p0 =	seq.s32 s10, $0x1;
	s10 =	sld [smem:$0x3FAC];
	_ =	sdelay $0x3  }
0x34: {  	[smem:$0x3FAC] =	sst s10  }
0x35: {  	s10 =	sld [smem:$0x3FAB];
	_ =	sdelay $0x3  }
0x36: {  	p1 =	seq.s32 s10, $0x1;
	s10 =	sld [smem:$0x3FAC];
	_ =	sdelay $0x3  }
0x37: {  	[smem:$0x3FAC] =	sst s10  }
0x38: {  	s10 =	sld [smem:$0x3FAD]  }
0x39: {  	_ = 	snop;
	(pc) =	sbr.ind lr, $3  }
0x3a: {  	_ = 	snop  }
0x3b: {  	_ = 	snop  }
0x3c: {  	p2 =	seq.s32 s10, $0x1;
	s10 =	sld [smem:$0x3FAC]  }
0x3d: {  	_ =	shalt  }
0x3e: {  	_ =	shalt  }
0x3f: {  	_ =	shalt  }
0x40: {  	_ =	shalt  }
0x41: {  	_ =	shalt  }
0x42: {  	_ =	shalt  }
0x43: {  	_ =	shalt  }
0x44: {  	_ =	shalt  }
0x45: {  	_ =	shalt  }
0x46: {  	_ =	shalt  }
0x47: {  	_ =	shalt  }
0x48: {  	_ =	shalt  }
0x49: {  	_ =	shalt  }
0x4a: {  	_ =	shalt  }
0x4b: {  	_ =	shalt  }
0x4c: {  	_ =	shalt  }
0x4d: {  	_ =	shalt  }
0x4e: {  	_ =	shalt  }
0x4f: {  	_ =	shalt  }
0x50: {  	_ =	shalt  }
0x51: {  	_ =	shalt  }
0x52: {  	_ =	shalt  }
0x53: {  	_ =	shalt  }
0x54: {  	_ =	shalt  }
0x55: {  	_ =	shalt  }
0x56: {  	_ =	shalt  }
0x57: {  	_ =	shalt  }
0x58: {  	_ =	shalt  }
0x59: {  	_ =	shalt  }
0x5a: {  	_ =	shalt  }
0x5b: {  	_ =	shalt  }
0x5c: {  	_ =	shalt  }
0x5d: {  	_ =	shalt  }
0x5e: {  	_ =	shalt  }
0x5f: {  	_ =	shalt  }
0x60: {  	_ =	shalt  }
0x61: {  	_ =	shalt  }
0x62: {  	_ =	shalt  }
0x63: {  	_ =	shalt  }
0x64: {  	_ =	shalt  }
0x65: {  	_ =	shalt  }
0x66: {  	_ =	shalt  }
0x67: {  	_ =	shalt  }
0x68: {  	_ =	shalt  }
0x69: {  	_ =	shalt  }
0x6a: {  	_ =	shalt  }
0x6b: {  	_ =	shalt  }
0x6c: {  	_ =	shalt  }
0x6d: {  	_ =	shalt  }
0x6e: {  	_ =	shalt  }
0x6f: {  	_ =	shalt  }
0x70: {  	_ =	shalt  }
0x71: {  	_ =	shalt  }
0x72: {  	_ =	shalt  }
0x73: {  	_ =	shalt  }
0x74: {  	_ =	shalt  }
0x75: {  	_ =	shalt  }
0x76: {  	_ =	shalt  }
0x77: {  	_ =	shalt  }
0x78: {  	_ =	shalt  }
0x79: {  	_ =	shalt  }
0x7a: {  	_ =	shalt  }
0x7b: {  	_ =	shalt  }
0x7c: {  	_ =	shalt  }
0x7d: {  	_ =	shalt  }
0x7e: {  	_ =	shalt  }
0x7f: {  	_ =	shalt  }
0x80: {  	_ =	shalt  }
0x81: {  	_ =	shalt  }
0x82: {  	_ =	shalt  }
0x83: {  	_ =	shalt  }
0x84: {  	_ =	shalt  }
0x85: {  	_ =	shalt  }
0x86: {  	_ =	shalt  }
0x87: {  	_ =	shalt  }
.Lfunc_end0:
.L_simem_size_0:
called_computation.2_lowered:
.L_overlay_start_0:
0x88: {  	s2 =	sld [smem:$0x3FD9]  }
0x89: {  	s3 =	sld [smem:$0x3FFE];
	_ =	sdelay $0x1  }
0x8a: {  	s1 =	srdreg.scid  }
0x8b: {  	s0 =	sand.u32 $0x1, s1  }
0x8c: {  	s17 =	sshll.u32 s0, $0xA;
	s2 =	sadd.s32 s3, s2  }
0x8d: {  	s2 =	sadd.s32 s2, s17  }
0x8e: {  	[smem:$0x3FB8] =	sst s2  }
0x8f: {  	_ = 	snop  }
0x90: {  	s2 =	sld [smem:$0x3FD0];
	(tm) =	ssettm $0x1  }
0x91: {  	s18 =	sld [smem:$0x3FFB];
	_ =	sdelay $0x3  }
0x92: {  	_ =	strace s18  }
0x93: {  	s3 =	sld [smem:$0x3FFC];
	_ =	sdelay $0x3  }
0x94: {  	_ =	strace s3  }
0x95: {  	s3 =	sld [smem:$0x3FFD];
	_ =	sdelay $0x3  }
0x96: {  	_ =	strace s3  }
0x97: {  	_ =	strace $0x8FFFFFFF  }
0x98: {  	s19 =	sld [smem:$0x3FDB];
	_ =	sdelay $0x1  }
0x99: {  	s4 =	simm.s32 $_scs_section_size  }
0x9a: {  	s5 =	simm.s32 $_size__tile_overlayer_lowered;
	s6 =	simm.s32 $_tile_overlayer_lowered  }
0x9b: {  	s22 =	simm.s32 $0x1BFF;
	s21 =	sshll.u32 s6, $0x1;
	s3 =	sadd.s32 s4, s19  }
0x9c: {  	s7 =	simm.s32 $0x0;
	s20 =	sshll.u32 s5, $0x1;
	s5 =	sadd.s32 s21, s3  }
0x9d: {  	[timem:s7], [sflag:s22] =	dma.local [hbm:s5], s20  }
0x9e: {  	_ =	swait.ge [sflag:s22], s20  }
0x9f: {  	s4 =	ssub.s32 $0x0, s20;
	[sflag:s22] =	ssyncset.done $0x0  }
0xa0: {  	[sflag:s22] =	ssyncadd.s32 s4;
	_ =	sdelay $0x1  }
0xa1: {  	s23 =	simm.s32 $0x1B8B  }
0xa2: {  	_ =	swait.ge [sflag:s23], $0x1  }
0xa3: {  	[sflag:s23] =	ssyncset.done $0x0  }
0xa4: {  	s25 =	simm.s32 $0x1B8E;
	s24 =	sld [smem:$0x3FFE];
	[sflag:s23] =	ssyncadd.s32 $0xFFFFFFFF  }
0xa5: {  	s26 =	simm.s32 $execute0_lowered;
	[smem:$0x3FD2] =	sst s25  }
0xa6: {  	s5 =	sshll.u32 s26, $0x1;
	_ =	strace $0x80000049;
	[dreg:$0x1] =	wrdreg $0xFFFFFFFF  }
0xa7: {  	s28 =	simm.s32 $_size_execute0_lowered;
	s3 =	sadd.s32 s3, s5;
	[dreg:$0x0] =	wrdreg $0x0  }
0xa8: {  	s5 =	sshll.u32 s28, $0x1;
	[dreg:$0x2] =	wrdreg s3  }
0xa9: {  	[dreg:$0x3] =	wrdreg s5  }
0xaa: {  	[dreg:$0x4] =	wrdreg $0xC0  }
0xab: {  	_ =	task [dreg:s7], $0x5FFFF  }
0xac: {  	[dreg:$0x1] =	wrdreg $0xFFFFFFFF  }
0xad: {  	[dreg:$0x0] =	wrdreg $0x60  }
0xae: {  	[dreg:$0x2] =	wrdreg s24  }
0xaf: {  	[dreg:$0x3] =	wrdreg s2  }
0xb0: {  	[dreg:$0x4] =	wrdreg $0x0  }
0xb1: {  	[dreg:$0x5] =	wrdreg $0xA  }
0xb2: {  	_ =	task.clear_ibuf [dreg:s7], $0x6FFFF;
	_ =	strace $0x90000049  }
0xb3: {  	s29 =	simm.s32 $0xA;
	_ =	strace $0x8000004B  }
0xb4: {  	_ =	swait.ge [sflag:s29], $0x1  }
0xb5: {  	[sflag:s29] =	ssyncadd.s32 $0xFFFFFFFF  }
0xb6: {  	_ =	strace $0x9000004B  }
0xb7: {  	_ =	sfence  }
0xb8: {  	s30 =	sld [smem:$0x0];
	_ =	sdelay $0x2  }
0xb9: {  	s31 =	sshll.u32 s1, $0xD;
	s1 =	sshrl.u32 s1, $0x2  }
0xba: {  	s3 =	sand.u32 $0x4000, s31;
	s1 =	sadd.s32 s1, s30  }
0xbb: {  	s0 =	sor.u32 s3, s0;
	s1 =	sshll.u32 s1, $0x11  }
0xbc: {  	s0 =	sor.u32 s1, s0  }
0xbd: {  	s0 =	sadd.s32 $0x8F2B, s0  }
0xbe: {  	[sflag:s0] =	ssyncadd.remote.s32 $0x1  }
0xbf: {  	_ =	sfence.sel $0xFFFF  }
0xc0: {  	[dreg:$0x0] =	wrdreg $0xFFFFFFFF;
	(pc) =	sbr.abs _section_cstart, $3  }
0xc1: {  	[dreg:$0x1] =	wrdreg $0xFFFFFFFF  }
0xc2: {  	_ =	task.clear_ibuf [dreg:s7], $0x2FFFF;
	_ =	strace $0x9FFFFFFF  }
0xc3: {  	(tm) =	ssettm $0x7FFFFFFF  }
tec
execute0_lowered:
.L_overlay_start_1:
0x0: {  	(tag) =	ssettag $0x1  }
0x1: {  	s1 =	srdreg.scid;
	s0 =	rddreg [dreg:$0x0]  }
0x2: {  	s8 =	rddreg [dreg:$0x1];
	s24 =	stileid.u32  }
0x3: {  	s29 =	simm.s32 $0x14100;
	s30 =	simm.s32 $0x7;
	s31 =	simm.s32 $0x14000  }
0x4: {  	s10 =	sand.u32 $0x1, s1;
	s11 =	sadd.s32 $0xCA00, s0;
	s7 =	smul.u32 $0x280, s24  }
0x5: {  	s12 =	sadd.s32 $0x516A00, s0;
	s22 =	sshll.u32 s24, $0x1;
	s1 =	ssub.s32 $0x2, s10  }
0x6: {  	s13 =	sor.u32 s10, s22;
	s21 =	smul.u32 $0x140000, s10;
	s2 =	sshrl.u32 s1, $0x1  }
0x7: {  	s14 =	sor.u32 $0x50, s7;
	s15 =	sadd.s32 $0xA0, s7;
	s23 =	sshrl.u32 s7, $0x3  }
0x8: {  	s16 =	sadd.s32 $0xF0, s7;
	s17 =	sadd.s32 $0x140, s7;
	s18 =	sadd.s32 $0x190, s7  }
0x9: {  	s19 =	sadd.s32 $0x1E0, s7;
	s20 =	sadd.s32 $0x230, s7;
	s9 =	ssub.s32 s1, s2  }
0xa: {  	s25 =	sshrl.u32 s14, $0x3;
	s3 =	sshrl.u32 s15, $0x3;
	s1 =	sadd.s32 s8, s23  }
0xb: {  	s4 =	sshrl.u32 s16, $0x3;
	s5 =	sshrl.u32 s17, $0x3;
	s6 =	sshrl.u32 s18, $0x3  }
0xc: {  	s26 =	sshrl.u32 s19, $0x3;
	s22 =	sshrl.u32 s20, $0x3;
	s23 =	smul.u32 $0x14000, s24  }
0xd: {  	s14 =	sshll.u32 s14, $0x7;
	s15 =	sshll.u32 s15, $0x7;
	s16 =	sshll.u32 s16, $0x7  }
0xe: {  	s17 =	sshll.u32 s17, $0x7;
	s19 =	sshll.u32 s19, $0x7;
	s2 =	sadd.s32 s8, s25  }
0xf: {  	s3 =	sadd.s32 s8, s3;
	s4 =	sadd.s32 s8, s4;
	s5 =	sadd.s32 s8, s5  }
0x10: {  	s6 =	sadd.s32 s8, s6;
	s7 =	sadd.s32 s8, s26;
	s8 =	sadd.s32 s8, s22  }
0x11: {  	s22 =	smul.u32 $0x2710, s13;
	s14 =	sadd.s32 s21, s14;
	s15 =	sadd.s32 s21, s15  }
0x12: {  	s25 =	sadd.s32 s21, s17;
	s26 =	sshll.u32 s18, $0x7;
	s13 =	smul.u32 $0x27100, s13  }
0x13: {  	s23 =	sadd.s32 s23, s21;
	s14 =	sshrl.u32 s14, $0x3;
	s18 =	sadd.s32 s21, s26  }
0x14: {  	s23 =	sshrl.u32 s23, $0x3;
	s14 =	sadd.s32 s12, s14;
	s13 =	sadd.s32 s11, s13  }
0x15: {  	s23 =	sadd.s32 s12, s23;
	[dreg:$0x5] =	wrdreg s14;
	s14 =	sshrl.u32 s15, $0x3  }
0x16: {  	s15 =	sshrl.u32 s25, $0x3;
	s25 =	sadd.s32 s21, s19;
	[dreg:$0xc] =	wrdreg s13  }
0x17: {  	[dreg:$0x4] =	wrdreg s23;
	s14 =	sadd.s32 s12, s14;
	s23 =	sadd.s32 s21, s16  }
0x18: {  	s17 =	sadd.s32 s12, s15;
	s16 =	smul.u32 $0x4E200, s24;
	[dreg:$0x6] =	wrdreg s14  }
0x19: {  	s14 =	sshrl.u32 s23, $0x3;
	[dreg:$0x8] =	wrdreg s17;
	s23 =	sshll.u32 s20, $0x7  }
0x1a: {  	s17 =	sadd.s32 $0x50, s22;
	s20 =	smul.u32 $0x4E20, s24;
	s24 =	sadd.s32 $0x2C00, s0  }
0x1b: {  	s0 =	sadd.s32 $0x4EEA00, s0;
	s14 =	sadd.s32 s12, s14;
	s26 =	sadd.s32 s21, s23  }
0x1c: {  	s19 =	sshll.u32 s17, $0x4;
	s23 =	sshrl.u32 s22, $0x3;
	s22 =	rddreg [dreg:$0x2]  }
0x1d: {  	[dreg:$0x7] =	wrdreg s14;
	s14 =	sshrl.u32 s18, $0x3;
	s18 =	smul.u32 $0x27100, s10  }
0x1e: {  	s15 =	sshrl.u32 s26, $0x3;
	s10 =	smul.u32 $0x2710, s10;
	s14 =	sadd.s32 s12, s14  }
0x1f: {  	s26 =	smax.u32 s9, $0x1;
	[dreg:$0x9] =	wrdreg s14;
	s14 =	sshrl.u32 s25, $0x3  }
0x20: {  	s10 =	sadd.s32 s10, s20;
	s25 =	sshrl.u32 s17, $0x3;
	s14 =	sadd.s32 s12, s14  }
0x21: {  	s20 =	simm.s32 $0x50;
	s12 =	sadd.s32 s12, s15;
	[dreg:$0xa] =	wrdreg s14  }
0x22: {  	[dreg:$0xb] =	wrdreg s12;
	s12 =	sadd.s32 s16, s11;
	s11 =	sadd.s32 s11, s19  }
0x23: {  	s10 =	sadd.s32 $0xA0, s10;
	s19 =	simm.s32 $0x0;
	[dreg:$0xd] =	wrdreg s11  }
0x24: {  	s21 =	sadd.s32 s18, s12;
	[smem:$0x7FF] =	sst s19;
	s12 =	sadd.s32 s24, s23  }
0x25: {  	s15 =	simm.s32 $0x2;
	[dreg:$0xe] =	wrdreg s12;
	s12 =	sadd.s32 s24, s25  }
0x26: {  	s10 =	sshrl.u32 s10, $0x3;
	s14 =	simm.s32 $0x1;
	[dreg:$0xf] =	wrdreg s12  }
0x27: {  	s16 =	simm.s32 $0x0;
	_ =	strace $0x8000004A;
	[dreg:$0x10] =	wrdreg s0  }
0x28: {  	s24 =	sadd.s32 s10, s24;
	s28 =	sadd.s32 $0xA00, s21;
	[dreg:$0x11] =	wrdreg s26  }
.LBB2_1:
0x29: {  	s0 =	rddreg [dreg:$0x10]  }
0x2a: {  	[tilespmem:s29], [sflag:$0x7] =	stream.linear.gather [hbm4b:s0+s19], $0x2800, $0x38;
	[tilespmem:$0x19100] =	vst v63  }
0x2b: {  	_ =	swait.ge [sflag:s30], $0x2800  }
0x2c: {  	[sflag:s30] =	ssyncset.done $0x0  }
0x2d: {  	[sflag:s30] =	ssyncadd.s32 $0xFFFFD800  }
0x2e: {  	[tilespmem:s31], [sflag:$0x7] =	stream.linear.gather [hbm4b:s1+s19], $0x50, $0x38;
	[tilespmem:$0x19100] =	vst v63  }
0x2f: {  	_ =	swait.ge [sflag:s30], $0x50  }
0x30: {  	[sflag:s30] =	ssyncset.done $0x0  }
0x31: {  	[sflag:s30] =	ssyncadd.s32 $0xFFFFFFB0  }
0x32: {  	[spmem:s22] =	stream.indirect.scatter [tilespmem:s29], [sflag:$0x7], $0x80, s31, s20, $0xb8;
	[tilespmem:$0x19100] =	vst v63  }
0x33: {  	_ =	swait.ge [sflag:s30], $0x2800  }
0x34: {  	[sflag:s30] =	ssyncset.done $0x0  }
0x35: {  	[sflag:s30] =	ssyncadd.s32 $0xFFFFD800  }
0x36: {  	[tilespmem:s31], [sflag:$0x7] =	stream.linear.gather [hbm4b:s2+s19], $0x50, $0x38;
	[tilespmem:$0x19100] =	vst v63  }
0x37: {  	_ =	swait.ge [sflag:s30], $0x50  }
0x38: {  	[sflag:s30] =	ssyncset.done $0x0  }
0x39: {  	[sflag:s30] =	ssyncadd.s32 $0xFFFFFFB0  }
0x3a: {  	[spmem:s22] =	stream.indirect.scatter [tilespmem:s29], [sflag:$0x7], $0x80, s31, s20, $0xb8;
	[tilespmem:$0x19100] =	vst v63  }
0x3b: {  	_ =	swait.ge [sflag:s30], $0x2800  }
0x3c: {  	[sflag:s30] =	ssyncset.done $0x0  }
0x3d: {  	[sflag:s30] =	ssyncadd.s32 $0xFFFFD800  }
0x3e: {  	[tilespmem:s31], [sflag:$0x7] =	stream.linear.gather [hbm4b:s3+s19], $0x50, $0x38;
	[tilespmem:$0x19100] =	vst v63  }
0x3f: {  	_ =	swait.ge [sflag:s30], $0x50  }
0x40: {  	[sflag:s30] =	ssyncset.done $0x0  }
0x41: {  	[sflag:s30] =	ssyncadd.s32 $0xFFFFFFB0  }
0x42: {  	[spmem:s22] =	stream.indirect.scatter [tilespmem:s29], [sflag:$0x7], $0x80, s31, s20, $0xb8;
	[tilespmem:$0x19100] =	vst v63  }
0x43: {  	_ =	swait.ge [sflag:s30], $0x2800  }
0x44: {  	[sflag:s30] =	ssyncset.done $0x0  }
0x45: {  	[sflag:s30] =	ssyncadd.s32 $0xFFFFD800  }
0x46: {  	[tilespmem:s31], [sflag:$0x7] =	stream.linear.gather [hbm4b:s4+s19], $0x50, $0x38;
	[tilespmem:$0x19100] =	vst v63  }
0x47: {  	_ =	swait.ge [sflag:s30], $0x50  }
0x48: {  	[sflag:s30] =	ssyncset.done $0x0  }
0x49: {  	[sflag:s30] =	ssyncadd.s32 $0xFFFFFFB0  }
0x4a: {  	[spmem:s22] =	stream.indirect.scatter [tilespmem:s29], [sflag:$0x7], $0x80, s31, s20, $0xb8;
	[tilespmem:$0x19100] =	vst v63  }
0x4b: {  	_ =	swait.ge [sflag:s30], $0x2800  }
0x4c: {  	[sflag:s30] =	ssyncset.done $0x0  }
0x4d: {  	[sflag:s30] =	ssyncadd.s32 $0xFFFFD800  }
0x4e: {  	[tilespmem:s31], [sflag:$0x7] =	stream.linear.gather [hbm4b:s5+s19], $0x50, $0x38;
	[tilespmem:$0x19100] =	vst v63  }
0x4f: {  	_ =	swait.ge [sflag:s30], $0x50  }
0x50: {  	[sflag:s30] =	ssyncset.done $0x0  }
0x51: {  	[sflag:s30] =	ssyncadd.s32 $0xFFFFFFB0  }
0x52: {  	[spmem:s22] =	stream.indirect.scatter [tilespmem:s29], [sflag:$0x7], $0x80, s31, s20, $0xb8;
	[tilespmem:$0x19100] =	vst v63  }
0x53: {  	_ =	swait.ge [sflag:s30], $0x2800  }
0x54: {  	[sflag:s30] =	ssyncset.done $0x0  }
0x55: {  	[sflag:s30] =	ssyncadd.s32 $0xFFFFD800  }
0x56: {  	[tilespmem:s31], [sflag:$0x7] =	stream.linear.gather [hbm4b:s6+s19], $0x50, $0x38;
	[tilespmem:$0x19100] =	vst v63  }
0x57: {  	_ =	swait.ge [sflag:s30], $0x50  }
0x58: {  	[sflag:s30] =	ssyncset.done $0x0  }
0x59: {  	[sflag:s30] =	ssyncadd.s32 $0xFFFFFFB0  }
0x5a: {  	[spmem:s22] =	stream.indirect.scatter [tilespmem:s29], [sflag:$0x7], $0x80, s31, s20, $0xb8;
	[tilespmem:$0x19100] =	vst v63  }
0x5b: {  	_ =	swait.ge [sflag:s30], $0x2800  }
0x5c: {  	[sflag:s30] =	ssyncset.done $0x0  }
0x5d: {  	[sflag:s30] =	ssyncadd.s32 $0xFFFFD800  }
0x5e: {  	[tilespmem:s31], [sflag:$0x7] =	stream.linear.gather [hbm4b:s7+s19], $0x50, $0x38;
	[tilespmem:$0x19100] =	vst v63  }
0x5f: {  	_ =	swait.ge [sflag:s30], $0x50  }
0x60: {  	[sflag:s30] =	ssyncset.done $0x0  }
0x61: {  	[sflag:s30] =	ssyncadd.s32 $0xFFFFFFB0  }
0x62: {  	[spmem:s22] =	stream.indirect.scatter [tilespmem:s29], [sflag:$0x7], $0x80, s31, s20, $0xb8;
	[tilespmem:$0x19100] =	vst v63  }
0x63: {  	_ =	swait.ge [sflag:s30], $0x2800  }
0x64: {  	[sflag:s30] =	ssyncset.done $0x0  }
0x65: {  	[sflag:s30] =	ssyncadd.s32 $0xFFFFD800  }
0x66: {  	[tilespmem:s31], [sflag:$0x7] =	stream.linear.gather [hbm4b:s8+s19], $0x50, $0x38;
	[tilespmem:$0x19100] =	vst v63  }
0x67: {  	_ =	swait.ge [sflag:s30], $0x50  }
0x68: {  	[sflag:s30] =	ssyncset.done $0x0  }
0x69: {  	[sflag:s30] =	ssyncadd.s32 $0xFFFFFFB0  }
0x6a: {  	[spmem:s22] =	stream.indirect.scatter [tilespmem:s29], [sflag:$0x7], $0x80, s31, s20, $0xb8;
	[tilespmem:$0x19100] =	vst v63  }
0x6b: {  	_ =	swait.ge [sflag:s30], $0x2800  }
0x6c: {  	[sflag:s30] =	ssyncset.done $0x0  }
0x6d: {  	[sflag:s30] =	ssyncadd.s32 $0xFFFFD800  }
0x6e: {  	[bflag:$0x0] =	sbarrier.arrive $0xFFFF  }
0x6f: {  	s17 =	rddreg [dreg:$0xe]  }
0x70: {  	[tilespmem:s31], [sflag:$0x3] =	stream.linear.gather [hbm4b:s17+s19], $0x50, $0x38;
	[tilespmem:$0x19100] =	vst v63  }
0x71: {  	s21 =	simm.s32 $0x3;
	s18 =	rddreg [dreg:$0xc]  }
0x72: {  	[tilespmem:s29], [sflag:$0x5] =	stream.linear.gather [hbm4b:s18+s19], $0x2800, $0x38;
	[tilespmem:$0x19100] =	vst v63  }
0x73: {  	_ =	swait.ge [sflag:s21], $0x50  }
0x74: {  	[sflag:s21] =	ssyncset.done $0x0  }
0x75: {  	s23 =	simm.s32 $0x5;
	[sflag:s21] =	ssyncadd.s32 $0xFFFFFFB0  }
0x76: {  	_ =	swait.ge [sflag:s23], $0x2800  }
0x77: {  	[sflag:s23] =	ssyncset.done $0x0  }
0x78: {  	[sflag:s23] =	ssyncadd.s32 $0xFFFFD800  }
0x79: {  	[spmem:s22] =	stream.indirect.scatter.add.f32 [tilespmem:s29], [sflag:$0x1], $0x80, s31, s20, $0xb8;
	[tilespmem:$0x19100] =	vst v63  }
0x7a: {  	s9 =	simm.s32 $0x14080;
	s25 =	rddreg [dreg:$0xf]  }
0x7b: {  	[tilespmem:s9], [sflag:$0x4] =	stream.linear.gather [hbm4b:s25+s19], $0x50, $0x38;
	[tilespmem:$0x19100] =	vst v63  }
0x7c: {  	s10 =	simm.s32 $0x16900;
	s11 =	simm.s32 $0x4;
	s26 =	rddreg [dreg:$0xd]  }
0x7d: {  	[tilespmem:s10], [sflag:$0x6] =	stream.linear.gather [hbm4b:s26+s19], $0x2800, $0x38;
	[tilespmem:$0x19100] =	vst v63  }
0x7e: {  	_ =	swait.ge [sflag:s11], $0x50  }
0x7f: {  	[sflag:s11] =	ssyncset.done $0x0  }
0x80: {  	s12 =	simm.s32 $0x6;
	[sflag:s11] =	ssyncadd.s32 $0xFFFFFFB0  }
0x81: {  	_ =	swait.ge [sflag:s12], $0x2800  }
0x82: {  	s13 =	sand.u32 $0x1, s15;
	[sflag:s12] =	ssyncset.done $0x0  }
0x83: {  	s21 =	sadd.s32 $0x1, s13;
	[sflag:s12] =	ssyncadd.s32 $0xFFFFD800  }
0x84: {  	[spmem:s22] =	stream.indirect.scatter.add.f32 [tilespmem:s10], [sflag:$0x2], $0x80, s9, s20, $0xb8;
	[tilespmem:$0x19100] =	vst v63  }
0x85: {  	s11 =	smul.u32 $0xA000, s13;
	_ =	swait.ge [sflag:s21], $0x2800  }
0x86: {  	s17 =	sshll.u32 s13, $0x7;
	s18 =	sadd.s32 $0x3, s13;
	[sflag:s21] =	ssyncset.done $0x0  }
0x87: {  	s23 =	sor.u32 $0x14000, s17;
	s11 =	sshrl.u32 s11, $0x2;
	[sflag:s21] =	ssyncadd.s32 $0xFFFFD800  }
0x88: {  	[tilespmem:s23], [sflag:s18] =	stream.linear.gather [hbm4b:s24+s19], $0x50, $0x38;
	[tilespmem:$0x19100] =	vst v63  }
0x89: {  	s26 =	sor.u32 $0x14100, s11;
	s10 =	sadd.s32 $0x5, s13  }
0x8a: {  	[tilespmem:s26], [sflag:s10] =	stream.linear.gather [hbm4b:s28+s19], $0x2800, $0x38;
	[tilespmem:$0x19100] =	vst v63  }
0x8b: {  	_ =	swait.ge [sflag:s18], $0x50  }
0x8c: {  	[sflag:s18] =	ssyncset.done $0x0  }
0x8d: {  	s25 =	simm.s32 $0x3;
	[sflag:s18] =	ssyncadd.s32 $0xFFFFFFB0  }
0x8e: {  	s17 =	sadd.s32 $0x500, s28;
	s25 =	sand.u32 $0x1, s25;
	_ =	swait.ge [sflag:s10], $0x2800  }
0x8f: {  	s11 =	simm.s32 $0x4;
	s18 =	sadd.s32 $0xA, s24;
	[sflag:s10] =	ssyncset.done $0x0  }
.LBB2_2:
0x90: {  	s0 =	sadd.s32 $0x1, s25  }
0x91: {  	s9 =	smul.u32 $0xA000, s25;
	[sflag:s10] =	ssyncadd.s32 $0xFFFFD800;
	s12 =	smov.u32 s11  }
0x92: {  	[spmem:s22] =	stream.indirect.scatter.add.f32 [tilespmem:s26], [sflag:s21], $0x80, s23, s20, $0xb8;
	[tilespmem:$0x19100] =	vst v63  }
0x93: {  	s13 =	sadd.s32 $0x1, s11;
	_ =	swait.ge [sflag:s0], $0x2800;
	s9 =	sshrl.u32 s9, $0x2  }
0x94: {  	p0 =	sne.s32 s11, $0x7C;
	s10 =	sshll.u32 s25, $0x7;
	[sflag:s0] =	ssyncset.done $0x0  }
0x95: {  	s11 =	sadd.s32 $0x3, s25;
	s23 =	sor.u32 $0x14000, s10;
	[sflag:s0] =	ssyncadd.s32 $0xFFFFD800  }
0x96: {  	[tilespmem:s23], [sflag:s11] =	stream.linear.gather [hbm4b:s18+s19], $0x50, $0x38;
	[tilespmem:$0x19100] =	vst v63  }
0x97: {  	s10 =	sadd.s32 $0x5, s25;
	s21 =	smov.u32 s0;
	s26 =	sor.u32 $0x14100, s9  }
0x98: {  	[tilespmem:s26], [sflag:s10] =	stream.linear.gather [hbm4b:s17+s19], $0x2800, $0x38;
	[tilespmem:$0x19100] =	vst v63  }
.Ltmp0:
0x99: {  	_ =	swait.ge [sflag:s11], $0x50;
	(pc) =	sbr.rel @p0 .LBB2_2-.Ltmp0, $4  }
0x9a: {  	[sflag:s11] =	ssyncset.done $0x0  }
0x9b: {  	[sflag:s11] =	ssyncadd.s32 $0xFFFFFFB0  }
0x9c: {  	s25 =	sand.u32 $0x1, s12;
	s18 =	sadd.s32 $0xA, s18;
	_ =	swait.ge [sflag:s10], $0x2800  }
0x9d: {  	s17 =	sadd.s32 $0x500, s17;
	s11 =	smov.u32 s13;
	[sflag:s10] =	ssyncset.done $0x0  }
0x9e: {  	[sflag:s10] =	ssyncadd.s32 $0xFFFFD800;
	s0 =	sadd.s32 $0x1, s25  }
0x9f: {  	[spmem:s22] =	stream.indirect.scatter.add.f32 [tilespmem:s26], [sflag:s21], $0x80, s23, s20, $0xb8;
	[tilespmem:$0x19100] =	vst v63  }
0xa0: {  	s9 =	smul.u32 $0xA000, s25;
	_ =	swait.ge [sflag:s0], $0x2800  }
0xa1: {  	s11 =	sadd.s32 $0x3, s25;
	s26 =	sshll.u32 s25, $0x7;
	[sflag:s0] =	ssyncset.done $0x0  }
0xa2: {  	s10 =	sor.u32 $0x14000, s26;
	s9 =	sshrl.u32 s9, $0x2;
	[sflag:s0] =	ssyncadd.s32 $0xFFFFD800  }
0xa3: {  	[tilespmem:s10], [sflag:s11] =	stream.linear.gather [hbm4b:s18+s19], $0x50, $0x38;
	[tilespmem:$0x19100] =	vst v63  }
0xa4: {  	s12 =	sadd.s32 $0x5, s25;
	s9 =	sor.u32 $0x14100, s9  }
0xa5: {  	[tilespmem:s9], [sflag:s12] =	stream.linear.gather [hbm4b:s17+s19], $0x2800, $0x38;
	[tilespmem:$0x19100] =	vst v63  }
0xa6: {  	_ =	swait.ge [sflag:s11], $0x50  }
0xa7: {  	[sflag:s11] =	ssyncset.done $0x0  }
0xa8: {  	[sflag:s11] =	ssyncadd.s32 $0xFFFFFFB0  }
0xa9: {  	_ =	swait.ge [sflag:s12], $0x2800  }
0xaa: {  	[sflag:s12] =	ssyncset.done $0x0  }
0xab: {  	[sflag:s12] =	ssyncadd.s32 $0xFFFFD800  }
0xac: {  	[spmem:s22] =	stream.indirect.scatter.add.f32 [tilespmem:s9], [sflag:s0], $0x80, s10, s20, $0xb8;
	[tilespmem:$0x19100] =	vst v63  }
0xad: {  	_ =	swait.ge [sflag:s14], $0x2800  }
0xae: {  	[sflag:s14] =	ssyncset.done $0x0  }
0xaf: {  	[sflag:s14] =	ssyncadd.s32 $0xFFFFD800  }
0xb0: {  	_ =	swait.ge [sflag:s15], $0x2800  }
0xb1: {  	[sflag:s15] =	ssyncset.done $0x0  }
0xb2: {  	[sflag:s15] =	ssyncadd.s32 $0xFFFFD800  }
0xb3: {  	[bflag:$0x0] =	sbarrier.arrive $0xFFFF  }
0xb4: {  	[tilespmem:s31], [sflag:$0x7] =	stream.linear.gather [hbm4b:s1+s19], $0x50, $0x38;
	[tilespmem:$0x19100] =	vst v63  }
0xb5: {  	_ =	swait.ge [sflag:s30], $0x50  }
0xb6: {  	[sflag:s30] =	ssyncset.done $0x0  }
0xb7: {  	[sflag:s30] =	ssyncadd.s32 $0xFFFFFFB0  }
0xb8: {  	[tilespmem:s29], [sflag:$0x7] =	stream.indirect.gather [spmem:s22], $0x80, s31, s20, $0xb8;
	[tilespmem:$0x19100] =	vst v63  }
0xb9: {  	_ =	swait.ge [sflag:s30], $0x2800  }
0xba: {  	[sflag:s30] =	ssyncset.done $0x0  }
0xbb: {  	s11 =	rddreg [dreg:$0x4];
	[sflag:s30] =	ssyncadd.s32 $0xFFFFD800  }
0xbc: {  	[hbm4b:s11+s19] =	stream.linear.scatter [tilespmem:s29], [sflag:$0x7], $0x2800, $0x38;
	[tilespmem:$0x19100] =	vst v63  }
0xbd: {  	_ =	swait.ge [sflag:s30], $0x2800  }
0xbe: {  	[sflag:s30] =	ssyncset.done $0x0  }
0xbf: {  	[sflag:s30] =	ssyncadd.s32 $0xFFFFD800  }
0xc0: {  	[tilespmem:s31], [sflag:$0x7] =	stream.linear.gather [hbm4b:s2+s19], $0x50, $0x38;
	[tilespmem:$0x19100] =	vst v63  }
0xc1: {  	_ =	swait.ge [sflag:s30], $0x50  }
0xc2: {  	[sflag:s30] =	ssyncset.done $0x0  }
0xc3: {  	[sflag:s30] =	ssyncadd.s32 $0xFFFFFFB0  }
0xc4: {  	[tilespmem:s29], [sflag:$0x7] =	stream.indirect.gather [spmem:s22], $0x80, s31, s20, $0xb8;
	[tilespmem:$0x19100] =	vst v63  }
0xc5: {  	_ =	swait.ge [sflag:s30], $0x2800  }
0xc6: {  	[sflag:s30] =	ssyncset.done $0x0  }
0xc7: {  	s12 =	rddreg [dreg:$0x5];
	[sflag:s30] =	ssyncadd.s32 $0xFFFFD800  }
0xc8: {  	[hbm4b:s12+s19] =	stream.linear.scatter [tilespmem:s29], [sflag:$0x7], $0x2800, $0x38;
	[tilespmem:$0x19100] =	vst v63  }
0xc9: {  	_ =	swait.ge [sflag:s30], $0x2800  }
0xca: {  	[sflag:s30] =	ssyncset.done $0x0  }
0xcb: {  	[sflag:s30] =	ssyncadd.s32 $0xFFFFD800  }
0xcc: {  	[tilespmem:s31], [sflag:$0x7] =	stream.linear.gather [hbm4b:s3+s19], $0x50, $0x38;
	[tilespmem:$0x19100] =	vst v63  }
0xcd: {  	_ =	swait.ge [sflag:s30], $0x50  }
0xce: {  	[sflag:s30] =	ssyncset.done $0x0  }
0xcf: {  	[sflag:s30] =	ssyncadd.s32 $0xFFFFFFB0  }
0xd0: {  	[tilespmem:s29], [sflag:$0x7] =	stream.indirect.gather [spmem:s22], $0x80, s31, s20, $0xb8;
	[tilespmem:$0x19100] =	vst v63  }
0xd1: {  	_ =	swait.ge [sflag:s30], $0x2800  }
0xd2: {  	[sflag:s30] =	ssyncset.done $0x0  }
0xd3: {  	s13 =	rddreg [dreg:$0x6];
	[sflag:s30] =	ssyncadd.s32 $0xFFFFD800  }
0xd4: {  	[hbm4b:s13+s19] =	stream.linear.scatter [tilespmem:s29], [sflag:$0x7], $0x2800, $0x38;
	[tilespmem:$0x19100] =	vst v63  }
0xd5: {  	_ =	swait.ge [sflag:s30], $0x2800  }
0xd6: {  	[sflag:s30] =	ssyncset.done $0x0  }
0xd7: {  	[sflag:s30] =	ssyncadd.s32 $0xFFFFD800  }
0xd8: {  	[tilespmem:s31], [sflag:$0x7] =	stream.linear.gather [hbm4b:s4+s19], $0x50, $0x38;
	[tilespmem:$0x19100] =	vst v63  }
0xd9: {  	_ =	swait.ge [sflag:s30], $0x50  }
0xda: {  	[sflag:s30] =	ssyncset.done $0x0  }
0xdb: {  	[sflag:s30] =	ssyncadd.s32 $0xFFFFFFB0  }
0xdc: {  	[tilespmem:s29], [sflag:$0x7] =	stream.indirect.gather [spmem:s22], $0x80, s31, s20, $0xb8;
	[tilespmem:$0x19100] =	vst v63  }
0xdd: {  	_ =	swait.ge [sflag:s30], $0x2800  }
0xde: {  	[sflag:s30] =	ssyncset.done $0x0  }
0xdf: {  	s17 =	rddreg [dreg:$0x7];
	[sflag:s30] =	ssyncadd.s32 $0xFFFFD800  }
0xe0: {  	[hbm4b:s17+s19] =	stream.linear.scatter [tilespmem:s29], [sflag:$0x7], $0x2800, $0x38;
	[tilespmem:$0x19100] =	vst v63  }
0xe1: {  	_ =	swait.ge [sflag:s30], $0x2800  }
0xe2: {  	[sflag:s30] =	ssyncset.done $0x0  }
0xe3: {  	[sflag:s30] =	ssyncadd.s32 $0xFFFFD800  }
0xe4: {  	[tilespmem:s31], [sflag:$0x7] =	stream.linear.gather [hbm4b:s5+s19], $0x50, $0x38;
	[tilespmem:$0x19100] =	vst v63  }
0xe5: {  	_ =	swait.ge [sflag:s30], $0x50  }
0xe6: {  	[sflag:s30] =	ssyncset.done $0x0  }
0xe7: {  	[sflag:s30] =	ssyncadd.s32 $0xFFFFFFB0  }
0xe8: {  	[tilespmem:s29], [sflag:$0x7] =	stream.indirect.gather [spmem:s22], $0x80, s31, s20, $0xb8;
	[tilespmem:$0x19100] =	vst v63  }
0xe9: {  	_ =	swait.ge [sflag:s30], $0x2800  }
0xea: {  	[sflag:s30] =	ssyncset.done $0x0  }
0xeb: {  	s18 =	rddreg [dreg:$0x8];
	[sflag:s30] =	ssyncadd.s32 $0xFFFFD800  }
0xec: {  	[hbm4b:s18+s19] =	stream.linear.scatter [tilespmem:s29], [sflag:$0x7], $0x2800, $0x38;
	[tilespmem:$0x19100] =	vst v63  }
0xed: {  	_ =	swait.ge [sflag:s30], $0x2800  }
0xee: {  	[sflag:s30] =	ssyncset.done $0x0  }
0xef: {  	[sflag:s30] =	ssyncadd.s32 $0xFFFFD800  }
0xf0: {  	[tilespmem:s31], [sflag:$0x7] =	stream.linear.gather [hbm4b:s6+s19], $0x50, $0x38;
	[tilespmem:$0x19100] =	vst v63  }
0xf1: {  	_ =	swait.ge [sflag:s30], $0x50  }
0xf2: {  	[sflag:s30] =	ssyncset.done $0x0  }
0xf3: {  	[sflag:s30] =	ssyncadd.s32 $0xFFFFFFB0  }
0xf4: {  	[tilespmem:s29], [sflag:$0x7] =	stream.indirect.gather [spmem:s22], $0x80, s31, s20, $0xb8;
	[tilespmem:$0x19100] =	vst v63  }
0xf5: {  	_ =	swait.ge [sflag:s30], $0x2800  }
0xf6: {  	[sflag:s30] =	ssyncset.done $0x0  }
0xf7: {  	s21 =	rddreg [dreg:$0x9];
	[sflag:s30] =	ssyncadd.s32 $0xFFFFD800  }
0xf8: {  	[hbm4b:s21+s19] =	stream.linear.scatter [tilespmem:s29], [sflag:$0x7], $0x2800, $0x38;
	[tilespmem:$0x19100] =	vst v63  }
0xf9: {  	_ =	swait.ge [sflag:s30], $0x2800  }
0xfa: {  	[sflag:s30] =	ssyncset.done $0x0  }
0xfb: {  	[sflag:s30] =	ssyncadd.s32 $0xFFFFD800  }
0xfc: {  	[tilespmem:s31], [sflag:$0x7] =	stream.linear.gather [hbm4b:s7+s19], $0x50, $0x38;
	[tilespmem:$0x19100] =	vst v63  }
0xfd: {  	_ =	swait.ge [sflag:s30], $0x50  }
0xfe: {  	[sflag:s30] =	ssyncset.done $0x0  }
0xff: {  	[sflag:s30] =	ssyncadd.s32 $0xFFFFFFB0  }
0x100: {  	[tilespmem:s29], [sflag:$0x7] =	stream.indirect.gather [spmem:s22], $0x80, s31, s20, $0xb8;
	[tilespmem:$0x19100] =	vst v63  }
0x101: {  	_ =	swait.ge [sflag:s30], $0x2800  }
0x102: {  	[sflag:s30] =	ssyncset.done $0x0  }
0x103: {  	s23 =	rddreg [dreg:$0xa];
	[sflag:s30] =	ssyncadd.s32 $0xFFFFD800  }
0x104: {  	[hbm4b:s23+s19] =	stream.linear.scatter [tilespmem:s29], [sflag:$0x7], $0x2800, $0x38;
	[tilespmem:$0x19100] =	vst v63  }
0x105: {  	_ =	swait.ge [sflag:s30], $0x2800  }
0x106: {  	[sflag:s30] =	ssyncset.done $0x0  }
0x107: {  	[sflag:s30] =	ssyncadd.s32 $0xFFFFD800  }
0x108: {  	[tilespmem:s31], [sflag:$0x7] =	stream.linear.gather [hbm4b:s8+s19], $0x50, $0x38;
	[tilespmem:$0x19100] =	vst v63  }
0x109: {  	_ =	swait.ge [sflag:s30], $0x50  }
0x10a: {  	[sflag:s30] =	ssyncset.done $0x0  }
0x10b: {  	[sflag:s30] =	ssyncadd.s32 $0xFFFFFFB0  }
0x10c: {  	[tilespmem:s29], [sflag:$0x7] =	stream.indirect.gather [spmem:s22], $0x80, s31, s20, $0xb8;
	[tilespmem:$0x19100] =	vst v63  }
0x10d: {  	_ =	swait.ge [sflag:s30], $0x2800  }
0x10e: {  	[sflag:s30] =	ssyncset.done $0x0  }
0x10f: {  	s25 =	rddreg [dreg:$0xb];
	[sflag:s30] =	ssyncadd.s32 $0xFFFFD800  }
0x110: {  	[hbm4b:s25+s19] =	stream.linear.scatter [tilespmem:s29], [sflag:$0x7], $0x2800, $0x38;
	[tilespmem:$0x19100] =	vst v63  }
0x111: {  	_ =	swait.ge [sflag:s30], $0x2800  }
0x112: {  	s16 =	sadd.s32 $0x1, s16;
	s26 =	rddreg [dreg:$0x11]  }
0x113: {  	p0 =	sne.s32 s16, s26  }
.Ltmp1:
0x114: {  	_ = 	snop;
	(pc) =	sbr.rel @p0 .LBB2_1-.Ltmp1, $3  }
0x115: {  	_ =	sdelay $0x1  }
0x116: {  	[sflag:s30] =	ssyncset.done $0x0  }
0x117: {  	[sflag:s30] =	ssyncadd.s32 $0xFFFFD800  }
0x118: {  	_ =	sfence.sel $0x180000  }
0x119: {  	[bflag:$0x0] =	sbarrier.arrive $0xFFFF  }
0x11a: {  	_ =	strace $0x9000004A  }
0x11b: {  	s0 =	stileid.u32;
	[bflag:$0x2] =	sbarrier.arrive $0xFFFF  }
0x11c: {  	p0 =	sne.s32 s0, $0x0;
	s0 =	rddreg [dreg:$0x3]  }
0x11d: {  	s0 =	sadd.s32 @!p0 $0x100000, s0  }
0x11e: {  	[sflag:s0] =	ssyncadd.tile.s32 @!p0 $0x1;
	_ =	shalt  }
.Lfunc_end2:
_tile_overlayer_lowered:
.L_overlay_start_2:
0x11f: {  	(tag) =	ssettag $0x2  }
0x120: {  	s0 =	rddreg [dreg:$0x0];
	s2 =	stileid.u32  }
0x121: {  	s1 =	rddreg [dreg:$0x1];
	p0 =	sne.s32 s2, $0x0  }
0x122: {  	s3 =	rddreg [dreg:$0x2];
	[bflag:$0x3] =	sbarrier.arrive $0xFFFF;
	s2 =	simm.s32 @!p0 $0x1C07  }
0x123: {  	[timem:s3], [sflag:s2] =	dma.local @!p0 [hbm:s0], s1  }
0x124: {  	s0 =	simm.s32 @!p0 $0x7  }
0x125: {  	_ =	swait.ge @!p0 [sflag:s0], s1  }
0x126: {  	s1 =	ssub.s32 @!p0 $0x0, s1;
	[sflag:s0] =	ssyncset.done @!p0 $0x0  }
0x127: {  	[sflag:s0] =	ssyncadd.s32 @!p0 s1  }
0x128: {  	[bflag:$0x3] =	sbarrier.arrive $0xFFFF  }
0x129: {  	_ =	shalt  }

// kernel: kernel.8.cloned.1.call-start
scs
__scs_entry_jumppad:
0x0: {  	(pc) =	sbr.rel $0x88, $3  }
0x1: {  	(tag) =	ssettag $0x0;
	lr =	simm.s32 $0x1  }
0x2: {  	[smem:$0x3F91] =	sst lr;
	_ =	strace $0xD0000000  }
0x3: {  	_ = 	snop  }
0x4: {  	_ = 	snop  }
0x5: {  	_ = 	snop  }
0x6: {  	_ = 	snop  }
0x7: {  	_ = 	snop  }
__scs_overlays_trampoline_lowered:
0x8: {  	[smem:$0x3FA0] =	sst s0  }
0x9: {  	[smem:$0x3FA1] =	sst s1  }
0xa: {  	[smem:$0x3FA2] =	sst s2  }
0xb: {  	[smem:$0x3FA3] =	sst s3  }
0xc: {  	[smem:$0x3FA4] =	sst s4  }
0xd: {  	[smem:$0x3FA5] =	sst s5  }
0xe: {  	[smem:$0x3FA6] =	sst s6  }
0xf: {  	[smem:$0x3FA7] =	sst s7  }
0x10: {  	[smem:$0x3FA8] =	sst s8  }
0x11: {  	[smem:$0x3FA9] =	sst s9;
	s0 =	simm.s32 @!p0 $0x0  }
0x12: {  	s1 =	sld [smem:$0x3F8F];
	s0 =	simm.s32 @p0 $0x1  }
0x13: {  	[smem:$0x3FAA] =	sst s0;
	s0 =	simm.s32 @!p1 $0x0  }
0x14: {  	s2 =	sld [smem:$0x3F8E];
	s0 =	simm.s32 @p1 $0x1  }
0x15: {  	[smem:$0x3FAB] =	sst s0;
	s0 =	simm.s32 @!p2 $0x0  }
0x16: {  	s3 =	sld [smem:$0x3FDB];
	s0 =	simm.s32 @p2 $0x1  }
0x17: {  	s4 =	simm.s32 $0x1BF5;
	[smem:$0x3FAD] =	sst s0  }
0x18: {  	s0 =	sld [smem:$0x3F90];
	_ =	swait.ge [sflag:s4], $0x0  }
0x19: {  	s7 =	sld [smem:$0x3F91]  }
0x1a: {  	s8 =	sadd.s32 $0xFFFFE003, lr  }
0x1b: {  	s9 =	sadd.s32 $0xFFFFFEF7, lr;
	s5 =	simm.s32 $0xFFFFFFFF;
	p2 =	slt.u32 s8, $0xFFFFF086  }
0x1c: {  	p1 =	slt.u32 s9, $0xF7A;
	s5 =	simm.s32 @!p2 $0x0  }
0x1d: {  	s5 =	simm.s32 @p1 $0x1;
	p0 =	seq.s32 s7, s2  }
0x1e: {  	s7 =	smul.u32 @!p0 $0xF7A, s2;
	p2 =	seq.s32 @!p0 s5, $0x0  }
0x1f: {  	s9 =	smul.u32 $0xF7A, s1;
	s8 =	simm.s32 @!p0 $0x1BF5;
	p2 =	por !p2, p0  }
0x20: {  	[sflag:s8] =	ssyncset.s32 @!p0 $0xFFFFF086;
	s6 =	sadd.s32 @!p0 s3, s7;
	s7 =	simm.s32 @!p0 $0x108  }
0x21: {  	s3 =	sadd.s32 s3, s9;
	s6 =	sadd.s32 @!p0 $0x88, s6;
	s7 =	simm.s32 @p2 $0x1082  }
0x22: {  	[simem:s7], [sflag:s8] =	dma.local @!p0 [hbm:s6], $0xF7A  }
0x23: {  	s9 =	sor.u32 $0xD0000000, s2;
	s6 =	simm.s32 $0x108;
	_ =	swait.ge @!p0 [sflag:s8], $0x0  }
0x24: {  	s3 =	sadd.s32 $0x88, s3;
	s6 =	simm.s32 @!p1 $0x1082;
	[sflag:s4] =	ssyncset.s32 $0xFFFFF086  }
0x25: {  	[simem:s6], [sflag:s4] =	dma.local [hbm:s3], $0xF7A  }
0x26: {  	[smem:$0x3F91] =	sst s1;
	(tag) =	ssettag s2;
	_ =	strace s9  }
0x27: {  	s1 =	sld [smem:$0x3FA1]  }
0x28: {  	s2 =	sld [smem:$0x3FA2]  }
0x29: {  	s4 =	sld [smem:$0x3FA4]  }
0x2a: {  	p0 =	seq.s32 s5, $0x0;
	s5 =	sld [smem:$0x3FA5]  }
0x2b: {  	s6 =	sld [smem:$0x3FA6]  }
0x2c: {  	s7 =	sld [smem:$0x3FA7]  }
0x2d: {  	s3 =	simm.s32 $0x108;
	s8 =	sld [smem:$0x3FA8]  }
0x2e: {  	s3 =	simm.s32 @!p0 $0x1082;
	s9 =	sld [smem:$0x3FA9]  }
0x2f: {  	lr =	sadd.s32 s0, s3;
	s0 =	sld [smem:$0x3FA0]  }
0x30: {  	s3 =	sld [smem:$0x3FA3]  }
0x31: {  	[smem:$0x3FAC] =	sst s10  }
0x32: {  	s10 =	sld [smem:$0x3FAA];
	_ =	sdelay $0x3  }
0x33: {  	p0 =	seq.s32 s10, $0x1;
	s10 =	sld [smem:$0x3FAC];
	_ =	sdelay $0x3  }
0x34: {  	[smem:$0x3FAC] =	sst s10  }
0x35: {  	s10 =	sld [smem:$0x3FAB];
	_ =	sdelay $0x3  }
0x36: {  	p1 =	seq.s32 s10, $0x1;
	s10 =	sld [smem:$0x3FAC];
	_ =	sdelay $0x3  }
0x37: {  	[smem:$0x3FAC] =	sst s10  }
0x38: {  	s10 =	sld [smem:$0x3FAD]  }
0x39: {  	_ = 	snop;
	(pc) =	sbr.ind lr, $3  }
0x3a: {  	_ = 	snop  }
0x3b: {  	_ = 	snop  }
0x3c: {  	p2 =	seq.s32 s10, $0x1;
	s10 =	sld [smem:$0x3FAC]  }
0x3d: {  	_ =	shalt  }
0x3e: {  	_ =	shalt  }
0x3f: {  	_ =	shalt  }
0x40: {  	_ =	shalt  }
0x41: {  	_ =	shalt  }
0x42: {  	_ =	shalt  }
0x43: {  	_ =	shalt  }
0x44: {  	_ =	shalt  }
0x45: {  	_ =	shalt  }
0x46: {  	_ =	shalt  }
0x47: {  	_ =	shalt  }
0x48: {  	_ =	shalt  }
0x49: {  	_ =	shalt  }
0x4a: {  	_ =	shalt  }
0x4b: {  	_ =	shalt  }
0x4c: {  	_ =	shalt  }
0x4d: {  	_ =	shalt  }
0x4e: {  	_ =	shalt  }
0x4f: {  	_ =	shalt  }
0x50: {  	_ =	shalt  }
0x51: {  	_ =	shalt  }
0x52: {  	_ =	shalt  }
0x53: {  	_ =	shalt  }
0x54: {  	_ =	shalt  }
0x55: {  	_ =	shalt  }
0x56: {  	_ =	shalt  }
0x57: {  	_ =	shalt  }
0x58: {  	_ =	shalt  }
0x59: {  	_ =	shalt  }
0x5a: {  	_ =	shalt  }
0x5b: {  	_ =	shalt  }
0x5c: {  	_ =	shalt  }
0x5d: {  	_ =	shalt  }
0x5e: {  	_ =	shalt  }
0x5f: {  	_ =	shalt  }
0x60: {  	_ =	shalt  }
0x61: {  	_ =	shalt  }
0x62: {  	_ =	shalt  }
0x63: {  	_ =	shalt  }
0x64: {  	_ =	shalt  }
0x65: {  	_ =	shalt  }
0x66: {  	_ =	shalt  }
0x67: {  	_ =	shalt  }
0x68: {  	_ =	shalt  }
0x69: {  	_ =	shalt  }
0x6a: {  	_ =	shalt  }
0x6b: {  	_ =	shalt  }
0x6c: {  	_ =	shalt  }
0x6d: {  	_ =	shalt  }
0x6e: {  	_ =	shalt  }
0x6f: {  	_ =	shalt  }
0x70: {  	_ =	shalt  }
0x71: {  	_ =	shalt  }
0x72: {  	_ =	shalt  }
0x73: {  	_ =	shalt  }
0x74: {  	_ =	shalt  }
0x75: {  	_ =	shalt  }
0x76: {  	_ =	shalt  }
0x77: {  	_ =	shalt  }
0x78: {  	_ =	shalt  }
0x79: {  	_ =	shalt  }
0x7a: {  	_ =	shalt  }
0x7b: {  	_ =	shalt  }
0x7c: {  	_ =	shalt  }
0x7d: {  	_ =	shalt  }
0x7e: {  	_ =	shalt  }
0x7f: {  	_ =	shalt  }
0x80: {  	_ =	shalt  }
0x81: {  	_ =	shalt  }
0x82: {  	_ =	shalt  }
0x83: {  	_ =	shalt  }
0x84: {  	_ =	shalt  }
0x85: {  	_ =	shalt  }
0x86: {  	_ =	shalt  }
0x87: {  	_ =	shalt  }
.Lfunc_end0:
.L_simem_size_0:
called_computation_lowered:
.L_overlay_start_0:
0x88: {  	s2 =	sld [smem:$0x3FD9]  }
0x89: {  	s3 =	sld [smem:$0x3FFE];
	_ =	sdelay $0x1  }
0x8a: {  	s1 =	srdreg.scid  }
0x8b: {  	s0 =	sand.u32 $0x1, s1  }
0x8c: {  	s17 =	sshll.u32 s0, $0xA;
	s2 =	sadd.s32 s3, s2  }
0x8d: {  	s2 =	sadd.s32 s2, s17  }
0x8e: {  	[smem:$0x3FB8] =	sst s2  }
0x8f: {  	_ = 	snop  }
0x90: {  	s2 =	sld [smem:$0x3FC9]  }
0x91: {  	s18 =	sld [smem:$0x3FD0];
	(tm) =	ssettm $0x1  }
0x92: {  	s4 =	sld [smem:$0x3FFB];
	_ =	sdelay $0x3  }
0x93: {  	_ =	strace s4  }
0x94: {  	s4 =	sld [smem:$0x3FFC];
	_ =	sdelay $0x3  }
0x95: {  	_ =	strace s4  }
0x96: {  	s4 =	sld [smem:$0x3FFD];
	_ =	sdelay $0x3  }
0x97: {  	_ =	strace s4  }
0x98: {  	_ =	strace $0x8FFFFFFF  }
0x99: {  	s19 =	sld [smem:$0x3FDB];
	_ =	sdelay $0x1  }
0x9a: {  	s5 =	simm.s32 $_scs_section_size  }
0x9b: {  	s6 =	simm.s32 $_size__tile_overlayer_lowered;
	s7 =	simm.s32 $_tile_overlayer_lowered  }
0x9c: {  	s22 =	simm.s32 $0x1BFF;
	s21 =	sshll.u32 s7, $0x1;
	s4 =	sadd.s32 s5, s19  }
0x9d: {  	s8 =	simm.s32 $0x0;
	s20 =	sshll.u32 s6, $0x1;
	s6 =	sadd.s32 s21, s4  }
0x9e: {  	[timem:s8], [sflag:s22] =	dma.local [hbm:s6], s20  }
0x9f: {  	_ =	swait.ge [sflag:s22], s20  }
0xa0: {  	s5 =	ssub.s32 $0x0, s20;
	[sflag:s22] =	ssyncset.done $0x0  }
0xa1: {  	[sflag:s22] =	ssyncadd.s32 s5;
	_ =	sdelay $0x1  }
0xa2: {  	s23 =	simm.s32 $0x1B8B  }
0xa3: {  	_ =	swait.ge [sflag:s23], $0x1  }
0xa4: {  	[sflag:s23] =	ssyncset.done $0x0  }
0xa5: {  	s25 =	simm.s32 $0x1B8E;
	s24 =	sld [smem:$0x3FFE];
	[sflag:s23] =	ssyncadd.s32 $0xFFFFFFFF  }
0xa6: {  	s26 =	simm.s32 $execute0_lowered;
	[smem:$0x3FD2] =	sst s25  }
0xa7: {  	s6 =	sshll.u32 s26, $0x1;
	_ =	strace $0x80000046;
	[dreg:$0x1] =	wrdreg $0xFFFFFFFF  }
0xa8: {  	s28 =	simm.s32 $_size_execute0_lowered;
	s4 =	sadd.s32 s4, s6;
	[dreg:$0x0] =	wrdreg $0x0  }
0xa9: {  	s6 =	sshll.u32 s28, $0x1;
	[dreg:$0x2] =	wrdreg s4  }
0xaa: {  	[dreg:$0x3] =	wrdreg s6  }
0xab: {  	[dreg:$0x4] =	wrdreg $0xC0  }
0xac: {  	_ =	task [dreg:s8], $0x5FFFF  }
0xad: {  	[dreg:$0x1] =	wrdreg $0xFFFFFFFF  }
0xae: {  	[dreg:$0x0] =	wrdreg $0x60  }
0xaf: {  	[dreg:$0x2] =	wrdreg s2  }
0xb0: {  	[dreg:$0x3] =	wrdreg s24  }
0xb1: {  	[dreg:$0x4] =	wrdreg s18  }
0xb2: {  	[dreg:$0x5] =	wrdreg $0x9  }
0xb3: {  	_ =	task.clear_ibuf [dreg:s8], $0x6FFFF;
	_ =	strace $0x90000046  }
0xb4: {  	s29 =	simm.s32 $0x9;
	_ =	strace $0x80000048  }
0xb5: {  	_ =	swait.ge [sflag:s29], $0x1  }
0xb6: {  	[sflag:s29] =	ssyncadd.s32 $0xFFFFFFFF  }
0xb7: {  	_ =	strace $0x90000048  }
0xb8: {  	_ =	sfence  }
0xb9: {  	s30 =	sld [smem:$0x0];
	_ =	sdelay $0x2  }
0xba: {  	s31 =	sshll.u32 s1, $0xD;
	s1 =	sshrl.u32 s1, $0x2  }
0xbb: {  	s3 =	sand.u32 $0x4000, s31;
	s1 =	sadd.s32 s1, s30  }
0xbc: {  	s0 =	sor.u32 s3, s0;
	s1 =	sshll.u32 s1, $0x11  }
0xbd: {  	s0 =	sor.u32 s1, s0  }
0xbe: {  	s0 =	sadd.s32 $0x8F2B, s0  }
0xbf: {  	[sflag:s0] =	ssyncadd.remote.s32 $0x1  }
0xc0: {  	_ =	sfence.sel $0xFFFF  }
0xc1: {  	[dreg:$0x0] =	wrdreg $0xFFFFFFFF;
	(pc) =	sbr.abs _section_cstart, $3  }
0xc2: {  	[dreg:$0x1] =	wrdreg $0xFFFFFFFF  }
0xc3: {  	_ =	task.clear_ibuf [dreg:s8], $0x2FFFF;
	_ =	strace $0x9FFFFFFF  }
0xc4: {  	(tm) =	ssettm $0x7FFFFFFF  }
0xc5: {  	_ =	shalt  }
tec
execute0_lowered:
.L_overlay_start_1:
0x0: {  	(tag) =	ssettag $0x1  }
0x1: {  	s1 =	rddreg [dreg:$0x0]  }
0x2: {  	s0 =	rddreg [dreg:$0x1]  }
0x3: {  	s3 =	rddreg [dreg:$0x2]  }
0x4: {  	s2 =	srdreg.scid;
	s10 =	stileid.u32;
	s4 =	simm.s32 $0x0  }
0x5: {  	s15 =	simm.s32 $0x5;
	s16 =	simm.s32 $0x7;
	s17 =	simm.s32 $0x50  }
0x6: {  	s18 =	simm.s32 $0x200;
	s19 =	simm.s32 $0x5200;
	s20 =	simm.s32 $0x9  }
0x7: {  	s21 =	simm.s32 $0x1;
	s22 =	simm.s32 $0x3;
	s23 =	simm.s32 $0x0  }
0x8: {  	s2 =	sand.u32 $0x1, s2;
	s5 =	sshll.u32 s10, $0x1;
	s12 =	smul.u32 $0x4E200, s10  }
0x9: {  	[smem:$0x7FF] =	sst s4;
	s11 =	sadd.s32 $0xCA00, s0;
	s14 =	smul.u32 $0x4E20, s10  }
0xa: {  	s6 =	sor.u32 s2, s5;
	_ =	strace $0x80000047;
	s13 =	smul.u32 $0x27100, s2  }
0xb: {  	s5 =	sadd.s32 $0x2C00, s0;
	s8 =	ssub.s32 $0x2, s2;
	s2 =	smul.u32 $0x2710, s2  }
0xc: {  	s0 =	sadd.s32 $0x4EEA00, s0;
	s7 =	smul.u32 $0x2710, s6;
	s9 =	sshrl.u32 s8, $0x1  }
0xd: {  	s6 =	smul.u32 $0x27100, s6;
	s31 =	sadd.s32 s12, s11;
	s8 =	ssub.s32 s8, s9  }
0xe: {  	s2 =	sadd.s32 s2, s14;
	s7 =	sshrl.u32 s7, $0x3;
	s29 =	smax.u32 s8, $0x1  }
0xf: {  	s14 =	simm.s32 $0x100;
	s28 =	sadd.s32 s5, s7;
	[dreg:$0x6] =	wrdreg s29  }
0x10: {  	s6 =	sadd.s32 $0x26C00, s6;
	s7 =	sadd.s32 s3, s7;
	[dreg:$0x4] =	wrdreg s28  }
0x11: {  	s30 =	sadd.s32 s11, s6;
	s6 =	sadd.s32 s0, s6;
	[dreg:$0x5] =	wrdreg s7  }
0x12: {  	s11 =	sadd.s32 s13, s31;
	s0 =	sadd.s32 s12, s0;
	[dreg:$0x7] =	wrdreg s30  }
0x13: {  	[dreg:$0x8] =	wrdreg s6;
	s12 =	sadd.s32 s13, s0;
	s13 =	sadd.s32 $0x50, s2  }
.LBB2_1:
0x14: {  	s0 =	rddreg [dreg:$0x4]  }
0x15: {  	[tilespmem:s4], [sflag:$0x5] =	stream.linear.gather [hbm4b:s0+s4], $0x50, $0x38;
	[tilespmem:$0xA200] =	vst v63  }
0x16: {  	s26 =	rddreg [dreg:$0x5]  }
0x17: {  	[tilespmem:s14], [sflag:$0x7] =	stream.linear.gather [hbm4b:s26+s4], $0x50, $0x38;
	[tilespmem:$0xA200] =	vst v63  }
0x18: {  	_ =	swait.ge [sflag:s15], $0x50  }
0x19: {  	[sflag:s15] =	ssyncset.done $0x0  }
0x1a: {  	[sflag:s15] =	ssyncadd.s32 $0xFFFFFFB0  }
0x1b: {  	_ =	swait.ge [sflag:s16], $0x50  }
0x1c: {  	[sflag:s16] =	ssyncset.done $0x0  }
0x1d: {  	s31 =	sand.u32 $0x1, s4;
	[sflag:s16] =	ssyncadd.s32 $0xFFFFFFB0  }
0x1e: {  	[tilespmem:s18], [sflag:$0x1] =	stream.indirect.gather [hbm4b:s1+s17], $0x80, s4, s17, $0xb8;
	[tilespmem:$0xA200] =	vst v63  }
0x1f: {  	s6 =	sshrl.u32 s13, $0x3;
	s2 =	sxor.u32 $0x1, s31  }
0x20: {  	[tilespmem:s19], [sflag:$0x3] =	stream.indirect.gather [hbm4b:s1+s17], $0x80, s14, s17, $0xb8;
	[tilespmem:$0xA200] =	vst v63  }
0x21: {  	s24 =	sadd.s32 $0x5, s2;
	s25 =	sshll.u32 s2, $0x7;
	s26 =	sadd.s32 s5, s6  }
0x22: {  	[tilespmem:s25], [sflag:s24] =	stream.linear.gather [hbm4b:s26+s4], $0x50, $0x38;
	[tilespmem:$0xA200] =	vst v63  }
0x23: {  	s28 =	sadd.s32 $0x7, s2;
	s7 =	sor.u32 $0x100, s25;
	s6 =	sadd.s32 s3, s6  }
0x24: {  	[tilespmem:s7], [sflag:s28] =	stream.linear.gather [hbm4b:s6+s4], $0x50, $0x38;
	[tilespmem:$0xA200] =	vst v63  }
0x25: {  	_ =	swait.ge [sflag:s24], $0x50  }
0x26: {  	[sflag:s24] =	ssyncset.done $0x0  }
0x27: {  	[sflag:s24] =	ssyncadd.s32 $0xFFFFFFB0  }
0x28: {  	s8 =	smul.u32 $0x2800, s2;
	_ =	swait.ge [sflag:s28], $0x50  }
0x29: {  	[sflag:s28] =	ssyncset.done $0x0  }
0x2a: {  	s29 =	sadd.s32 $0x1, s2;
	s9 =	sor.u32 $0x200, s8;
	[sflag:s28] =	ssyncadd.s32 $0xFFFFFFB0  }
0x2b: {  	[tilespmem:s9], [sflag:s29] =	stream.indirect.gather [hbm4b:s1+s17], $0x80, s25, s17, $0xb8;
	[tilespmem:$0xA200] =	vst v63  }
0x2c: {  	s10 =	sadd.s32 $0x1, s31;
	s2 =	sadd.s32 $0x3, s2;
	s6 =	sadd.s32 $0x5200, s8  }
0x2d: {  	[tilespmem:s6], [sflag:s2] =	stream.indirect.gather [hbm4b:s1+s17], $0x80, s7, s17, $0xb8;
	[tilespmem:$0xA200] =	vst v63  }
0x2e: {  	_ =	swait.ge [sflag:s10], $0x2800  }
0x2f: {  	[sflag:s10] =	ssyncset.done $0x0  }
0x30: {  	s25 =	sadd.s32 $0x3, s31;
	[sflag:s10] =	ssyncadd.s32 $0xFFFFD800  }
0x31: {  	s0 =	smul.u32 $0x2800, s31;
	_ =	swait.ge [sflag:s25], $0x2800  }
0x32: {  	[sflag:s25] =	ssyncset.done $0x0  }
0x33: {  	s30 =	simm.s32 $0x2;
	s26 =	sor.u32 $0x200, s0;
	[sflag:s25] =	ssyncadd.s32 $0xFFFFD800  }
0x34: {  	[hbm4b:s11+s4] =	stream.linear.scatter [tilespmem:s26], [sflag:$0x9], $0x2800, $0x38;
	[tilespmem:$0xA200] =	vst v63  }
0x35: {  	s0 =	sadd.s32 $0x5200, s0;
	s24 =	sadd.s32 $0x500, s12;
	_ =	swait.ge [sflag:s20], $0x2800  }
0x36: {  	s28 =	sadd.s32 $0x50, s13;
	s31 =	simm.s32 $0x1;
	[sflag:s20] =	ssyncset.done $0x0  }
0x37: {  	s6 =	sshrl.u32 s28, $0x3;
	s26 =	sand.u32 $0x1, s31;
	[sflag:s20] =	ssyncadd.s32 $0xFFFFD800  }
0x38: {  	[hbm4b:s12+s4] =	stream.linear.scatter [tilespmem:s0], [sflag:$0x9], $0x2800, $0x38;
	[tilespmem:$0xA200] =	vst v63  }
0x39: {  	s25 =	sadd.s32 $0x500, s11;
	s29 =	sxor.u32 $0x1, s26;
	_ =	swait.ge [sflag:s20], $0x2800  }
.LBB2_2:
0x3a: {  	s7 =	sadd.s32 $0x5, s29;
	s8 =	sshll.u32 s29, $0x7  }
0x3b: {  	[sflag:s20] =	ssyncset.done $0x0;
	s0 =	smov.u32 s30;
	s31 =	smov.u32 s24  }
0x3c: {  	s2 =	sadd.s32 $0x1, s30;
	s9 =	sadd.s32 s5, s6;
	[sflag:s20] =	ssyncadd.s32 $0xFFFFD800  }
0x3d: {  	[tilespmem:s8], [sflag:s7] =	stream.linear.gather [hbm4b:s9+s4], $0x50, $0x38;
	[tilespmem:$0xA200] =	vst v63  }
0x3e: {  	s10 =	sadd.s32 $0x7, s29;
	s6 =	sadd.s32 s3, s6;
	s9 =	sor.u32 $0x100, s8  }
0x3f: {  	[tilespmem:s9], [sflag:s10] =	stream.linear.gather [hbm4b:s6+s4], $0x50, $0x38;
	[tilespmem:$0xA200] =	vst v63  }
0x40: {  	p0 =	sne.s32 s30, $0x7B;
	_ =	swait.ge [sflag:s7], $0x50  }
0x41: {  	[sflag:s7] =	ssyncset.done $0x0  }
0x42: {  	s6 =	smul.u32 $0x2800, s29;
	[sflag:s7] =	ssyncadd.s32 $0xFFFFFFB0  }
0x43: {  	_ =	swait.ge [sflag:s10], $0x50  }
0x44: {  	s30 =	sadd.s32 $0x1, s29;
	s7 =	sor.u32 $0x200, s6;
	[sflag:s10] =	ssyncset.done $0x0  }
0x45: {  	[sflag:s10] =	ssyncadd.s32 $0xFFFFFFB0  }
0x46: {  	[tilespmem:s7], [sflag:s30] =	stream.indirect.gather [hbm4b:s1+s17], $0x80, s8, s17, $0xb8;
	[tilespmem:$0xA200] =	vst v63  }
0x47: {  	s6 =	sadd.s32 $0x5200, s6;
	s7 =	sadd.s32 $0x3, s29;
	s8 =	sadd.s32 $0x1, s26  }
0x48: {  	[tilespmem:s6], [sflag:s7] =	stream.indirect.gather [hbm4b:s1+s17], $0x80, s9, s17, $0xb8;
	[tilespmem:$0xA200] =	vst v63  }
0x49: {  	_ =	swait.ge [sflag:s8], $0x2800  }
0x4a: {  	s6 =	sadd.s32 $0x3, s26;
	[sflag:s8] =	ssyncset.done $0x0  }
0x4b: {  	s7 =	smul.u32 $0x2800, s26;
	[sflag:s8] =	ssyncadd.s32 $0xFFFFD800  }
0x4c: {  	_ =	swait.ge [sflag:s6], $0x2800  }
0x4d: {  	s8 =	sor.u32 $0x200, s7;
	[sflag:s6] =	ssyncset.done $0x0  }
0x4e: {  	s24 =	sadd.s32 $0x500, s24;
	[sflag:s6] =	ssyncadd.s32 $0xFFFFD800  }
0x4f: {  	[hbm4b:s25+s4] =	stream.linear.scatter [tilespmem:s8], [sflag:$0x9], $0x2800, $0x38;
	[tilespmem:$0xA200] =	vst v63  }
.Ltmp0:
0x50: {  	s28 =	sadd.s32 $0x50, s28;
	_ =	swait.ge [sflag:s20], $0x2800;
	(pc) =	sbr.rel @p0 .LBB2_2-.Ltmp0, $4  }
0x51: {  	s6 =	sadd.s32 $0x5200, s7;
	s25 =	sadd.s32 $0x500, s25;
	[sflag:s20] =	ssyncset.done $0x0  }
0x52: {  	s30 =	smov.u32 s2;
	s26 =	sand.u32 $0x1, s0;
	[sflag:s20] =	ssyncadd.s32 $0xFFFFD800  }
0x53: {  	[hbm4b:s31+s4] =	stream.linear.scatter [tilespmem:s6], [sflag:$0x9], $0x2800, $0x38;
	[tilespmem:$0xA200] =	vst v63  }
0x54: {  	s29 =	sxor.u32 $0x1, s26;
	s6 =	sshrl.u32 s28, $0x3;
	_ =	swait.ge [sflag:s20], $0x2800  }
0x55: {  	s0 =	sadd.s32 $0x5, s29;
	[sflag:s20] =	ssyncset.done $0x0  }
0x56: {  	s2 =	sshll.u32 s29, $0x7;
	s7 =	sadd.s32 s5, s6;
	[sflag:s20] =	ssyncadd.s32 $0xFFFFD800  }
0x57: {  	[tilespmem:s2], [sflag:s0] =	stream.linear.gather [hbm4b:s7+s4], $0x50, $0x38;
	[tilespmem:$0xA200] =	vst v63  }
0x58: {  	s8 =	sadd.s32 $0x7, s29;
	s28 =	sadd.s32 s3, s6;
	s10 =	sor.u32 $0x100, s2  }
0x59: {  	[tilespmem:s10], [sflag:s8] =	stream.linear.gather [hbm4b:s28+s4], $0x50, $0x38;
	[tilespmem:$0xA200] =	vst v63  }
0x5a: {  	_ =	swait.ge [sflag:s0], $0x50  }
0x5b: {  	[sflag:s0] =	ssyncset.done $0x0  }
0x5c: {  	[sflag:s0] =	ssyncadd.s32 $0xFFFFFFB0  }
0x5d: {  	s30 =	smul.u32 $0x2800, s29;
	_ =	swait.ge [sflag:s8], $0x50  }
0x5e: {  	[sflag:s8] =	ssyncset.done $0x0  }
0x5f: {  	s9 =	sadd.s32 $0x1, s29;
	s31 =	sor.u32 $0x200, s30;
	[sflag:s8] =	ssyncadd.s32 $0xFFFFFFB0  }
0x60: {  	[tilespmem:s31], [sflag:s9] =	stream.indirect.gather [hbm4b:s1+s17], $0x80, s2, s17, $0xb8;
	[tilespmem:$0xA200] =	vst v63  }
0x61: {  	s6 =	sadd.s32 $0x3, s29;
	s0 =	sadd.s32 $0x5200, s30;
	s8 =	sadd.s32 $0x1, s26  }
0x62: {  	[tilespmem:s0], [sflag:s6] =	stream.indirect.gather [hbm4b:s1+s17], $0x80, s10, s17, $0xb8;
	[tilespmem:$0xA200] =	vst v63  }
0x63: {  	_ =	swait.ge [sflag:s8], $0x2800  }
0x64: {  	[sflag:s8] =	ssyncset.done $0x0  }
0x65: {  	s9 =	sadd.s32 $0x3, s26;
	[sflag:s8] =	ssyncadd.s32 $0xFFFFD800  }
0x66: {  	s10 =	smul.u32 $0x2800, s26;
	_ =	swait.ge [sflag:s9], $0x2800  }
0x67: {  	[sflag:s9] =	ssyncset.done $0x0  }
0x68: {  	s26 =	sor.u32 $0x200, s10;
	[sflag:s9] =	ssyncadd.s32 $0xFFFFD800  }
0x69: {  	[hbm4b:s25+s4] =	stream.linear.scatter [tilespmem:s26], [sflag:$0x9], $0x2800, $0x38;
	[tilespmem:$0xA200] =	vst v63  }
0x6a: {  	_ =	swait.ge [sflag:s20], $0x2800  }
0x6b: {  	[sflag:s20] =	ssyncset.done $0x0  }
0x6c: {  	s28 =	sadd.s32 $0x5200, s10;
	[sflag:s20] =	ssyncadd.s32 $0xFFFFD800  }
0x6d: {  	[hbm4b:s24+s4] =	stream.linear.scatter [tilespmem:s28], [sflag:$0x9], $0x2800, $0x38;
	[tilespmem:$0xA200] =	vst v63  }
0x6e: {  	_ =	swait.ge [sflag:s20], $0x2800  }
0x6f: {  	[sflag:s20] =	ssyncset.done $0x0  }
0x70: {  	[sflag:s20] =	ssyncadd.s32 $0xFFFFD800  }
0x71: {  	_ =	swait.ge [sflag:s21], $0x2800  }
0x72: {  	[sflag:s21] =	ssyncset.done $0x0  }
0x73: {  	[sflag:s21] =	ssyncadd.s32 $0xFFFFD800  }
0x74: {  	_ =	swait.ge [sflag:s22], $0x2800  }
0x75: {  	[sflag:s22] =	ssyncset.done $0x0  }
0x76: {  	s29 =	rddreg [dreg:$0x7];
	[sflag:s22] =	ssyncadd.s32 $0xFFFFD800  }
0x77: {  	[hbm4b:s29+s4] =	stream.linear.scatter [tilespmem:s18], [sflag:$0x9], $0x2800, $0x38;
	[tilespmem:$0xA200] =	vst v63  }
0x78: {  	_ =	swait.ge [sflag:s20], $0x2800  }
0x79: {  	[sflag:s20] =	ssyncset.done $0x0  }
0x7a: {  	s30 =	rddreg [dreg:$0x8];
	[sflag:s20] =	ssyncadd.s32 $0xFFFFD800  }
0x7b: {  	[hbm4b:s30+s4] =	stream.linear.scatter [tilespmem:s19], [sflag:$0x9], $0x2800, $0x38;
	[tilespmem:$0xA200] =	vst v63  }
0x7c: {  	_ =	swait.ge [sflag:s20], $0x2800  }
0x7d: {  	s23 =	sadd.s32 $0x1, s23;
	s31 =	rddreg [dreg:$0x6]  }
0x7e: {  	p0 =	sne.s32 s23, s31  }
.Ltmp1:
0x7f: {  	_ = 	snop;
	(pc) =	sbr.rel @p0 .LBB2_1-.Ltmp1, $3  }
0x80: {  	_ =	sdelay $0x1  }
0x81: {  	[sflag:s20] =	ssyncset.done $0x0  }
0x82: {  	[sflag:s20] =	ssyncadd.s32 $0xFFFFD800  }
0x83: {  	_ =	sfence.sel $0x180000  }
0x84: {  	[bflag:$0x0] =	sbarrier.arrive $0xFFFF  }
0x85: {  	_ =	strace $0x90000047  }
0x86: {  	s0 =	stileid.u32;
	[bflag:$0x2] =	sbarrier.arrive $0xFFFF  }
0x87: {  	p0 =	sne.s32 s0, $0x0;
	s0 =	rddreg [dreg:$0x3]  }
0x88: {  	s0 =	sadd.s32 @!p0 $0x100000, s0  }
0x89: {  	[sflag:s0] =	ssyncadd.tile.s32 @!p0 $0x1;
	_ =	shalt  }
.Lfunc_end2:
_tile_overlayer_lowered:
.L_overlay_start_2:
0x8a: {  	(tag) =	ssettag $0x2  }
0x8b: {  	s0 =	rddreg [dreg:$0x0];
	s2 =	stileid.u32  }
0x8c: {  	s1 =	rddreg [dreg:$0x1];
	p0 =	sne.s32 s2, $0x0  }
0x8d: {  	s3 =	rddreg [dreg:$0x2];
	[bflag:$0x3] =	sbarrier.arrive $0xFFFF;
	s2 =	simm.s32 @!p0 $0x1C09  }
0x8e: {  	[timem:s3], [sflag:s2] =	dma.local @!p0 [hbm:s0], s1  }
0x8f: {  	s0 =	simm.s32 @!p0 $0x9  }
0x90: {  	_ =	swait.ge @!p0 [sflag:s0], s1  }
0x91: {  	s1 =	ssub.s32 @!p0 $0x0, s1;
	[sflag:s0] =	ssyncset.done @!p0 $0x0  }
0x92: {  	[sflag:s0] =	ssyncadd.s32 @!p0 s1  }
0x93: {  	[bflag:$0x3] =	sbarrier.arrive $0xFFFF  }
0x94: {  	_ =	shalt  }

</sc_bundles>
